<compile_context>
chip_gen: v7x
topology: tpu7x:2x2x1
jax: 0.10.2.dev20260603
libtpu: 0.0.44.dev20260713+nightly
codegen_flags: <defaults>
</compile_context>

<pallas_src>
import functools

import jax
import jax.numpy as jnp
from jax import lax
from jax.experimental import pallas as pl
from jax.experimental.pallas import tpu as pltpu
from jax.experimental.pallas import tpu_sc as plsc

B = 1024
L = 50
OUT_V = 1099
LANES = 16
NC = 2
NS = 16

LT = 7
BT = 8
VQ = 35
VT_TOTAL = 138


@functools.partial(
    pl.kernel,
    mesh=plsc.VectorSubcoreMesh(core_axis_name="c", subcore_axis_name="s"),
    out_type=jax.ShapeDtypeStruct((VT_TOTAL, BT, 8, 128), jnp.float32),
    scratch_types=[
        pltpu.VMEM((LT, 1, 8, 128), jnp.int32),
        pltpu.VMEM((VQ, 8, 128), jnp.float32),
        pltpu.SemaphoreType.DMA,
    ],
    compiler_params=pltpu.CompilerParams(
        needs_layout_passes=False,
        disable_bounds_checks=True,
        skip_device_barrier=True,
    ),
)
def _bag_of_words(in_hbm, out_hbm, tok_v, acc_v, sem):
    wid = lax.axis_index("s") * NC + lax.axis_index("c")
    bt = wid >> 2
    q = wid & 3
    vt0 = q * VQ - jnp.maximum(q - 2, 0)
    nvt8 = (VQ - 1) * 8 + jnp.where(q < 2, 8, 0)
    vbase = vt0 * 8

    in_copy = pltpu.async_copy(in_hbm.at[:, pl.ds(bt, 1)], tok_v, sem)

    lane = lax.iota(jnp.int32, LANES)
    zf = jnp.zeros((LANES,), jnp.float32)
    ones = jnp.ones((LANES,), jnp.float32)

    @plsc.parallel_loop(0, VQ, 1, unroll=4)
    def _zero(vtl):
        for r in range(8):
            for k in range(8):
                acc_v[vtl, r, pl.ds(k * LANES, LANES)] = zf

    in_copy.wait()

    @plsc.parallel_loop(0, BT, 1, unroll=8)
    def _count(cc):
        bc = lane + cc * LANES
        for l in range(L):
            tok = tok_v[l // 8, 0, l % 8, pl.ds(cc * LANES, LANES)]
            d = tok - (vbase + 1)
            m = d.astype(jnp.uint32) < nvt8.astype(jnp.uint32)
            lv = jnp.minimum(jnp.maximum(d, 0), VQ * 8 - 1)
            plsc.addupdate_scatter(acc_v, [lv >> 3, lv & 7, bc], ones, mask=m)

    @pl.when(q < 2)
    def _():
        pltpu.sync_copy(
            acc_v.at[pl.ds(0, VQ)], out_hbm.at[pl.ds(vt0, VQ), bt]
        )

    @pl.when(q >= 2)
    def _():
        pltpu.sync_copy(
            acc_v.at[pl.ds(0, VQ - 1)],
            out_hbm.at[pl.ds(vt0, VQ - 1), bt],
        )


def kernel(inputs):
    padt = jnp.pad(inputs.T, ((0, 6), (0, 0)))
    in4 = padt.reshape(LT, 8, BT, 128).transpose(0, 2, 1, 3)
    out4 = _bag_of_words(in4)
    out = out4.transpose(0, 2, 1, 3).reshape(VT_TOTAL * 8, B)
    return out.T[:, :OUT_V]

# --- scband reference (transcript-rebuilt; emitter-appended) ---
"""Pipeline reference for scband-bag-of-words-37941741093587 (READ-ONLY COPY).

The authoritative reference and input builder live on the scoring server;
editing this copy changes nothing except your own understanding.
"""

import jax, jax.numpy as jnp
import numpy as np

N_TOKENS = 1100

def setup_inputs(seed: int = 0) -> dict:
    key = jax.random.key(seed)
    inputs = jax.random.randint(key, (1024, 50), 0, N_TOKENS, dtype=jnp.int32)
    return {"inputs": inputs}

def reference(inputs):
    # Faithful translation of BagOfWords.call:
    #   one_hot = tf.one_hot(inputs, n_tokens)
    #   return tf.reduce_sum(one_hot, axis=1)[:, 1:]
    one_hot = jax.nn.one_hot(inputs, N_TOKENS, dtype=jnp.float32)  # [B, L, n_tokens]
    counts = jnp.sum(one_hot, axis=1)  # [B, n_tokens]
    return counts[:, 1:]  # drop padding token column 0 -> [B, n_tokens-1]

if __name__ == "__main__":
    import jax
    _d = setup_inputs()
    print(jax.jit(kernel)(*tuple(_d.values())))

</pallas_src>

<mosaic_0001>
#map = affine_map<(d0, d1) -> (0, 0, 0, 0)>
module attributes {stable_mosaic.version = 14 : i64} {
  func.func @_bag_of_words(%arg0: i32, %arg1: i32, %arg2: memref<7x8x8x128xi32, #tpu.memory_space<hbm>>, %arg3: memref<138x8x8x128xf32, #tpu.memory_space<hbm>>, %arg4: memref<7x1x8x128xi32, #tpu.memory_space<vmem>>, %arg5: memref<35x8x128xf32, #tpu.memory_space<vmem>>, %arg6: memref<!tpu.dma_semaphore, #tpu.memory_space<semaphore_mem>>) attributes {dimension_semantics = [#tpu.dimension_semantics<core_parallel>, #tpu.dimension_semantics<subcore_parallel>], iteration_bounds = array<i64: 2, 16>, scalar_prefetch = 0 : i64, scratch_operands = 3 : i64, tpu.core_type = #tpu.core_type<sc_vector_subcore>, window_params = [{transform_indices = #map}, {transform_indices = #map}]} {
    %mul3A = arith.constant 2 : i32
    %mul3A_0 = arith.muli %arg1, %mul3A : i32
    %add3A = arith.addi %mul3A_0, %arg0 : i32
    %shift_right_arithmetic3A = arith.constant 2 : i32
    %shift_right_arithmetic3A_1 = arith.shrsi %add3A, %shift_right_arithmetic3A : i32
    %and3A = arith.constant 3 : i32
    %and3A_2 = arith.andi %add3A, %and3A : i32
    %mul3A_3 = arith.constant 35 : i32
    %mul3A_4 = arith.muli %and3A_2, %mul3A_3 : i32
    %sub3A = arith.constant 2 : i32
    %sub3A_5 = arith.subi %and3A_2, %sub3A : i32
    %max3A = arith.constant 0 : i32
    %max3A_6 = arith.maxsi %sub3A_5, %max3A : i32
    %sub3A_7 = arith.subi %mul3A_4, %max3A_6 : i32
    %lt3A = arith.constant 2 : i32
    %lt3A_8 = arith.cmpi slt, %and3A_2, %lt3A : i32
    %jit3A = arith.constant 8 : i32
    %jit3A_9 = arith.constant 0 : i32
    %select_n3A = arith.select %lt3A_8, %jit3A, %jit3A_9 : i32
    %add3A_10 = arith.constant 272 : i32
    %add3A_11 = arith.addi %add3A_10, %select_n3A : i32
    %mul3A_12 = arith.constant 8 : i32
    %mul3A_13 = arith.muli %sub3A_7, %mul3A_12 : i32
    %dma_start3A = arith.constant 0 : i32
    %dma_start3A_14 = arith.constant 0 : i32
    %dma_start3A_15 = arith.constant 0 : i32
    %dma_start3A_16 = tpu.memref_slice %arg2[%dma_start3A, %shift_right_arithmetic3A_1, %dma_start3A_14, %dma_start3A_15] : memref<7x8x8x128xi32, #tpu.memory_space<hbm>> -> memref<7x1x8x128xi32, #tpu.memory_space<hbm>>
    %dma_start3A_17 = arith.constant 0 : i32
    %dma_start3A_18 = arith.constant 0 : i32
    %dma_start3A_19 = arith.constant 0 : i32
    %dma_start3A_20 = tpu.memref_slice %arg2[%dma_start3A_17, %shift_right_arithmetic3A_1, %dma_start3A_18, %dma_start3A_19] : memref<7x8x8x128xi32, #tpu.memory_space<hbm>> -> memref<7x1x8x128xi32, #tpu.memory_space<hbm>>
    tpu.enqueue_dma source(%dma_start3A_20 : memref<7x1x8x128xi32, #tpu.memory_space<hbm>>) target(%arg4 : memref<7x1x8x128xi32, #tpu.memory_space<vmem>>) target_semaphore(%arg6 : memref<!tpu.dma_semaphore, #tpu.memory_space<semaphore_mem>>)
    %iota3A = tpu.iota {dimensions = array<i32: 0>} : vector<16xi32>
    %broadcast_in_dim3A = arith.constant 0.000000e+00 : f32
    %broadcast_in_dim3A_21 = vector.broadcast %broadcast_in_dim3A : f32 to vector<16xf32>
    %broadcast_in_dim3A_22 = arith.constant 1.000000e+00 : f32
    %broadcast_in_dim3A_23 = vector.broadcast %broadcast_in_dim3A_22 : f32 to vector<16xf32>
    %parallel_loop3A = arith.constant 0 : i32
    %parallel_loop3A_24 = arith.constant 35 : i32
    %parallel_loop3A_25 = arith.constant 1 : i32
    scf.for %parallel_loop3A_43 = %parallel_loop3A to %parallel_loop3A_24 step %parallel_loop3A_25  : i32 {
      %parallel_loop3A_44 = arith.constant 0 : i32
      %parallel_loop3A_45 = arith.index_cast %parallel_loop3A_43 : i32 to index
      %parallel_loop3A_46 = arith.index_cast %parallel_loop3A_44 : i32 to index
      %parallel_loop3A_47 = arith.constant 0 : index
      %parallel_loop3A_48 = tpu.vector_load %arg5[%parallel_loop3A_45, %parallel_loop3A_46, %parallel_loop3A_47] {strides = array<i32>} : memref<35x8x128xf32, #tpu.memory_space<vmem>>, vector<16xf32>,
      tpu.vector_store %arg5[%parallel_loop3A_45, %parallel_loop3A_46, %parallel_loop3A_47], %broadcast_in_dim3A_21 {strides = array<i32>} : memref<35x8x128xf32, #tpu.memory_space<vmem>>, vector<16xf32>,
      %parallel_loop3A_49 = arith.constant 0 : i32
      %parallel_loop3A_50 = arith.index_cast %parallel_loop3A_43 : i32 to index
      %parallel_loop3A_51 = arith.index_cast %parallel_loop3A_49 : i32 to index
      %parallel_loop3A_52 = arith.constant 16 : index
      %parallel_loop3A_53 = tpu.vector_load %arg5[%parallel_loop3A_50, %parallel_loop3A_51, %parallel_loop3A_52] {strides = array<i32>} : memref<35x8x128xf32, #tpu.memory_space<vmem>>, vector<16xf32>,
      tpu.vector_store %arg5[%parallel_loop3A_50, %parallel_loop3A_51, %parallel_loop3A_52], %broadcast_in_dim3A_21 {strides = array<i32>} : memref<35x8x128xf32, #tpu.memory_space<vmem>>, vector<16xf32>,
      %parallel_loop3A_54 = arith.constant 0 : i32
      %parallel_loop3A_55 = arith.index_cast %parallel_loop3A_43 : i32 to index
      %parallel_loop3A_56 = arith.index_cast %parallel_loop3A_54 : i32 to index
      %parallel_loop3A_57 = arith.constant 32 : index
      %parallel_loop3A_58 = tpu.vector_load %arg5[%parallel_loop3A_55, %parallel_loop3A_56, %parallel_loop3A_57] {strides = array<i32>} : memref<35x8x128xf32, #tpu.memory_space<vmem>>, vector<16xf32>,
      tpu.vector_store %arg5[%parallel_loop3A_55, %parallel_loop3A_56, %parallel_loop3A_57], %broadcast_in_dim3A_21 {strides = array<i32>} : memref<35x8x128xf32, #tpu.memory_space<vmem>>, vector<16xf32>,
      %parallel_loop3A_59 = arith.constant 0 : i32
      %parallel_loop3A_60 = arith.index_cast %parallel_loop3A_43 : i32 to index
      %parallel_loop3A_61 = arith.index_cast %parallel_loop3A_59 : i32 to index
      %parallel_loop3A_62 = arith.constant 48 : index
      %parallel_loop3A_63 = tpu.vector_load %arg5[%parallel_loop3A_60, %parallel_loop3A_61, %parallel_loop3A_62] {strides = array<i32>} : memref<35x8x128xf32, #tpu.memory_space<vmem>>, vector<16xf32>,
      tpu.vector_store %arg5[%parallel_loop3A_60, %parallel_loop3A_61, %parallel_loop3A_62], %broadcast_in_dim3A_21 {strides = array<i32>} : memref<35x8x128xf32, #tpu.memory_space<vmem>>, vector<16xf32>,
      %parallel_loop3A_64 = arith.constant 0 : i32
      %parallel_loop3A_65 = arith.index_cast %parallel_loop3A_43 : i32 to index
      %parallel_loop3A_66 = arith.index_cast %parallel_loop3A_64 : i32 to index
      %parallel_loop3A_67 = arith.constant 64 : index
      %parallel_loop3A_68 = tpu.vector_load %arg5[%parallel_loop3A_65, %parallel_loop3A_66, %parallel_loop3A_67] {strides = array<i32>} : memref<35x8x128xf32, #tpu.memory_space<vmem>>, vector<16xf32>,
      tpu.vector_store %arg5[%parallel_loop3A_65, %parallel_loop3A_66, %parallel_loop3A_67], %broadcast_in_dim3A_21 {strides = array<i32>} : memref<35x8x128xf32, #tpu.memory_space<vmem>>, vector<16xf32>,
      %parallel_loop3A_69 = arith.constant 0 : i32
      %parallel_loop3A_70 = arith.index_cast %parallel_loop3A_43 : i32 to index
      %parallel_loop3A_71 = arith.index_cast %parallel_loop3A_69 : i32 to index
      %parallel_loop3A_72 = arith.constant 80 : index
      %parallel_loop3A_73 = tpu.vector_load %arg5[%parallel_loop3A_70, %parallel_loop3A_71, %parallel_loop3A_72] {strides = array<i32>} : memref<35x8x128xf32, #tpu.memory_space<vmem>>, vector<16xf32>,
      tpu.vector_store %arg5[%parallel_loop3A_70, %parallel_loop3A_71, %parallel_loop3A_72], %broadcast_in_dim3A_21 {strides = array<i32>} : memref<35x8x128xf32, #tpu.memory_space<vmem>>, vector<16xf32>,
      %parallel_loop3A_74 = arith.constant 0 : i32
      %parallel_loop3A_75 = arith.index_cast %parallel_loop3A_43 : i32 to index
      %parallel_loop3A_76 = arith.index_cast %parallel_loop3A_74 : i32 to index
      %parallel_loop3A_77 = arith.constant 96 : index
      %parallel_loop3A_78 = tpu.vector_load %arg5[%parallel_loop3A_75, %parallel_loop3A_76, %parallel_loop3A_77] {strides = array<i32>} : memref<35x8x128xf32, #tpu.memory_space<vmem>>, vector<16xf32>,
      tpu.vector_store %arg5[%parallel_loop3A_75, %parallel_loop3A_76, %parallel_loop3A_77], %broadcast_in_dim3A_21 {strides = array<i32>} : memref<35x8x128xf32, #tpu.memory_space<vmem>>, vector<16xf32>,
      %parallel_loop3A_79 = arith.constant 0 : i32
      %parallel_loop3A_80 = arith.index_cast %parallel_loop3A_43 : i32 to index
      %parallel_loop3A_81 = arith.index_cast %parallel_loop3A_79 : i32 to index
      %parallel_loop3A_82 = arith.constant 112 : index
      %parallel_loop3A_83 = tpu.vector_load %arg5[%parallel_loop3A_80, %parallel_loop3A_81, %parallel_loop3A_82] {strides = array<i32>} : memref<35x8x128xf32, #tpu.memory_space<vmem>>, vector<16xf32>,
      tpu.vector_store %arg5[%parallel_loop3A_80, %parallel_loop3A_81, %parallel_loop3A_82], %broadcast_in_dim3A_21 {strides = array<i32>} : memref<35x8x128xf32, #tpu.memory_space<vmem>>, vector<16xf32>,
      %parallel_loop3A_84 = arith.constant 1 : i32
      %parallel_loop3A_85 = arith.index_cast %parallel_loop3A_43 : i32 to index
      %parallel_loop3A_86 = arith.index_cast %parallel_loop3A_84 : i32 to index
      %parallel_loop3A_87 = arith.constant 0 : index
      %parallel_loop3A_88 = tpu.vector_load %arg5[%parallel_loop3A_85, %parallel_loop3A_86, %parallel_loop3A_87] {strides = array<i32>} : memref<35x8x128xf32, #tpu.memory_space<vmem>>, vector<16xf32>,
      tpu.vector_store %arg5[%parallel_loop3A_85, %parallel_loop3A_86, %parallel_loop3A_87], %broadcast_in_dim3A_21 {strides = array<i32>} : memref<35x8x128xf32, #tpu.memory_space<vmem>>, vector<16xf32>,
      %parallel_loop3A_89 = arith.constant 1 : i32
      %parallel_loop3A_90 = arith.index_cast %parallel_loop3A_43 : i32 to index
      %parallel_loop3A_91 = arith.index_cast %parallel_loop3A_89 : i32 to index
      %parallel_loop3A_92 = arith.constant 16 : index
      %parallel_loop3A_93 = tpu.vector_load %arg5[%parallel_loop3A_90, %parallel_loop3A_91, %parallel_loop3A_92] {strides = array<i32>} : memref<35x8x128xf32, #tpu.memory_space<vmem>>, vector<16xf32>,
      tpu.vector_store %arg5[%parallel_loop3A_90, %parallel_loop3A_91, %parallel_loop3A_92], %broadcast_in_dim3A_21 {strides = array<i32>} : memref<35x8x128xf32, #tpu.memory_space<vmem>>, vector<16xf32>,
      %parallel_loop3A_94 = arith.constant 1 : i32
      %parallel_loop3A_95 = arith.index_cast %parallel_loop3A_43 : i32 to index
      %parallel_loop3A_96 = arith.index_cast %parallel_loop3A_94 : i32 to index
      %parallel_loop3A_97 = arith.constant 32 : index
      %parallel_loop3A_98 = tpu.vector_load %arg5[%parallel_loop3A_95, %parallel_loop3A_96, %parallel_loop3A_97] {strides = array<i32>} : memref<35x8x128xf32, #tpu.memory_space<vmem>>, vector<16xf32>,
      tpu.vector_store %arg5[%parallel_loop3A_95, %parallel_loop3A_96, %parallel_loop3A_97], %broadcast_in_dim3A_21 {strides = array<i32>} : memref<35x8x128xf32, #tpu.memory_space<vmem>>, vector<16xf32>,
      %parallel_loop3A_99 = arith.constant 1 : i32
      %parallel_loop3A_100 = arith.index_cast %parallel_loop3A_43 : i32 to index
      %parallel_loop3A_101 = arith.index_cast %parallel_loop3A_99 : i32 to index
      %parallel_loop3A_102 = arith.constant 48 : index
      %parallel_loop3A_103 = tpu.vector_load %arg5[%parallel_loop3A_100, %parallel_loop3A_101, %parallel_loop3A_102] {strides = array<i32>} : memref<35x8x128xf32, #tpu.memory_space<vmem>>, vector<16xf32>,
      tpu.vector_store %arg5[%parallel_loop3A_100, %parallel_loop3A_101, %parallel_loop3A_102], %broadcast_in_dim3A_21 {strides = array<i32>} : memref<35x8x128xf32, #tpu.memory_space<vmem>>, vector<16xf32>,
      %parallel_loop3A_104 = arith.constant 1 : i32
      %parallel_loop3A_105 = arith.index_cast %parallel_loop3A_43 : i32 to index
      %parallel_loop3A_106 = arith.index_cast %parallel_loop3A_104 : i32 to index
      %parallel_loop3A_107 = arith.constant 64 : index
      %parallel_loop3A_108 = tpu.vector_load %arg5[%parallel_loop3A_105, %parallel_loop3A_106, %parallel_loop3A_107] {strides = array<i32>} : memref<35x8x128xf32, #tpu.memory_space<vmem>>, vector<16xf32>,
      tpu.vector_store %arg5[%parallel_loop3A_105, %parallel_loop3A_106, %parallel_loop3A_107], %broadcast_in_dim3A_21 {strides = array<i32>} : memref<35x8x128xf32, #tpu.memory_space<vmem>>, vector<16xf32>,
      %parallel_loop3A_109 = arith.constant 1 : i32
      %parallel_loop3A_110 = arith.index_cast %parallel_loop3A_43 : i32 to index
      %parallel_loop3A_111 = arith.index_cast %parallel_loop3A_109 : i32 to index
      %parallel_loop3A_112 = arith.constant 80 : index
      %parallel_loop3A_113 = tpu.vector_load %arg5[%parallel_loop3A_110, %parallel_loop3A_111, %parallel_loop3A_112] {strides = array<i32>} : memref<35x8x128xf32, #tpu.memory_space<vmem>>, vector<16xf32>,
      tpu.vector_store %arg5[%parallel_loop3A_110, %parallel_loop3A_111, %parallel_loop3A_112], %broadcast_in_dim3A_21 {strides = array<i32>} : memref<35x8x128xf32, #tpu.memory_space<vmem>>, vector<16xf32>,
      %parallel_loop3A_114 = arith.constant 1 : i32
      %parallel_loop3A_115 = arith.index_cast %parallel_loop3A_43 : i32 to index
      %parallel_loop3A_116 = arith.index_cast %parallel_loop3A_114 : i32 to index
      %parallel_loop3A_117 = arith.constant 96 : index
      %parallel_loop3A_118 = tpu.vector_load %arg5[%parallel_loop3A_115, %parallel_loop3A_116, %parallel_loop3A_117] {strides = array<i32>} : memref<35x8x128xf32, #tpu.memory_space<vmem>>, vector<16xf32>,
      tpu.vector_store %arg5[%parallel_loop3A_115, %parallel_loop3A_116, %parallel_loop3A_117], %broadcast_in_dim3A_21 {strides = array<i32>} : memref<35x8x128xf32, #tpu.memory_space<vmem>>, vector<16xf32>,
      %parallel_loop3A_119 = arith.constant 1 : i32
      %parallel_loop3A_120 = arith.index_cast %parallel_loop3A_43 : i32 to index
      %parallel_loop3A_121 = arith.index_cast %parallel_loop3A_119 : i32 to index
      %parallel_loop3A_122 = arith.constant 112 : index
      %parallel_loop3A_123 = tpu.vector_load %arg5[%parallel_loop3A_120, %parallel_loop3A_121, %parallel_loop3A_122] {strides = array<i32>} : memref<35x8x128xf32, #tpu.memory_space<vmem>>, vector<16xf32>,
      tpu.vector_store %arg5[%parallel_loop3A_120, %parallel_loop3A_121, %parallel_loop3A_122], %broadcast_in_dim3A_21 {strides = array<i32>} : memref<35x8x128xf32, #tpu.memory_space<vmem>>, vector<16xf32>,
      %parallel_loop3A_124 = arith.constant 2 : i32
      %parallel_loop3A_125 = arith.index_cast %parallel_loop3A_43 : i32 to index
      %parallel_loop3A_126 = arith.index_cast %parallel_loop3A_124 : i32 to index
      %parallel_loop3A_127 = arith.constant 0 : index
      %parallel_loop3A_128 = tpu.vector_load %arg5[%parallel_loop3A_125, %parallel_loop3A_126, %parallel_loop3A_127] {strides = array<i32>} : memref<35x8x128xf32, #tpu.memory_space<vmem>>, vector<16xf32>,
      tpu.vector_store %arg5[%parallel_loop3A_125, %parallel_loop3A_126, %parallel_loop3A_127], %broadcast_in_dim3A_21 {strides = array<i32>} : memref<35x8x128xf32, #tpu.memory_space<vmem>>, vector<16xf32>,
      %parallel_loop3A_129 = arith.constant 2 : i32
      %parallel_loop3A_130 = arith.index_cast %parallel_loop3A_43 : i32 to index
      %parallel_loop3A_131 = arith.index_cast %parallel_loop3A_129 : i32 to index
      %parallel_loop3A_132 = arith.constant 16 : index
      %parallel_loop3A_133 = tpu.vector_load %arg5[%parallel_loop3A_130, %parallel_loop3A_131, %parallel_loop3A_132] {strides = array<i32>} : memref<35x8x128xf32, #tpu.memory_space<vmem>>, vector<16xf32>,
      tpu.vector_store %arg5[%parallel_loop3A_130, %parallel_loop3A_131, %parallel_loop3A_132], %broadcast_in_dim3A_21 {strides = array<i32>} : memref<35x8x128xf32, #tpu.memory_space<vmem>>, vector<16xf32>,
      %parallel_loop3A_134 = arith.constant 2 : i32
      %parallel_loop3A_135 = arith.index_cast %parallel_loop3A_43 : i32 to index
      %parallel_loop3A_136 = arith.index_cast %parallel_loop3A_134 : i32 to index
      %parallel_loop3A_137 = arith.constant 32 : index
      %parallel_loop3A_138 = tpu.vector_load %arg5[%parallel_loop3A_135, %parallel_loop3A_136, %parallel_loop3A_137] {strides = array<i32>} : memref<35x8x128xf32, #tpu.memory_space<vmem>>, vector<16xf32>,
      tpu.vector_store %arg5[%parallel_loop3A_135, %parallel_loop3A_136, %parallel_loop3A_137], %broadcast_in_dim3A_21 {strides = array<i32>} : memref<35x8x128xf32, #tpu.memory_space<vmem>>, vector<16xf32>,
      %parallel_loop3A_139 = arith.constant 2 : i32
      %parallel_loop3A_140 = arith.index_cast %parallel_loop3A_43 : i32 to index
      %parallel_loop3A_141 = arith.index_cast %parallel_loop3A_139 : i32 to index
      %parallel_loop3A_142 = arith.constant 48 : index
      %parallel_loop3A_143 = tpu.vector_load %arg5[%parallel_loop3A_140, %parallel_loop3A_141, %parallel_loop3A_142] {strides = array<i32>} : memref<35x8x128xf32, #tpu.memory_space<vmem>>, vector<16xf32>,
      tpu.vector_store %arg5[%parallel_loop3A_140, %parallel_loop3A_141, %parallel_loop3A_142], %broadcast_in_dim3A_21 {strides = array<i32>} : memref<35x8x128xf32, #tpu.memory_space<vmem>>, vector<16xf32>,
      %parallel_loop3A_144 = arith.constant 2 : i32
      %parallel_loop3A_145 = arith.index_cast %parallel_loop3A_43 : i32 to index
      %parallel_loop3A_146 = arith.index_cast %parallel_loop3A_144 : i32 to index
      %parallel_loop3A_147 = arith.constant 64 : index
      %parallel_loop3A_148 = tpu.vector_load %arg5[%parallel_loop3A_145, %parallel_loop3A_146, %parallel_loop3A_147] {strides = array<i32>} : memref<35x8x128xf32, #tpu.memory_space<vmem>>, vector<16xf32>,
      tpu.vector_store %arg5[%parallel_loop3A_145, %parallel_loop3A_146, %parallel_loop3A_147], %broadcast_in_dim3A_21 {strides = array<i32>} : memref<35x8x128xf32, #tpu.memory_space<vmem>>, vector<16xf32>,
      %parallel_loop3A_149 = arith.constant 2 : i32
      %parallel_loop3A_150 = arith.index_cast %parallel_loop3A_43 : i32 to index
      %parallel_loop3A_151 = arith.index_cast %parallel_loop3A_149 : i32 to index
      %parallel_loop3A_152 = arith.constant 80 : index
      %parallel_loop3A_153 = tpu.vector_load %arg5[%parallel_loop3A_150, %parallel_loop3A_151, %parallel_loop3A_152] {strides = array<i32>} : memref<35x8x128xf32, #tpu.memory_space<vmem>>, vector<16xf32>,
      tpu.vector_store %arg5[%parallel_loop3A_150, %parallel_loop3A_151, %parallel_loop3A_152], %broadcast_in_dim3A_21 {strides = array<i32>} : memref<35x8x128xf32, #tpu.memory_space<vmem>>, vector<16xf32>,
      %parallel_loop3A_154 = arith.constant 2 : i32
      %parallel_loop3A_155 = arith.index_cast %parallel_loop3A_43 : i32 to index
      %parallel_loop3A_156 = arith.index_cast %parallel_loop3A_154 : i32 to index
      %parallel_loop3A_157 = arith.constant 96 : index
      %parallel_loop3A_158 = tpu.vector_load %arg5[%parallel_loop3A_155, %parallel_loop3A_156, %parallel_loop3A_157] {strides = array<i32>} : memref<35x8x128xf32, #tpu.memory_space<vmem>>, vector<16xf32>,
      tpu.vector_store %arg5[%parallel_loop3A_155, %parallel_loop3A_156, %parallel_loop3A_157], %broadcast_in_dim3A_21 {strides = array<i32>} : memref<35x8x128xf32, #tpu.memory_space<vmem>>, vector<16xf32>,
      %parallel_loop3A_159 = arith.constant 2 : i32
      %parallel_loop3A_160 = arith.index_cast %parallel_loop3A_43 : i32 to index
      %parallel_loop3A_161 = arith.index_cast %parallel_loop3A_159 : i32 to index
      %parallel_loop3A_162 = arith.constant 112 : index
      %parallel_loop3A_163 = tpu.vector_load %arg5[%parallel_loop3A_160, %parallel_loop3A_161, %parallel_loop3A_162] {strides = array<i32>} : memref<35x8x128xf32, #tpu.memory_space<vmem>>, vector<16xf32>,
      tpu.vector_store %arg5[%parallel_loop3A_160, %parallel_loop3A_161, %parallel_loop3A_162], %broadcast_in_dim3A_21 {strides = array<i32>} : memref<35x8x128xf32, #tpu.memory_space<vmem>>, vector<16xf32>,
      %parallel_loop3A_164 = arith.constant 3 : i32
      %parallel_loop3A_165 = arith.index_cast %parallel_loop3A_43 : i32 to index
      %parallel_loop3A_166 = arith.index_cast %parallel_loop3A_164 : i32 to index
      %parallel_loop3A_167 = arith.constant 0 : index
      %parallel_loop3A_168 = tpu.vector_load %arg5[%parallel_loop3A_165, %parallel_loop3A_166, %parallel_loop3A_167] {strides = array<i32>} : memref<35x8x128xf32, #tpu.memory_space<vmem>>, vector<16xf32>,
      tpu.vector_store %arg5[%parallel_loop3A_165, %parallel_loop3A_166, %parallel_loop3A_167], %broadcast_in_dim3A_21 {strides = array<i32>} : memref<35x8x128xf32, #tpu.memory_space<vmem>>, vector<16xf32>,
      %parallel_loop3A_169 = arith.constant 3 : i32
      %parallel_loop3A_170 = arith.index_cast %parallel_loop3A_43 : i32 to index
      %parallel_loop3A_171 = arith.index_cast %parallel_loop3A_169 : i32 to index
      %parallel_loop3A_172 = arith.constant 16 : index
      %parallel_loop3A_173 = tpu.vector_load %arg5[%parallel_loop3A_170, %parallel_loop3A_171, %parallel_loop3A_172] {strides = array<i32>} : memref<35x8x128xf32, #tpu.memory_space<vmem>>, vector<16xf32>,
      tpu.vector_store %arg5[%parallel_loop3A_170, %parallel_loop3A_171, %parallel_loop3A_172], %broadcast_in_dim3A_21 {strides = array<i32>} : memref<35x8x128xf32, #tpu.memory_space<vmem>>, vector<16xf32>,
      %parallel_loop3A_174 = arith.constant 3 : i32
      %parallel_loop3A_175 = arith.index_cast %parallel_loop3A_43 : i32 to index
      %parallel_loop3A_176 = arith.index_cast %parallel_loop3A_174 : i32 to index
      %parallel_loop3A_177 = arith.constant 32 : index
      %parallel_loop3A_178 = tpu.vector_load %arg5[%parallel_loop3A_175, %parallel_loop3A_176, %parallel_loop3A_177] {strides = array<i32>} : memref<35x8x128xf32, #tpu.memory_space<vmem>>, vector<16xf32>,
      tpu.vector_store %arg5[%parallel_loop3A_175, %parallel_loop3A_176, %parallel_loop3A_177], %broadcast_in_dim3A_21 {strides = array<i32>} : memref<35x8x128xf32, #tpu.memory_space<vmem>>, vector<16xf32>,
      %parallel_loop3A_179 = arith.constant 3 : i32
      %parallel_loop3A_180 = arith.index_cast %parallel_loop3A_43 : i32 to index
      %parallel_loop3A_181 = arith.index_cast %parallel_loop3A_179 : i32 to index
      %parallel_loop3A_182 = arith.constant 48 : index
      %parallel_loop3A_183 = tpu.vector_load %arg5[%parallel_loop3A_180, %parallel_loop3A_181, %parallel_loop3A_182] {strides = array<i32>} : memref<35x8x128xf32, #tpu.memory_space<vmem>>, vector<16xf32>,
      tpu.vector_store %arg5[%parallel_loop3A_180, %parallel_loop3A_181, %parallel_loop3A_182], %broadcast_in_dim3A_21 {strides = array<i32>} : memref<35x8x128xf32, #tpu.memory_space<vmem>>, vector<16xf32>,
      %parallel_loop3A_184 = arith.constant 3 : i32
      %parallel_loop3A_185 = arith.index_cast %parallel_loop3A_43 : i32 to index
      %parallel_loop3A_186 = arith.index_cast %parallel_loop3A_184 : i32 to index
      %parallel_loop3A_187 = arith.constant 64 : index
      %parallel_loop3A_188 = tpu.vector_load %arg5[%parallel_loop3A_185, %parallel_loop3A_186, %parallel_loop3A_187] {strides = array<i32>} : memref<35x8x128xf32, #tpu.memory_space<vmem>>, vector<16xf32>,
      tpu.vector_store %arg5[%parallel_loop3A_185, %parallel_loop3A_186, %parallel_loop3A_187], %broadcast_in_dim3A_21 {strides = array<i32>} : memref<35x8x128xf32, #tpu.memory_space<vmem>>, vector<16xf32>,
      %parallel_loop3A_189 = arith.constant 3 : i32
      %parallel_loop3A_190 = arith.index_cast %parallel_loop3A_43 : i32 to index
      %parallel_loop3A_191 = arith.index_cast %parallel_loop3A_189 : i32 to index
      %parallel_loop3A_192 = arith.constant 80 : index
      %parallel_loop3A_193 = tpu.vector_load %arg5[%parallel_loop3A_190, %parallel_loop3A_191, %parallel_loop3A_192] {strides = array<i32>} : memref<35x8x128xf32, #tpu.memory_space<vmem>>, vector<16xf32>,
      tpu.vector_store %arg5[%parallel_loop3A_190, %parallel_loop3A_191, %parallel_loop3A_192], %broadcast_in_dim3A_21 {strides = array<i32>} : memref<35x8x128xf32, #tpu.memory_space<vmem>>, vector<16xf32>,
      %parallel_loop3A_194 = arith.constant 3 : i32
      %parallel_loop3A_195 = arith.index_cast %parallel_loop3A_43 : i32 to index
      %parallel_loop3A_196 = arith.index_cast %parallel_loop3A_194 : i32 to index
      %parallel_loop3A_197 = arith.constant 96 : index
      %parallel_loop3A_198 = tpu.vector_load %arg5[%parallel_loop3A_195, %parallel_loop3A_196, %parallel_loop3A_197] {strides = array<i32>} : memref<35x8x128xf32, #tpu.memory_space<vmem>>, vector<16xf32>,
      tpu.vector_store %arg5[%parallel_loop3A_195, %parallel_loop3A_196, %parallel_loop3A_197], %broadcast_in_dim3A_21 {strides = array<i32>} : memref<35x8x128xf32, #tpu.memory_space<vmem>>, vector<16xf32>,
      %parallel_loop3A_199 = arith.constant 3 : i32
      %parallel_loop3A_200 = arith.index_cast %parallel_loop3A_43 : i32 to index
      %parallel_loop3A_201 = arith.index_cast %parallel_loop3A_199 : i32 to index
      %parallel_loop3A_202 = arith.constant 112 : index
      %parallel_loop3A_203 = tpu.vector_load %arg5[%parallel_loop3A_200, %parallel_loop3A_201, %parallel_loop3A_202] {strides = array<i32>} : memref<35x8x128xf32, #tpu.memory_space<vmem>>, vector<16xf32>,
      tpu.vector_store %arg5[%parallel_loop3A_200, %parallel_loop3A_201, %parallel_loop3A_202], %broadcast_in_dim3A_21 {strides = array<i32>} : memref<35x8x128xf32, #tpu.memory_space<vmem>>, vector<16xf32>,
      %parallel_loop3A_204 = arith.constant 4 : i32
      %parallel_loop3A_205 = arith.index_cast %parallel_loop3A_43 : i32 to index
      %parallel_loop3A_206 = arith.index_cast %parallel_loop3A_204 : i32 to index
      %parallel_loop3A_207 = arith.constant 0 : index
      %parallel_loop3A_208 = tpu.vector_load %arg5[%parallel_loop3A_205, %parallel_loop3A_206, %parallel_loop3A_207] {strides = array<i32>} : memref<35x8x128xf32, #tpu.memory_space<vmem>>, vector<16xf32>,
      tpu.vector_store %arg5[%parallel_loop3A_205, %parallel_loop3A_206, %parallel_loop3A_207], %broadcast_in_dim3A_21 {strides = array<i32>} : memref<35x8x128xf32, #tpu.memory_space<vmem>>, vector<16xf32>,
      %parallel_loop3A_209 = arith.constant 4 : i32
      %parallel_loop3A_210 = arith.index_cast %parallel_loop3A_43 : i32 to index
      %parallel_loop3A_211 = arith.index_cast %parallel_loop3A_209 : i32 to index
      %parallel_loop3A_212 = arith.constant 16 : index
      %parallel_loop3A_213 = tpu.vector_load %arg5[%parallel_loop3A_210, %parallel_loop3A_211, %parallel_loop3A_212] {strides = array<i32>} : memref<35x8x128xf32, #tpu.memory_space<vmem>>, vector<16xf32>,
      tpu.vector_store %arg5[%parallel_loop3A_210, %parallel_loop3A_211, %parallel_loop3A_212], %broadcast_in_dim3A_21 {strides = array<i32>} : memref<35x8x128xf32, #tpu.memory_space<vmem>>, vector<16xf32>,
      %parallel_loop3A_214 = arith.constant 4 : i32
      %parallel_loop3A_215 = arith.index_cast %parallel_loop3A_43 : i32 to index
      %parallel_loop3A_216 = arith.index_cast %parallel_loop3A_214 : i32 to index
      %parallel_loop3A_217 = arith.constant 32 : index
      %parallel_loop3A_218 = tpu.vector_load %arg5[%parallel_loop3A_215, %parallel_loop3A_216, %parallel_loop3A_217] {strides = array<i32>} : memref<35x8x128xf32, #tpu.memory_space<vmem>>, vector<16xf32>,
      tpu.vector_store %arg5[%parallel_loop3A_215, %parallel_loop3A_216, %parallel_loop3A_217], %broadcast_in_dim3A_21 {strides = array<i32>} : memref<35x8x128xf32, #tpu.memory_space<vmem>>, vector<16xf32>,
      %parallel_loop3A_219 = arith.constant 4 : i32
      %parallel_loop3A_220 = arith.index_cast %parallel_loop3A_43 : i32 to index
      %parallel_loop3A_221 = arith.index_cast %parallel_loop3A_219 : i32 to index
      %parallel_loop3A_222 = arith.constant 48 : index
      %parallel_loop3A_223 = tpu.vector_load %arg5[%parallel_loop3A_220, %parallel_loop3A_221, %parallel_loop3A_222] {strides = array<i32>} : memref<35x8x128xf32, #tpu.memory_space<vmem>>, vector<16xf32>,
      tpu.vector_store %arg5[%parallel_loop3A_220, %parallel_loop3A_221, %parallel_loop3A_222], %broadcast_in_dim3A_21 {strides = array<i32>} : memref<35x8x128xf32, #tpu.memory_space<vmem>>, vector<16xf32>,
      %parallel_loop3A_224 = arith.constant 4 : i32
      %parallel_loop3A_225 = arith.index_cast %parallel_loop3A_43 : i32 to index
      %parallel_loop3A_226 = arith.index_cast %parallel_loop3A_224 : i32 to index
      %parallel_loop3A_227 = arith.constant 64 : index
      %parallel_loop3A_228 = tpu.vector_load %arg5[%parallel_loop3A_225, %parallel_loop3A_226, %parallel_loop3A_227] {strides = array<i32>} : memref<35x8x128xf32, #tpu.memory_space<vmem>>, vector<16xf32>,
      tpu.vector_store %arg5[%parallel_loop3A_225, %parallel_loop3A_226, %parallel_loop3A_227], %broadcast_in_dim3A_21 {strides = array<i32>} : memref<35x8x128xf32, #tpu.memory_space<vmem>>, vector<16xf32>,
      %parallel_loop3A_229 = arith.constant 4 : i32
      %parallel_loop3A_230 = arith.index_cast %parallel_loop3A_43 : i32 to index
      %parallel_loop3A_231 = arith.index_cast %parallel_loop3A_229 : i32 to index
      %parallel_loop3A_232 = arith.constant 80 : index
      %parallel_loop3A_233 = tpu.vector_load %arg5[%parallel_loop3A_230, %parallel_loop3A_231, %parallel_loop3A_232] {strides = array<i32>} : memref<35x8x128xf32, #tpu.memory_space<vmem>>, vector<16xf32>,
      tpu.vector_store %arg5[%parallel_loop3A_230, %parallel_loop3A_231, %parallel_loop3A_232], %broadcast_in_dim3A_21 {strides = array<i32>} : memref<35x8x128xf32, #tpu.memory_space<vmem>>, vector<16xf32>,
      %parallel_loop3A_234 = arith.constant 4 : i32
      %parallel_loop3A_235 = arith.index_cast %parallel_loop3A_43 : i32 to index
      %parallel_loop3A_236 = arith.index_cast %parallel_loop3A_234 : i32 to index
      %parallel_loop3A_237 = arith.constant 96 : index
      %parallel_loop3A_238 = tpu.vector_load %arg5[%parallel_loop3A_235, %parallel_loop3A_236, %parallel_loop3A_237] {strides = array<i32>} : memref<35x8x128xf32, #tpu.memory_space<vmem>>, vector<16xf32>,
      tpu.vector_store %arg5[%parallel_loop3A_235, %parallel_loop3A_236, %parallel_loop3A_237], %broadcast_in_dim3A_21 {strides = array<i32>} : memref<35x8x128xf32, #tpu.memory_space<vmem>>, vector<16xf32>,
      %parallel_loop3A_239 = arith.constant 4 : i32
      %parallel_loop3A_240 = arith.index_cast %parallel_loop3A_43 : i32 to index
      %parallel_loop3A_241 = arith.index_cast %parallel_loop3A_239 : i32 to index
      %parallel_loop3A_242 = arith.constant 112 : index
      %parallel_loop3A_243 = tpu.vector_load %arg5[%parallel_loop3A_240, %parallel_loop3A_241, %parallel_loop3A_242] {strides = array<i32>} : memref<35x8x128xf32, #tpu.memory_space<vmem>>, vector<16xf32>,
      tpu.vector_store %arg5[%parallel_loop3A_240, %parallel_loop3A_241, %parallel_loop3A_242], %broadcast_in_dim3A_21 {strides = array<i32>} : memref<35x8x128xf32, #tpu.memory_space<vmem>>, vector<16xf32>,
      %parallel_loop3A_244 = arith.constant 5 : i32
      %parallel_loop3A_245 = arith.index_cast %parallel_loop3A_43 : i32 to index
      %parallel_loop3A_246 = arith.index_cast %parallel_loop3A_244 : i32 to index
      %parallel_loop3A_247 = arith.constant 0 : index
      %parallel_loop3A_248 = tpu.vector_load %arg5[%parallel_loop3A_245, %parallel_loop3A_246, %parallel_loop3A_247] {strides = array<i32>} : memref<35x8x128xf32, #tpu.memory_space<vmem>>, vector<16xf32>,
      tpu.vector_store %arg5[%parallel_loop3A_245, %parallel_loop3A_246, %parallel_loop3A_247], %broadcast_in_dim3A_21 {strides = array<i32>} : memref<35x8x128xf32, #tpu.memory_space<vmem>>, vector<16xf32>,
      %parallel_loop3A_249 = arith.constant 5 : i32
      %parallel_loop3A_250 = arith.index_cast %parallel_loop3A_43 : i32 to index
      %parallel_loop3A_251 = arith.index_cast %parallel_loop3A_249 : i32 to index
      %parallel_loop3A_252 = arith.constant 16 : index
      %parallel_loop3A_253 = tpu.vector_load %arg5[%parallel_loop3A_250, %parallel_loop3A_251, %parallel_loop3A_252] {strides = array<i32>} : memref<35x8x128xf32, #tpu.memory_space<vmem>>, vector<16xf32>,
      tpu.vector_store %arg5[%parallel_loop3A_250, %parallel_loop3A_251, %parallel_loop3A_252], %broadcast_in_dim3A_21 {strides = array<i32>} : memref<35x8x128xf32, #tpu.memory_space<vmem>>, vector<16xf32>,
      %parallel_loop3A_254 = arith.constant 5 : i32
      %parallel_loop3A_255 = arith.index_cast %parallel_loop3A_43 : i32 to index
      %parallel_loop3A_256 = arith.index_cast %parallel_loop3A_254 : i32 to index
      %parallel_loop3A_257 = arith.constant 32 : index
      %parallel_loop3A_258 = tpu.vector_load %arg5[%parallel_loop3A_255, %parallel_loop3A_256, %parallel_loop3A_257] {strides = array<i32>} : memref<35x8x128xf32, #tpu.memory_space<vmem>>, vector<16xf32>,
      tpu.vector_store %arg5[%parallel_loop3A_255, %parallel_loop3A_256, %parallel_loop3A_257], %broadcast_in_dim3A_21 {strides = array<i32>} : memref<35x8x128xf32, #tpu.memory_space<vmem>>, vector<16xf32>,
      %parallel_loop3A_259 = arith.constant 5 : i32
      %parallel_loop3A_260 = arith.index_cast %parallel_loop3A_43 : i32 to index
      %parallel_loop3A_261 = arith.index_cast %parallel_loop3A_259 : i32 to index
      %parallel_loop3A_262 = arith.constant 48 : index
      %parallel_loop3A_263 = tpu.vector_load %arg5[%parallel_loop3A_260, %parallel_loop3A_261, %parallel_loop3A_262] {strides = array<i32>} : memref<35x8x128xf32, #tpu.memory_space<vmem>>, vector<16xf32>,
      tpu.vector_store %arg5[%parallel_loop3A_260, %parallel_loop3A_261, %parallel_loop3A_262], %broadcast_in_dim3A_21 {strides = array<i32>} : memref<35x8x128xf32, #tpu.memory_space<vmem>>, vector<16xf32>,
      %parallel_loop3A_264 = arith.constant 5 : i32
      %parallel_loop3A_265 = arith.index_cast %parallel_loop3A_43 : i32 to index
      %parallel_loop3A_266 = arith.index_cast %parallel_loop3A_264 : i32 to index
      %parallel_loop3A_267 = arith.constant 64 : index
      %parallel_loop3A_268 = tpu.vector_load %arg5[%parallel_loop3A_265, %parallel_loop3A_266, %parallel_loop3A_267] {strides = array<i32>} : memref<35x8x128xf32, #tpu.memory_space<vmem>>, vector<16xf32>,
      tpu.vector_store %arg5[%parallel_loop3A_265, %parallel_loop3A_266, %parallel_loop3A_267], %broadcast_in_dim3A_21 {strides = array<i32>} : memref<35x8x128xf32, #tpu.memory_space<vmem>>, vector<16xf32>,
      %parallel_loop3A_269 = arith.constant 5 : i32
      %parallel_loop3A_270 = arith.index_cast %parallel_loop3A_43 : i32 to index
      %parallel_loop3A_271 = arith.index_cast %parallel_loop3A_269 : i32 to index
      %parallel_loop3A_272 = arith.constant 80 : index
      %parallel_loop3A_273 = tpu.vector_load %arg5[%parallel_loop3A_270, %parallel_loop3A_271, %parallel_loop3A_272] {strides = array<i32>} : memref<35x8x128xf32, #tpu.memory_space<vmem>>, vector<16xf32>,
      tpu.vector_store %arg5[%parallel_loop3A_270, %parallel_loop3A_271, %parallel_loop3A_272], %broadcast_in_dim3A_21 {strides = array<i32>} : memref<35x8x128xf32, #tpu.memory_space<vmem>>, vector<16xf32>,
      %parallel_loop3A_274 = arith.constant 5 : i32
      %parallel_loop3A_275 = arith.index_cast %parallel_loop3A_43 : i32 to index
      %parallel_loop3A_276 = arith.index_cast %parallel_loop3A_274 : i32 to index
      %parallel_loop3A_277 = arith.constant 96 : index
      %parallel_loop3A_278 = tpu.vector_load %arg5[%parallel_loop3A_275, %parallel_loop3A_276, %parallel_loop3A_277] {strides = array<i32>} : memref<35x8x128xf32, #tpu.memory_space<vmem>>, vector<16xf32>,
      tpu.vector_store %arg5[%parallel_loop3A_275, %parallel_loop3A_276, %parallel_loop3A_277], %broadcast_in_dim3A_21 {strides = array<i32>} : memref<35x8x128xf32, #tpu.memory_space<vmem>>, vector<16xf32>,
      %parallel_loop3A_279 = arith.constant 5 : i32
      %parallel_loop3A_280 = arith.index_cast %parallel_loop3A_43 : i32 to index
      %parallel_loop3A_281 = arith.index_cast %parallel_loop3A_279 : i32 to index
      %parallel_loop3A_282 = arith.constant 112 : index
      %parallel_loop3A_283 = tpu.vector_load %arg5[%parallel_loop3A_280, %parallel_loop3A_281, %parallel_loop3A_282] {strides = array<i32>} : memref<35x8x128xf32, #tpu.memory_space<vmem>>, vector<16xf32>,
      tpu.vector_store %arg5[%parallel_loop3A_280, %parallel_loop3A_281, %parallel_loop3A_282], %broadcast_in_dim3A_21 {strides = array<i32>} : memref<35x8x128xf32, #tpu.memory_space<vmem>>, vector<16xf32>,
      %parallel_loop3A_284 = arith.constant 6 : i32
      %parallel_loop3A_285 = arith.index_cast %parallel_loop3A_43 : i32 to index
      %parallel_loop3A_286 = arith.index_cast %parallel_loop3A_284 : i32 to index
      %parallel_loop3A_287 = arith.constant 0 : index
      %parallel_loop3A_288 = tpu.vector_load %arg5[%parallel_loop3A_285, %parallel_loop3A_286, %parallel_loop3A_287] {strides = array<i32>} : memref<35x8x128xf32, #tpu.memory_space<vmem>>, vector<16xf32>,
      tpu.vector_store %arg5[%parallel_loop3A_285, %parallel_loop3A_286, %parallel_loop3A_287], %broadcast_in_dim3A_21 {strides = array<i32>} : memref<35x8x128xf32, #tpu.memory_space<vmem>>, vector<16xf32>,
      %parallel_loop3A_289 = arith.constant 6 : i32
      %parallel_loop3A_290 = arith.index_cast %parallel_loop3A_43 : i32 to index
      %parallel_loop3A_291 = arith.index_cast %parallel_loop3A_289 : i32 to index
      %parallel_loop3A_292 = arith.constant 16 : index
      %parallel_loop3A_293 = tpu.vector_load %arg5[%parallel_loop3A_290, %parallel_loop3A_291, %parallel_loop3A_292] {strides = array<i32>} : memref<35x8x128xf32, #tpu.memory_space<vmem>>, vector<16xf32>,
      tpu.vector_store %arg5[%parallel_loop3A_290, %parallel_loop3A_291, %parallel_loop3A_292], %broadcast_in_dim3A_21 {strides = array<i32>} : memref<35x8x128xf32, #tpu.memory_space<vmem>>, vector<16xf32>,
      %parallel_loop3A_294 = arith.constant 6 : i32
      %parallel_loop3A_295 = arith.index_cast %parallel_loop3A_43 : i32 to index
      %parallel_loop3A_296 = arith.index_cast %parallel_loop3A_294 : i32 to index
      %parallel_loop3A_297 = arith.constant 32 : index
      %parallel_loop3A_298 = tpu.vector_load %arg5[%parallel_loop3A_295, %parallel_loop3A_296, %parallel_loop3A_297] {strides = array<i32>} : memref<35x8x128xf32, #tpu.memory_space<vmem>>, vector<16xf32>,
      tpu.vector_store %arg5[%parallel_loop3A_295, %parallel_loop3A_296, %parallel_loop3A_297], %broadcast_in_dim3A_21 {strides = array<i32>} : memref<35x8x128xf32, #tpu.memory_space<vmem>>, vector<16xf32>,
      %parallel_loop3A_299 = arith.constant 6 : i32
      %parallel_loop3A_300 = arith.index_cast %parallel_loop3A_43 : i32 to index
      %parallel_loop3A_301 = arith.index_cast %parallel_loop3A_299 : i32 to index
      %parallel_loop3A_302 = arith.constant 48 : index
      %parallel_loop3A_303 = tpu.vector_load %arg5[%parallel_loop3A_300, %parallel_loop3A_301, %parallel_loop3A_302] {strides = array<i32>} : memref<35x8x128xf32, #tpu.memory_space<vmem>>, vector<16xf32>,
      tpu.vector_store %arg5[%parallel_loop3A_300, %parallel_loop3A_301, %parallel_loop3A_302], %broadcast_in_dim3A_21 {strides = array<i32>} : memref<35x8x128xf32, #tpu.memory_space<vmem>>, vector<16xf32>,
      %parallel_loop3A_304 = arith.constant 6 : i32
      %parallel_loop3A_305 = arith.index_cast %parallel_loop3A_43 : i32 to index
      %parallel_loop3A_306 = arith.index_cast %parallel_loop3A_304 : i32 to index
      %parallel_loop3A_307 = arith.constant 64 : index
      %parallel_loop3A_308 = tpu.vector_load %arg5[%parallel_loop3A_305, %parallel_loop3A_306, %parallel_loop3A_307] {strides = array<i32>} : memref<35x8x128xf32, #tpu.memory_space<vmem>>, vector<16xf32>,
      tpu.vector_store %arg5[%parallel_loop3A_305, %parallel_loop3A_306, %parallel_loop3A_307], %broadcast_in_dim3A_21 {strides = array<i32>} : memref<35x8x128xf32, #tpu.memory_space<vmem>>, vector<16xf32>,
      %parallel_loop3A_309 = arith.constant 6 : i32
      %parallel_loop3A_310 = arith.index_cast %parallel_loop3A_43 : i32 to index
      %parallel_loop3A_311 = arith.index_cast %parallel_loop3A_309 : i32 to index
      %parallel_loop3A_312 = arith.constant 80 : index
      %parallel_loop3A_313 = tpu.vector_load %arg5[%parallel_loop3A_310, %parallel_loop3A_311, %parallel_loop3A_312] {strides = array<i32>} : memref<35x8x128xf32, #tpu.memory_space<vmem>>, vector<16xf32>,
      tpu.vector_store %arg5[%parallel_loop3A_310, %parallel_loop3A_311, %parallel_loop3A_312], %broadcast_in_dim3A_21 {strides = array<i32>} : memref<35x8x128xf32, #tpu.memory_space<vmem>>, vector<16xf32>,
      %parallel_loop3A_314 = arith.constant 6 : i32
      %parallel_loop3A_315 = arith.index_cast %parallel_loop3A_43 : i32 to index
      %parallel_loop3A_316 = arith.index_cast %parallel_loop3A_314 : i32 to index
      %parallel_loop3A_317 = arith.constant 96 : index
      %parallel_loop3A_318 = tpu.vector_load %arg5[%parallel_loop3A_315, %parallel_loop3A_316, %parallel_loop3A_317] {strides = array<i32>} : memref<35x8x128xf32, #tpu.memory_space<vmem>>, vector<16xf32>,
      tpu.vector_store %arg5[%parallel_loop3A_315, %parallel_loop3A_316, %parallel_loop3A_317], %broadcast_in_dim3A_21 {strides = array<i32>} : memref<35x8x128xf32, #tpu.memory_space<vmem>>, vector<16xf32>,
      %parallel_loop3A_319 = arith.constant 6 : i32
      %parallel_loop3A_320 = arith.index_cast %parallel_loop3A_43 : i32 to index
      %parallel_loop3A_321 = arith.index_cast %parallel_loop3A_319 : i32 to index
      %parallel_loop3A_322 = arith.constant 112 : index
      %parallel_loop3A_323 = tpu.vector_load %arg5[%parallel_loop3A_320, %parallel_loop3A_321, %parallel_loop3A_322] {strides = array<i32>} : memref<35x8x128xf32, #tpu.memory_space<vmem>>, vector<16xf32>,
      tpu.vector_store %arg5[%parallel_loop3A_320, %parallel_loop3A_321, %parallel_loop3A_322], %broadcast_in_dim3A_21 {strides = array<i32>} : memref<35x8x128xf32, #tpu.memory_space<vmem>>, vector<16xf32>,
      %parallel_loop3A_324 = arith.constant 7 : i32
      %parallel_loop3A_325 = arith.index_cast %parallel_loop3A_43 : i32 to index
      %parallel_loop3A_326 = arith.index_cast %parallel_loop3A_324 : i32 to index
      %parallel_loop3A_327 = arith.constant 0 : index
      %parallel_loop3A_328 = tpu.vector_load %arg5[%parallel_loop3A_325, %parallel_loop3A_326, %parallel_loop3A_327] {strides = array<i32>} : memref<35x8x128xf32, #tpu.memory_space<vmem>>, vector<16xf32>,
      tpu.vector_store %arg5[%parallel_loop3A_325, %parallel_loop3A_326, %parallel_loop3A_327], %broadcast_in_dim3A_21 {strides = array<i32>} : memref<35x8x128xf32, #tpu.memory_space<vmem>>, vector<16xf32>,
      %parallel_loop3A_329 = arith.constant 7 : i32
      %parallel_loop3A_330 = arith.index_cast %parallel_loop3A_43 : i32 to index
      %parallel_loop3A_331 = arith.index_cast %parallel_loop3A_329 : i32 to index
      %parallel_loop3A_332 = arith.constant 16 : index
      %parallel_loop3A_333 = tpu.vector_load %arg5[%parallel_loop3A_330, %parallel_loop3A_331, %parallel_loop3A_332] {strides = array<i32>} : memref<35x8x128xf32, #tpu.memory_space<vmem>>, vector<16xf32>,
      tpu.vector_store %arg5[%parallel_loop3A_330, %parallel_loop3A_331, %parallel_loop3A_332], %broadcast_in_dim3A_21 {strides = array<i32>} : memref<35x8x128xf32, #tpu.memory_space<vmem>>, vector<16xf32>,
      %parallel_loop3A_334 = arith.constant 7 : i32
      %parallel_loop3A_335 = arith.index_cast %parallel_loop3A_43 : i32 to index
      %parallel_loop3A_336 = arith.index_cast %parallel_loop3A_334 : i32 to index
      %parallel_loop3A_337 = arith.constant 32 : index
      %parallel_loop3A_338 = tpu.vector_load %arg5[%parallel_loop3A_335, %parallel_loop3A_336, %parallel_loop3A_337] {strides = array<i32>} : memref<35x8x128xf32, #tpu.memory_space<vmem>>, vector<16xf32>,
      tpu.vector_store %arg5[%parallel_loop3A_335, %parallel_loop3A_336, %parallel_loop3A_337], %broadcast_in_dim3A_21 {strides = array<i32>} : memref<35x8x128xf32, #tpu.memory_space<vmem>>, vector<16xf32>,
      %parallel_loop3A_339 = arith.constant 7 : i32
      %parallel_loop3A_340 = arith.index_cast %parallel_loop3A_43 : i32 to index
      %parallel_loop3A_341 = arith.index_cast %parallel_loop3A_339 : i32 to index
      %parallel_loop3A_342 = arith.constant 48 : index
      %parallel_loop3A_343 = tpu.vector_load %arg5[%parallel_loop3A_340, %parallel_loop3A_341, %parallel_loop3A_342] {strides = array<i32>} : memref<35x8x128xf32, #tpu.memory_space<vmem>>, vector<16xf32>,
      tpu.vector_store %arg5[%parallel_loop3A_340, %parallel_loop3A_341, %parallel_loop3A_342], %broadcast_in_dim3A_21 {strides = array<i32>} : memref<35x8x128xf32, #tpu.memory_space<vmem>>, vector<16xf32>,
      %parallel_loop3A_344 = arith.constant 7 : i32
      %parallel_loop3A_345 = arith.index_cast %parallel_loop3A_43 : i32 to index
      %parallel_loop3A_346 = arith.index_cast %parallel_loop3A_344 : i32 to index
      %parallel_loop3A_347 = arith.constant 64 : index
      %parallel_loop3A_348 = tpu.vector_load %arg5[%parallel_loop3A_345, %parallel_loop3A_346, %parallel_loop3A_347] {strides = array<i32>} : memref<35x8x128xf32, #tpu.memory_space<vmem>>, vector<16xf32>,
      tpu.vector_store %arg5[%parallel_loop3A_345, %parallel_loop3A_346, %parallel_loop3A_347], %broadcast_in_dim3A_21 {strides = array<i32>} : memref<35x8x128xf32, #tpu.memory_space<vmem>>, vector<16xf32>,
      %parallel_loop3A_349 = arith.constant 7 : i32
      %parallel_loop3A_350 = arith.index_cast %parallel_loop3A_43 : i32 to index
      %parallel_loop3A_351 = arith.index_cast %parallel_loop3A_349 : i32 to index
      %parallel_loop3A_352 = arith.constant 80 : index
      %parallel_loop3A_353 = tpu.vector_load %arg5[%parallel_loop3A_350, %parallel_loop3A_351, %parallel_loop3A_352] {strides = array<i32>} : memref<35x8x128xf32, #tpu.memory_space<vmem>>, vector<16xf32>,
      tpu.vector_store %arg5[%parallel_loop3A_350, %parallel_loop3A_351, %parallel_loop3A_352], %broadcast_in_dim3A_21 {strides = array<i32>} : memref<35x8x128xf32, #tpu.memory_space<vmem>>, vector<16xf32>,
      %parallel_loop3A_354 = arith.constant 7 : i32
      %parallel_loop3A_355 = arith.index_cast %parallel_loop3A_43 : i32 to index
      %parallel_loop3A_356 = arith.index_cast %parallel_loop3A_354 : i32 to index
      %parallel_loop3A_357 = arith.constant 96 : index
      %parallel_loop3A_358 = tpu.vector_load %arg5[%parallel_loop3A_355, %parallel_loop3A_356, %parallel_loop3A_357] {strides = array<i32>} : memref<35x8x128xf32, #tpu.memory_space<vmem>>, vector<16xf32>,
      tpu.vector_store %arg5[%parallel_loop3A_355, %parallel_loop3A_356, %parallel_loop3A_357], %broadcast_in_dim3A_21 {strides = array<i32>} : memref<35x8x128xf32, #tpu.memory_space<vmem>>, vector<16xf32>,
      %parallel_loop3A_359 = arith.constant 7 : i32
      %parallel_loop3A_360 = arith.index_cast %parallel_loop3A_43 : i32 to index
      %parallel_loop3A_361 = arith.index_cast %parallel_loop3A_359 : i32 to index
      %parallel_loop3A_362 = arith.constant 112 : index
      %parallel_loop3A_363 = tpu.vector_load %arg5[%parallel_loop3A_360, %parallel_loop3A_361, %parallel_loop3A_362] {strides = array<i32>} : memref<35x8x128xf32, #tpu.memory_space<vmem>>, vector<16xf32>,
      tpu.vector_store %arg5[%parallel_loop3A_360, %parallel_loop3A_361, %parallel_loop3A_362], %broadcast_in_dim3A_21 {strides = array<i32>} : memref<35x8x128xf32, #tpu.memory_space<vmem>>, vector<16xf32>,
    } {sc.loop_unroll_factor = 4 : i64, sc.parallel_access}
    %dma_wait3A = arith.constant 0 : i32
    %dma_wait3A_26 = arith.constant 0 : i32
    %dma_wait3A_27 = arith.constant 0 : i32
    %dma_wait3A_28 = tpu.memref_slice %arg2[%dma_wait3A, %shift_right_arithmetic3A_1, %dma_wait3A_26, %dma_wait3A_27] : memref<7x8x8x128xi32, #tpu.memory_space<hbm>> -> memref<7x1x8x128xi32, #tpu.memory_space<hbm>>
    %dma_wait3A_29 = arith.constant 0 : i32
    %dma_wait3A_30 = arith.constant 0 : i32
    %dma_wait3A_31 = arith.constant 0 : i32
    %dma_wait3A_32 = tpu.memref_slice %arg2[%dma_wait3A_29, %shift_right_arithmetic3A_1, %dma_wait3A_30, %dma_wait3A_31] : memref<7x8x8x128xi32, #tpu.memory_space<hbm>> -> memref<7x1x8x128xi32, #tpu.memory_space<hbm>>
    tpu.wait_dma2 semaphore(%arg6 : memref<!tpu.dma_semaphore, #tpu.memory_space<semaphore_mem>>) src(%dma_wait3A_32 : memref<7x1x8x128xi32, #tpu.memory_space<hbm>>) dst(%arg4 : memref<7x1x8x128xi32, #tpu.memory_space<vmem>>)
    %parallel_loop3A_33 = arith.constant 0 : i32
    %parallel_loop3A_34 = arith.constant 8 : i32
    %parallel_loop3A_35 = arith.constant 1 : i32
    scf.for %parallel_loop3A_43 = %parallel_loop3A_33 to %parallel_loop3A_34 step %parallel_loop3A_35  : i32 {
      %parallel_loop3A_44 = arith.constant 16 : i32
      %parallel_loop3A_45 = arith.muli %parallel_loop3A_43, %parallel_loop3A_44 : i32
      %parallel_loop3A_46 = vector.broadcast %parallel_loop3A_45 : i32 to vector<16xi32>
      %parallel_loop3A_47 = arith.addi %iota3A, %parallel_loop3A_46 : vector<16xi32>
      %parallel_loop3A_48 = arith.constant 16 : i32
      %parallel_loop3A_49 = arith.muli %parallel_loop3A_43, %parallel_loop3A_48 : i32
      %parallel_loop3A_50 = arith.constant 0 : i32
      %parallel_loop3A_51 = arith.constant 0 : i32
      %parallel_loop3A_52 = arith.constant 0 : i32
      %parallel_loop3A_53 = arith.index_cast %parallel_loop3A_50 : i32 to index
      %parallel_loop3A_54 = arith.index_cast %parallel_loop3A_51 : i32 to index
      %parallel_loop3A_55 = arith.index_cast %parallel_loop3A_52 : i32 to index
      %parallel_loop3A_56 = arith.index_cast %parallel_loop3A_49 : i32 to index
      %parallel_loop3A_57 = tpu.vector_load %arg4[%parallel_loop3A_53, %parallel_loop3A_54, %parallel_loop3A_55, %parallel_loop3A_56] {strides = array<i32>} : memref<7x1x8x128xi32, #tpu.memory_space<vmem>>, vector<16xi32>,
      %parallel_loop3A_58 = arith.constant 1 : i32
      %parallel_loop3A_59 = arith.addi %mul3A_13, %parallel_loop3A_58 : i32
      %parallel_loop3A_60 = vector.broadcast %parallel_loop3A_59 : i32 to vector<16xi32>
      %parallel_loop3A_61 = arith.subi %parallel_loop3A_57, %parallel_loop3A_60 : vector<16xi32>
      %parallel_loop3A_62 = vector.broadcast %add3A_11 : i32 to vector<16xi32>
      %parallel_loop3A_63 = arith.cmpi ult, %parallel_loop3A_61, %parallel_loop3A_62 : vector<16xi32>
      %parallel_loop3A_64 = arith.constant 0 : i32
      %parallel_loop3A_65 = vector.broadcast %parallel_loop3A_64 : i32 to vector<16xi32>
      %parallel_loop3A_66 = arith.maxsi %parallel_loop3A_61, %parallel_loop3A_65 : vector<16xi32>
      %parallel_loop3A_67 = arith.constant 279 : i32
      %parallel_loop3A_68 = vector.broadcast %parallel_loop3A_67 : i32 to vector<16xi32>
      %parallel_loop3A_69 = arith.minsi %parallel_loop3A_66, %parallel_loop3A_68 : vector<16xi32>
      %parallel_loop3A_70 = arith.constant 3 : i32
      %parallel_loop3A_71 = vector.broadcast %parallel_loop3A_70 : i32 to vector<16xi32>
      %parallel_loop3A_72 = arith.shrsi %parallel_loop3A_69, %parallel_loop3A_71 : vector<16xi32>
      %parallel_loop3A_73 = arith.constant 7 : i32
      %parallel_loop3A_74 = vector.broadcast %parallel_loop3A_73 : i32 to vector<16xi32>
      %parallel_loop3A_75 = arith.andi %parallel_loop3A_69, %parallel_loop3A_74 : vector<16xi32>
      tpu.vector_store_idx %arg5[%parallel_loop3A_72, %parallel_loop3A_75, %parallel_loop3A_47], %broadcast_in_dim3A_23 masked %parallel_loop3A_63 {add = true} : memref<35x8x128xf32, #tpu.memory_space<vmem>>[vector<16xi32>, vector<16xi32>, vector<16xi32>], vector<16xf32>, vector<16xi1>
      %parallel_loop3A_76 = arith.constant 16 : i32
      %parallel_loop3A_77 = arith.muli %parallel_loop3A_43, %parallel_loop3A_76 : i32
      %parallel_loop3A_78 = arith.constant 0 : i32
      %parallel_loop3A_79 = arith.constant 0 : i32
      %parallel_loop3A_80 = arith.constant 1 : i32
      %parallel_loop3A_81 = arith.index_cast %parallel_loop3A_78 : i32 to index
      %parallel_loop3A_82 = arith.index_cast %parallel_loop3A_79 : i32 to index
      %parallel_loop3A_83 = arith.index_cast %parallel_loop3A_80 : i32 to index
      %parallel_loop3A_84 = arith.index_cast %parallel_loop3A_77 : i32 to index
      %parallel_loop3A_85 = tpu.vector_load %arg4[%parallel_loop3A_81, %parallel_loop3A_82, %parallel_loop3A_83, %parallel_loop3A_84] {strides = array<i32>} : memref<7x1x8x128xi32, #tpu.memory_space<vmem>>, vector<16xi32>,
      %parallel_loop3A_86 = arith.constant 1 : i32
      %parallel_loop3A_87 = arith.addi %mul3A_13, %parallel_loop3A_86 : i32
      %parallel_loop3A_88 = vector.broadcast %parallel_loop3A_87 : i32 to vector<16xi32>
      %parallel_loop3A_89 = arith.subi %parallel_loop3A_85, %parallel_loop3A_88 : vector<16xi32>
      %parallel_loop3A_90 = vector.broadcast %add3A_11 : i32 to vector<16xi32>
      %parallel_loop3A_91 = arith.cmpi ult, %parallel_loop3A_89, %parallel_loop3A_90 : vector<16xi32>
      %parallel_loop3A_92 = arith.constant 0 : i32
      %parallel_loop3A_93 = vector.broadcast %parallel_loop3A_92 : i32 to vector<16xi32>
      %parallel_loop3A_94 = arith.maxsi %parallel_loop3A_89, %parallel_loop3A_93 : vector<16xi32>
      %parallel_loop3A_95 = arith.constant 279 : i32
      %parallel_loop3A_96 = vector.broadcast %parallel_loop3A_95 : i32 to vector<16xi32>
      %parallel_loop3A_97 = arith.minsi %parallel_loop3A_94, %parallel_loop3A_96 : vector<16xi32>
      %parallel_loop3A_98 = arith.constant 3 : i32
      %parallel_loop3A_99 = vector.broadcast %parallel_loop3A_98 : i32 to vector<16xi32>
      %parallel_loop3A_100 = arith.shrsi %parallel_loop3A_97, %parallel_loop3A_99 : vector<16xi32>
      %parallel_loop3A_101 = arith.constant 7 : i32
      %parallel_loop3A_102 = vector.broadcast %parallel_loop3A_101 : i32 to vector<16xi32>
      %parallel_loop3A_103 = arith.andi %parallel_loop3A_97, %parallel_loop3A_102 : vector<16xi32>
      tpu.vector_store_idx %arg5[%parallel_loop3A_100, %parallel_loop3A_103, %parallel_loop3A_47], %broadcast_in_dim3A_23 masked %parallel_loop3A_91 {add = true} : memref<35x8x128xf32, #tpu.memory_space<vmem>>[vector<16xi32>, vector<16xi32>, vector<16xi32>], vector<16xf32>, vector<16xi1>
      %parallel_loop3A_104 = arith.constant 16 : i32
      %parallel_loop3A_105 = arith.muli %parallel_loop3A_43, %parallel_loop3A_104 : i32
      %parallel_loop3A_106 = arith.constant 0 : i32
      %parallel_loop3A_107 = arith.constant 0 : i32
      %parallel_loop3A_108 = arith.constant 2 : i32
      %parallel_loop3A_109 = arith.index_cast %parallel_loop3A_106 : i32 to index
      %parallel_loop3A_110 = arith.index_cast %parallel_loop3A_107 : i32 to index
      %parallel_loop3A_111 = arith.index_cast %parallel_loop3A_108 : i32 to index
      %parallel_loop3A_112 = arith.index_cast %parallel_loop3A_105 : i32 to index
      %parallel_loop3A_113 = tpu.vector_load %arg4[%parallel_loop3A_109, %parallel_loop3A_110, %parallel_loop3A_111, %parallel_loop3A_112] {strides = array<i32>} : memref<7x1x8x128xi32, #tpu.memory_space<vmem>>, vector<16xi32>,
      %parallel_loop3A_114 = arith.constant 1 : i32
      %parallel_loop3A_115 = arith.addi %mul3A_13, %parallel_loop3A_114 : i32
      %parallel_loop3A_116 = vector.broadcast %parallel_loop3A_115 : i32 to vector<16xi32>
      %parallel_loop3A_117 = arith.subi %parallel_loop3A_113, %parallel_loop3A_116 : vector<16xi32>
      %parallel_loop3A_118 = vector.broadcast %add3A_11 : i32 to vector<16xi32>
      %parallel_loop3A_119 = arith.cmpi ult, %parallel_loop3A_117, %parallel_loop3A_118 : vector<16xi32>
      %parallel_loop3A_120 = arith.constant 0 : i32
      %parallel_loop3A_121 = vector.broadcast %parallel_loop3A_120 : i32 to vector<16xi32>
      %parallel_loop3A_122 = arith.maxsi %parallel_loop3A_117, %parallel_loop3A_121 : vector<16xi32>
      %parallel_loop3A_123 = arith.constant 279 : i32
      %parallel_loop3A_124 = vector.broadcast %parallel_loop3A_123 : i32 to vector<16xi32>
      %parallel_loop3A_125 = arith.minsi %parallel_loop3A_122, %parallel_loop3A_124 : vector<16xi32>
      %parallel_loop3A_126 = arith.constant 3 : i32
      %parallel_loop3A_127 = vector.broadcast %parallel_loop3A_126 : i32 to vector<16xi32>
      %parallel_loop3A_128 = arith.shrsi %parallel_loop3A_125, %parallel_loop3A_127 : vector<16xi32>
      %parallel_loop3A_129 = arith.constant 7 : i32
      %parallel_loop3A_130 = vector.broadcast %parallel_loop3A_129 : i32 to vector<16xi32>
      %parallel_loop3A_131 = arith.andi %parallel_loop3A_125, %parallel_loop3A_130 : vector<16xi32>
      tpu.vector_store_idx %arg5[%parallel_loop3A_128, %parallel_loop3A_131, %parallel_loop3A_47], %broadcast_in_dim3A_23 masked %parallel_loop3A_119 {add = true} : memref<35x8x128xf32, #tpu.memory_space<vmem>>[vector<16xi32>, vector<16xi32>, vector<16xi32>], vector<16xf32>, vector<16xi1>
      %parallel_loop3A_132 = arith.constant 16 : i32
      %parallel_loop3A_133 = arith.muli %parallel_loop3A_43, %parallel_loop3A_132 : i32
      %parallel_loop3A_134 = arith.constant 0 : i32
      %parallel_loop3A_135 = arith.constant 0 : i32
      %parallel_loop3A_136 = arith.constant 3 : i32
      %parallel_loop3A_137 = arith.index_cast %parallel_loop3A_134 : i32 to index
      %parallel_loop3A_138 = arith.index_cast %parallel_loop3A_135 : i32 to index
      %parallel_loop3A_139 = arith.index_cast %parallel_loop3A_136 : i32 to index
      %parallel_loop3A_140 = arith.index_cast %parallel_loop3A_133 : i32 to index
      %parallel_loop3A_141 = tpu.vector_load %arg4[%parallel_loop3A_137, %parallel_loop3A_138, %parallel_loop3A_139, %parallel_loop3A_140] {strides = array<i32>} : memref<7x1x8x128xi32, #tpu.memory_space<vmem>>, vector<16xi32>,
      %parallel_loop3A_142 = arith.constant 1 : i32
      %parallel_loop3A_143 = arith.addi %mul3A_13, %parallel_loop3A_142 : i32
      %parallel_loop3A_144 = vector.broadcast %parallel_loop3A_143 : i32 to vector<16xi32>
      %parallel_loop3A_145 = arith.subi %parallel_loop3A_141, %parallel_loop3A_144 : vector<16xi32>
      %parallel_loop3A_146 = vector.broadcast %add3A_11 : i32 to vector<16xi32>
      %parallel_loop3A_147 = arith.cmpi ult, %parallel_loop3A_145, %parallel_loop3A_146 : vector<16xi32>
      %parallel_loop3A_148 = arith.constant 0 : i32
      %parallel_loop3A_149 = vector.broadcast %parallel_loop3A_148 : i32 to vector<16xi32>
      %parallel_loop3A_150 = arith.maxsi %parallel_loop3A_145, %parallel_loop3A_149 : vector<16xi32>
      %parallel_loop3A_151 = arith.constant 279 : i32
      %parallel_loop3A_152 = vector.broadcast %parallel_loop3A_151 : i32 to vector<16xi32>
      %parallel_loop3A_153 = arith.minsi %parallel_loop3A_150, %parallel_loop3A_152 : vector<16xi32>
      %parallel_loop3A_154 = arith.constant 3 : i32
      %parallel_loop3A_155 = vector.broadcast %parallel_loop3A_154 : i32 to vector<16xi32>
      %parallel_loop3A_156 = arith.shrsi %parallel_loop3A_153, %parallel_loop3A_155 : vector<16xi32>
      %parallel_loop3A_157 = arith.constant 7 : i32
      %parallel_loop3A_158 = vector.broadcast %parallel_loop3A_157 : i32 to vector<16xi32>
      %parallel_loop3A_159 = arith.andi %parallel_loop3A_153, %parallel_loop3A_158 : vector<16xi32>
      tpu.vector_store_idx %arg5[%parallel_loop3A_156, %parallel_loop3A_159, %parallel_loop3A_47], %broadcast_in_dim3A_23 masked %parallel_loop3A_147 {add = true} : memref<35x8x128xf32, #tpu.memory_space<vmem>>[vector<16xi32>, vector<16xi32>, vector<16xi32>], vector<16xf32>, vector<16xi1>
      %parallel_loop3A_160 = arith.constant 16 : i32
      %parallel_loop3A_161 = arith.muli %parallel_loop3A_43, %parallel_loop3A_160 : i32
      %parallel_loop3A_162 = arith.constant 0 : i32
      %parallel_loop3A_163 = arith.constant 0 : i32
      %parallel_loop3A_164 = arith.constant 4 : i32
      %parallel_loop3A_165 = arith.index_cast %parallel_loop3A_162 : i32 to index
      %parallel_loop3A_166 = arith.index_cast %parallel_loop3A_163 : i32 to index
      %parallel_loop3A_167 = arith.index_cast %parallel_loop3A_164 : i32 to index
      %parallel_loop3A_168 = arith.index_cast %parallel_loop3A_161 : i32 to index
      %parallel_loop3A_169 = tpu.vector_load %arg4[%parallel_loop3A_165, %parallel_loop3A_166, %parallel_loop3A_167, %parallel_loop3A_168] {strides = array<i32>} : memref<7x1x8x128xi32, #tpu.memory_space<vmem>>, vector<16xi32>,
      %parallel_loop3A_170 = arith.constant 1 : i32
      %parallel_loop3A_171 = arith.addi %mul3A_13, %parallel_loop3A_170 : i32
      %parallel_loop3A_172 = vector.broadcast %parallel_loop3A_171 : i32 to vector<16xi32>
      %parallel_loop3A_173 = arith.subi %parallel_loop3A_169, %parallel_loop3A_172 : vector<16xi32>
      %parallel_loop3A_174 = vector.broadcast %add3A_11 : i32 to vector<16xi32>
      %parallel_loop3A_175 = arith.cmpi ult, %parallel_loop3A_173, %parallel_loop3A_174 : vector<16xi32>
      %parallel_loop3A_176 = arith.constant 0 : i32
      %parallel_loop3A_177 = vector.broadcast %parallel_loop3A_176 : i32 to vector<16xi32>
      %parallel_loop3A_178 = arith.maxsi %parallel_loop3A_173, %parallel_loop3A_177 : vector<16xi32>
      %parallel_loop3A_179 = arith.constant 279 : i32
      %parallel_loop3A_180 = vector.broadcast %parallel_loop3A_179 : i32 to vector<16xi32>
      %parallel_loop3A_181 = arith.minsi %parallel_loop3A_178, %parallel_loop3A_180 : vector<16xi32>
      %parallel_loop3A_182 = arith.constant 3 : i32
      %parallel_loop3A_183 = vector.broadcast %parallel_loop3A_182 : i32 to vector<16xi32>
      %parallel_loop3A_184 = arith.shrsi %parallel_loop3A_181, %parallel_loop3A_183 : vector<16xi32>
      %parallel_loop3A_185 = arith.constant 7 : i32
      %parallel_loop3A_186 = vector.broadcast %parallel_loop3A_185 : i32 to vector<16xi32>
      %parallel_loop3A_187 = arith.andi %parallel_loop3A_181, %parallel_loop3A_186 : vector<16xi32>
      tpu.vector_store_idx %arg5[%parallel_loop3A_184, %parallel_loop3A_187, %parallel_loop3A_47], %broadcast_in_dim3A_23 masked %parallel_loop3A_175 {add = true} : memref<35x8x128xf32, #tpu.memory_space<vmem>>[vector<16xi32>, vector<16xi32>, vector<16xi32>], vector<16xf32>, vector<16xi1>
      %parallel_loop3A_188 = arith.constant 16 : i32
      %parallel_loop3A_189 = arith.muli %parallel_loop3A_43, %parallel_loop3A_188 : i32
      %parallel_loop3A_190 = arith.constant 0 : i32
      %parallel_loop3A_191 = arith.constant 0 : i32
      %parallel_loop3A_192 = arith.constant 5 : i32
      %parallel_loop3A_193 = arith.index_cast %parallel_loop3A_190 : i32 to index
      %parallel_loop3A_194 = arith.index_cast %parallel_loop3A_191 : i32 to index
      %parallel_loop3A_195 = arith.index_cast %parallel_loop3A_192 : i32 to index
      %parallel_loop3A_196 = arith.index_cast %parallel_loop3A_189 : i32 to index
      %parallel_loop3A_197 = tpu.vector_load %arg4[%parallel_loop3A_193, %parallel_loop3A_194, %parallel_loop3A_195, %parallel_loop3A_196] {strides = array<i32>} : memref<7x1x8x128xi32, #tpu.memory_space<vmem>>, vector<16xi32>,
      %parallel_loop3A_198 = arith.constant 1 : i32
      %parallel_loop3A_199 = arith.addi %mul3A_13, %parallel_loop3A_198 : i32
      %parallel_loop3A_200 = vector.broadcast %parallel_loop3A_199 : i32 to vector<16xi32>
      %parallel_loop3A_201 = arith.subi %parallel_loop3A_197, %parallel_loop3A_200 : vector<16xi32>
      %parallel_loop3A_202 = vector.broadcast %add3A_11 : i32 to vector<16xi32>
      %parallel_loop3A_203 = arith.cmpi ult, %parallel_loop3A_201, %parallel_loop3A_202 : vector<16xi32>
      %parallel_loop3A_204 = arith.constant 0 : i32
      %parallel_loop3A_205 = vector.broadcast %parallel_loop3A_204 : i32 to vector<16xi32>
      %parallel_loop3A_206 = arith.maxsi %parallel_loop3A_201, %parallel_loop3A_205 : vector<16xi32>
      %parallel_loop3A_207 = arith.constant 279 : i32
      %parallel_loop3A_208 = vector.broadcast %parallel_loop3A_207 : i32 to vector<16xi32>
      %parallel_loop3A_209 = arith.minsi %parallel_loop3A_206, %parallel_loop3A_208 : vector<16xi32>
      %parallel_loop3A_210 = arith.constant 3 : i32
      %parallel_loop3A_211 = vector.broadcast %parallel_loop3A_210 : i32 to vector<16xi32>
      %parallel_loop3A_212 = arith.shrsi %parallel_loop3A_209, %parallel_loop3A_211 : vector<16xi32>
      %parallel_loop3A_213 = arith.constant 7 : i32
      %parallel_loop3A_214 = vector.broadcast %parallel_loop3A_213 : i32 to vector<16xi32>
      %parallel_loop3A_215 = arith.andi %parallel_loop3A_209, %parallel_loop3A_214 : vector<16xi32>
      tpu.vector_store_idx %arg5[%parallel_loop3A_212, %parallel_loop3A_215, %parallel_loop3A_47], %broadcast_in_dim3A_23 masked %parallel_loop3A_203 {add = true} : memref<35x8x128xf32, #tpu.memory_space<vmem>>[vector<16xi32>, vector<16xi32>, vector<16xi32>], vector<16xf32>, vector<16xi1>
      %parallel_loop3A_216 = arith.constant 16 : i32
      %parallel_loop3A_217 = arith.muli %parallel_loop3A_43, %parallel_loop3A_216 : i32
      %parallel_loop3A_218 = arith.constant 0 : i32
      %parallel_loop3A_219 = arith.constant 0 : i32
      %parallel_loop3A_220 = arith.constant 6 : i32
      %parallel_loop3A_221 = arith.index_cast %parallel_loop3A_218 : i32 to index
      %parallel_loop3A_222 = arith.index_cast %parallel_loop3A_219 : i32 to index
      %parallel_loop3A_223 = arith.index_cast %parallel_loop3A_220 : i32 to index
      %parallel_loop3A_224 = arith.index_cast %parallel_loop3A_217 : i32 to index
      %parallel_loop3A_225 = tpu.vector_load %arg4[%parallel_loop3A_221, %parallel_loop3A_222, %parallel_loop3A_223, %parallel_loop3A_224] {strides = array<i32>} : memref<7x1x8x128xi32, #tpu.memory_space<vmem>>, vector<16xi32>,
      %parallel_loop3A_226 = arith.constant 1 : i32
      %parallel_loop3A_227 = arith.addi %mul3A_13, %parallel_loop3A_226 : i32
      %parallel_loop3A_228 = vector.broadcast %parallel_loop3A_227 : i32 to vector<16xi32>
      %parallel_loop3A_229 = arith.subi %parallel_loop3A_225, %parallel_loop3A_228 : vector<16xi32>
      %parallel_loop3A_230 = vector.broadcast %add3A_11 : i32 to vector<16xi32>
      %parallel_loop3A_231 = arith.cmpi ult, %parallel_loop3A_229, %parallel_loop3A_230 : vector<16xi32>
      %parallel_loop3A_232 = arith.constant 0 : i32
      %parallel_loop3A_233 = vector.broadcast %parallel_loop3A_232 : i32 to vector<16xi32>
      %parallel_loop3A_234 = arith.maxsi %parallel_loop3A_229, %parallel_loop3A_233 : vector<16xi32>
      %parallel_loop3A_235 = arith.constant 279 : i32
      %parallel_loop3A_236 = vector.broadcast %parallel_loop3A_235 : i32 to vector<16xi32>
      %parallel_loop3A_237 = arith.minsi %parallel_loop3A_234, %parallel_loop3A_236 : vector<16xi32>
      %parallel_loop3A_238 = arith.constant 3 : i32
      %parallel_loop3A_239 = vector.broadcast %parallel_loop3A_238 : i32 to vector<16xi32>
      %parallel_loop3A_240 = arith.shrsi %parallel_loop3A_237, %parallel_loop3A_239 : vector<16xi32>
      %parallel_loop3A_241 = arith.constant 7 : i32
      %parallel_loop3A_242 = vector.broadcast %parallel_loop3A_241 : i32 to vector<16xi32>
      %parallel_loop3A_243 = arith.andi %parallel_loop3A_237, %parallel_loop3A_242 : vector<16xi32>
      tpu.vector_store_idx %arg5[%parallel_loop3A_240, %parallel_loop3A_243, %parallel_loop3A_47], %broadcast_in_dim3A_23 masked %parallel_loop3A_231 {add = true} : memref<35x8x128xf32, #tpu.memory_space<vmem>>[vector<16xi32>, vector<16xi32>, vector<16xi32>], vector<16xf32>, vector<16xi1>
      %parallel_loop3A_244 = arith.constant 16 : i32
      %parallel_loop3A_245 = arith.muli %parallel_loop3A_43, %parallel_loop3A_244 : i32
      %parallel_loop3A_246 = arith.constant 0 : i32
      %parallel_loop3A_247 = arith.constant 0 : i32
      %parallel_loop3A_248 = arith.constant 7 : i32
      %parallel_loop3A_249 = arith.index_cast %parallel_loop3A_246 : i32 to index
      %parallel_loop3A_250 = arith.index_cast %parallel_loop3A_247 : i32 to index
      %parallel_loop3A_251 = arith.index_cast %parallel_loop3A_248 : i32 to index
      %parallel_loop3A_252 = arith.index_cast %parallel_loop3A_245 : i32 to index
      %parallel_loop3A_253 = tpu.vector_load %arg4[%parallel_loop3A_249, %parallel_loop3A_250, %parallel_loop3A_251, %parallel_loop3A_252] {strides = array<i32>} : memref<7x1x8x128xi32, #tpu.memory_space<vmem>>, vector<16xi32>,
      %parallel_loop3A_254 = arith.constant 1 : i32
      %parallel_loop3A_255 = arith.addi %mul3A_13, %parallel_loop3A_254 : i32
      %parallel_loop3A_256 = vector.broadcast %parallel_loop3A_255 : i32 to vector<16xi32>
      %parallel_loop3A_257 = arith.subi %parallel_loop3A_253, %parallel_loop3A_256 : vector<16xi32>
      %parallel_loop3A_258 = vector.broadcast %add3A_11 : i32 to vector<16xi32>
      %parallel_loop3A_259 = arith.cmpi ult, %parallel_loop3A_257, %parallel_loop3A_258 : vector<16xi32>
      %parallel_loop3A_260 = arith.constant 0 : i32
      %parallel_loop3A_261 = vector.broadcast %parallel_loop3A_260 : i32 to vector<16xi32>
      %parallel_loop3A_262 = arith.maxsi %parallel_loop3A_257, %parallel_loop3A_261 : vector<16xi32>
      %parallel_loop3A_263 = arith.constant 279 : i32
      %parallel_loop3A_264 = vector.broadcast %parallel_loop3A_263 : i32 to vector<16xi32>
      %parallel_loop3A_265 = arith.minsi %parallel_loop3A_262, %parallel_loop3A_264 : vector<16xi32>
      %parallel_loop3A_266 = arith.constant 3 : i32
      %parallel_loop3A_267 = vector.broadcast %parallel_loop3A_266 : i32 to vector<16xi32>
      %parallel_loop3A_268 = arith.shrsi %parallel_loop3A_265, %parallel_loop3A_267 : vector<16xi32>
      %parallel_loop3A_269 = arith.constant 7 : i32
      %parallel_loop3A_270 = vector.broadcast %parallel_loop3A_269 : i32 to vector<16xi32>
      %parallel_loop3A_271 = arith.andi %parallel_loop3A_265, %parallel_loop3A_270 : vector<16xi32>
      tpu.vector_store_idx %arg5[%parallel_loop3A_268, %parallel_loop3A_271, %parallel_loop3A_47], %broadcast_in_dim3A_23 masked %parallel_loop3A_259 {add = true} : memref<35x8x128xf32, #tpu.memory_space<vmem>>[vector<16xi32>, vector<16xi32>, vector<16xi32>], vector<16xf32>, vector<16xi1>
      %parallel_loop3A_272 = arith.constant 16 : i32
      %parallel_loop3A_273 = arith.muli %parallel_loop3A_43, %parallel_loop3A_272 : i32
      %parallel_loop3A_274 = arith.constant 1 : i32
      %parallel_loop3A_275 = arith.constant 0 : i32
      %parallel_loop3A_276 = arith.constant 0 : i32
      %parallel_loop3A_277 = arith.index_cast %parallel_loop3A_274 : i32 to index
      %parallel_loop3A_278 = arith.index_cast %parallel_loop3A_275 : i32 to index
      %parallel_loop3A_279 = arith.index_cast %parallel_loop3A_276 : i32 to index
      %parallel_loop3A_280 = arith.index_cast %parallel_loop3A_273 : i32 to index
      %parallel_loop3A_281 = tpu.vector_load %arg4[%parallel_loop3A_277, %parallel_loop3A_278, %parallel_loop3A_279, %parallel_loop3A_280] {strides = array<i32>} : memref<7x1x8x128xi32, #tpu.memory_space<vmem>>, vector<16xi32>,
      %parallel_loop3A_282 = arith.constant 1 : i32
      %parallel_loop3A_283 = arith.addi %mul3A_13, %parallel_loop3A_282 : i32
      %parallel_loop3A_284 = vector.broadcast %parallel_loop3A_283 : i32 to vector<16xi32>
      %parallel_loop3A_285 = arith.subi %parallel_loop3A_281, %parallel_loop3A_284 : vector<16xi32>
      %parallel_loop3A_286 = vector.broadcast %add3A_11 : i32 to vector<16xi32>
      %parallel_loop3A_287 = arith.cmpi ult, %parallel_loop3A_285, %parallel_loop3A_286 : vector<16xi32>
      %parallel_loop3A_288 = arith.constant 0 : i32
      %parallel_loop3A_289 = vector.broadcast %parallel_loop3A_288 : i32 to vector<16xi32>
      %parallel_loop3A_290 = arith.maxsi %parallel_loop3A_285, %parallel_loop3A_289 : vector<16xi32>
      %parallel_loop3A_291 = arith.constant 279 : i32
      %parallel_loop3A_292 = vector.broadcast %parallel_loop3A_291 : i32 to vector<16xi32>
      %parallel_loop3A_293 = arith.minsi %parallel_loop3A_290, %parallel_loop3A_292 : vector<16xi32>
      %parallel_loop3A_294 = arith.constant 3 : i32
      %parallel_loop3A_295 = vector.broadcast %parallel_loop3A_294 : i32 to vector<16xi32>
      %parallel_loop3A_296 = arith.shrsi %parallel_loop3A_293, %parallel_loop3A_295 : vector<16xi32>
      %parallel_loop3A_297 = arith.constant 7 : i32
      %parallel_loop3A_298 = vector.broadcast %parallel_loop3A_297 : i32 to vector<16xi32>
      %parallel_loop3A_299 = arith.andi %parallel_loop3A_293, %parallel_loop3A_298 : vector<16xi32>
      tpu.vector_store_idx %arg5[%parallel_loop3A_296, %parallel_loop3A_299, %parallel_loop3A_47], %broadcast_in_dim3A_23 masked %parallel_loop3A_287 {add = true} : memref<35x8x128xf32, #tpu.memory_space<vmem>>[vector<16xi32>, vector<16xi32>, vector<16xi32>], vector<16xf32>, vector<16xi1>
      %parallel_loop3A_300 = arith.constant 16 : i32
      %parallel_loop3A_301 = arith.muli %parallel_loop3A_43, %parallel_loop3A_300 : i32
      %parallel_loop3A_302 = arith.constant 1 : i32
      %parallel_loop3A_303 = arith.constant 0 : i32
      %parallel_loop3A_304 = arith.constant 1 : i32
      %parallel_loop3A_305 = arith.index_cast %parallel_loop3A_302 : i32 to index
      %parallel_loop3A_306 = arith.index_cast %parallel_loop3A_303 : i32 to index
      %parallel_loop3A_307 = arith.index_cast %parallel_loop3A_304 : i32 to index
      %parallel_loop3A_308 = arith.index_cast %parallel_loop3A_301 : i32 to index
      %parallel_loop3A_309 = tpu.vector_load %arg4[%parallel_loop3A_305, %parallel_loop3A_306, %parallel_loop3A_307, %parallel_loop3A_308] {strides = array<i32>} : memref<7x1x8x128xi32, #tpu.memory_space<vmem>>, vector<16xi32>,
      %parallel_loop3A_310 = arith.constant 1 : i32
      %parallel_loop3A_311 = arith.addi %mul3A_13, %parallel_loop3A_310 : i32
      %parallel_loop3A_312 = vector.broadcast %parallel_loop3A_311 : i32 to vector<16xi32>
      %parallel_loop3A_313 = arith.subi %parallel_loop3A_309, %parallel_loop3A_312 : vector<16xi32>
      %parallel_loop3A_314 = vector.broadcast %add3A_11 : i32 to vector<16xi32>
      %parallel_loop3A_315 = arith.cmpi ult, %parallel_loop3A_313, %parallel_loop3A_314 : vector<16xi32>
      %parallel_loop3A_316 = arith.constant 0 : i32
      %parallel_loop3A_317 = vector.broadcast %parallel_loop3A_316 : i32 to vector<16xi32>
      %parallel_loop3A_318 = arith.maxsi %parallel_loop3A_313, %parallel_loop3A_317 : vector<16xi32>
      %parallel_loop3A_319 = arith.constant 279 : i32
      %parallel_loop3A_320 = vector.broadcast %parallel_loop3A_319 : i32 to vector<16xi32>
      %parallel_loop3A_321 = arith.minsi %parallel_loop3A_318, %parallel_loop3A_320 : vector<16xi32>
      %parallel_loop3A_322 = arith.constant 3 : i32
      %parallel_loop3A_323 = vector.broadcast %parallel_loop3A_322 : i32 to vector<16xi32>
      %parallel_loop3A_324 = arith.shrsi %parallel_loop3A_321, %parallel_loop3A_323 : vector<16xi32>
      %parallel_loop3A_325 = arith.constant 7 : i32
      %parallel_loop3A_326 = vector.broadcast %parallel_loop3A_325 : i32 to vector<16xi32>
      %parallel_loop3A_327 = arith.andi %parallel_loop3A_321, %parallel_loop3A_326 : vector<16xi32>
      tpu.vector_store_idx %arg5[%parallel_loop3A_324, %parallel_loop3A_327, %parallel_loop3A_47], %broadcast_in_dim3A_23 masked %parallel_loop3A_315 {add = true} : memref<35x8x128xf32, #tpu.memory_space<vmem>>[vector<16xi32>, vector<16xi32>, vector<16xi32>], vector<16xf32>, vector<16xi1>
      %parallel_loop3A_328 = arith.constant 16 : i32
      %parallel_loop3A_329 = arith.muli %parallel_loop3A_43, %parallel_loop3A_328 : i32
      %parallel_loop3A_330 = arith.constant 1 : i32
      %parallel_loop3A_331 = arith.constant 0 : i32
      %parallel_loop3A_332 = arith.constant 2 : i32
      %parallel_loop3A_333 = arith.index_cast %parallel_loop3A_330 : i32 to index
      %parallel_loop3A_334 = arith.index_cast %parallel_loop3A_331 : i32 to index
      %parallel_loop3A_335 = arith.index_cast %parallel_loop3A_332 : i32 to index
      %parallel_loop3A_336 = arith.index_cast %parallel_loop3A_329 : i32 to index
      %parallel_loop3A_337 = tpu.vector_load %arg4[%parallel_loop3A_333, %parallel_loop3A_334, %parallel_loop3A_335, %parallel_loop3A_336] {strides = array<i32>} : memref<7x1x8x128xi32, #tpu.memory_space<vmem>>, vector<16xi32>,
      %parallel_loop3A_338 = arith.constant 1 : i32
      %parallel_loop3A_339 = arith.addi %mul3A_13, %parallel_loop3A_338 : i32
      %parallel_loop3A_340 = vector.broadcast %parallel_loop3A_339 : i32 to vector<16xi32>
      %parallel_loop3A_341 = arith.subi %parallel_loop3A_337, %parallel_loop3A_340 : vector<16xi32>
      %parallel_loop3A_342 = vector.broadcast %add3A_11 : i32 to vector<16xi32>
      %parallel_loop3A_343 = arith.cmpi ult, %parallel_loop3A_341, %parallel_loop3A_342 : vector<16xi32>
      %parallel_loop3A_344 = arith.constant 0 : i32
      %parallel_loop3A_345 = vector.broadcast %parallel_loop3A_344 : i32 to vector<16xi32>
      %parallel_loop3A_346 = arith.maxsi %parallel_loop3A_341, %parallel_loop3A_345 : vector<16xi32>
      %parallel_loop3A_347 = arith.constant 279 : i32
      %parallel_loop3A_348 = vector.broadcast %parallel_loop3A_347 : i32 to vector<16xi32>
      %parallel_loop3A_349 = arith.minsi %parallel_loop3A_346, %parallel_loop3A_348 : vector<16xi32>
      %parallel_loop3A_350 = arith.constant 3 : i32
      %parallel_loop3A_351 = vector.broadcast %parallel_loop3A_350 : i32 to vector<16xi32>
      %parallel_loop3A_352 = arith.shrsi %parallel_loop3A_349, %parallel_loop3A_351 : vector<16xi32>
      %parallel_loop3A_353 = arith.constant 7 : i32
      %parallel_loop3A_354 = vector.broadcast %parallel_loop3A_353 : i32 to vector<16xi32>
      %parallel_loop3A_355 = arith.andi %parallel_loop3A_349, %parallel_loop3A_354 : vector<16xi32>
      tpu.vector_store_idx %arg5[%parallel_loop3A_352, %parallel_loop3A_355, %parallel_loop3A_47], %broadcast_in_dim3A_23 masked %parallel_loop3A_343 {add = true} : memref<35x8x128xf32, #tpu.memory_space<vmem>>[vector<16xi32>, vector<16xi32>, vector<16xi32>], vector<16xf32>, vector<16xi1>
      %parallel_loop3A_356 = arith.constant 16 : i32
      %parallel_loop3A_357 = arith.muli %parallel_loop3A_43, %parallel_loop3A_356 : i32
      %parallel_loop3A_358 = arith.constant 1 : i32
      %parallel_loop3A_359 = arith.constant 0 : i32
      %parallel_loop3A_360 = arith.constant 3 : i32
      %parallel_loop3A_361 = arith.index_cast %parallel_loop3A_358 : i32 to index
      %parallel_loop3A_362 = arith.index_cast %parallel_loop3A_359 : i32 to index
      %parallel_loop3A_363 = arith.index_cast %parallel_loop3A_360 : i32 to index
      %parallel_loop3A_364 = arith.index_cast %parallel_loop3A_357 : i32 to index
      %parallel_loop3A_365 = tpu.vector_load %arg4[%parallel_loop3A_361, %parallel_loop3A_362, %parallel_loop3A_363, %parallel_loop3A_364] {strides = array<i32>} : memref<7x1x8x128xi32, #tpu.memory_space<vmem>>, vector<16xi32>,
      %parallel_loop3A_366 = arith.constant 1 : i32
      %parallel_loop3A_367 = arith.addi %mul3A_13, %parallel_loop3A_366 : i32
      %parallel_loop3A_368 = vector.broadcast %parallel_loop3A_367 : i32 to vector<16xi32>
      %parallel_loop3A_369 = arith.subi %parallel_loop3A_365, %parallel_loop3A_368 : vector<16xi32>
      %parallel_loop3A_370 = vector.broadcast %add3A_11 : i32 to vector<16xi32>
      %parallel_loop3A_371 = arith.cmpi ult, %parallel_loop3A_369, %parallel_loop3A_370 : vector<16xi32>
      %parallel_loop3A_372 = arith.constant 0 : i32
      %parallel_loop3A_373 = vector.broadcast %parallel_loop3A_372 : i32 to vector<16xi32>
      %parallel_loop3A_374 = arith.maxsi %parallel_loop3A_369, %parallel_loop3A_373 : vector<16xi32>
      %parallel_loop3A_375 = arith.constant 279 : i32
      %parallel_loop3A_376 = vector.broadcast %parallel_loop3A_375 : i32 to vector<16xi32>
      %parallel_loop3A_377 = arith.minsi %parallel_loop3A_374, %parallel_loop3A_376 : vector<16xi32>
      %parallel_loop3A_378 = arith.constant 3 : i32
      %parallel_loop3A_379 = vector.broadcast %parallel_loop3A_378 : i32 to vector<16xi32>
      %parallel_loop3A_380 = arith.shrsi %parallel_loop3A_377, %parallel_loop3A_379 : vector<16xi32>
      %parallel_loop3A_381 = arith.constant 7 : i32
      %parallel_loop3A_382 = vector.broadcast %parallel_loop3A_381 : i32 to vector<16xi32>
      %parallel_loop3A_383 = arith.andi %parallel_loop3A_377, %parallel_loop3A_382 : vector<16xi32>
      tpu.vector_store_idx %arg5[%parallel_loop3A_380, %parallel_loop3A_383, %parallel_loop3A_47], %broadcast_in_dim3A_23 masked %parallel_loop3A_371 {add = true} : memref<35x8x128xf32, #tpu.memory_space<vmem>>[vector<16xi32>, vector<16xi32>, vector<16xi32>], vector<16xf32>, vector<16xi1>
      %parallel_loop3A_384 = arith.constant 16 : i32
      %parallel_loop3A_385 = arith.muli %parallel_loop3A_43, %parallel_loop3A_384 : i32
      %parallel_loop3A_386 = arith.constant 1 : i32
      %parallel_loop3A_387 = arith.constant 0 : i32
      %parallel_loop3A_388 = arith.constant 4 : i32
      %parallel_loop3A_389 = arith.index_cast %parallel_loop3A_386 : i32 to index
      %parallel_loop3A_390 = arith.index_cast %parallel_loop3A_387 : i32 to index
      %parallel_loop3A_391 = arith.index_cast %parallel_loop3A_388 : i32 to index
      %parallel_loop3A_392 = arith.index_cast %parallel_loop3A_385 : i32 to index
      %parallel_loop3A_393 = tpu.vector_load %arg4[%parallel_loop3A_389, %parallel_loop3A_390, %parallel_loop3A_391, %parallel_loop3A_392] {strides = array<i32>} : memref<7x1x8x128xi32, #tpu.memory_space<vmem>>, vector<16xi32>,
      %parallel_loop3A_394 = arith.constant 1 : i32
      %parallel_loop3A_395 = arith.addi %mul3A_13, %parallel_loop3A_394 : i32
      %parallel_loop3A_396 = vector.broadcast %parallel_loop3A_395 : i32 to vector<16xi32>
      %parallel_loop3A_397 = arith.subi %parallel_loop3A_393, %parallel_loop3A_396 : vector<16xi32>
      %parallel_loop3A_398 = vector.broadcast %add3A_11 : i32 to vector<16xi32>
      %parallel_loop3A_399 = arith.cmpi ult, %parallel_loop3A_397, %parallel_loop3A_398 : vector<16xi32>
      %parallel_loop3A_400 = arith.constant 0 : i32
      %parallel_loop3A_401 = vector.broadcast %parallel_loop3A_400 : i32 to vector<16xi32>
      %parallel_loop3A_402 = arith.maxsi %parallel_loop3A_397, %parallel_loop3A_401 : vector<16xi32>
      %parallel_loop3A_403 = arith.constant 279 : i32
      %parallel_loop3A_404 = vector.broadcast %parallel_loop3A_403 : i32 to vector<16xi32>
      %parallel_loop3A_405 = arith.minsi %parallel_loop3A_402, %parallel_loop3A_404 : vector<16xi32>
      %parallel_loop3A_406 = arith.constant 3 : i32
      %parallel_loop3A_407 = vector.broadcast %parallel_loop3A_406 : i32 to vector<16xi32>
      %parallel_loop3A_408 = arith.shrsi %parallel_loop3A_405, %parallel_loop3A_407 : vector<16xi32>
      %parallel_loop3A_409 = arith.constant 7 : i32
      %parallel_loop3A_410 = vector.broadcast %parallel_loop3A_409 : i32 to vector<16xi32>
      %parallel_loop3A_411 = arith.andi %parallel_loop3A_405, %parallel_loop3A_410 : vector<16xi32>
      tpu.vector_store_idx %arg5[%parallel_loop3A_408, %parallel_loop3A_411, %parallel_loop3A_47], %broadcast_in_dim3A_23 masked %parallel_loop3A_399 {add = true} : memref<35x8x128xf32, #tpu.memory_space<vmem>>[vector<16xi32>, vector<16xi32>, vector<16xi32>], vector<16xf32>, vector<16xi1>
      %parallel_loop3A_412 = arith.constant 16 : i32
      %parallel_loop3A_413 = arith.muli %parallel_loop3A_43, %parallel_loop3A_412 : i32
      %parallel_loop3A_414 = arith.constant 1 : i32
      %parallel_loop3A_415 = arith.constant 0 : i32
      %parallel_loop3A_416 = arith.constant 5 : i32
      %parallel_loop3A_417 = arith.index_cast %parallel_loop3A_414 : i32 to index
      %parallel_loop3A_418 = arith.index_cast %parallel_loop3A_415 : i32 to index
      %parallel_loop3A_419 = arith.index_cast %parallel_loop3A_416 : i32 to index
      %parallel_loop3A_420 = arith.index_cast %parallel_loop3A_413 : i32 to index
      %parallel_loop3A_421 = tpu.vector_load %arg4[%parallel_loop3A_417, %parallel_loop3A_418, %parallel_loop3A_419, %parallel_loop3A_420] {strides = array<i32>} : memref<7x1x8x128xi32, #tpu.memory_space<vmem>>, vector<16xi32>,
      %parallel_loop3A_422 = arith.constant 1 : i32
      %parallel_loop3A_423 = arith.addi %mul3A_13, %parallel_loop3A_422 : i32
      %parallel_loop3A_424 = vector.broadcast %parallel_loop3A_423 : i32 to vector<16xi32>
      %parallel_loop3A_425 = arith.subi %parallel_loop3A_421, %parallel_loop3A_424 : vector<16xi32>
      %parallel_loop3A_426 = vector.broadcast %add3A_11 : i32 to vector<16xi32>
      %parallel_loop3A_427 = arith.cmpi ult, %parallel_loop3A_425, %parallel_loop3A_426 : vector<16xi32>
      %parallel_loop3A_428 = arith.constant 0 : i32
      %parallel_loop3A_429 = vector.broadcast %parallel_loop3A_428 : i32 to vector<16xi32>
      %parallel_loop3A_430 = arith.maxsi %parallel_loop3A_425, %parallel_loop3A_429 : vector<16xi32>
      %parallel_loop3A_431 = arith.constant 279 : i32
      %parallel_loop3A_432 = vector.broadcast %parallel_loop3A_431 : i32 to vector<16xi32>
      %parallel_loop3A_433 = arith.minsi %parallel_loop3A_430, %parallel_loop3A_432 : vector<16xi32>
      %parallel_loop3A_434 = arith.constant 3 : i32
      %parallel_loop3A_435 = vector.broadcast %parallel_loop3A_434 : i32 to vector<16xi32>
      %parallel_loop3A_436 = arith.shrsi %parallel_loop3A_433, %parallel_loop3A_435 : vector<16xi32>
      %parallel_loop3A_437 = arith.constant 7 : i32
      %parallel_loop3A_438 = vector.broadcast %parallel_loop3A_437 : i32 to vector<16xi32>
      %parallel_loop3A_439 = arith.andi %parallel_loop3A_433, %parallel_loop3A_438 : vector<16xi32>
      tpu.vector_store_idx %arg5[%parallel_loop3A_436, %parallel_loop3A_439, %parallel_loop3A_47], %broadcast_in_dim3A_23 masked %parallel_loop3A_427 {add = true} : memref<35x8x128xf32, #tpu.memory_space<vmem>>[vector<16xi32>, vector<16xi32>, vector<16xi32>], vector<16xf32>, vector<16xi1>
      %parallel_loop3A_440 = arith.constant 16 : i32
      %parallel_loop3A_441 = arith.muli %parallel_loop3A_43, %parallel_loop3A_440 : i32
      %parallel_loop3A_442 = arith.constant 1 : i32
      %parallel_loop3A_443 = arith.constant 0 : i32
      %parallel_loop3A_444 = arith.constant 6 : i32
      %parallel_loop3A_445 = arith.index_cast %parallel_loop3A_442 : i32 to index
      %parallel_loop3A_446 = arith.index_cast %parallel_loop3A_443 : i32 to index
      %parallel_loop3A_447 = arith.index_cast %parallel_loop3A_444 : i32 to index
      %parallel_loop3A_448 = arith.index_cast %parallel_loop3A_441 : i32 to index
      %parallel_loop3A_449 = tpu.vector_load %arg4[%parallel_loop3A_445, %parallel_loop3A_446, %parallel_loop3A_447, %parallel_loop3A_448] {strides = array<i32>} : memref<7x1x8x128xi32, #tpu.memory_space<vmem>>, vector<16xi32>,
      %parallel_loop3A_450 = arith.constant 1 : i32
      %parallel_loop3A_451 = arith.addi %mul3A_13, %parallel_loop3A_450 : i32
      %parallel_loop3A_452 = vector.broadcast %parallel_loop3A_451 : i32 to vector<16xi32>
      %parallel_loop3A_453 = arith.subi %parallel_loop3A_449, %parallel_loop3A_452 : vector<16xi32>
      %parallel_loop3A_454 = vector.broadcast %add3A_11 : i32 to vector<16xi32>
      %parallel_loop3A_455 = arith.cmpi ult, %parallel_loop3A_453, %parallel_loop3A_454 : vector<16xi32>
      %parallel_loop3A_456 = arith.constant 0 : i32
      %parallel_loop3A_457 = vector.broadcast %parallel_loop3A_456 : i32 to vector<16xi32>
      %parallel_loop3A_458 = arith.maxsi %parallel_loop3A_453, %parallel_loop3A_457 : vector<16xi32>
      %parallel_loop3A_459 = arith.constant 279 : i32
      %parallel_loop3A_460 = vector.broadcast %parallel_loop3A_459 : i32 to vector<16xi32>
      %parallel_loop3A_461 = arith.minsi %parallel_loop3A_458, %parallel_loop3A_460 : vector<16xi32>
      %parallel_loop3A_462 = arith.constant 3 : i32
      %parallel_loop3A_463 = vector.broadcast %parallel_loop3A_462 : i32 to vector<16xi32>
      %parallel_loop3A_464 = arith.shrsi %parallel_loop3A_461, %parallel_loop3A_463 : vector<16xi32>
      %parallel_loop3A_465 = arith.constant 7 : i32
      %parallel_loop3A_466 = vector.broadcast %parallel_loop3A_465 : i32 to vector<16xi32>
      %parallel_loop3A_467 = arith.andi %parallel_loop3A_461, %parallel_loop3A_466 : vector<16xi32>
      tpu.vector_store_idx %arg5[%parallel_loop3A_464, %parallel_loop3A_467, %parallel_loop3A_47], %broadcast_in_dim3A_23 masked %parallel_loop3A_455 {add = true} : memref<35x8x128xf32, #tpu.memory_space<vmem>>[vector<16xi32>, vector<16xi32>, vector<16xi32>], vector<16xf32>, vector<16xi1>
      %parallel_loop3A_468 = arith.constant 16 : i32
      %parallel_loop3A_469 = arith.muli %parallel_loop3A_43, %parallel_loop3A_468 : i32
      %parallel_loop3A_470 = arith.constant 1 : i32
      %parallel_loop3A_471 = arith.constant 0 : i32
      %parallel_loop3A_472 = arith.constant 7 : i32
      %parallel_loop3A_473 = arith.index_cast %parallel_loop3A_470 : i32 to index
      %parallel_loop3A_474 = arith.index_cast %parallel_loop3A_471 : i32 to index
      %parallel_loop3A_475 = arith.index_cast %parallel_loop3A_472 : i32 to index
      %parallel_loop3A_476 = arith.index_cast %parallel_loop3A_469 : i32 to index
      %parallel_loop3A_477 = tpu.vector_load %arg4[%parallel_loop3A_473, %parallel_loop3A_474, %parallel_loop3A_475, %parallel_loop3A_476] {strides = array<i32>} : memref<7x1x8x128xi32, #tpu.memory_space<vmem>>, vector<16xi32>,
      %parallel_loop3A_478 = arith.constant 1 : i32
      %parallel_loop3A_479 = arith.addi %mul3A_13, %parallel_loop3A_478 : i32
      %parallel_loop3A_480 = vector.broadcast %parallel_loop3A_479 : i32 to vector<16xi32>
      %parallel_loop3A_481 = arith.subi %parallel_loop3A_477, %parallel_loop3A_480 : vector<16xi32>
      %parallel_loop3A_482 = vector.broadcast %add3A_11 : i32 to vector<16xi32>
      %parallel_loop3A_483 = arith.cmpi ult, %parallel_loop3A_481, %parallel_loop3A_482 : vector<16xi32>
      %parallel_loop3A_484 = arith.constant 0 : i32
      %parallel_loop3A_485 = vector.broadcast %parallel_loop3A_484 : i32 to vector<16xi32>
      %parallel_loop3A_486 = arith.maxsi %parallel_loop3A_481, %parallel_loop3A_485 : vector<16xi32>
      %parallel_loop3A_487 = arith.constant 279 : i32
      %parallel_loop3A_488 = vector.broadcast %parallel_loop3A_487 : i32 to vector<16xi32>
      %parallel_loop3A_489 = arith.minsi %parallel_loop3A_486, %parallel_loop3A_488 : vector<16xi32>
      %parallel_loop3A_490 = arith.constant 3 : i32
      %parallel_loop3A_491 = vector.broadcast %parallel_loop3A_490 : i32 to vector<16xi32>
      %parallel_loop3A_492 = arith.shrsi %parallel_loop3A_489, %parallel_loop3A_491 : vector<16xi32>
      %parallel_loop3A_493 = arith.constant 7 : i32
      %parallel_loop3A_494 = vector.broadcast %parallel_loop3A_493 : i32 to vector<16xi32>
      %parallel_loop3A_495 = arith.andi %parallel_loop3A_489, %parallel_loop3A_494 : vector<16xi32>
      tpu.vector_store_idx %arg5[%parallel_loop3A_492, %parallel_loop3A_495, %parallel_loop3A_47], %broadcast_in_dim3A_23 masked %parallel_loop3A_483 {add = true} : memref<35x8x128xf32, #tpu.memory_space<vmem>>[vector<16xi32>, vector<16xi32>, vector<16xi32>], vector<16xf32>, vector<16xi1>
      %parallel_loop3A_496 = arith.constant 16 : i32
      %parallel_loop3A_497 = arith.muli %parallel_loop3A_43, %parallel_loop3A_496 : i32
      %parallel_loop3A_498 = arith.constant 2 : i32
      %parallel_loop3A_499 = arith.constant 0 : i32
      %parallel_loop3A_500 = arith.constant 0 : i32
      %parallel_loop3A_501 = arith.index_cast %parallel_loop3A_498 : i32 to index
      %parallel_loop3A_502 = arith.index_cast %parallel_loop3A_499 : i32 to index
      %parallel_loop3A_503 = arith.index_cast %parallel_loop3A_500 : i32 to index
      %parallel_loop3A_504 = arith.index_cast %parallel_loop3A_497 : i32 to index
      %parallel_loop3A_505 = tpu.vector_load %arg4[%parallel_loop3A_501, %parallel_loop3A_502, %parallel_loop3A_503, %parallel_loop3A_504] {strides = array<i32>} : memref<7x1x8x128xi32, #tpu.memory_space<vmem>>, vector<16xi32>,
      %parallel_loop3A_506 = arith.constant 1 : i32
      %parallel_loop3A_507 = arith.addi %mul3A_13, %parallel_loop3A_506 : i32
      %parallel_loop3A_508 = vector.broadcast %parallel_loop3A_507 : i32 to vector<16xi32>
      %parallel_loop3A_509 = arith.subi %parallel_loop3A_505, %parallel_loop3A_508 : vector<16xi32>
      %parallel_loop3A_510 = vector.broadcast %add3A_11 : i32 to vector<16xi32>
      %parallel_loop3A_511 = arith.cmpi ult, %parallel_loop3A_509, %parallel_loop3A_510 : vector<16xi32>
      %parallel_loop3A_512 = arith.constant 0 : i32
      %parallel_loop3A_513 = vector.broadcast %parallel_loop3A_512 : i32 to vector<16xi32>
      %parallel_loop3A_514 = arith.maxsi %parallel_loop3A_509, %parallel_loop3A_513 : vector<16xi32>
      %parallel_loop3A_515 = arith.constant 279 : i32
      %parallel_loop3A_516 = vector.broadcast %parallel_loop3A_515 : i32 to vector<16xi32>
      %parallel_loop3A_517 = arith.minsi %parallel_loop3A_514, %parallel_loop3A_516 : vector<16xi32>
      %parallel_loop3A_518 = arith.constant 3 : i32
      %parallel_loop3A_519 = vector.broadcast %parallel_loop3A_518 : i32 to vector<16xi32>
      %parallel_loop3A_520 = arith.shrsi %parallel_loop3A_517, %parallel_loop3A_519 : vector<16xi32>
      %parallel_loop3A_521 = arith.constant 7 : i32
      %parallel_loop3A_522 = vector.broadcast %parallel_loop3A_521 : i32 to vector<16xi32>
      %parallel_loop3A_523 = arith.andi %parallel_loop3A_517, %parallel_loop3A_522 : vector<16xi32>
      tpu.vector_store_idx %arg5[%parallel_loop3A_520, %parallel_loop3A_523, %parallel_loop3A_47], %broadcast_in_dim3A_23 masked %parallel_loop3A_511 {add = true} : memref<35x8x128xf32, #tpu.memory_space<vmem>>[vector<16xi32>, vector<16xi32>, vector<16xi32>], vector<16xf32>, vector<16xi1>
      %parallel_loop3A_524 = arith.constant 16 : i32
      %parallel_loop3A_525 = arith.muli %parallel_loop3A_43, %parallel_loop3A_524 : i32
      %parallel_loop3A_526 = arith.constant 2 : i32
      %parallel_loop3A_527 = arith.constant 0 : i32
      %parallel_loop3A_528 = arith.constant 1 : i32
      %parallel_loop3A_529 = arith.index_cast %parallel_loop3A_526 : i32 to index
      %parallel_loop3A_530 = arith.index_cast %parallel_loop3A_527 : i32 to index
      %parallel_loop3A_531 = arith.index_cast %parallel_loop3A_528 : i32 to index
      %parallel_loop3A_532 = arith.index_cast %parallel_loop3A_525 : i32 to index
      %parallel_loop3A_533 = tpu.vector_load %arg4[%parallel_loop3A_529, %parallel_loop3A_530, %parallel_loop3A_531, %parallel_loop3A_532] {strides = array<i32>} : memref<7x1x8x128xi32, #tpu.memory_space<vmem>>, vector<16xi32>,
      %parallel_loop3A_534 = arith.constant 1 : i32
      %parallel_loop3A_535 = arith.addi %mul3A_13, %parallel_loop3A_534 : i32
      %parallel_loop3A_536 = vector.broadcast %parallel_loop3A_535 : i32 to vector<16xi32>
      %parallel_loop3A_537 = arith.subi %parallel_loop3A_533, %parallel_loop3A_536 : vector<16xi32>
      %parallel_loop3A_538 = vector.broadcast %add3A_11 : i32 to vector<16xi32>
      %parallel_loop3A_539 = arith.cmpi ult, %parallel_loop3A_537, %parallel_loop3A_538 : vector<16xi32>
      %parallel_loop3A_540 = arith.constant 0 : i32
      %parallel_loop3A_541 = vector.broadcast %parallel_loop3A_540 : i32 to vector<16xi32>
      %parallel_loop3A_542 = arith.maxsi %parallel_loop3A_537, %parallel_loop3A_541 : vector<16xi32>
      %parallel_loop3A_543 = arith.constant 279 : i32
      %parallel_loop3A_544 = vector.broadcast %parallel_loop3A_543 : i32 to vector<16xi32>
      %parallel_loop3A_545 = arith.minsi %parallel_loop3A_542, %parallel_loop3A_544 : vector<16xi32>
      %parallel_loop3A_546 = arith.constant 3 : i32
      %parallel_loop3A_547 = vector.broadcast %parallel_loop3A_546 : i32 to vector<16xi32>
      %parallel_loop3A_548 = arith.shrsi %parallel_loop3A_545, %parallel_loop3A_547 : vector<16xi32>
      %parallel_loop3A_549 = arith.constant 7 : i32
      %parallel_loop3A_550 = vector.broadcast %parallel_loop3A_549 : i32 to vector<16xi32>
      %parallel_loop3A_551 = arith.andi %parallel_loop3A_545, %parallel_loop3A_550 : vector<16xi32>
      tpu.vector_store_idx %arg5[%parallel_loop3A_548, %parallel_loop3A_551, %parallel_loop3A_47], %broadcast_in_dim3A_23 masked %parallel_loop3A_539 {add = true} : memref<35x8x128xf32, #tpu.memory_space<vmem>>[vector<16xi32>, vector<16xi32>, vector<16xi32>], vector<16xf32>, vector<16xi1>
      %parallel_loop3A_552 = arith.constant 16 : i32
      %parallel_loop3A_553 = arith.muli %parallel_loop3A_43, %parallel_loop3A_552 : i32
      %parallel_loop3A_554 = arith.constant 2 : i32
      %parallel_loop3A_555 = arith.constant 0 : i32
      %parallel_loop3A_556 = arith.constant 2 : i32
      %parallel_loop3A_557 = arith.index_cast %parallel_loop3A_554 : i32 to index
      %parallel_loop3A_558 = arith.index_cast %parallel_loop3A_555 : i32 to index
      %parallel_loop3A_559 = arith.index_cast %parallel_loop3A_556 : i32 to index
      %parallel_loop3A_560 = arith.index_cast %parallel_loop3A_553 : i32 to index
      %parallel_loop3A_561 = tpu.vector_load %arg4[%parallel_loop3A_557, %parallel_loop3A_558, %parallel_loop3A_559, %parallel_loop3A_560] {strides = array<i32>} : memref<7x1x8x128xi32, #tpu.memory_space<vmem>>, vector<16xi32>,
      %parallel_loop3A_562 = arith.constant 1 : i32
      %parallel_loop3A_563 = arith.addi %mul3A_13, %parallel_loop3A_562 : i32
      %parallel_loop3A_564 = vector.broadcast %parallel_loop3A_563 : i32 to vector<16xi32>
      %parallel_loop3A_565 = arith.subi %parallel_loop3A_561, %parallel_loop3A_564 : vector<16xi32>
      %parallel_loop3A_566 = vector.broadcast %add3A_11 : i32 to vector<16xi32>
      %parallel_loop3A_567 = arith.cmpi ult, %parallel_loop3A_565, %parallel_loop3A_566 : vector<16xi32>
      %parallel_loop3A_568 = arith.constant 0 : i32
      %parallel_loop3A_569 = vector.broadcast %parallel_loop3A_568 : i32 to vector<16xi32>
      %parallel_loop3A_570 = arith.maxsi %parallel_loop3A_565, %parallel_loop3A_569 : vector<16xi32>
      %parallel_loop3A_571 = arith.constant 279 : i32
      %parallel_loop3A_572 = vector.broadcast %parallel_loop3A_571 : i32 to vector<16xi32>
      %parallel_loop3A_573 = arith.minsi %parallel_loop3A_570, %parallel_loop3A_572 : vector<16xi32>
      %parallel_loop3A_574 = arith.constant 3 : i32
      %parallel_loop3A_575 = vector.broadcast %parallel_loop3A_574 : i32 to vector<16xi32>
      %parallel_loop3A_576 = arith.shrsi %parallel_loop3A_573, %parallel_loop3A_575 : vector<16xi32>
      %parallel_loop3A_577 = arith.constant 7 : i32
      %parallel_loop3A_578 = vector.broadcast %parallel_loop3A_577 : i32 to vector<16xi32>
      %parallel_loop3A_579 = arith.andi %parallel_loop3A_573, %parallel_loop3A_578 : vector<16xi32>
      tpu.vector_store_idx %arg5[%parallel_loop3A_576, %parallel_loop3A_579, %parallel_loop3A_47], %broadcast_in_dim3A_23 masked %parallel_loop3A_567 {add = true} : memref<35x8x128xf32, #tpu.memory_space<vmem>>[vector<16xi32>, vector<16xi32>, vector<16xi32>], vector<16xf32>, vector<16xi1>
      %parallel_loop3A_580 = arith.constant 16 : i32
      %parallel_loop3A_581 = arith.muli %parallel_loop3A_43, %parallel_loop3A_580 : i32
      %parallel_loop3A_582 = arith.constant 2 : i32
      %parallel_loop3A_583 = arith.constant 0 : i32
      %parallel_loop3A_584 = arith.constant 3 : i32
      %parallel_loop3A_585 = arith.index_cast %parallel_loop3A_582 : i32 to index
      %parallel_loop3A_586 = arith.index_cast %parallel_loop3A_583 : i32 to index
      %parallel_loop3A_587 = arith.index_cast %parallel_loop3A_584 : i32 to index
      %parallel_loop3A_588 = arith.index_cast %parallel_loop3A_581 : i32 to index
      %parallel_loop3A_589 = tpu.vector_load %arg4[%parallel_loop3A_585, %parallel_loop3A_586, %parallel_loop3A_587, %parallel_loop3A_588] {strides = array<i32>} : memref<7x1x8x128xi32, #tpu.memory_space<vmem>>, vector<16xi32>,
      %parallel_loop3A_590 = arith.constant 1 : i32
      %parallel_loop3A_591 = arith.addi %mul3A_13, %parallel_loop3A_590 : i32
      %parallel_loop3A_592 = vector.broadcast %parallel_loop3A_591 : i32 to vector<16xi32>
      %parallel_loop3A_593 = arith.subi %parallel_loop3A_589, %parallel_loop3A_592 : vector<16xi32>
      %parallel_loop3A_594 = vector.broadcast %add3A_11 : i32 to vector<16xi32>
      %parallel_loop3A_595 = arith.cmpi ult, %parallel_loop3A_593, %parallel_loop3A_594 : vector<16xi32>
      %parallel_loop3A_596 = arith.constant 0 : i32
      %parallel_loop3A_597 = vector.broadcast %parallel_loop3A_596 : i32 to vector<16xi32>
      %parallel_loop3A_598 = arith.maxsi %parallel_loop3A_593, %parallel_loop3A_597 : vector<16xi32>
      %parallel_loop3A_599 = arith.constant 279 : i32
      %parallel_loop3A_600 = vector.broadcast %parallel_loop3A_599 : i32 to vector<16xi32>
      %parallel_loop3A_601 = arith.minsi %parallel_loop3A_598, %parallel_loop3A_600 : vector<16xi32>
      %parallel_loop3A_602 = arith.constant 3 : i32
      %parallel_loop3A_603 = vector.broadcast %parallel_loop3A_602 : i32 to vector<16xi32>
      %parallel_loop3A_604 = arith.shrsi %parallel_loop3A_601, %parallel_loop3A_603 : vector<16xi32>
      %parallel_loop3A_605 = arith.constant 7 : i32
      %parallel_loop3A_606 = vector.broadcast %parallel_loop3A_605 : i32 to vector<16xi32>
      %parallel_loop3A_607 = arith.andi %parallel_loop3A_601, %parallel_loop3A_606 : vector<16xi32>
      tpu.vector_store_idx %arg5[%parallel_loop3A_604, %parallel_loop3A_607, %parallel_loop3A_47], %broadcast_in_dim3A_23 masked %parallel_loop3A_595 {add = true} : memref<35x8x128xf32, #tpu.memory_space<vmem>>[vector<16xi32>, vector<16xi32>, vector<16xi32>], vector<16xf32>, vector<16xi1>
      %parallel_loop3A_608 = arith.constant 16 : i32
      %parallel_loop3A_609 = arith.muli %parallel_loop3A_43, %parallel_loop3A_608 : i32
      %parallel_loop3A_610 = arith.constant 2 : i32
      %parallel_loop3A_611 = arith.constant 0 : i32
      %parallel_loop3A_612 = arith.constant 4 : i32
      %parallel_loop3A_613 = arith.index_cast %parallel_loop3A_610 : i32 to index
      %parallel_loop3A_614 = arith.index_cast %parallel_loop3A_611 : i32 to index
      %parallel_loop3A_615 = arith.index_cast %parallel_loop3A_612 : i32 to index
      %parallel_loop3A_616 = arith.index_cast %parallel_loop3A_609 : i32 to index
      %parallel_loop3A_617 = tpu.vector_load %arg4[%parallel_loop3A_613, %parallel_loop3A_614, %parallel_loop3A_615, %parallel_loop3A_616] {strides = array<i32>} : memref<7x1x8x128xi32, #tpu.memory_space<vmem>>, vector<16xi32>,
      %parallel_loop3A_618 = arith.constant 1 : i32
      %parallel_loop3A_619 = arith.addi %mul3A_13, %parallel_loop3A_618 : i32
      %parallel_loop3A_620 = vector.broadcast %parallel_loop3A_619 : i32 to vector<16xi32>
      %parallel_loop3A_621 = arith.subi %parallel_loop3A_617, %parallel_loop3A_620 : vector<16xi32>
      %parallel_loop3A_622 = vector.broadcast %add3A_11 : i32 to vector<16xi32>
      %parallel_loop3A_623 = arith.cmpi ult, %parallel_loop3A_621, %parallel_loop3A_622 : vector<16xi32>
      %parallel_loop3A_624 = arith.constant 0 : i32
      %parallel_loop3A_625 = vector.broadcast %parallel_loop3A_624 : i32 to vector<16xi32>
      %parallel_loop3A_626 = arith.maxsi %parallel_loop3A_621, %parallel_loop3A_625 : vector<16xi32>
      %parallel_loop3A_627 = arith.constant 279 : i32
      %parallel_loop3A_628 = vector.broadcast %parallel_loop3A_627 : i32 to vector<16xi32>
      %parallel_loop3A_629 = arith.minsi %parallel_loop3A_626, %parallel_loop3A_628 : vector<16xi32>
      %parallel_loop3A_630 = arith.constant 3 : i32
      %parallel_loop3A_631 = vector.broadcast %parallel_loop3A_630 : i32 to vector<16xi32>
      %parallel_loop3A_632 = arith.shrsi %parallel_loop3A_629, %parallel_loop3A_631 : vector<16xi32>
      %parallel_loop3A_633 = arith.constant 7 : i32
      %parallel_loop3A_634 = vector.broadcast %parallel_loop3A_633 : i32 to vector<16xi32>
      %parallel_loop3A_635 = arith.andi %parallel_loop3A_629, %parallel_loop3A_634 : vector<16xi32>
      tpu.vector_store_idx %arg5[%parallel_loop3A_632, %parallel_loop3A_635, %parallel_loop3A_47], %broadcast_in_dim3A_23 masked %parallel_loop3A_623 {add = true} : memref<35x8x128xf32, #tpu.memory_space<vmem>>[vector<16xi32>, vector<16xi32>, vector<16xi32>], vector<16xf32>, vector<16xi1>
      %parallel_loop3A_636 = arith.constant 16 : i32
      %parallel_loop3A_637 = arith.muli %parallel_loop3A_43, %parallel_loop3A_636 : i32
      %parallel_loop3A_638 = arith.constant 2 : i32
      %parallel_loop3A_639 = arith.constant 0 : i32
      %parallel_loop3A_640 = arith.constant 5 : i32
      %parallel_loop3A_641 = arith.index_cast %parallel_loop3A_638 : i32 to index
      %parallel_loop3A_642 = arith.index_cast %parallel_loop3A_639 : i32 to index
      %parallel_loop3A_643 = arith.index_cast %parallel_loop3A_640 : i32 to index
      %parallel_loop3A_644 = arith.index_cast %parallel_loop3A_637 : i32 to index
      %parallel_loop3A_645 = tpu.vector_load %arg4[%parallel_loop3A_641, %parallel_loop3A_642, %parallel_loop3A_643, %parallel_loop3A_644] {strides = array<i32>} : memref<7x1x8x128xi32, #tpu.memory_space<vmem>>, vector<16xi32>,
      %parallel_loop3A_646 = arith.constant 1 : i32
      %parallel_loop3A_647 = arith.addi %mul3A_13, %parallel_loop3A_646 : i32
      %parallel_loop3A_648 = vector.broadcast %parallel_loop3A_647 : i32 to vector<16xi32>
      %parallel_loop3A_649 = arith.subi %parallel_loop3A_645, %parallel_loop3A_648 : vector<16xi32>
      %parallel_loop3A_650 = vector.broadcast %add3A_11 : i32 to vector<16xi32>
      %parallel_loop3A_651 = arith.cmpi ult, %parallel_loop3A_649, %parallel_loop3A_650 : vector<16xi32>
      %parallel_loop3A_652 = arith.constant 0 : i32
      %parallel_loop3A_653 = vector.broadcast %parallel_loop3A_652 : i32 to vector<16xi32>
      %parallel_loop3A_654 = arith.maxsi %parallel_loop3A_649, %parallel_loop3A_653 : vector<16xi32>
      %parallel_loop3A_655 = arith.constant 279 : i32
      %parallel_loop3A_656 = vector.broadcast %parallel_loop3A_655 : i32 to vector<16xi32>
      %parallel_loop3A_657 = arith.minsi %parallel_loop3A_654, %parallel_loop3A_656 : vector<16xi32>
      %parallel_loop3A_658 = arith.constant 3 : i32
      %parallel_loop3A_659 = vector.broadcast %parallel_loop3A_658 : i32 to vector<16xi32>
      %parallel_loop3A_660 = arith.shrsi %parallel_loop3A_657, %parallel_loop3A_659 : vector<16xi32>
      %parallel_loop3A_661 = arith.constant 7 : i32
      %parallel_loop3A_662 = vector.broadcast %parallel_loop3A_661 : i32 to vector<16xi32>
      %parallel_loop3A_663 = arith.andi %parallel_loop3A_657, %parallel_loop3A_662 : vector<16xi32>
      tpu.vector_store_idx %arg5[%parallel_loop3A_660, %parallel_loop3A_663, %parallel_loop3A_47], %broadcast_in_dim3A_23 masked %parallel_loop3A_651 {add = true} : memref<35x8x128xf32, #tpu.memory_space<vmem>>[vector<16xi32>, vector<16xi32>, vector<16xi32>], vector<16xf32>, vector<16xi1>
      %parallel_loop3A_664 = arith.constant 16 : i32
      %parallel_loop3A_665 = arith.muli %parallel_loop3A_43, %parallel_loop3A_664 : i32
      %parallel_loop3A_666 = arith.constant 2 : i32
      %parallel_loop3A_667 = arith.constant 0 : i32
      %parallel_loop3A_668 = arith.constant 6 : i32
      %parallel_loop3A_669 = arith.index_cast %parallel_loop3A_666 : i32 to index
      %parallel_loop3A_670 = arith.index_cast %parallel_loop3A_667 : i32 to index
      %parallel_loop3A_671 = arith.index_cast %parallel_loop3A_668 : i32 to index
      %parallel_loop3A_672 = arith.index_cast %parallel_loop3A_665 : i32 to index
      %parallel_loop3A_673 = tpu.vector_load %arg4[%parallel_loop3A_669, %parallel_loop3A_670, %parallel_loop3A_671, %parallel_loop3A_672] {strides = array<i32>} : memref<7x1x8x128xi32, #tpu.memory_space<vmem>>, vector<16xi32>,
      %parallel_loop3A_674 = arith.constant 1 : i32
      %parallel_loop3A_675 = arith.addi %mul3A_13, %parallel_loop3A_674 : i32
      %parallel_loop3A_676 = vector.broadcast %parallel_loop3A_675 : i32 to vector<16xi32>
      %parallel_loop3A_677 = arith.subi %parallel_loop3A_673, %parallel_loop3A_676 : vector<16xi32>
      %parallel_loop3A_678 = vector.broadcast %add3A_11 : i32 to vector<16xi32>
      %parallel_loop3A_679 = arith.cmpi ult, %parallel_loop3A_677, %parallel_loop3A_678 : vector<16xi32>
      %parallel_loop3A_680 = arith.constant 0 : i32
      %parallel_loop3A_681 = vector.broadcast %parallel_loop3A_680 : i32 to vector<16xi32>
      %parallel_loop3A_682 = arith.maxsi %parallel_loop3A_677, %parallel_loop3A_681 : vector<16xi32>
      %parallel_loop3A_683 = arith.constant 279 : i32
      %parallel_loop3A_684 = vector.broadcast %parallel_loop3A_683 : i32 to vector<16xi32>
      %parallel_loop3A_685 = arith.minsi %parallel_loop3A_682, %parallel_loop3A_684 : vector<16xi32>
      %parallel_loop3A_686 = arith.constant 3 : i32
      %parallel_loop3A_687 = vector.broadcast %parallel_loop3A_686 : i32 to vector<16xi32>
      %parallel_loop3A_688 = arith.shrsi %parallel_loop3A_685, %parallel_loop3A_687 : vector<16xi32>
      %parallel_loop3A_689 = arith.constant 7 : i32
      %parallel_loop3A_690 = vector.broadcast %parallel_loop3A_689 : i32 to vector<16xi32>
      %parallel_loop3A_691 = arith.andi %parallel_loop3A_685, %parallel_loop3A_690 : vector<16xi32>
      tpu.vector_store_idx %arg5[%parallel_loop3A_688, %parallel_loop3A_691, %parallel_loop3A_47], %broadcast_in_dim3A_23 masked %parallel_loop3A_679 {add = true} : memref<35x8x128xf32, #tpu.memory_space<vmem>>[vector<16xi32>, vector<16xi32>, vector<16xi32>], vector<16xf32>, vector<16xi1>
      %parallel_loop3A_692 = arith.constant 16 : i32
      %parallel_loop3A_693 = arith.muli %parallel_loop3A_43, %parallel_loop3A_692 : i32
      %parallel_loop3A_694 = arith.constant 2 : i32
      %parallel_loop3A_695 = arith.constant 0 : i32
      %parallel_loop3A_696 = arith.constant 7 : i32
      %parallel_loop3A_697 = arith.index_cast %parallel_loop3A_694 : i32 to index
      %parallel_loop3A_698 = arith.index_cast %parallel_loop3A_695 : i32 to index
      %parallel_loop3A_699 = arith.index_cast %parallel_loop3A_696 : i32 to index
      %parallel_loop3A_700 = arith.index_cast %parallel_loop3A_693 : i32 to index
      %parallel_loop3A_701 = tpu.vector_load %arg4[%parallel_loop3A_697, %parallel_loop3A_698, %parallel_loop3A_699, %parallel_loop3A_700] {strides = array<i32>} : memref<7x1x8x128xi32, #tpu.memory_space<vmem>>, vector<16xi32>,
      %parallel_loop3A_702 = arith.constant 1 : i32
      %parallel_loop3A_703 = arith.addi %mul3A_13, %parallel_loop3A_702 : i32
      %parallel_loop3A_704 = vector.broadcast %parallel_loop3A_703 : i32 to vector<16xi32>
      %parallel_loop3A_705 = arith.subi %parallel_loop3A_701, %parallel_loop3A_704 : vector<16xi32>
      %parallel_loop3A_706 = vector.broadcast %add3A_11 : i32 to vector<16xi32>
      %parallel_loop3A_707 = arith.cmpi ult, %parallel_loop3A_705, %parallel_loop3A_706 : vector<16xi32>
      %parallel_loop3A_708 = arith.constant 0 : i32
      %parallel_loop3A_709 = vector.broadcast %parallel_loop3A_708 : i32 to vector<16xi32>
      %parallel_loop3A_710 = arith.maxsi %parallel_loop3A_705, %parallel_loop3A_709 : vector<16xi32>
      %parallel_loop3A_711 = arith.constant 279 : i32
      %parallel_loop3A_712 = vector.broadcast %parallel_loop3A_711 : i32 to vector<16xi32>
      %parallel_loop3A_713 = arith.minsi %parallel_loop3A_710, %parallel_loop3A_712 : vector<16xi32>
      %parallel_loop3A_714 = arith.constant 3 : i32
      %parallel_loop3A_715 = vector.broadcast %parallel_loop3A_714 : i32 to vector<16xi32>
      %parallel_loop3A_716 = arith.shrsi %parallel_loop3A_713, %parallel_loop3A_715 : vector<16xi32>
      %parallel_loop3A_717 = arith.constant 7 : i32
      %parallel_loop3A_718 = vector.broadcast %parallel_loop3A_717 : i32 to vector<16xi32>
      %parallel_loop3A_719 = arith.andi %parallel_loop3A_713, %parallel_loop3A_718 : vector<16xi32>
      tpu.vector_store_idx %arg5[%parallel_loop3A_716, %parallel_loop3A_719, %parallel_loop3A_47], %broadcast_in_dim3A_23 masked %parallel_loop3A_707 {add = true} : memref<35x8x128xf32, #tpu.memory_space<vmem>>[vector<16xi32>, vector<16xi32>, vector<16xi32>], vector<16xf32>, vector<16xi1>
      %parallel_loop3A_720 = arith.constant 16 : i32
      %parallel_loop3A_721 = arith.muli %parallel_loop3A_43, %parallel_loop3A_720 : i32
      %parallel_loop3A_722 = arith.constant 3 : i32
      %parallel_loop3A_723 = arith.constant 0 : i32
      %parallel_loop3A_724 = arith.constant 0 : i32
      %parallel_loop3A_725 = arith.index_cast %parallel_loop3A_722 : i32 to index
      %parallel_loop3A_726 = arith.index_cast %parallel_loop3A_723 : i32 to index
      %parallel_loop3A_727 = arith.index_cast %parallel_loop3A_724 : i32 to index
      %parallel_loop3A_728 = arith.index_cast %parallel_loop3A_721 : i32 to index
      %parallel_loop3A_729 = tpu.vector_load %arg4[%parallel_loop3A_725, %parallel_loop3A_726, %parallel_loop3A_727, %parallel_loop3A_728] {strides = array<i32>} : memref<7x1x8x128xi32, #tpu.memory_space<vmem>>, vector<16xi32>,
      %parallel_loop3A_730 = arith.constant 1 : i32
      %parallel_loop3A_731 = arith.addi %mul3A_13, %parallel_loop3A_730 : i32
      %parallel_loop3A_732 = vector.broadcast %parallel_loop3A_731 : i32 to vector<16xi32>
      %parallel_loop3A_733 = arith.subi %parallel_loop3A_729, %parallel_loop3A_732 : vector<16xi32>
      %parallel_loop3A_734 = vector.broadcast %add3A_11 : i32 to vector<16xi32>
      %parallel_loop3A_735 = arith.cmpi ult, %parallel_loop3A_733, %parallel_loop3A_734 : vector<16xi32>
      %parallel_loop3A_736 = arith.constant 0 : i32
      %parallel_loop3A_737 = vector.broadcast %parallel_loop3A_736 : i32 to vector<16xi32>
      %parallel_loop3A_738 = arith.maxsi %parallel_loop3A_733, %parallel_loop3A_737 : vector<16xi32>
      %parallel_loop3A_739 = arith.constant 279 : i32
      %parallel_loop3A_740 = vector.broadcast %parallel_loop3A_739 : i32 to vector<16xi32>
      %parallel_loop3A_741 = arith.minsi %parallel_loop3A_738, %parallel_loop3A_740 : vector<16xi32>
      %parallel_loop3A_742 = arith.constant 3 : i32
      %parallel_loop3A_743 = vector.broadcast %parallel_loop3A_742 : i32 to vector<16xi32>
      %parallel_loop3A_744 = arith.shrsi %parallel_loop3A_741, %parallel_loop3A_743 : vector<16xi32>
      %parallel_loop3A_745 = arith.constant 7 : i32
      %parallel_loop3A_746 = vector.broadcast %parallel_loop3A_745 : i32 to vector<16xi32>
      %parallel_loop3A_747 = arith.andi %parallel_loop3A_741, %parallel_loop3A_746 : vector<16xi32>
      tpu.vector_store_idx %arg5[%parallel_loop3A_744, %parallel_loop3A_747, %parallel_loop3A_47], %broadcast_in_dim3A_23 masked %parallel_loop3A_735 {add = true} : memref<35x8x128xf32, #tpu.memory_space<vmem>>[vector<16xi32>, vector<16xi32>, vector<16xi32>], vector<16xf32>, vector<16xi1>
      %parallel_loop3A_748 = arith.constant 16 : i32
      %parallel_loop3A_749 = arith.muli %parallel_loop3A_43, %parallel_loop3A_748 : i32
      %parallel_loop3A_750 = arith.constant 3 : i32
      %parallel_loop3A_751 = arith.constant 0 : i32
      %parallel_loop3A_752 = arith.constant 1 : i32
      %parallel_loop3A_753 = arith.index_cast %parallel_loop3A_750 : i32 to index
      %parallel_loop3A_754 = arith.index_cast %parallel_loop3A_751 : i32 to index
      %parallel_loop3A_755 = arith.index_cast %parallel_loop3A_752 : i32 to index
      %parallel_loop3A_756 = arith.index_cast %parallel_loop3A_749 : i32 to index
      %parallel_loop3A_757 = tpu.vector_load %arg4[%parallel_loop3A_753, %parallel_loop3A_754, %parallel_loop3A_755, %parallel_loop3A_756] {strides = array<i32>} : memref<7x1x8x128xi32, #tpu.memory_space<vmem>>, vector<16xi32>,
      %parallel_loop3A_758 = arith.constant 1 : i32
      %parallel_loop3A_759 = arith.addi %mul3A_13, %parallel_loop3A_758 : i32
      %parallel_loop3A_760 = vector.broadcast %parallel_loop3A_759 : i32 to vector<16xi32>
      %parallel_loop3A_761 = arith.subi %parallel_loop3A_757, %parallel_loop3A_760 : vector<16xi32>
      %parallel_loop3A_762 = vector.broadcast %add3A_11 : i32 to vector<16xi32>
      %parallel_loop3A_763 = arith.cmpi ult, %parallel_loop3A_761, %parallel_loop3A_762 : vector<16xi32>
      %parallel_loop3A_764 = arith.constant 0 : i32
      %parallel_loop3A_765 = vector.broadcast %parallel_loop3A_764 : i32 to vector<16xi32>
      %parallel_loop3A_766 = arith.maxsi %parallel_loop3A_761, %parallel_loop3A_765 : vector<16xi32>
      %parallel_loop3A_767 = arith.constant 279 : i32
      %parallel_loop3A_768 = vector.broadcast %parallel_loop3A_767 : i32 to vector<16xi32>
      %parallel_loop3A_769 = arith.minsi %parallel_loop3A_766, %parallel_loop3A_768 : vector<16xi32>
      %parallel_loop3A_770 = arith.constant 3 : i32
      %parallel_loop3A_771 = vector.broadcast %parallel_loop3A_770 : i32 to vector<16xi32>
      %parallel_loop3A_772 = arith.shrsi %parallel_loop3A_769, %parallel_loop3A_771 : vector<16xi32>
      %parallel_loop3A_773 = arith.constant 7 : i32
      %parallel_loop3A_774 = vector.broadcast %parallel_loop3A_773 : i32 to vector<16xi32>
      %parallel_loop3A_775 = arith.andi %parallel_loop3A_769, %parallel_loop3A_774 : vector<16xi32>
      tpu.vector_store_idx %arg5[%parallel_loop3A_772, %parallel_loop3A_775, %parallel_loop3A_47], %broadcast_in_dim3A_23 masked %parallel_loop3A_763 {add = true} : memref<35x8x128xf32, #tpu.memory_space<vmem>>[vector<16xi32>, vector<16xi32>, vector<16xi32>], vector<16xf32>, vector<16xi1>
      %parallel_loop3A_776 = arith.constant 16 : i32
      %parallel_loop3A_777 = arith.muli %parallel_loop3A_43, %parallel_loop3A_776 : i32
      %parallel_loop3A_778 = arith.constant 3 : i32
      %parallel_loop3A_779 = arith.constant 0 : i32
      %parallel_loop3A_780 = arith.constant 2 : i32
      %parallel_loop3A_781 = arith.index_cast %parallel_loop3A_778 : i32 to index
      %parallel_loop3A_782 = arith.index_cast %parallel_loop3A_779 : i32 to index
      %parallel_loop3A_783 = arith.index_cast %parallel_loop3A_780 : i32 to index
      %parallel_loop3A_784 = arith.index_cast %parallel_loop3A_777 : i32 to index
      %parallel_loop3A_785 = tpu.vector_load %arg4[%parallel_loop3A_781, %parallel_loop3A_782, %parallel_loop3A_783, %parallel_loop3A_784] {strides = array<i32>} : memref<7x1x8x128xi32, #tpu.memory_space<vmem>>, vector<16xi32>,
      %parallel_loop3A_786 = arith.constant 1 : i32
      %parallel_loop3A_787 = arith.addi %mul3A_13, %parallel_loop3A_786 : i32
      %parallel_loop3A_788 = vector.broadcast %parallel_loop3A_787 : i32 to vector<16xi32>
      %parallel_loop3A_789 = arith.subi %parallel_loop3A_785, %parallel_loop3A_788 : vector<16xi32>
      %parallel_loop3A_790 = vector.broadcast %add3A_11 : i32 to vector<16xi32>
      %parallel_loop3A_791 = arith.cmpi ult, %parallel_loop3A_789, %parallel_loop3A_790 : vector<16xi32>
      %parallel_loop3A_792 = arith.constant 0 : i32
      %parallel_loop3A_793 = vector.broadcast %parallel_loop3A_792 : i32 to vector<16xi32>
      %parallel_loop3A_794 = arith.maxsi %parallel_loop3A_789, %parallel_loop3A_793 : vector<16xi32>
      %parallel_loop3A_795 = arith.constant 279 : i32
      %parallel_loop3A_796 = vector.broadcast %parallel_loop3A_795 : i32 to vector<16xi32>
      %parallel_loop3A_797 = arith.minsi %parallel_loop3A_794, %parallel_loop3A_796 : vector<16xi32>
      %parallel_loop3A_798 = arith.constant 3 : i32
      %parallel_loop3A_799 = vector.broadcast %parallel_loop3A_798 : i32 to vector<16xi32>
      %parallel_loop3A_800 = arith.shrsi %parallel_loop3A_797, %parallel_loop3A_799 : vector<16xi32>
      %parallel_loop3A_801 = arith.constant 7 : i32
      %parallel_loop3A_802 = vector.broadcast %parallel_loop3A_801 : i32 to vector<16xi32>
      %parallel_loop3A_803 = arith.andi %parallel_loop3A_797, %parallel_loop3A_802 : vector<16xi32>
      tpu.vector_store_idx %arg5[%parallel_loop3A_800, %parallel_loop3A_803, %parallel_loop3A_47], %broadcast_in_dim3A_23 masked %parallel_loop3A_791 {add = true} : memref<35x8x128xf32, #tpu.memory_space<vmem>>[vector<16xi32>, vector<16xi32>, vector<16xi32>], vector<16xf32>, vector<16xi1>
      %parallel_loop3A_804 = arith.constant 16 : i32
      %parallel_loop3A_805 = arith.muli %parallel_loop3A_43, %parallel_loop3A_804 : i32
      %parallel_loop3A_806 = arith.constant 3 : i32
      %parallel_loop3A_807 = arith.constant 0 : i32
      %parallel_loop3A_808 = arith.constant 3 : i32
      %parallel_loop3A_809 = arith.index_cast %parallel_loop3A_806 : i32 to index
      %parallel_loop3A_810 = arith.index_cast %parallel_loop3A_807 : i32 to index
      %parallel_loop3A_811 = arith.index_cast %parallel_loop3A_808 : i32 to index
      %parallel_loop3A_812 = arith.index_cast %parallel_loop3A_805 : i32 to index
      %parallel_loop3A_813 = tpu.vector_load %arg4[%parallel_loop3A_809, %parallel_loop3A_810, %parallel_loop3A_811, %parallel_loop3A_812] {strides = array<i32>} : memref<7x1x8x128xi32, #tpu.memory_space<vmem>>, vector<16xi32>,
      %parallel_loop3A_814 = arith.constant 1 : i32
      %parallel_loop3A_815 = arith.addi %mul3A_13, %parallel_loop3A_814 : i32
      %parallel_loop3A_816 = vector.broadcast %parallel_loop3A_815 : i32 to vector<16xi32>
      %parallel_loop3A_817 = arith.subi %parallel_loop3A_813, %parallel_loop3A_816 : vector<16xi32>
      %parallel_loop3A_818 = vector.broadcast %add3A_11 : i32 to vector<16xi32>
      %parallel_loop3A_819 = arith.cmpi ult, %parallel_loop3A_817, %parallel_loop3A_818 : vector<16xi32>
      %parallel_loop3A_820 = arith.constant 0 : i32
      %parallel_loop3A_821 = vector.broadcast %parallel_loop3A_820 : i32 to vector<16xi32>
      %parallel_loop3A_822 = arith.maxsi %parallel_loop3A_817, %parallel_loop3A_821 : vector<16xi32>
      %parallel_loop3A_823 = arith.constant 279 : i32
      %parallel_loop3A_824 = vector.broadcast %parallel_loop3A_823 : i32 to vector<16xi32>
      %parallel_loop3A_825 = arith.minsi %parallel_loop3A_822, %parallel_loop3A_824 : vector<16xi32>
      %parallel_loop3A_826 = arith.constant 3 : i32
      %parallel_loop3A_827 = vector.broadcast %parallel_loop3A_826 : i32 to vector<16xi32>
      %parallel_loop3A_828 = arith.shrsi %parallel_loop3A_825, %parallel_loop3A_827 : vector<16xi32>
      %parallel_loop3A_829 = arith.constant 7 : i32
      %parallel_loop3A_830 = vector.broadcast %parallel_loop3A_829 : i32 to vector<16xi32>
      %parallel_loop3A_831 = arith.andi %parallel_loop3A_825, %parallel_loop3A_830 : vector<16xi32>
      tpu.vector_store_idx %arg5[%parallel_loop3A_828, %parallel_loop3A_831, %parallel_loop3A_47], %broadcast_in_dim3A_23 masked %parallel_loop3A_819 {add = true} : memref<35x8x128xf32, #tpu.memory_space<vmem>>[vector<16xi32>, vector<16xi32>, vector<16xi32>], vector<16xf32>, vector<16xi1>
      %parallel_loop3A_832 = arith.constant 16 : i32
      %parallel_loop3A_833 = arith.muli %parallel_loop3A_43, %parallel_loop3A_832 : i32
      %parallel_loop3A_834 = arith.constant 3 : i32
      %parallel_loop3A_835 = arith.constant 0 : i32
      %parallel_loop3A_836 = arith.constant 4 : i32
      %parallel_loop3A_837 = arith.index_cast %parallel_loop3A_834 : i32 to index
      %parallel_loop3A_838 = arith.index_cast %parallel_loop3A_835 : i32 to index
      %parallel_loop3A_839 = arith.index_cast %parallel_loop3A_836 : i32 to index
      %parallel_loop3A_840 = arith.index_cast %parallel_loop3A_833 : i32 to index
      %parallel_loop3A_841 = tpu.vector_load %arg4[%parallel_loop3A_837, %parallel_loop3A_838, %parallel_loop3A_839, %parallel_loop3A_840] {strides = array<i32>} : memref<7x1x8x128xi32, #tpu.memory_space<vmem>>, vector<16xi32>,
      %parallel_loop3A_842 = arith.constant 1 : i32
      %parallel_loop3A_843 = arith.addi %mul3A_13, %parallel_loop3A_842 : i32
      %parallel_loop3A_844 = vector.broadcast %parallel_loop3A_843 : i32 to vector<16xi32>
      %parallel_loop3A_845 = arith.subi %parallel_loop3A_841, %parallel_loop3A_844 : vector<16xi32>
      %parallel_loop3A_846 = vector.broadcast %add3A_11 : i32 to vector<16xi32>
      %parallel_loop3A_847 = arith.cmpi ult, %parallel_loop3A_845, %parallel_loop3A_846 : vector<16xi32>
      %parallel_loop3A_848 = arith.constant 0 : i32
      %parallel_loop3A_849 = vector.broadcast %parallel_loop3A_848 : i32 to vector<16xi32>
      %parallel_loop3A_850 = arith.maxsi %parallel_loop3A_845, %parallel_loop3A_849 : vector<16xi32>
      %parallel_loop3A_851 = arith.constant 279 : i32
      %parallel_loop3A_852 = vector.broadcast %parallel_loop3A_851 : i32 to vector<16xi32>
      %parallel_loop3A_853 = arith.minsi %parallel_loop3A_850, %parallel_loop3A_852 : vector<16xi32>
      %parallel_loop3A_854 = arith.constant 3 : i32
      %parallel_loop3A_855 = vector.broadcast %parallel_loop3A_854 : i32 to vector<16xi32>
      %parallel_loop3A_856 = arith.shrsi %parallel_loop3A_853, %parallel_loop3A_855 : vector<16xi32>
      %parallel_loop3A_857 = arith.constant 7 : i32
      %parallel_loop3A_858 = vector.broadcast %parallel_loop3A_857 : i32 to vector<16xi32>
      %parallel_loop3A_859 = arith.andi %parallel_loop3A_853, %parallel_loop3A_858 : vector<16xi32>
      tpu.vector_store_idx %arg5[%parallel_loop3A_856, %parallel_loop3A_859, %parallel_loop3A_47], %broadcast_in_dim3A_23 masked %parallel_loop3A_847 {add = true} : memref<35x8x128xf32, #tpu.memory_space<vmem>>[vector<16xi32>, vector<16xi32>, vector<16xi32>], vector<16xf32>, vector<16xi1>
      %parallel_loop3A_860 = arith.constant 16 : i32
      %parallel_loop3A_861 = arith.muli %parallel_loop3A_43, %parallel_loop3A_860 : i32
      %parallel_loop3A_862 = arith.constant 3 : i32
      %parallel_loop3A_863 = arith.constant 0 : i32
      %parallel_loop3A_864 = arith.constant 5 : i32
      %parallel_loop3A_865 = arith.index_cast %parallel_loop3A_862 : i32 to index
      %parallel_loop3A_866 = arith.index_cast %parallel_loop3A_863 : i32 to index
      %parallel_loop3A_867 = arith.index_cast %parallel_loop3A_864 : i32 to index
      %parallel_loop3A_868 = arith.index_cast %parallel_loop3A_861 : i32 to index
      %parallel_loop3A_869 = tpu.vector_load %arg4[%parallel_loop3A_865, %parallel_loop3A_866, %parallel_loop3A_867, %parallel_loop3A_868] {strides = array<i32>} : memref<7x1x8x128xi32, #tpu.memory_space<vmem>>, vector<16xi32>,
      %parallel_loop3A_870 = arith.constant 1 : i32
      %parallel_loop3A_871 = arith.addi %mul3A_13, %parallel_loop3A_870 : i32
      %parallel_loop3A_872 = vector.broadcast %parallel_loop3A_871 : i32 to vector<16xi32>
      %parallel_loop3A_873 = arith.subi %parallel_loop3A_869, %parallel_loop3A_872 : vector<16xi32>
      %parallel_loop3A_874 = vector.broadcast %add3A_11 : i32 to vector<16xi32>
      %parallel_loop3A_875 = arith.cmpi ult, %parallel_loop3A_873, %parallel_loop3A_874 : vector<16xi32>
      %parallel_loop3A_876 = arith.constant 0 : i32
      %parallel_loop3A_877 = vector.broadcast %parallel_loop3A_876 : i32 to vector<16xi32>
      %parallel_loop3A_878 = arith.maxsi %parallel_loop3A_873, %parallel_loop3A_877 : vector<16xi32>
      %parallel_loop3A_879 = arith.constant 279 : i32
      %parallel_loop3A_880 = vector.broadcast %parallel_loop3A_879 : i32 to vector<16xi32>
      %parallel_loop3A_881 = arith.minsi %parallel_loop3A_878, %parallel_loop3A_880 : vector<16xi32>
      %parallel_loop3A_882 = arith.constant 3 : i32
      %parallel_loop3A_883 = vector.broadcast %parallel_loop3A_882 : i32 to vector<16xi32>
      %parallel_loop3A_884 = arith.shrsi %parallel_loop3A_881, %parallel_loop3A_883 : vector<16xi32>
      %parallel_loop3A_885 = arith.constant 7 : i32
      %parallel_loop3A_886 = vector.broadcast %parallel_loop3A_885 : i32 to vector<16xi32>
      %parallel_loop3A_887 = arith.andi %parallel_loop3A_881, %parallel_loop3A_886 : vector<16xi32>
      tpu.vector_store_idx %arg5[%parallel_loop3A_884, %parallel_loop3A_887, %parallel_loop3A_47], %broadcast_in_dim3A_23 masked %parallel_loop3A_875 {add = true} : memref<35x8x128xf32, #tpu.memory_space<vmem>>[vector<16xi32>, vector<16xi32>, vector<16xi32>], vector<16xf32>, vector<16xi1>
      %parallel_loop3A_888 = arith.constant 16 : i32
      %parallel_loop3A_889 = arith.muli %parallel_loop3A_43, %parallel_loop3A_888 : i32
      %parallel_loop3A_890 = arith.constant 3 : i32
      %parallel_loop3A_891 = arith.constant 0 : i32
      %parallel_loop3A_892 = arith.constant 6 : i32
      %parallel_loop3A_893 = arith.index_cast %parallel_loop3A_890 : i32 to index
      %parallel_loop3A_894 = arith.index_cast %parallel_loop3A_891 : i32 to index
      %parallel_loop3A_895 = arith.index_cast %parallel_loop3A_892 : i32 to index
      %parallel_loop3A_896 = arith.index_cast %parallel_loop3A_889 : i32 to index
      %parallel_loop3A_897 = tpu.vector_load %arg4[%parallel_loop3A_893, %parallel_loop3A_894, %parallel_loop3A_895, %parallel_loop3A_896] {strides = array<i32>} : memref<7x1x8x128xi32, #tpu.memory_space<vmem>>, vector<16xi32>,
      %parallel_loop3A_898 = arith.constant 1 : i32
      %parallel_loop3A_899 = arith.addi %mul3A_13, %parallel_loop3A_898 : i32
      %parallel_loop3A_900 = vector.broadcast %parallel_loop3A_899 : i32 to vector<16xi32>
      %parallel_loop3A_901 = arith.subi %parallel_loop3A_897, %parallel_loop3A_900 : vector<16xi32>
      %parallel_loop3A_902 = vector.broadcast %add3A_11 : i32 to vector<16xi32>
      %parallel_loop3A_903 = arith.cmpi ult, %parallel_loop3A_901, %parallel_loop3A_902 : vector<16xi32>
      %parallel_loop3A_904 = arith.constant 0 : i32
      %parallel_loop3A_905 = vector.broadcast %parallel_loop3A_904 : i32 to vector<16xi32>
      %parallel_loop3A_906 = arith.maxsi %parallel_loop3A_901, %parallel_loop3A_905 : vector<16xi32>
      %parallel_loop3A_907 = arith.constant 279 : i32
      %parallel_loop3A_908 = vector.broadcast %parallel_loop3A_907 : i32 to vector<16xi32>
      %parallel_loop3A_909 = arith.minsi %parallel_loop3A_906, %parallel_loop3A_908 : vector<16xi32>
      %parallel_loop3A_910 = arith.constant 3 : i32
      %parallel_loop3A_911 = vector.broadcast %parallel_loop3A_910 : i32 to vector<16xi32>
      %parallel_loop3A_912 = arith.shrsi %parallel_loop3A_909, %parallel_loop3A_911 : vector<16xi32>
      %parallel_loop3A_913 = arith.constant 7 : i32
      %parallel_loop3A_914 = vector.broadcast %parallel_loop3A_913 : i32 to vector<16xi32>
      %parallel_loop3A_915 = arith.andi %parallel_loop3A_909, %parallel_loop3A_914 : vector<16xi32>
      tpu.vector_store_idx %arg5[%parallel_loop3A_912, %parallel_loop3A_915, %parallel_loop3A_47], %broadcast_in_dim3A_23 masked %parallel_loop3A_903 {add = true} : memref<35x8x128xf32, #tpu.memory_space<vmem>>[vector<16xi32>, vector<16xi32>, vector<16xi32>], vector<16xf32>, vector<16xi1>
      %parallel_loop3A_916 = arith.constant 16 : i32
      %parallel_loop3A_917 = arith.muli %parallel_loop3A_43, %parallel_loop3A_916 : i32
      %parallel_loop3A_918 = arith.constant 3 : i32
      %parallel_loop3A_919 = arith.constant 0 : i32
      %parallel_loop3A_920 = arith.constant 7 : i32
      %parallel_loop3A_921 = arith.index_cast %parallel_loop3A_918 : i32 to index
      %parallel_loop3A_922 = arith.index_cast %parallel_loop3A_919 : i32 to index
      %parallel_loop3A_923 = arith.index_cast %parallel_loop3A_920 : i32 to index
      %parallel_loop3A_924 = arith.index_cast %parallel_loop3A_917 : i32 to index
      %parallel_loop3A_925 = tpu.vector_load %arg4[%parallel_loop3A_921, %parallel_loop3A_922, %parallel_loop3A_923, %parallel_loop3A_924] {strides = array<i32>} : memref<7x1x8x128xi32, #tpu.memory_space<vmem>>, vector<16xi32>,
      %parallel_loop3A_926 = arith.constant 1 : i32
      %parallel_loop3A_927 = arith.addi %mul3A_13, %parallel_loop3A_926 : i32
      %parallel_loop3A_928 = vector.broadcast %parallel_loop3A_927 : i32 to vector<16xi32>
      %parallel_loop3A_929 = arith.subi %parallel_loop3A_925, %parallel_loop3A_928 : vector<16xi32>
      %parallel_loop3A_930 = vector.broadcast %add3A_11 : i32 to vector<16xi32>
      %parallel_loop3A_931 = arith.cmpi ult, %parallel_loop3A_929, %parallel_loop3A_930 : vector<16xi32>
      %parallel_loop3A_932 = arith.constant 0 : i32
      %parallel_loop3A_933 = vector.broadcast %parallel_loop3A_932 : i32 to vector<16xi32>
      %parallel_loop3A_934 = arith.maxsi %parallel_loop3A_929, %parallel_loop3A_933 : vector<16xi32>
      %parallel_loop3A_935 = arith.constant 279 : i32
      %parallel_loop3A_936 = vector.broadcast %parallel_loop3A_935 : i32 to vector<16xi32>
      %parallel_loop3A_937 = arith.minsi %parallel_loop3A_934, %parallel_loop3A_936 : vector<16xi32>
      %parallel_loop3A_938 = arith.constant 3 : i32
      %parallel_loop3A_939 = vector.broadcast %parallel_loop3A_938 : i32 to vector<16xi32>
      %parallel_loop3A_940 = arith.shrsi %parallel_loop3A_937, %parallel_loop3A_939 : vector<16xi32>
      %parallel_loop3A_941 = arith.constant 7 : i32
      %parallel_loop3A_942 = vector.broadcast %parallel_loop3A_941 : i32 to vector<16xi32>
      %parallel_loop3A_943 = arith.andi %parallel_loop3A_937, %parallel_loop3A_942 : vector<16xi32>
      tpu.vector_store_idx %arg5[%parallel_loop3A_940, %parallel_loop3A_943, %parallel_loop3A_47], %broadcast_in_dim3A_23 masked %parallel_loop3A_931 {add = true} : memref<35x8x128xf32, #tpu.memory_space<vmem>>[vector<16xi32>, vector<16xi32>, vector<16xi32>], vector<16xf32>, vector<16xi1>
      %parallel_loop3A_944 = arith.constant 16 : i32
      %parallel_loop3A_945 = arith.muli %parallel_loop3A_43, %parallel_loop3A_944 : i32
      %parallel_loop3A_946 = arith.constant 4 : i32
      %parallel_loop3A_947 = arith.constant 0 : i32
      %parallel_loop3A_948 = arith.constant 0 : i32
      %parallel_loop3A_949 = arith.index_cast %parallel_loop3A_946 : i32 to index
      %parallel_loop3A_950 = arith.index_cast %parallel_loop3A_947 : i32 to index
      %parallel_loop3A_951 = arith.index_cast %parallel_loop3A_948 : i32 to index
      %parallel_loop3A_952 = arith.index_cast %parallel_loop3A_945 : i32 to index
      %parallel_loop3A_953 = tpu.vector_load %arg4[%parallel_loop3A_949, %parallel_loop3A_950, %parallel_loop3A_951, %parallel_loop3A_952] {strides = array<i32>} : memref<7x1x8x128xi32, #tpu.memory_space<vmem>>, vector<16xi32>,
      %parallel_loop3A_954 = arith.constant 1 : i32
      %parallel_loop3A_955 = arith.addi %mul3A_13, %parallel_loop3A_954 : i32
      %parallel_loop3A_956 = vector.broadcast %parallel_loop3A_955 : i32 to vector<16xi32>
      %parallel_loop3A_957 = arith.subi %parallel_loop3A_953, %parallel_loop3A_956 : vector<16xi32>
      %parallel_loop3A_958 = vector.broadcast %add3A_11 : i32 to vector<16xi32>
      %parallel_loop3A_959 = arith.cmpi ult, %parallel_loop3A_957, %parallel_loop3A_958 : vector<16xi32>
      %parallel_loop3A_960 = arith.constant 0 : i32
      %parallel_loop3A_961 = vector.broadcast %parallel_loop3A_960 : i32 to vector<16xi32>
      %parallel_loop3A_962 = arith.maxsi %parallel_loop3A_957, %parallel_loop3A_961 : vector<16xi32>
      %parallel_loop3A_963 = arith.constant 279 : i32
      %parallel_loop3A_964 = vector.broadcast %parallel_loop3A_963 : i32 to vector<16xi32>
      %parallel_loop3A_965 = arith.minsi %parallel_loop3A_962, %parallel_loop3A_964 : vector<16xi32>
      %parallel_loop3A_966 = arith.constant 3 : i32
      %parallel_loop3A_967 = vector.broadcast %parallel_loop3A_966 : i32 to vector<16xi32>
      %parallel_loop3A_968 = arith.shrsi %parallel_loop3A_965, %parallel_loop3A_967 : vector<16xi32>
      %parallel_loop3A_969 = arith.constant 7 : i32
      %parallel_loop3A_970 = vector.broadcast %parallel_loop3A_969 : i32 to vector<16xi32>
      %parallel_loop3A_971 = arith.andi %parallel_loop3A_965, %parallel_loop3A_970 : vector<16xi32>
      tpu.vector_store_idx %arg5[%parallel_loop3A_968, %parallel_loop3A_971, %parallel_loop3A_47], %broadcast_in_dim3A_23 masked %parallel_loop3A_959 {add = true} : memref<35x8x128xf32, #tpu.memory_space<vmem>>[vector<16xi32>, vector<16xi32>, vector<16xi32>], vector<16xf32>, vector<16xi1>
      %parallel_loop3A_972 = arith.constant 16 : i32
      %parallel_loop3A_973 = arith.muli %parallel_loop3A_43, %parallel_loop3A_972 : i32
      %parallel_loop3A_974 = arith.constant 4 : i32
      %parallel_loop3A_975 = arith.constant 0 : i32
      %parallel_loop3A_976 = arith.constant 1 : i32
      %parallel_loop3A_977 = arith.index_cast %parallel_loop3A_974 : i32 to index
      %parallel_loop3A_978 = arith.index_cast %parallel_loop3A_975 : i32 to index
      %parallel_loop3A_979 = arith.index_cast %parallel_loop3A_976 : i32 to index
      %parallel_loop3A_980 = arith.index_cast %parallel_loop3A_973 : i32 to index
      %parallel_loop3A_981 = tpu.vector_load %arg4[%parallel_loop3A_977, %parallel_loop3A_978, %parallel_loop3A_979, %parallel_loop3A_980] {strides = array<i32>} : memref<7x1x8x128xi32, #tpu.memory_space<vmem>>, vector<16xi32>,
      %parallel_loop3A_982 = arith.constant 1 : i32
      %parallel_loop3A_983 = arith.addi %mul3A_13, %parallel_loop3A_982 : i32
      %parallel_loop3A_984 = vector.broadcast %parallel_loop3A_983 : i32 to vector<16xi32>
      %parallel_loop3A_985 = arith.subi %parallel_loop3A_981, %parallel_loop3A_984 : vector<16xi32>
      %parallel_loop3A_986 = vector.broadcast %add3A_11 : i32 to vector<16xi32>
      %parallel_loop3A_987 = arith.cmpi ult, %parallel_loop3A_985, %parallel_loop3A_986 : vector<16xi32>
      %parallel_loop3A_988 = arith.constant 0 : i32
      %parallel_loop3A_989 = vector.broadcast %parallel_loop3A_988 : i32 to vector<16xi32>
      %parallel_loop3A_990 = arith.maxsi %parallel_loop3A_985, %parallel_loop3A_989 : vector<16xi32>
      %parallel_loop3A_991 = arith.constant 279 : i32
      %parallel_loop3A_992 = vector.broadcast %parallel_loop3A_991 : i32 to vector<16xi32>
      %parallel_loop3A_993 = arith.minsi %parallel_loop3A_990, %parallel_loop3A_992 : vector<16xi32>
      %parallel_loop3A_994 = arith.constant 3 : i32
      %parallel_loop3A_995 = vector.broadcast %parallel_loop3A_994 : i32 to vector<16xi32>
      %parallel_loop3A_996 = arith.shrsi %parallel_loop3A_993, %parallel_loop3A_995 : vector<16xi32>
      %parallel_loop3A_997 = arith.constant 7 : i32
      %parallel_loop3A_998 = vector.broadcast %parallel_loop3A_997 : i32 to vector<16xi32>
      %parallel_loop3A_999 = arith.andi %parallel_loop3A_993, %parallel_loop3A_998 : vector<16xi32>
      tpu.vector_store_idx %arg5[%parallel_loop3A_996, %parallel_loop3A_999, %parallel_loop3A_47], %broadcast_in_dim3A_23 masked %parallel_loop3A_987 {add = true} : memref<35x8x128xf32, #tpu.memory_space<vmem>>[vector<16xi32>, vector<16xi32>, vector<16xi32>], vector<16xf32>, vector<16xi1>
      %parallel_loop3A_1000 = arith.constant 16 : i32
      %parallel_loop3A_1001 = arith.muli %parallel_loop3A_43, %parallel_loop3A_1000 : i32
      %parallel_loop3A_1002 = arith.constant 4 : i32
      %parallel_loop3A_1003 = arith.constant 0 : i32
      %parallel_loop3A_1004 = arith.constant 2 : i32
      %parallel_loop3A_1005 = arith.index_cast %parallel_loop3A_1002 : i32 to index
      %parallel_loop3A_1006 = arith.index_cast %parallel_loop3A_1003 : i32 to index
      %parallel_loop3A_1007 = arith.index_cast %parallel_loop3A_1004 : i32 to index
      %parallel_loop3A_1008 = arith.index_cast %parallel_loop3A_1001 : i32 to index
      %parallel_loop3A_1009 = tpu.vector_load %arg4[%parallel_loop3A_1005, %parallel_loop3A_1006, %parallel_loop3A_1007, %parallel_loop3A_1008] {strides = array<i32>} : memref<7x1x8x128xi32, #tpu.memory_space<vmem>>, vector<16xi32>,
      %parallel_loop3A_1010 = arith.constant 1 : i32
      %parallel_loop3A_1011 = arith.addi %mul3A_13, %parallel_loop3A_1010 : i32
      %parallel_loop3A_1012 = vector.broadcast %parallel_loop3A_1011 : i32 to vector<16xi32>
      %parallel_loop3A_1013 = arith.subi %parallel_loop3A_1009, %parallel_loop3A_1012 : vector<16xi32>
      %parallel_loop3A_1014 = vector.broadcast %add3A_11 : i32 to vector<16xi32>
      %parallel_loop3A_1015 = arith.cmpi ult, %parallel_loop3A_1013, %parallel_loop3A_1014 : vector<16xi32>
      %parallel_loop3A_1016 = arith.constant 0 : i32
      %parallel_loop3A_1017 = vector.broadcast %parallel_loop3A_1016 : i32 to vector<16xi32>
      %parallel_loop3A_1018 = arith.maxsi %parallel_loop3A_1013, %parallel_loop3A_1017 : vector<16xi32>
      %parallel_loop3A_1019 = arith.constant 279 : i32
      %parallel_loop3A_1020 = vector.broadcast %parallel_loop3A_1019 : i32 to vector<16xi32>
      %parallel_loop3A_1021 = arith.minsi %parallel_loop3A_1018, %parallel_loop3A_1020 : vector<16xi32>
      %parallel_loop3A_1022 = arith.constant 3 : i32
      %parallel_loop3A_1023 = vector.broadcast %parallel_loop3A_1022 : i32 to vector<16xi32>
      %parallel_loop3A_1024 = arith.shrsi %parallel_loop3A_1021, %parallel_loop3A_1023 : vector<16xi32>
      %parallel_loop3A_1025 = arith.constant 7 : i32
      %parallel_loop3A_1026 = vector.broadcast %parallel_loop3A_1025 : i32 to vector<16xi32>
      %parallel_loop3A_1027 = arith.andi %parallel_loop3A_1021, %parallel_loop3A_1026 : vector<16xi32>
      tpu.vector_store_idx %arg5[%parallel_loop3A_1024, %parallel_loop3A_1027, %parallel_loop3A_47], %broadcast_in_dim3A_23 masked %parallel_loop3A_1015 {add = true} : memref<35x8x128xf32, #tpu.memory_space<vmem>>[vector<16xi32>, vector<16xi32>, vector<16xi32>], vector<16xf32>, vector<16xi1>
      %parallel_loop3A_1028 = arith.constant 16 : i32
      %parallel_loop3A_1029 = arith.muli %parallel_loop3A_43, %parallel_loop3A_1028 : i32
      %parallel_loop3A_1030 = arith.constant 4 : i32
      %parallel_loop3A_1031 = arith.constant 0 : i32
      %parallel_loop3A_1032 = arith.constant 3 : i32
      %parallel_loop3A_1033 = arith.index_cast %parallel_loop3A_1030 : i32 to index
      %parallel_loop3A_1034 = arith.index_cast %parallel_loop3A_1031 : i32 to index
      %parallel_loop3A_1035 = arith.index_cast %parallel_loop3A_1032 : i32 to index
      %parallel_loop3A_1036 = arith.index_cast %parallel_loop3A_1029 : i32 to index
      %parallel_loop3A_1037 = tpu.vector_load %arg4[%parallel_loop3A_1033, %parallel_loop3A_1034, %parallel_loop3A_1035, %parallel_loop3A_1036] {strides = array<i32>} : memref<7x1x8x128xi32, #tpu.memory_space<vmem>>, vector<16xi32>,
      %parallel_loop3A_1038 = arith.constant 1 : i32
      %parallel_loop3A_1039 = arith.addi %mul3A_13, %parallel_loop3A_1038 : i32
      %parallel_loop3A_1040 = vector.broadcast %parallel_loop3A_1039 : i32 to vector<16xi32>
      %parallel_loop3A_1041 = arith.subi %parallel_loop3A_1037, %parallel_loop3A_1040 : vector<16xi32>
      %parallel_loop3A_1042 = vector.broadcast %add3A_11 : i32 to vector<16xi32>
      %parallel_loop3A_1043 = arith.cmpi ult, %parallel_loop3A_1041, %parallel_loop3A_1042 : vector<16xi32>
      %parallel_loop3A_1044 = arith.constant 0 : i32
      %parallel_loop3A_1045 = vector.broadcast %parallel_loop3A_1044 : i32 to vector<16xi32>
      %parallel_loop3A_1046 = arith.maxsi %parallel_loop3A_1041, %parallel_loop3A_1045 : vector<16xi32>
      %parallel_loop3A_1047 = arith.constant 279 : i32
      %parallel_loop3A_1048 = vector.broadcast %parallel_loop3A_1047 : i32 to vector<16xi32>
      %parallel_loop3A_1049 = arith.minsi %parallel_loop3A_1046, %parallel_loop3A_1048 : vector<16xi32>
      %parallel_loop3A_1050 = arith.constant 3 : i32
      %parallel_loop3A_1051 = vector.broadcast %parallel_loop3A_1050 : i32 to vector<16xi32>
      %parallel_loop3A_1052 = arith.shrsi %parallel_loop3A_1049, %parallel_loop3A_1051 : vector<16xi32>
      %parallel_loop3A_1053 = arith.constant 7 : i32
      %parallel_loop3A_1054 = vector.broadcast %parallel_loop3A_1053 : i32 to vector<16xi32>
      %parallel_loop3A_1055 = arith.andi %parallel_loop3A_1049, %parallel_loop3A_1054 : vector<16xi32>
      tpu.vector_store_idx %arg5[%parallel_loop3A_1052, %parallel_loop3A_1055, %parallel_loop3A_47], %broadcast_in_dim3A_23 masked %parallel_loop3A_1043 {add = true} : memref<35x8x128xf32, #tpu.memory_space<vmem>>[vector<16xi32>, vector<16xi32>, vector<16xi32>], vector<16xf32>, vector<16xi1>
      %parallel_loop3A_1056 = arith.constant 16 : i32
      %parallel_loop3A_1057 = arith.muli %parallel_loop3A_43, %parallel_loop3A_1056 : i32
      %parallel_loop3A_1058 = arith.constant 4 : i32
      %parallel_loop3A_1059 = arith.constant 0 : i32
      %parallel_loop3A_1060 = arith.constant 4 : i32
      %parallel_loop3A_1061 = arith.index_cast %parallel_loop3A_1058 : i32 to index
      %parallel_loop3A_1062 = arith.index_cast %parallel_loop3A_1059 : i32 to index
      %parallel_loop3A_1063 = arith.index_cast %parallel_loop3A_1060 : i32 to index
      %parallel_loop3A_1064 = arith.index_cast %parallel_loop3A_1057 : i32 to index
      %parallel_loop3A_1065 = tpu.vector_load %arg4[%parallel_loop3A_1061, %parallel_loop3A_1062, %parallel_loop3A_1063, %parallel_loop3A_1064] {strides = array<i32>} : memref<7x1x8x128xi32, #tpu.memory_space<vmem>>, vector<16xi32>,
      %parallel_loop3A_1066 = arith.constant 1 : i32
      %parallel_loop3A_1067 = arith.addi %mul3A_13, %parallel_loop3A_1066 : i32
      %parallel_loop3A_1068 = vector.broadcast %parallel_loop3A_1067 : i32 to vector<16xi32>
      %parallel_loop3A_1069 = arith.subi %parallel_loop3A_1065, %parallel_loop3A_1068 : vector<16xi32>
      %parallel_loop3A_1070 = vector.broadcast %add3A_11 : i32 to vector<16xi32>
      %parallel_loop3A_1071 = arith.cmpi ult, %parallel_loop3A_1069, %parallel_loop3A_1070 : vector<16xi32>
      %parallel_loop3A_1072 = arith.constant 0 : i32
      %parallel_loop3A_1073 = vector.broadcast %parallel_loop3A_1072 : i32 to vector<16xi32>
      %parallel_loop3A_1074 = arith.maxsi %parallel_loop3A_1069, %parallel_loop3A_1073 : vector<16xi32>
      %parallel_loop3A_1075 = arith.constant 279 : i32
      %parallel_loop3A_1076 = vector.broadcast %parallel_loop3A_1075 : i32 to vector<16xi32>
      %parallel_loop3A_1077 = arith.minsi %parallel_loop3A_1074, %parallel_loop3A_1076 : vector<16xi32>
      %parallel_loop3A_1078 = arith.constant 3 : i32
      %parallel_loop3A_1079 = vector.broadcast %parallel_loop3A_1078 : i32 to vector<16xi32>
      %parallel_loop3A_1080 = arith.shrsi %parallel_loop3A_1077, %parallel_loop3A_1079 : vector<16xi32>
      %parallel_loop3A_1081 = arith.constant 7 : i32
      %parallel_loop3A_1082 = vector.broadcast %parallel_loop3A_1081 : i32 to vector<16xi32>
      %parallel_loop3A_1083 = arith.andi %parallel_loop3A_1077, %parallel_loop3A_1082 : vector<16xi32>
      tpu.vector_store_idx %arg5[%parallel_loop3A_1080, %parallel_loop3A_1083, %parallel_loop3A_47], %broadcast_in_dim3A_23 masked %parallel_loop3A_1071 {add = true} : memref<35x8x128xf32, #tpu.memory_space<vmem>>[vector<16xi32>, vector<16xi32>, vector<16xi32>], vector<16xf32>, vector<16xi1>
      %parallel_loop3A_1084 = arith.constant 16 : i32
      %parallel_loop3A_1085 = arith.muli %parallel_loop3A_43, %parallel_loop3A_1084 : i32
      %parallel_loop3A_1086 = arith.constant 4 : i32
      %parallel_loop3A_1087 = arith.constant 0 : i32
      %parallel_loop3A_1088 = arith.constant 5 : i32
      %parallel_loop3A_1089 = arith.index_cast %parallel_loop3A_1086 : i32 to index
      %parallel_loop3A_1090 = arith.index_cast %parallel_loop3A_1087 : i32 to index
      %parallel_loop3A_1091 = arith.index_cast %parallel_loop3A_1088 : i32 to index
      %parallel_loop3A_1092 = arith.index_cast %parallel_loop3A_1085 : i32 to index
      %parallel_loop3A_1093 = tpu.vector_load %arg4[%parallel_loop3A_1089, %parallel_loop3A_1090, %parallel_loop3A_1091, %parallel_loop3A_1092] {strides = array<i32>} : memref<7x1x8x128xi32, #tpu.memory_space<vmem>>, vector<16xi32>,
      %parallel_loop3A_1094 = arith.constant 1 : i32
      %parallel_loop3A_1095 = arith.addi %mul3A_13, %parallel_loop3A_1094 : i32
      %parallel_loop3A_1096 = vector.broadcast %parallel_loop3A_1095 : i32 to vector<16xi32>
      %parallel_loop3A_1097 = arith.subi %parallel_loop3A_1093, %parallel_loop3A_1096 : vector<16xi32>
      %parallel_loop3A_1098 = vector.broadcast %add3A_11 : i32 to vector<16xi32>
      %parallel_loop3A_1099 = arith.cmpi ult, %parallel_loop3A_1097, %parallel_loop3A_1098 : vector<16xi32>
      %parallel_loop3A_1100 = arith.constant 0 : i32
      %parallel_loop3A_1101 = vector.broadcast %parallel_loop3A_1100 : i32 to vector<16xi32>
      %parallel_loop3A_1102 = arith.maxsi %parallel_loop3A_1097, %parallel_loop3A_1101 : vector<16xi32>
      %parallel_loop3A_1103 = arith.constant 279 : i32
      %parallel_loop3A_1104 = vector.broadcast %parallel_loop3A_1103 : i32 to vector<16xi32>
      %parallel_loop3A_1105 = arith.minsi %parallel_loop3A_1102, %parallel_loop3A_1104 : vector<16xi32>
      %parallel_loop3A_1106 = arith.constant 3 : i32
      %parallel_loop3A_1107 = vector.broadcast %parallel_loop3A_1106 : i32 to vector<16xi32>
      %parallel_loop3A_1108 = arith.shrsi %parallel_loop3A_1105, %parallel_loop3A_1107 : vector<16xi32>
      %parallel_loop3A_1109 = arith.constant 7 : i32
      %parallel_loop3A_1110 = vector.broadcast %parallel_loop3A_1109 : i32 to vector<16xi32>
      %parallel_loop3A_1111 = arith.andi %parallel_loop3A_1105, %parallel_loop3A_1110 : vector<16xi32>
      tpu.vector_store_idx %arg5[%parallel_loop3A_1108, %parallel_loop3A_1111, %parallel_loop3A_47], %broadcast_in_dim3A_23 masked %parallel_loop3A_1099 {add = true} : memref<35x8x128xf32, #tpu.memory_space<vmem>>[vector<16xi32>, vector<16xi32>, vector<16xi32>], vector<16xf32>, vector<16xi1>
      %parallel_loop3A_1112 = arith.constant 16 : i32
      %parallel_loop3A_1113 = arith.muli %parallel_loop3A_43, %parallel_loop3A_1112 : i32
      %parallel_loop3A_1114 = arith.constant 4 : i32
      %parallel_loop3A_1115 = arith.constant 0 : i32
      %parallel_loop3A_1116 = arith.constant 6 : i32
      %parallel_loop3A_1117 = arith.index_cast %parallel_loop3A_1114 : i32 to index
      %parallel_loop3A_1118 = arith.index_cast %parallel_loop3A_1115 : i32 to index
      %parallel_loop3A_1119 = arith.index_cast %parallel_loop3A_1116 : i32 to index
      %parallel_loop3A_1120 = arith.index_cast %parallel_loop3A_1113 : i32 to index
      %parallel_loop3A_1121 = tpu.vector_load %arg4[%parallel_loop3A_1117, %parallel_loop3A_1118, %parallel_loop3A_1119, %parallel_loop3A_1120] {strides = array<i32>} : memref<7x1x8x128xi32, #tpu.memory_space<vmem>>, vector<16xi32>,
      %parallel_loop3A_1122 = arith.constant 1 : i32
      %parallel_loop3A_1123 = arith.addi %mul3A_13, %parallel_loop3A_1122 : i32
      %parallel_loop3A_1124 = vector.broadcast %parallel_loop3A_1123 : i32 to vector<16xi32>
      %parallel_loop3A_1125 = arith.subi %parallel_loop3A_1121, %parallel_loop3A_1124 : vector<16xi32>
      %parallel_loop3A_1126 = vector.broadcast %add3A_11 : i32 to vector<16xi32>
      %parallel_loop3A_1127 = arith.cmpi ult, %parallel_loop3A_1125, %parallel_loop3A_1126 : vector<16xi32>
      %parallel_loop3A_1128 = arith.constant 0 : i32
      %parallel_loop3A_1129 = vector.broadcast %parallel_loop3A_1128 : i32 to vector<16xi32>
      %parallel_loop3A_1130 = arith.maxsi %parallel_loop3A_1125, %parallel_loop3A_1129 : vector<16xi32>
      %parallel_loop3A_1131 = arith.constant 279 : i32
      %parallel_loop3A_1132 = vector.broadcast %parallel_loop3A_1131 : i32 to vector<16xi32>
      %parallel_loop3A_1133 = arith.minsi %parallel_loop3A_1130, %parallel_loop3A_1132 : vector<16xi32>
      %parallel_loop3A_1134 = arith.constant 3 : i32
      %parallel_loop3A_1135 = vector.broadcast %parallel_loop3A_1134 : i32 to vector<16xi32>
      %parallel_loop3A_1136 = arith.shrsi %parallel_loop3A_1133, %parallel_loop3A_1135 : vector<16xi32>
      %parallel_loop3A_1137 = arith.constant 7 : i32
      %parallel_loop3A_1138 = vector.broadcast %parallel_loop3A_1137 : i32 to vector<16xi32>
      %parallel_loop3A_1139 = arith.andi %parallel_loop3A_1133, %parallel_loop3A_1138 : vector<16xi32>
      tpu.vector_store_idx %arg5[%parallel_loop3A_1136, %parallel_loop3A_1139, %parallel_loop3A_47], %broadcast_in_dim3A_23 masked %parallel_loop3A_1127 {add = true} : memref<35x8x128xf32, #tpu.memory_space<vmem>>[vector<16xi32>, vector<16xi32>, vector<16xi32>], vector<16xf32>, vector<16xi1>
      %parallel_loop3A_1140 = arith.constant 16 : i32
      %parallel_loop3A_1141 = arith.muli %parallel_loop3A_43, %parallel_loop3A_1140 : i32
      %parallel_loop3A_1142 = arith.constant 4 : i32
      %parallel_loop3A_1143 = arith.constant 0 : i32
      %parallel_loop3A_1144 = arith.constant 7 : i32
      %parallel_loop3A_1145 = arith.index_cast %parallel_loop3A_1142 : i32 to index
      %parallel_loop3A_1146 = arith.index_cast %parallel_loop3A_1143 : i32 to index
      %parallel_loop3A_1147 = arith.index_cast %parallel_loop3A_1144 : i32 to index
      %parallel_loop3A_1148 = arith.index_cast %parallel_loop3A_1141 : i32 to index
      %parallel_loop3A_1149 = tpu.vector_load %arg4[%parallel_loop3A_1145, %parallel_loop3A_1146, %parallel_loop3A_1147, %parallel_loop3A_1148] {strides = array<i32>} : memref<7x1x8x128xi32, #tpu.memory_space<vmem>>, vector<16xi32>,
      %parallel_loop3A_1150 = arith.constant 1 : i32
      %parallel_loop3A_1151 = arith.addi %mul3A_13, %parallel_loop3A_1150 : i32
      %parallel_loop3A_1152 = vector.broadcast %parallel_loop3A_1151 : i32 to vector<16xi32>
      %parallel_loop3A_1153 = arith.subi %parallel_loop3A_1149, %parallel_loop3A_1152 : vector<16xi32>
      %parallel_loop3A_1154 = vector.broadcast %add3A_11 : i32 to vector<16xi32>
      %parallel_loop3A_1155 = arith.cmpi ult, %parallel_loop3A_1153, %parallel_loop3A_1154 : vector<16xi32>
      %parallel_loop3A_1156 = arith.constant 0 : i32
      %parallel_loop3A_1157 = vector.broadcast %parallel_loop3A_1156 : i32 to vector<16xi32>
      %parallel_loop3A_1158 = arith.maxsi %parallel_loop3A_1153, %parallel_loop3A_1157 : vector<16xi32>
      %parallel_loop3A_1159 = arith.constant 279 : i32
      %parallel_loop3A_1160 = vector.broadcast %parallel_loop3A_1159 : i32 to vector<16xi32>
      %parallel_loop3A_1161 = arith.minsi %parallel_loop3A_1158, %parallel_loop3A_1160 : vector<16xi32>
      %parallel_loop3A_1162 = arith.constant 3 : i32
      %parallel_loop3A_1163 = vector.broadcast %parallel_loop3A_1162 : i32 to vector<16xi32>
      %parallel_loop3A_1164 = arith.shrsi %parallel_loop3A_1161, %parallel_loop3A_1163 : vector<16xi32>
      %parallel_loop3A_1165 = arith.constant 7 : i32
      %parallel_loop3A_1166 = vector.broadcast %parallel_loop3A_1165 : i32 to vector<16xi32>
      %parallel_loop3A_1167 = arith.andi %parallel_loop3A_1161, %parallel_loop3A_1166 : vector<16xi32>
      tpu.vector_store_idx %arg5[%parallel_loop3A_1164, %parallel_loop3A_1167, %parallel_loop3A_47], %broadcast_in_dim3A_23 masked %parallel_loop3A_1155 {add = true} : memref<35x8x128xf32, #tpu.memory_space<vmem>>[vector<16xi32>, vector<16xi32>, vector<16xi32>], vector<16xf32>, vector<16xi1>
      %parallel_loop3A_1168 = arith.constant 16 : i32
      %parallel_loop3A_1169 = arith.muli %parallel_loop3A_43, %parallel_loop3A_1168 : i32
      %parallel_loop3A_1170 = arith.constant 5 : i32
      %parallel_loop3A_1171 = arith.constant 0 : i32
      %parallel_loop3A_1172 = arith.constant 0 : i32
      %parallel_loop3A_1173 = arith.index_cast %parallel_loop3A_1170 : i32 to index
      %parallel_loop3A_1174 = arith.index_cast %parallel_loop3A_1171 : i32 to index
      %parallel_loop3A_1175 = arith.index_cast %parallel_loop3A_1172 : i32 to index
      %parallel_loop3A_1176 = arith.index_cast %parallel_loop3A_1169 : i32 to index
      %parallel_loop3A_1177 = tpu.vector_load %arg4[%parallel_loop3A_1173, %parallel_loop3A_1174, %parallel_loop3A_1175, %parallel_loop3A_1176] {strides = array<i32>} : memref<7x1x8x128xi32, #tpu.memory_space<vmem>>, vector<16xi32>,
      %parallel_loop3A_1178 = arith.constant 1 : i32
      %parallel_loop3A_1179 = arith.addi %mul3A_13, %parallel_loop3A_1178 : i32
      %parallel_loop3A_1180 = vector.broadcast %parallel_loop3A_1179 : i32 to vector<16xi32>
      %parallel_loop3A_1181 = arith.subi %parallel_loop3A_1177, %parallel_loop3A_1180 : vector<16xi32>
      %parallel_loop3A_1182 = vector.broadcast %add3A_11 : i32 to vector<16xi32>
      %parallel_loop3A_1183 = arith.cmpi ult, %parallel_loop3A_1181, %parallel_loop3A_1182 : vector<16xi32>
      %parallel_loop3A_1184 = arith.constant 0 : i32
      %parallel_loop3A_1185 = vector.broadcast %parallel_loop3A_1184 : i32 to vector<16xi32>
      %parallel_loop3A_1186 = arith.maxsi %parallel_loop3A_1181, %parallel_loop3A_1185 : vector<16xi32>
      %parallel_loop3A_1187 = arith.constant 279 : i32
      %parallel_loop3A_1188 = vector.broadcast %parallel_loop3A_1187 : i32 to vector<16xi32>
      %parallel_loop3A_1189 = arith.minsi %parallel_loop3A_1186, %parallel_loop3A_1188 : vector<16xi32>
      %parallel_loop3A_1190 = arith.constant 3 : i32
      %parallel_loop3A_1191 = vector.broadcast %parallel_loop3A_1190 : i32 to vector<16xi32>
      %parallel_loop3A_1192 = arith.shrsi %parallel_loop3A_1189, %parallel_loop3A_1191 : vector<16xi32>
      %parallel_loop3A_1193 = arith.constant 7 : i32
      %parallel_loop3A_1194 = vector.broadcast %parallel_loop3A_1193 : i32 to vector<16xi32>
      %parallel_loop3A_1195 = arith.andi %parallel_loop3A_1189, %parallel_loop3A_1194 : vector<16xi32>
      tpu.vector_store_idx %arg5[%parallel_loop3A_1192, %parallel_loop3A_1195, %parallel_loop3A_47], %broadcast_in_dim3A_23 masked %parallel_loop3A_1183 {add = true} : memref<35x8x128xf32, #tpu.memory_space<vmem>>[vector<16xi32>, vector<16xi32>, vector<16xi32>], vector<16xf32>, vector<16xi1>
      %parallel_loop3A_1196 = arith.constant 16 : i32
      %parallel_loop3A_1197 = arith.muli %parallel_loop3A_43, %parallel_loop3A_1196 : i32
      %parallel_loop3A_1198 = arith.constant 5 : i32
      %parallel_loop3A_1199 = arith.constant 0 : i32
      %parallel_loop3A_1200 = arith.constant 1 : i32
      %parallel_loop3A_1201 = arith.index_cast %parallel_loop3A_1198 : i32 to index
      %parallel_loop3A_1202 = arith.index_cast %parallel_loop3A_1199 : i32 to index
      %parallel_loop3A_1203 = arith.index_cast %parallel_loop3A_1200 : i32 to index
      %parallel_loop3A_1204 = arith.index_cast %parallel_loop3A_1197 : i32 to index
      %parallel_loop3A_1205 = tpu.vector_load %arg4[%parallel_loop3A_1201, %parallel_loop3A_1202, %parallel_loop3A_1203, %parallel_loop3A_1204] {strides = array<i32>} : memref<7x1x8x128xi32, #tpu.memory_space<vmem>>, vector<16xi32>,
      %parallel_loop3A_1206 = arith.constant 1 : i32
      %parallel_loop3A_1207 = arith.addi %mul3A_13, %parallel_loop3A_1206 : i32
      %parallel_loop3A_1208 = vector.broadcast %parallel_loop3A_1207 : i32 to vector<16xi32>
      %parallel_loop3A_1209 = arith.subi %parallel_loop3A_1205, %parallel_loop3A_1208 : vector<16xi32>
      %parallel_loop3A_1210 = vector.broadcast %add3A_11 : i32 to vector<16xi32>
      %parallel_loop3A_1211 = arith.cmpi ult, %parallel_loop3A_1209, %parallel_loop3A_1210 : vector<16xi32>
      %parallel_loop3A_1212 = arith.constant 0 : i32
      %parallel_loop3A_1213 = vector.broadcast %parallel_loop3A_1212 : i32 to vector<16xi32>
      %parallel_loop3A_1214 = arith.maxsi %parallel_loop3A_1209, %parallel_loop3A_1213 : vector<16xi32>
      %parallel_loop3A_1215 = arith.constant 279 : i32
      %parallel_loop3A_1216 = vector.broadcast %parallel_loop3A_1215 : i32 to vector<16xi32>
      %parallel_loop3A_1217 = arith.minsi %parallel_loop3A_1214, %parallel_loop3A_1216 : vector<16xi32>
      %parallel_loop3A_1218 = arith.constant 3 : i32
      %parallel_loop3A_1219 = vector.broadcast %parallel_loop3A_1218 : i32 to vector<16xi32>
      %parallel_loop3A_1220 = arith.shrsi %parallel_loop3A_1217, %parallel_loop3A_1219 : vector<16xi32>
      %parallel_loop3A_1221 = arith.constant 7 : i32
      %parallel_loop3A_1222 = vector.broadcast %parallel_loop3A_1221 : i32 to vector<16xi32>
      %parallel_loop3A_1223 = arith.andi %parallel_loop3A_1217, %parallel_loop3A_1222 : vector<16xi32>
      tpu.vector_store_idx %arg5[%parallel_loop3A_1220, %parallel_loop3A_1223, %parallel_loop3A_47], %broadcast_in_dim3A_23 masked %parallel_loop3A_1211 {add = true} : memref<35x8x128xf32, #tpu.memory_space<vmem>>[vector<16xi32>, vector<16xi32>, vector<16xi32>], vector<16xf32>, vector<16xi1>
      %parallel_loop3A_1224 = arith.constant 16 : i32
      %parallel_loop3A_1225 = arith.muli %parallel_loop3A_43, %parallel_loop3A_1224 : i32
      %parallel_loop3A_1226 = arith.constant 5 : i32
      %parallel_loop3A_1227 = arith.constant 0 : i32
      %parallel_loop3A_1228 = arith.constant 2 : i32
      %parallel_loop3A_1229 = arith.index_cast %parallel_loop3A_1226 : i32 to index
      %parallel_loop3A_1230 = arith.index_cast %parallel_loop3A_1227 : i32 to index
      %parallel_loop3A_1231 = arith.index_cast %parallel_loop3A_1228 : i32 to index
      %parallel_loop3A_1232 = arith.index_cast %parallel_loop3A_1225 : i32 to index
      %parallel_loop3A_1233 = tpu.vector_load %arg4[%parallel_loop3A_1229, %parallel_loop3A_1230, %parallel_loop3A_1231, %parallel_loop3A_1232] {strides = array<i32>} : memref<7x1x8x128xi32, #tpu.memory_space<vmem>>, vector<16xi32>,
      %parallel_loop3A_1234 = arith.constant 1 : i32
      %parallel_loop3A_1235 = arith.addi %mul3A_13, %parallel_loop3A_1234 : i32
      %parallel_loop3A_1236 = vector.broadcast %parallel_loop3A_1235 : i32 to vector<16xi32>
      %parallel_loop3A_1237 = arith.subi %parallel_loop3A_1233, %parallel_loop3A_1236 : vector<16xi32>
      %parallel_loop3A_1238 = vector.broadcast %add3A_11 : i32 to vector<16xi32>
      %parallel_loop3A_1239 = arith.cmpi ult, %parallel_loop3A_1237, %parallel_loop3A_1238 : vector<16xi32>
      %parallel_loop3A_1240 = arith.constant 0 : i32
      %parallel_loop3A_1241 = vector.broadcast %parallel_loop3A_1240 : i32 to vector<16xi32>
      %parallel_loop3A_1242 = arith.maxsi %parallel_loop3A_1237, %parallel_loop3A_1241 : vector<16xi32>
      %parallel_loop3A_1243 = arith.constant 279 : i32
      %parallel_loop3A_1244 = vector.broadcast %parallel_loop3A_1243 : i32 to vector<16xi32>
      %parallel_loop3A_1245 = arith.minsi %parallel_loop3A_1242, %parallel_loop3A_1244 : vector<16xi32>
      %parallel_loop3A_1246 = arith.constant 3 : i32
      %parallel_loop3A_1247 = vector.broadcast %parallel_loop3A_1246 : i32 to vector<16xi32>
      %parallel_loop3A_1248 = arith.shrsi %parallel_loop3A_1245, %parallel_loop3A_1247 : vector<16xi32>
      %parallel_loop3A_1249 = arith.constant 7 : i32
      %parallel_loop3A_1250 = vector.broadcast %parallel_loop3A_1249 : i32 to vector<16xi32>
      %parallel_loop3A_1251 = arith.andi %parallel_loop3A_1245, %parallel_loop3A_1250 : vector<16xi32>
      tpu.vector_store_idx %arg5[%parallel_loop3A_1248, %parallel_loop3A_1251, %parallel_loop3A_47], %broadcast_in_dim3A_23 masked %parallel_loop3A_1239 {add = true} : memref<35x8x128xf32, #tpu.memory_space<vmem>>[vector<16xi32>, vector<16xi32>, vector<16xi32>], vector<16xf32>, vector<16xi1>
      %parallel_loop3A_1252 = arith.constant 16 : i32
      %parallel_loop3A_1253 = arith.muli %parallel_loop3A_43, %parallel_loop3A_1252 : i32
      %parallel_loop3A_1254 = arith.constant 5 : i32
      %parallel_loop3A_1255 = arith.constant 0 : i32
      %parallel_loop3A_1256 = arith.constant 3 : i32
      %parallel_loop3A_1257 = arith.index_cast %parallel_loop3A_1254 : i32 to index
      %parallel_loop3A_1258 = arith.index_cast %parallel_loop3A_1255 : i32 to index
      %parallel_loop3A_1259 = arith.index_cast %parallel_loop3A_1256 : i32 to index
      %parallel_loop3A_1260 = arith.index_cast %parallel_loop3A_1253 : i32 to index
      %parallel_loop3A_1261 = tpu.vector_load %arg4[%parallel_loop3A_1257, %parallel_loop3A_1258, %parallel_loop3A_1259, %parallel_loop3A_1260] {strides = array<i32>} : memref<7x1x8x128xi32, #tpu.memory_space<vmem>>, vector<16xi32>,
      %parallel_loop3A_1262 = arith.constant 1 : i32
      %parallel_loop3A_1263 = arith.addi %mul3A_13, %parallel_loop3A_1262 : i32
      %parallel_loop3A_1264 = vector.broadcast %parallel_loop3A_1263 : i32 to vector<16xi32>
      %parallel_loop3A_1265 = arith.subi %parallel_loop3A_1261, %parallel_loop3A_1264 : vector<16xi32>
      %parallel_loop3A_1266 = vector.broadcast %add3A_11 : i32 to vector<16xi32>
      %parallel_loop3A_1267 = arith.cmpi ult, %parallel_loop3A_1265, %parallel_loop3A_1266 : vector<16xi32>
      %parallel_loop3A_1268 = arith.constant 0 : i32
      %parallel_loop3A_1269 = vector.broadcast %parallel_loop3A_1268 : i32 to vector<16xi32>
      %parallel_loop3A_1270 = arith.maxsi %parallel_loop3A_1265, %parallel_loop3A_1269 : vector<16xi32>
      %parallel_loop3A_1271 = arith.constant 279 : i32
      %parallel_loop3A_1272 = vector.broadcast %parallel_loop3A_1271 : i32 to vector<16xi32>
      %parallel_loop3A_1273 = arith.minsi %parallel_loop3A_1270, %parallel_loop3A_1272 : vector<16xi32>
      %parallel_loop3A_1274 = arith.constant 3 : i32
      %parallel_loop3A_1275 = vector.broadcast %parallel_loop3A_1274 : i32 to vector<16xi32>
      %parallel_loop3A_1276 = arith.shrsi %parallel_loop3A_1273, %parallel_loop3A_1275 : vector<16xi32>
      %parallel_loop3A_1277 = arith.constant 7 : i32
      %parallel_loop3A_1278 = vector.broadcast %parallel_loop3A_1277 : i32 to vector<16xi32>
      %parallel_loop3A_1279 = arith.andi %parallel_loop3A_1273, %parallel_loop3A_1278 : vector<16xi32>
      tpu.vector_store_idx %arg5[%parallel_loop3A_1276, %parallel_loop3A_1279, %parallel_loop3A_47], %broadcast_in_dim3A_23 masked %parallel_loop3A_1267 {add = true} : memref<35x8x128xf32, #tpu.memory_space<vmem>>[vector<16xi32>, vector<16xi32>, vector<16xi32>], vector<16xf32>, vector<16xi1>
      %parallel_loop3A_1280 = arith.constant 16 : i32
      %parallel_loop3A_1281 = arith.muli %parallel_loop3A_43, %parallel_loop3A_1280 : i32
      %parallel_loop3A_1282 = arith.constant 5 : i32
      %parallel_loop3A_1283 = arith.constant 0 : i32
      %parallel_loop3A_1284 = arith.constant 4 : i32
      %parallel_loop3A_1285 = arith.index_cast %parallel_loop3A_1282 : i32 to index
      %parallel_loop3A_1286 = arith.index_cast %parallel_loop3A_1283 : i32 to index
      %parallel_loop3A_1287 = arith.index_cast %parallel_loop3A_1284 : i32 to index
      %parallel_loop3A_1288 = arith.index_cast %parallel_loop3A_1281 : i32 to index
      %parallel_loop3A_1289 = tpu.vector_load %arg4[%parallel_loop3A_1285, %parallel_loop3A_1286, %parallel_loop3A_1287, %parallel_loop3A_1288] {strides = array<i32>} : memref<7x1x8x128xi32, #tpu.memory_space<vmem>>, vector<16xi32>,
      %parallel_loop3A_1290 = arith.constant 1 : i32
      %parallel_loop3A_1291 = arith.addi %mul3A_13, %parallel_loop3A_1290 : i32
      %parallel_loop3A_1292 = vector.broadcast %parallel_loop3A_1291 : i32 to vector<16xi32>
      %parallel_loop3A_1293 = arith.subi %parallel_loop3A_1289, %parallel_loop3A_1292 : vector<16xi32>
      %parallel_loop3A_1294 = vector.broadcast %add3A_11 : i32 to vector<16xi32>
      %parallel_loop3A_1295 = arith.cmpi ult, %parallel_loop3A_1293, %parallel_loop3A_1294 : vector<16xi32>
      %parallel_loop3A_1296 = arith.constant 0 : i32
      %parallel_loop3A_1297 = vector.broadcast %parallel_loop3A_1296 : i32 to vector<16xi32>
      %parallel_loop3A_1298 = arith.maxsi %parallel_loop3A_1293, %parallel_loop3A_1297 : vector<16xi32>
      %parallel_loop3A_1299 = arith.constant 279 : i32
      %parallel_loop3A_1300 = vector.broadcast %parallel_loop3A_1299 : i32 to vector<16xi32>
      %parallel_loop3A_1301 = arith.minsi %parallel_loop3A_1298, %parallel_loop3A_1300 : vector<16xi32>
      %parallel_loop3A_1302 = arith.constant 3 : i32
      %parallel_loop3A_1303 = vector.broadcast %parallel_loop3A_1302 : i32 to vector<16xi32>
      %parallel_loop3A_1304 = arith.shrsi %parallel_loop3A_1301, %parallel_loop3A_1303 : vector<16xi32>
      %parallel_loop3A_1305 = arith.constant 7 : i32
      %parallel_loop3A_1306 = vector.broadcast %parallel_loop3A_1305 : i32 to vector<16xi32>
      %parallel_loop3A_1307 = arith.andi %parallel_loop3A_1301, %parallel_loop3A_1306 : vector<16xi32>
      tpu.vector_store_idx %arg5[%parallel_loop3A_1304, %parallel_loop3A_1307, %parallel_loop3A_47], %broadcast_in_dim3A_23 masked %parallel_loop3A_1295 {add = true} : memref<35x8x128xf32, #tpu.memory_space<vmem>>[vector<16xi32>, vector<16xi32>, vector<16xi32>], vector<16xf32>, vector<16xi1>
      %parallel_loop3A_1308 = arith.constant 16 : i32
      %parallel_loop3A_1309 = arith.muli %parallel_loop3A_43, %parallel_loop3A_1308 : i32
      %parallel_loop3A_1310 = arith.constant 5 : i32
      %parallel_loop3A_1311 = arith.constant 0 : i32
      %parallel_loop3A_1312 = arith.constant 5 : i32
      %parallel_loop3A_1313 = arith.index_cast %parallel_loop3A_1310 : i32 to index
      %parallel_loop3A_1314 = arith.index_cast %parallel_loop3A_1311 : i32 to index
      %parallel_loop3A_1315 = arith.index_cast %parallel_loop3A_1312 : i32 to index
      %parallel_loop3A_1316 = arith.index_cast %parallel_loop3A_1309 : i32 to index
      %parallel_loop3A_1317 = tpu.vector_load %arg4[%parallel_loop3A_1313, %parallel_loop3A_1314, %parallel_loop3A_1315, %parallel_loop3A_1316] {strides = array<i32>} : memref<7x1x8x128xi32, #tpu.memory_space<vmem>>, vector<16xi32>,
      %parallel_loop3A_1318 = arith.constant 1 : i32
      %parallel_loop3A_1319 = arith.addi %mul3A_13, %parallel_loop3A_1318 : i32
      %parallel_loop3A_1320 = vector.broadcast %parallel_loop3A_1319 : i32 to vector<16xi32>
      %parallel_loop3A_1321 = arith.subi %parallel_loop3A_1317, %parallel_loop3A_1320 : vector<16xi32>
      %parallel_loop3A_1322 = vector.broadcast %add3A_11 : i32 to vector<16xi32>
      %parallel_loop3A_1323 = arith.cmpi ult, %parallel_loop3A_1321, %parallel_loop3A_1322 : vector<16xi32>
      %parallel_loop3A_1324 = arith.constant 0 : i32
      %parallel_loop3A_1325 = vector.broadcast %parallel_loop3A_1324 : i32 to vector<16xi32>
      %parallel_loop3A_1326 = arith.maxsi %parallel_loop3A_1321, %parallel_loop3A_1325 : vector<16xi32>
      %parallel_loop3A_1327 = arith.constant 279 : i32
      %parallel_loop3A_1328 = vector.broadcast %parallel_loop3A_1327 : i32 to vector<16xi32>
      %parallel_loop3A_1329 = arith.minsi %parallel_loop3A_1326, %parallel_loop3A_1328 : vector<16xi32>
      %parallel_loop3A_1330 = arith.constant 3 : i32
      %parallel_loop3A_1331 = vector.broadcast %parallel_loop3A_1330 : i32 to vector<16xi32>
      %parallel_loop3A_1332 = arith.shrsi %parallel_loop3A_1329, %parallel_loop3A_1331 : vector<16xi32>
      %parallel_loop3A_1333 = arith.constant 7 : i32
      %parallel_loop3A_1334 = vector.broadcast %parallel_loop3A_1333 : i32 to vector<16xi32>
      %parallel_loop3A_1335 = arith.andi %parallel_loop3A_1329, %parallel_loop3A_1334 : vector<16xi32>
      tpu.vector_store_idx %arg5[%parallel_loop3A_1332, %parallel_loop3A_1335, %parallel_loop3A_47], %broadcast_in_dim3A_23 masked %parallel_loop3A_1323 {add = true} : memref<35x8x128xf32, #tpu.memory_space<vmem>>[vector<16xi32>, vector<16xi32>, vector<16xi32>], vector<16xf32>, vector<16xi1>
      %parallel_loop3A_1336 = arith.constant 16 : i32
      %parallel_loop3A_1337 = arith.muli %parallel_loop3A_43, %parallel_loop3A_1336 : i32
      %parallel_loop3A_1338 = arith.constant 5 : i32
      %parallel_loop3A_1339 = arith.constant 0 : i32
      %parallel_loop3A_1340 = arith.constant 6 : i32
      %parallel_loop3A_1341 = arith.index_cast %parallel_loop3A_1338 : i32 to index
      %parallel_loop3A_1342 = arith.index_cast %parallel_loop3A_1339 : i32 to index
      %parallel_loop3A_1343 = arith.index_cast %parallel_loop3A_1340 : i32 to index
      %parallel_loop3A_1344 = arith.index_cast %parallel_loop3A_1337 : i32 to index
      %parallel_loop3A_1345 = tpu.vector_load %arg4[%parallel_loop3A_1341, %parallel_loop3A_1342, %parallel_loop3A_1343, %parallel_loop3A_1344] {strides = array<i32>} : memref<7x1x8x128xi32, #tpu.memory_space<vmem>>, vector<16xi32>,
      %parallel_loop3A_1346 = arith.constant 1 : i32
      %parallel_loop3A_1347 = arith.addi %mul3A_13, %parallel_loop3A_1346 : i32
      %parallel_loop3A_1348 = vector.broadcast %parallel_loop3A_1347 : i32 to vector<16xi32>
      %parallel_loop3A_1349 = arith.subi %parallel_loop3A_1345, %parallel_loop3A_1348 : vector<16xi32>
      %parallel_loop3A_1350 = vector.broadcast %add3A_11 : i32 to vector<16xi32>
      %parallel_loop3A_1351 = arith.cmpi ult, %parallel_loop3A_1349, %parallel_loop3A_1350 : vector<16xi32>
      %parallel_loop3A_1352 = arith.constant 0 : i32
      %parallel_loop3A_1353 = vector.broadcast %parallel_loop3A_1352 : i32 to vector<16xi32>
      %parallel_loop3A_1354 = arith.maxsi %parallel_loop3A_1349, %parallel_loop3A_1353 : vector<16xi32>
      %parallel_loop3A_1355 = arith.constant 279 : i32
      %parallel_loop3A_1356 = vector.broadcast %parallel_loop3A_1355 : i32 to vector<16xi32>
      %parallel_loop3A_1357 = arith.minsi %parallel_loop3A_1354, %parallel_loop3A_1356 : vector<16xi32>
      %parallel_loop3A_1358 = arith.constant 3 : i32
      %parallel_loop3A_1359 = vector.broadcast %parallel_loop3A_1358 : i32 to vector<16xi32>
      %parallel_loop3A_1360 = arith.shrsi %parallel_loop3A_1357, %parallel_loop3A_1359 : vector<16xi32>
      %parallel_loop3A_1361 = arith.constant 7 : i32
      %parallel_loop3A_1362 = vector.broadcast %parallel_loop3A_1361 : i32 to vector<16xi32>
      %parallel_loop3A_1363 = arith.andi %parallel_loop3A_1357, %parallel_loop3A_1362 : vector<16xi32>
      tpu.vector_store_idx %arg5[%parallel_loop3A_1360, %parallel_loop3A_1363, %parallel_loop3A_47], %broadcast_in_dim3A_23 masked %parallel_loop3A_1351 {add = true} : memref<35x8x128xf32, #tpu.memory_space<vmem>>[vector<16xi32>, vector<16xi32>, vector<16xi32>], vector<16xf32>, vector<16xi1>
      %parallel_loop3A_1364 = arith.constant 16 : i32
      %parallel_loop3A_1365 = arith.muli %parallel_loop3A_43, %parallel_loop3A_1364 : i32
      %parallel_loop3A_1366 = arith.constant 5 : i32
      %parallel_loop3A_1367 = arith.constant 0 : i32
      %parallel_loop3A_1368 = arith.constant 7 : i32
      %parallel_loop3A_1369 = arith.index_cast %parallel_loop3A_1366 : i32 to index
      %parallel_loop3A_1370 = arith.index_cast %parallel_loop3A_1367 : i32 to index
      %parallel_loop3A_1371 = arith.index_cast %parallel_loop3A_1368 : i32 to index
      %parallel_loop3A_1372 = arith.index_cast %parallel_loop3A_1365 : i32 to index
      %parallel_loop3A_1373 = tpu.vector_load %arg4[%parallel_loop3A_1369, %parallel_loop3A_1370, %parallel_loop3A_1371, %parallel_loop3A_1372] {strides = array<i32>} : memref<7x1x8x128xi32, #tpu.memory_space<vmem>>, vector<16xi32>,
      %parallel_loop3A_1374 = arith.constant 1 : i32
      %parallel_loop3A_1375 = arith.addi %mul3A_13, %parallel_loop3A_1374 : i32
      %parallel_loop3A_1376 = vector.broadcast %parallel_loop3A_1375 : i32 to vector<16xi32>
      %parallel_loop3A_1377 = arith.subi %parallel_loop3A_1373, %parallel_loop3A_1376 : vector<16xi32>
      %parallel_loop3A_1378 = vector.broadcast %add3A_11 : i32 to vector<16xi32>
      %parallel_loop3A_1379 = arith.cmpi ult, %parallel_loop3A_1377, %parallel_loop3A_1378 : vector<16xi32>
      %parallel_loop3A_1380 = arith.constant 0 : i32
      %parallel_loop3A_1381 = vector.broadcast %parallel_loop3A_1380 : i32 to vector<16xi32>
      %parallel_loop3A_1382 = arith.maxsi %parallel_loop3A_1377, %parallel_loop3A_1381 : vector<16xi32>
      %parallel_loop3A_1383 = arith.constant 279 : i32
      %parallel_loop3A_1384 = vector.broadcast %parallel_loop3A_1383 : i32 to vector<16xi32>
      %parallel_loop3A_1385 = arith.minsi %parallel_loop3A_1382, %parallel_loop3A_1384 : vector<16xi32>
      %parallel_loop3A_1386 = arith.constant 3 : i32
      %parallel_loop3A_1387 = vector.broadcast %parallel_loop3A_1386 : i32 to vector<16xi32>
      %parallel_loop3A_1388 = arith.shrsi %parallel_loop3A_1385, %parallel_loop3A_1387 : vector<16xi32>
      %parallel_loop3A_1389 = arith.constant 7 : i32
      %parallel_loop3A_1390 = vector.broadcast %parallel_loop3A_1389 : i32 to vector<16xi32>
      %parallel_loop3A_1391 = arith.andi %parallel_loop3A_1385, %parallel_loop3A_1390 : vector<16xi32>
      tpu.vector_store_idx %arg5[%parallel_loop3A_1388, %parallel_loop3A_1391, %parallel_loop3A_47], %broadcast_in_dim3A_23 masked %parallel_loop3A_1379 {add = true} : memref<35x8x128xf32, #tpu.memory_space<vmem>>[vector<16xi32>, vector<16xi32>, vector<16xi32>], vector<16xf32>, vector<16xi1>
      %parallel_loop3A_1392 = arith.constant 16 : i32
      %parallel_loop3A_1393 = arith.muli %parallel_loop3A_43, %parallel_loop3A_1392 : i32
      %parallel_loop3A_1394 = arith.constant 6 : i32
      %parallel_loop3A_1395 = arith.constant 0 : i32
      %parallel_loop3A_1396 = arith.constant 0 : i32
      %parallel_loop3A_1397 = arith.index_cast %parallel_loop3A_1394 : i32 to index
      %parallel_loop3A_1398 = arith.index_cast %parallel_loop3A_1395 : i32 to index
      %parallel_loop3A_1399 = arith.index_cast %parallel_loop3A_1396 : i32 to index
      %parallel_loop3A_1400 = arith.index_cast %parallel_loop3A_1393 : i32 to index
      %parallel_loop3A_1401 = tpu.vector_load %arg4[%parallel_loop3A_1397, %parallel_loop3A_1398, %parallel_loop3A_1399, %parallel_loop3A_1400] {strides = array<i32>} : memref<7x1x8x128xi32, #tpu.memory_space<vmem>>, vector<16xi32>,
      %parallel_loop3A_1402 = arith.constant 1 : i32
      %parallel_loop3A_1403 = arith.addi %mul3A_13, %parallel_loop3A_1402 : i32
      %parallel_loop3A_1404 = vector.broadcast %parallel_loop3A_1403 : i32 to vector<16xi32>
      %parallel_loop3A_1405 = arith.subi %parallel_loop3A_1401, %parallel_loop3A_1404 : vector<16xi32>
      %parallel_loop3A_1406 = vector.broadcast %add3A_11 : i32 to vector<16xi32>
      %parallel_loop3A_1407 = arith.cmpi ult, %parallel_loop3A_1405, %parallel_loop3A_1406 : vector<16xi32>
      %parallel_loop3A_1408 = arith.constant 0 : i32
      %parallel_loop3A_1409 = vector.broadcast %parallel_loop3A_1408 : i32 to vector<16xi32>
      %parallel_loop3A_1410 = arith.maxsi %parallel_loop3A_1405, %parallel_loop3A_1409 : vector<16xi32>
      %parallel_loop3A_1411 = arith.constant 279 : i32
      %parallel_loop3A_1412 = vector.broadcast %parallel_loop3A_1411 : i32 to vector<16xi32>
      %parallel_loop3A_1413 = arith.minsi %parallel_loop3A_1410, %parallel_loop3A_1412 : vector<16xi32>
      %parallel_loop3A_1414 = arith.constant 3 : i32
      %parallel_loop3A_1415 = vector.broadcast %parallel_loop3A_1414 : i32 to vector<16xi32>
      %parallel_loop3A_1416 = arith.shrsi %parallel_loop3A_1413, %parallel_loop3A_1415 : vector<16xi32>
      %parallel_loop3A_1417 = arith.constant 7 : i32
      %parallel_loop3A_1418 = vector.broadcast %parallel_loop3A_1417 : i32 to vector<16xi32>
      %parallel_loop3A_1419 = arith.andi %parallel_loop3A_1413, %parallel_loop3A_1418 : vector<16xi32>
      tpu.vector_store_idx %arg5[%parallel_loop3A_1416, %parallel_loop3A_1419, %parallel_loop3A_47], %broadcast_in_dim3A_23 masked %parallel_loop3A_1407 {add = true} : memref<35x8x128xf32, #tpu.memory_space<vmem>>[vector<16xi32>, vector<16xi32>, vector<16xi32>], vector<16xf32>, vector<16xi1>
      %parallel_loop3A_1420 = arith.constant 16 : i32
      %parallel_loop3A_1421 = arith.muli %parallel_loop3A_43, %parallel_loop3A_1420 : i32
      %parallel_loop3A_1422 = arith.constant 6 : i32
      %parallel_loop3A_1423 = arith.constant 0 : i32
      %parallel_loop3A_1424 = arith.constant 1 : i32
      %parallel_loop3A_1425 = arith.index_cast %parallel_loop3A_1422 : i32 to index
      %parallel_loop3A_1426 = arith.index_cast %parallel_loop3A_1423 : i32 to index
      %parallel_loop3A_1427 = arith.index_cast %parallel_loop3A_1424 : i32 to index
      %parallel_loop3A_1428 = arith.index_cast %parallel_loop3A_1421 : i32 to index
      %parallel_loop3A_1429 = tpu.vector_load %arg4[%parallel_loop3A_1425, %parallel_loop3A_1426, %parallel_loop3A_1427, %parallel_loop3A_1428] {strides = array<i32>} : memref<7x1x8x128xi32, #tpu.memory_space<vmem>>, vector<16xi32>,
      %parallel_loop3A_1430 = arith.constant 1 : i32
      %parallel_loop3A_1431 = arith.addi %mul3A_13, %parallel_loop3A_1430 : i32
      %parallel_loop3A_1432 = vector.broadcast %parallel_loop3A_1431 : i32 to vector<16xi32>
      %parallel_loop3A_1433 = arith.subi %parallel_loop3A_1429, %parallel_loop3A_1432 : vector<16xi32>
      %parallel_loop3A_1434 = vector.broadcast %add3A_11 : i32 to vector<16xi32>
      %parallel_loop3A_1435 = arith.cmpi ult, %parallel_loop3A_1433, %parallel_loop3A_1434 : vector<16xi32>
      %parallel_loop3A_1436 = arith.constant 0 : i32
      %parallel_loop3A_1437 = vector.broadcast %parallel_loop3A_1436 : i32 to vector<16xi32>
      %parallel_loop3A_1438 = arith.maxsi %parallel_loop3A_1433, %parallel_loop3A_1437 : vector<16xi32>
      %parallel_loop3A_1439 = arith.constant 279 : i32
      %parallel_loop3A_1440 = vector.broadcast %parallel_loop3A_1439 : i32 to vector<16xi32>
      %parallel_loop3A_1441 = arith.minsi %parallel_loop3A_1438, %parallel_loop3A_1440 : vector<16xi32>
      %parallel_loop3A_1442 = arith.constant 3 : i32
      %parallel_loop3A_1443 = vector.broadcast %parallel_loop3A_1442 : i32 to vector<16xi32>
      %parallel_loop3A_1444 = arith.shrsi %parallel_loop3A_1441, %parallel_loop3A_1443 : vector<16xi32>
      %parallel_loop3A_1445 = arith.constant 7 : i32
      %parallel_loop3A_1446 = vector.broadcast %parallel_loop3A_1445 : i32 to vector<16xi32>
      %parallel_loop3A_1447 = arith.andi %parallel_loop3A_1441, %parallel_loop3A_1446 : vector<16xi32>
      tpu.vector_store_idx %arg5[%parallel_loop3A_1444, %parallel_loop3A_1447, %parallel_loop3A_47], %broadcast_in_dim3A_23 masked %parallel_loop3A_1435 {add = true} : memref<35x8x128xf32, #tpu.memory_space<vmem>>[vector<16xi32>, vector<16xi32>, vector<16xi32>], vector<16xf32>, vector<16xi1>
    } {sc.loop_unroll_factor = 8 : i64, sc.parallel_access}
    %lt3A_36 = arith.constant 2 : i32
    %lt3A_37 = arith.cmpi slt, %and3A_2, %lt3A_36 : i32
    %convert_element_type3A = arith.extui %lt3A_37 : i1 to i32
    %cond3A = arith.constant 0 : i32
    %cond3A_38 = arith.cmpi ne, %convert_element_type3A, %cond3A : i32
    scf.if %cond3A_38 {
      "tpu.region"() ({
        %run_scoped3A = tpu.sem_alloc : memref<!tpu.dma_semaphore, #tpu.memory_space<semaphore_mem>>
        %dma_start3A_43 = arith.constant 0 : i32
        %dma_start3A_44 = arith.constant 0 : i32
        %dma_start3A_45 = arith.constant 0 : i32
        %dma_start3A_46 = tpu.memref_slice %arg5[%dma_start3A_43, %dma_start3A_44, %dma_start3A_45] : memref<35x8x128xf32, #tpu.memory_space<vmem>> -> memref<35x8x128xf32, #tpu.memory_space<vmem>>
        %dma_start3A_47 = arith.constant 0 : i32
        %dma_start3A_48 = arith.constant 0 : i32
        %dma_start3A_49 = tpu.memref_slice %arg3[%sub3A_7, %shift_right_arithmetic3A_1, %dma_start3A_47, %dma_start3A_48] : memref<138x8x8x128xf32, #tpu.memory_space<hbm>> -> memref<35x1x8x128xf32, #tpu.memory_space<hbm>>
        %dma_start3A_50 = tpu.memref_squeeze %dma_start3A_49 : memref<35x1x8x128xf32, #tpu.memory_space<hbm>> -> memref<35x8x128xf32, #tpu.memory_space<hbm>>
        %dma_start3A_51 = arith.constant 0 : i32
        %dma_start3A_52 = arith.constant 0 : i32
        %dma_start3A_53 = tpu.memref_slice %arg3[%sub3A_7, %shift_right_arithmetic3A_1, %dma_start3A_51, %dma_start3A_52] : memref<138x8x8x128xf32, #tpu.memory_space<hbm>> -> memref<35x1x8x128xf32, #tpu.memory_space<hbm>>
        %dma_start3A_54 = tpu.memref_squeeze %dma_start3A_53 : memref<35x1x8x128xf32, #tpu.memory_space<hbm>> -> memref<35x8x128xf32, #tpu.memory_space<hbm>>
        %dma_start3A_55 = arith.constant 0 : i32
        %dma_start3A_56 = arith.constant 0 : i32
        %dma_start3A_57 = arith.constant 0 : i32
        %dma_start3A_58 = tpu.memref_slice %arg5[%dma_start3A_55, %dma_start3A_56, %dma_start3A_57] : memref<35x8x128xf32, #tpu.memory_space<vmem>> -> memref<35x8x128xf32, #tpu.memory_space<vmem>>
        tpu.enqueue_dma source(%dma_start3A_58 : memref<35x8x128xf32, #tpu.memory_space<vmem>>) target(%dma_start3A_54 : memref<35x8x128xf32, #tpu.memory_space<hbm>>) target_semaphore(%run_scoped3A : memref<!tpu.dma_semaphore, #tpu.memory_space<semaphore_mem>>)
        %dma_wait3A_59 = arith.constant 0 : i32
        %dma_wait3A_60 = arith.constant 0 : i32
        %dma_wait3A_61 = arith.constant 0 : i32
        %dma_wait3A_62 = tpu.memref_slice %arg5[%dma_wait3A_59, %dma_wait3A_60, %dma_wait3A_61] : memref<35x8x128xf32, #tpu.memory_space<vmem>> -> memref<35x8x128xf32, #tpu.memory_space<vmem>>
        %dma_wait3A_63 = arith.constant 0 : i32
        %dma_wait3A_64 = arith.constant 0 : i32
        %dma_wait3A_65 = tpu.memref_slice %arg3[%sub3A_7, %shift_right_arithmetic3A_1, %dma_wait3A_63, %dma_wait3A_64] : memref<138x8x8x128xf32, #tpu.memory_space<hbm>> -> memref<35x1x8x128xf32, #tpu.memory_space<hbm>>
        %dma_wait3A_66 = tpu.memref_squeeze %dma_wait3A_65 : memref<35x1x8x128xf32, #tpu.memory_space<hbm>> -> memref<35x8x128xf32, #tpu.memory_space<hbm>>
        %dma_wait3A_67 = arith.constant 0 : i32
        %dma_wait3A_68 = arith.constant 0 : i32
        %dma_wait3A_69 = tpu.memref_slice %arg3[%sub3A_7, %shift_right_arithmetic3A_1, %dma_wait3A_67, %dma_wait3A_68] : memref<138x8x8x128xf32, #tpu.memory_space<hbm>> -> memref<35x1x8x128xf32, #tpu.memory_space<hbm>>
        %dma_wait3A_70 = tpu.memref_squeeze %dma_wait3A_69 : memref<35x1x8x128xf32, #tpu.memory_space<hbm>> -> memref<35x8x128xf32, #tpu.memory_space<hbm>>
        %dma_wait3A_71 = arith.constant 0 : i32
        %dma_wait3A_72 = arith.constant 0 : i32
        %dma_wait3A_73 = arith.constant 0 : i32
        %dma_wait3A_74 = tpu.memref_slice %arg5[%dma_wait3A_71, %dma_wait3A_72, %dma_wait3A_73] : memref<35x8x128xf32, #tpu.memory_space<vmem>> -> memref<35x8x128xf32, #tpu.memory_space<vmem>>
        tpu.wait_dma2 semaphore(%run_scoped3A : memref<!tpu.dma_semaphore, #tpu.memory_space<semaphore_mem>>) src(%dma_wait3A_74 : memref<35x8x128xf32, #tpu.memory_space<vmem>>) dst(%dma_wait3A_70 : memref<35x8x128xf32, #tpu.memory_space<hbm>>)
        tpu.yield
      }) : () -> ()
    } else {
    }
    %ge3A = arith.constant 2 : i32
    %ge3A_39 = arith.cmpi sge, %and3A_2, %ge3A : i32
    %convert_element_type3A_40 = arith.extui %ge3A_39 : i1 to i32
    %cond3A_41 = arith.constant 0 : i32
    %cond3A_42 = arith.cmpi ne, %convert_element_type3A_40, %cond3A_41 : i32
    scf.if %cond3A_42 {
      "tpu.region"() ({
        %run_scoped3A = tpu.sem_alloc : memref<!tpu.dma_semaphore, #tpu.memory_space<semaphore_mem>>
        %dma_start3A_43 = arith.constant 0 : i32
        %dma_start3A_44 = arith.constant 0 : i32
        %dma_start3A_45 = arith.constant 0 : i32
        %dma_start3A_46 = tpu.memref_slice %arg5[%dma_start3A_43, %dma_start3A_44, %dma_start3A_45] : memref<35x8x128xf32, #tpu.memory_space<vmem>> -> memref<34x8x128xf32, #tpu.memory_space<vmem>>
        %dma_start3A_47 = arith.constant 0 : i32
        %dma_start3A_48 = arith.constant 0 : i32
        %dma_start3A_49 = tpu.memref_slice %arg3[%sub3A_7, %shift_right_arithmetic3A_1, %dma_start3A_47, %dma_start3A_48] : memref<138x8x8x128xf32, #tpu.memory_space<hbm>> -> memref<34x1x8x128xf32, #tpu.memory_space<hbm>>
        %dma_start3A_50 = tpu.memref_squeeze %dma_start3A_49 : memref<34x1x8x128xf32, #tpu.memory_space<hbm>> -> memref<34x8x128xf32, #tpu.memory_space<hbm>>
        %dma_start3A_51 = arith.constant 0 : i32
        %dma_start3A_52 = arith.constant 0 : i32
        %dma_start3A_53 = tpu.memref_slice %arg3[%sub3A_7, %shift_right_arithmetic3A_1, %dma_start3A_51, %dma_start3A_52] : memref<138x8x8x128xf32, #tpu.memory_space<hbm>> -> memref<34x1x8x128xf32, #tpu.memory_space<hbm>>
        %dma_start3A_54 = tpu.memref_squeeze %dma_start3A_53 : memref<34x1x8x128xf32, #tpu.memory_space<hbm>> -> memref<34x8x128xf32, #tpu.memory_space<hbm>>
        %dma_start3A_55 = arith.constant 0 : i32
        %dma_start3A_56 = arith.constant 0 : i32
        %dma_start3A_57 = arith.constant 0 : i32
        %dma_start3A_58 = tpu.memref_slice %arg5[%dma_start3A_55, %dma_start3A_56, %dma_start3A_57] : memref<35x8x128xf32, #tpu.memory_space<vmem>> -> memref<34x8x128xf32, #tpu.memory_space<vmem>>
        tpu.enqueue_dma source(%dma_start3A_58 : memref<34x8x128xf32, #tpu.memory_space<vmem>>) target(%dma_start3A_54 : memref<34x8x128xf32, #tpu.memory_space<hbm>>) target_semaphore(%run_scoped3A : memref<!tpu.dma_semaphore, #tpu.memory_space<semaphore_mem>>)
        %dma_wait3A_59 = arith.constant 0 : i32
        %dma_wait3A_60 = arith.constant 0 : i32
        %dma_wait3A_61 = arith.constant 0 : i32
        %dma_wait3A_62 = tpu.memref_slice %arg5[%dma_wait3A_59, %dma_wait3A_60, %dma_wait3A_61] : memref<35x8x128xf32, #tpu.memory_space<vmem>> -> memref<34x8x128xf32, #tpu.memory_space<vmem>>
        %dma_wait3A_63 = arith.constant 0 : i32
        %dma_wait3A_64 = arith.constant 0 : i32
        %dma_wait3A_65 = tpu.memref_slice %arg3[%sub3A_7, %shift_right_arithmetic3A_1, %dma_wait3A_63, %dma_wait3A_64] : memref<138x8x8x128xf32, #tpu.memory_space<hbm>> -> memref<34x1x8x128xf32, #tpu.memory_space<hbm>>
        %dma_wait3A_66 = tpu.memref_squeeze %dma_wait3A_65 : memref<34x1x8x128xf32, #tpu.memory_space<hbm>> -> memref<34x8x128xf32, #tpu.memory_space<hbm>>
        %dma_wait3A_67 = arith.constant 0 : i32
        %dma_wait3A_68 = arith.constant 0 : i32
        %dma_wait3A_69 = tpu.memref_slice %arg3[%sub3A_7, %shift_right_arithmetic3A_1, %dma_wait3A_67, %dma_wait3A_68] : memref<138x8x8x128xf32, #tpu.memory_space<hbm>> -> memref<34x1x8x128xf32, #tpu.memory_space<hbm>>
        %dma_wait3A_70 = tpu.memref_squeeze %dma_wait3A_69 : memref<34x1x8x128xf32, #tpu.memory_space<hbm>> -> memref<34x8x128xf32, #tpu.memory_space<hbm>>
        %dma_wait3A_71 = arith.constant 0 : i32
        %dma_wait3A_72 = arith.constant 0 : i32
        %dma_wait3A_73 = arith.constant 0 : i32
        %dma_wait3A_74 = tpu.memref_slice %arg5[%dma_wait3A_71, %dma_wait3A_72, %dma_wait3A_73] : memref<35x8x128xf32, #tpu.memory_space<vmem>> -> memref<34x8x128xf32, #tpu.memory_space<vmem>>
        tpu.wait_dma2 semaphore(%run_scoped3A : memref<!tpu.dma_semaphore, #tpu.memory_space<semaphore_mem>>) src(%dma_wait3A_74 : memref<34x8x128xf32, #tpu.memory_space<vmem>>) dst(%dma_wait3A_70 : memref<34x8x128xf32, #tpu.memory_space<hbm>>)
        tpu.yield
      }) : () -> ()
    } else {
    }
    return
  }
}

</mosaic_0001>

<sc_bundles>
// kernel: kernel.3.cloned.1.call-start
scs
__scs_entry_jumppad:
0x0: {  	(pc) =	sbr.rel $0x88, $3  }
0x1: {  	(tag) =	ssettag $0x0;
	lr =	simm.s32 $0x1  }
0x2: {  	[smem:$0x3FA0] =	sst lr;
	_ =	strace $0xD0000000  }
0x3: {  	_ = 	snop  }
0x4: {  	_ = 	snop  }
0x5: {  	_ = 	snop  }
0x6: {  	_ = 	snop  }
0x7: {  	_ = 	snop  }
__scs_overlays_trampoline_lowered:
0x8: {  	[smem:$0x3FAF] =	sst s0  }
0x9: {  	[smem:$0x3FB0] =	sst s1  }
0xa: {  	[smem:$0x3FB1] =	sst s2  }
0xb: {  	[smem:$0x3FB2] =	sst s3  }
0xc: {  	[smem:$0x3FB3] =	sst s4  }
0xd: {  	[smem:$0x3FB4] =	sst s5  }
0xe: {  	[smem:$0x3FB5] =	sst s6  }
0xf: {  	[smem:$0x3FB6] =	sst s7  }
0x10: {  	[smem:$0x3FB7] =	sst s8  }
0x11: {  	[smem:$0x3FB8] =	sst s9;
	s0 =	simm.s32 @!p0 $0x0  }
0x12: {  	s1 =	sld [smem:$0x3F9E];
	s0 =	simm.s32 @p0 $0x1  }
0x13: {  	[smem:$0x3FB9] =	sst s0;
	s0 =	simm.s32 @!p1 $0x0  }
0x14: {  	s2 =	sld [smem:$0x3F9D];
	s0 =	simm.s32 @p1 $0x1  }
0x15: {  	[smem:$0x3FBA] =	sst s0;
	s0 =	simm.s32 @!p2 $0x0  }
0x16: {  	s3 =	sld [smem:$0x3FDB];
	s0 =	simm.s32 @p2 $0x1  }
0x17: {  	s4 =	simm.s32 $0x1BF5;
	[smem:$0x3FBC] =	sst s0  }
0x18: {  	s0 =	sld [smem:$0x3F9F];
	_ =	swait.ge [sflag:s4], $0x0  }
0x19: {  	s7 =	sld [smem:$0x3FA0]  }
0x1a: {  	s8 =	sadd.s32 $0xFFFFE003, lr  }
0x1b: {  	s9 =	sadd.s32 $0xFFFFFEF7, lr;
	s5 =	simm.s32 $0xFFFFFFFF;
	p2 =	slt.u32 s8, $0xFFFFF086  }
0x1c: {  	p1 =	slt.u32 s9, $0xF7A;
	s5 =	simm.s32 @!p2 $0x0  }
0x1d: {  	s5 =	simm.s32 @p1 $0x1;
	p0 =	seq.s32 s7, s2  }
0x1e: {  	s7 =	smul.u32 @!p0 $0xF7A, s2;
	p2 =	seq.s32 @!p0 s5, $0x0  }
0x1f: {  	s9 =	smul.u32 $0xF7A, s1;
	s8 =	simm.s32 @!p0 $0x1BF5;
	p2 =	por !p2, p0  }
0x20: {  	[sflag:s8] =	ssyncset.s32 @!p0 $0xFFFFF086;
	s6 =	sadd.s32 @!p0 s3, s7;
	s7 =	simm.s32 @!p0 $0x108  }
0x21: {  	s3 =	sadd.s32 s3, s9;
	s6 =	sadd.s32 @!p0 $0x88, s6;
	s7 =	simm.s32 @p2 $0x1082  }
0x22: {  	[simem:s7], [sflag:s8] =	dma.local @!p0 [hbm:s6], $0xF7A  }
0x23: {  	s9 =	sor.u32 $0xD0000000, s2;
	s6 =	simm.s32 $0x108;
	_ =	swait.ge @!p0 [sflag:s8], $0x0  }
0x24: {  	s3 =	sadd.s32 $0x88, s3;
	s6 =	simm.s32 @!p1 $0x1082;
	[sflag:s4] =	ssyncset.s32 $0xFFFFF086  }
0x25: {  	[simem:s6], [sflag:s4] =	dma.local [hbm:s3], $0xF7A  }
0x26: {  	[smem:$0x3FA0] =	sst s1;
	(tag) =	ssettag s2;
	_ =	strace s9  }
0x27: {  	s1 =	sld [smem:$0x3FB0]  }
0x28: {  	s2 =	sld [smem:$0x3FB1]  }
0x29: {  	s4 =	sld [smem:$0x3FB3]  }
0x2a: {  	p0 =	seq.s32 s5, $0x0;
	s5 =	sld [smem:$0x3FB4]  }
0x2b: {  	s6 =	sld [smem:$0x3FB5]  }
0x2c: {  	s7 =	sld [smem:$0x3FB6]  }
0x2d: {  	s3 =	simm.s32 $0x108;
	s8 =	sld [smem:$0x3FB7]  }
0x2e: {  	s3 =	simm.s32 @!p0 $0x1082;
	s9 =	sld [smem:$0x3FB8]  }
0x2f: {  	lr =	sadd.s32 s0, s3;
	s0 =	sld [smem:$0x3FAF]  }
0x30: {  	s3 =	sld [smem:$0x3FB2]  }
0x31: {  	[smem:$0x3FBB] =	sst s10  }
0x32: {  	s10 =	sld [smem:$0x3FB9];
	_ =	sdelay $0x3  }
0x33: {  	p0 =	seq.s32 s10, $0x1;
	s10 =	sld [smem:$0x3FBB];
	_ =	sdelay $0x3  }
0x34: {  	[smem:$0x3FBB] =	sst s10  }
0x35: {  	s10 =	sld [smem:$0x3FBA];
	_ =	sdelay $0x3  }
0x36: {  	p1 =	seq.s32 s10, $0x1;
	s10 =	sld [smem:$0x3FBB];
	_ =	sdelay $0x3  }
0x37: {  	[smem:$0x3FBB] =	sst s10  }
0x38: {  	s10 =	sld [smem:$0x3FBC]  }
0x39: {  	_ = 	snop;
	(pc) =	sbr.ind lr, $3  }
0x3a: {  	_ = 	snop  }
0x3b: {  	_ = 	snop  }
0x3c: {  	p2 =	seq.s32 s10, $0x1;
	s10 =	sld [smem:$0x3FBB]  }
0x3d: {  	_ =	shalt  }
0x3e: {  	_ =	shalt  }
0x3f: {  	_ =	shalt  }
0x40: {  	_ =	shalt  }
0x41: {  	_ =	shalt  }
0x42: {  	_ =	shalt  }
0x43: {  	_ =	shalt  }
0x44: {  	_ =	shalt  }
0x45: {  	_ =	shalt  }
0x46: {  	_ =	shalt  }
0x47: {  	_ =	shalt  }
0x48: {  	_ =	shalt  }
0x49: {  	_ =	shalt  }
0x4a: {  	_ =	shalt  }
0x4b: {  	_ =	shalt  }
0x4c: {  	_ =	shalt  }
0x4d: {  	_ =	shalt  }
0x4e: {  	_ =	shalt  }
0x4f: {  	_ =	shalt  }
0x50: {  	_ =	shalt  }
0x51: {  	_ =	shalt  }
0x52: {  	_ =	shalt  }
0x53: {  	_ =	shalt  }
0x54: {  	_ =	shalt  }
0x55: {  	_ =	shalt  }
0x56: {  	_ =	shalt  }
0x57: {  	_ =	shalt  }
0x58: {  	_ =	shalt  }
0x59: {  	_ =	shalt  }
0x5a: {  	_ =	shalt  }
0x5b: {  	_ =	shalt  }
0x5c: {  	_ =	shalt  }
0x5d: {  	_ =	shalt  }
0x5e: {  	_ =	shalt  }
0x5f: {  	_ =	shalt  }
0x60: {  	_ =	shalt  }
0x61: {  	_ =	shalt  }
0x62: {  	_ =	shalt  }
0x63: {  	_ =	shalt  }
0x64: {  	_ =	shalt  }
0x65: {  	_ =	shalt  }
0x66: {  	_ =	shalt  }
0x67: {  	_ =	shalt  }
0x68: {  	_ =	shalt  }
0x69: {  	_ =	shalt  }
0x6a: {  	_ =	shalt  }
0x6b: {  	_ =	shalt  }
0x6c: {  	_ =	shalt  }
0x6d: {  	_ =	shalt  }
0x6e: {  	_ =	shalt  }
0x6f: {  	_ =	shalt  }
0x70: {  	_ =	shalt  }
0x71: {  	_ =	shalt  }
0x72: {  	_ =	shalt  }
0x73: {  	_ =	shalt  }
0x74: {  	_ =	shalt  }
0x75: {  	_ =	shalt  }
0x76: {  	_ =	shalt  }
0x77: {  	_ =	shalt  }
0x78: {  	_ =	shalt  }
0x79: {  	_ =	shalt  }
0x7a: {  	_ =	shalt  }
0x7b: {  	_ =	shalt  }
0x7c: {  	_ =	shalt  }
0x7d: {  	_ =	shalt  }
0x7e: {  	_ =	shalt  }
0x7f: {  	_ =	shalt  }
0x80: {  	_ =	shalt  }
0x81: {  	_ =	shalt  }
0x82: {  	_ =	shalt  }
0x83: {  	_ =	shalt  }
0x84: {  	_ =	shalt  }
0x85: {  	_ =	shalt  }
0x86: {  	_ =	shalt  }
0x87: {  	_ =	shalt  }
.Lfunc_end0:
.L_simem_size_0:
called_computation_lowered:
.L_overlay_start_0:
0x88: {  	s2 =	sld [smem:$0x3FD9]  }
0x89: {  	s3 =	sld [smem:$0x3FFE];
	_ =	sdelay $0x1  }
0x8a: {  	s1 =	srdreg.scid  }
0x8b: {  	s0 =	sand.u32 $0x1, s1  }
0x8c: {  	s17 =	sshll.u32 s0, $0xA;
	s2 =	sadd.s32 s3, s2  }
0x8d: {  	s2 =	sadd.s32 s2, s17  }
0x8e: {  	[smem:$0x3FC7] =	sst s2  }
0x8f: {  	_ = 	snop  }
0x90: {  	s2 =	sld [smem:$0x3FD0];
	(tm) =	ssettm $0x1  }
0x91: {  	s18 =	sld [smem:$0x3FFB];
	_ =	sdelay $0x3  }
0x92: {  	_ =	strace s18  }
0x93: {  	s3 =	sld [smem:$0x3FFC];
	_ =	sdelay $0x3  }
0x94: {  	_ =	strace s3  }
0x95: {  	s3 =	sld [smem:$0x3FFD];
	_ =	sdelay $0x3  }
0x96: {  	_ =	strace s3  }
0x97: {  	_ =	strace $0x8FFFFFFF  }
0x98: {  	s19 =	sld [smem:$0x3FDB];
	_ =	sdelay $0x1  }
0x99: {  	s4 =	simm.s32 $_scs_section_size  }
0x9a: {  	s5 =	simm.s32 $_size__tile_overlayer_lowered;
	s6 =	simm.s32 $_tile_overlayer_lowered  }
0x9b: {  	s22 =	simm.s32 $0x1BFF;
	s21 =	sshll.u32 s6, $0x1;
	s3 =	sadd.s32 s4, s19  }
0x9c: {  	s7 =	simm.s32 $0x0;
	s20 =	sshll.u32 s5, $0x1;
	s5 =	sadd.s32 s21, s3  }
0x9d: {  	[timem:s7], [sflag:s22] =	dma.local [hbm:s5], s20  }
0x9e: {  	_ =	swait.ge [sflag:s22], s20  }
0x9f: {  	s4 =	ssub.s32 $0x0, s20;
	[sflag:s22] =	ssyncset.done $0x0  }
0xa0: {  	[sflag:s22] =	ssyncadd.s32 s4;
	_ =	sdelay $0x1  }
0xa1: {  	s23 =	simm.s32 $0x1B8B  }
0xa2: {  	_ =	swait.ge [sflag:s23], $0x1  }
0xa3: {  	[sflag:s23] =	ssyncset.done $0x0  }
0xa4: {  	s25 =	simm.s32 $0x1B8E;
	s24 =	sld [smem:$0x3FFE];
	[sflag:s23] =	ssyncadd.s32 $0xFFFFFFFF  }
0xa5: {  	s26 =	simm.s32 $execute0_lowered;
	[smem:$0x3FD2] =	sst s25  }
0xa6: {  	s5 =	sshll.u32 s26, $0x1;
	_ =	strace $0x80000046;
	[dreg:$0x1] =	wrdreg $0xFFFFFFFF  }
0xa7: {  	s28 =	simm.s32 $_size_execute0_lowered;
	s3 =	sadd.s32 s3, s5;
	[dreg:$0x0] =	wrdreg $0x0  }
0xa8: {  	s5 =	sshll.u32 s28, $0x1;
	[dreg:$0x2] =	wrdreg s3  }
0xa9: {  	[dreg:$0x3] =	wrdreg s5  }
0xaa: {  	[dreg:$0x4] =	wrdreg $0xC0  }
0xab: {  	_ =	task [dreg:s7], $0x5FFFF  }
0xac: {  	[dreg:$0x1] =	wrdreg $0xFFFFFFFF  }
0xad: {  	[dreg:$0x0] =	wrdreg $0x60  }
0xae: {  	[dreg:$0x2] =	wrdreg s24  }
0xaf: {  	[dreg:$0x3] =	wrdreg s2  }
0xb0: {  	[dreg:$0x4] =	wrdreg $0x9  }
0xb1: {  	_ =	task.clear_ibuf [dreg:s7], $0x5FFFF;
	_ =	strace $0x90000046  }
0xb2: {  	s29 =	simm.s32 $0x9;
	_ =	strace $0x80000048  }
0xb3: {  	_ =	swait.ge [sflag:s29], $0x1  }
0xb4: {  	[sflag:s29] =	ssyncadd.s32 $0xFFFFFFFF  }
0xb5: {  	_ =	strace $0x90000048  }
0xb6: {  	_ =	sfence  }
0xb7: {  	s30 =	sld [smem:$0x0];
	_ =	sdelay $0x2  }
0xb8: {  	s31 =	sshll.u32 s1, $0xD;
	s1 =	sshrl.u32 s1, $0x2  }
0xb9: {  	s3 =	sand.u32 $0x4000, s31;
	s1 =	sadd.s32 s1, s30  }
0xba: {  	s0 =	sor.u32 s3, s0;
	s1 =	sshll.u32 s1, $0x11  }
0xbb: {  	s0 =	sor.u32 s1, s0  }
0xbc: {  	s0 =	sadd.s32 $0x8F2B, s0  }
0xbd: {  	[sflag:s0] =	ssyncadd.remote.s32 $0x1  }
0xbe: {  	_ =	sfence.sel $0xFFFF  }
0xbf: {  	[dreg:$0x0] =	wrdreg $0xFFFFFFFF;
	(pc) =	sbr.abs _section_cstart, $3  }
0xc0: {  	[dreg:$0x1] =	wrdreg $0xFFFFFFFF  }
0xc1: {  	_ =	task.clear_ibuf [dreg:s7], $0x2FFFF;
	_ =	strace $0x9FFFFFFF  }
0xc2: {  	(tm) =	ssettm $0x7FFFFFFF  }
0xc3: {  	_ =	shalt  }
tec
execute0_lowered:
.L_overlay_start_1:
0x0: {  	(tag) =	ssettag $0x1  }
0x1: {  	s3 =	rddreg [dreg:$0x0]  }
0x2: {  	s5 =	rddreg [dreg:$0x1];
	s1 =	stileid.u32  }
0x3: {  	s0 =	rddreg [dreg:$0x2];
	s4 =	srdreg.scid  }
0x4: {  	s2 =	simm.s32 $0x0;
	s6 =	sshll.u32 s1, $0x1;
	s4 =	sand.u32 $0x1, s4  }
0x5: {  	[smem:$0x7FF] =	sst s2;
	s7 =	sshll.u32 s1, $0x9;
	s9 =	sand.u32 $0x2, s6  }
0x6: {  	_ =	strace $0x80000047;
	s7 =	sand.u32 $0x1C00, s7;
	s10 =	ssub.s32 $0x2, s4  }
0x7: {  	s6 =	sor.u32 s4, s9;
	s11 =	sshrl.u32 s7, $0x3;
	s4 =	smul.u32 $0x46000, s4  }
0x8: {  	s30 =	sshrl.u32 s10, $0x1;
	p0 =	seq.s32 s9, $0x0;
	s8 =	smul.u32 $0x23, s6  }
0x9: {  	s6 =	smax.u32 s6, $0x2;
	s3 =	sadd.s32 s11, s3;
	s4 =	sor.u32 s4, s7  }
0xa: {  	s6 =	ssub.s32 s8, s6;
	s8 =	ssub.s32 s10, s30;
	s10 =	simm.s32 $0x118  }
0xb: {  	s3 =	sadd.s32 $0x400, s3;
	s6 =	sadd.s32 $0x2, s6;
	s10 =	simm.s32 @!p0 $0x110  }
0xc: {  	p0 =	sne.s32 s9, $0x0;
	s31 =	sshll.u32 s6, $0x3;
	s6 =	sshll.u32 s6, $0xD  }
0xd: {  	v2 =	vlaneseq.u32;
	v3 =	vimm.f32 $0.0e+00;
	s9 =	simm.s32 $0x1;
	v1 =	vmov s10;
	s10 =	simm.s32 $0x1C00;
	s6 =	sor.u32 s7, s6  }
0xe: {  	v4 =	vimm.f32 $1.000000000e+00;
	v5 =	vor.u32 $0x10, v2;
	v6 =	vor.u32 $0x20, v2;
	s11 =	sor.u32 $0x1, s31;
	s7 =	sshrl.u32 s4, $0x3;
	s6 =	sshrl.u32 s6, $0x3  }
0xf: {  	v7 =	vor.u32 $0x30, v2;
	v8 =	vor.u32 $0x40, v2;
	v0 =	vmov s11;
	s11 =	simm.s32 $0x0;
	s4 =	sadd.s32 s5, s6;
	s5 =	sadd.s32 s5, s7  }
0x10: {  	v9 =	vor.u32 $0x50, v2;
	v10 =	vor.u32 $0x60, v2;
	v11 =	vor.u32 $0x70, v2;
	s6 =	smax.u32 s8, $0x1;
	s7 =	simm.s32 $0x400;
	s8 =	simm.s32 $0x2000  }
.LBB2_1:
0x11: {  	[tilespmem:s2], [sflag:$0x1] =	stream.strided.gather [hbm4b:s3+s7], $0x1C00, s8, s7, $0x38;
	[tilespmem:$0xA800] =	vst v63  }
0x12: {  	s12 =	simm.s32 $0x0  }
0x13: {  	s12 =	sand.u32 $0x3FFFFC00, s12  }
0x14: {  	[tilespmem:s12+$0x2BF0] =	vst v3  }
0x15: {  	[tilespmem:s12+$0x1C00] =	vst v3  }
0x16: {  	[tilespmem:s12+$0x1C10] =	vst v3  }
0x17: {  	[tilespmem:s12+$0x1C20] =	vst v3  }
0x18: {  	[tilespmem:s12+$0x1C30] =	vst v3  }
0x19: {  	[tilespmem:s12+$0x1C40] =	vst v3  }
0x1a: {  	[tilespmem:s12+$0x1C50] =	vst v3  }
0x1b: {  	[tilespmem:s12+$0x1C60] =	vst v3  }
0x1c: {  	[tilespmem:s12+$0x1C70] =	vst v3  }
0x1d: {  	[tilespmem:s12+$0x1C80] =	vst v3  }
0x1e: {  	[tilespmem:s12+$0x1C90] =	vst v3  }
0x1f: {  	[tilespmem:s12+$0x1CA0] =	vst v3  }
0x20: {  	[tilespmem:s12+$0x1CB0] =	vst v3  }
0x21: {  	[tilespmem:s12+$0x1CC0] =	vst v3  }
0x22: {  	[tilespmem:s12+$0x1CD0] =	vst v3  }
0x23: {  	[tilespmem:s12+$0x1CE0] =	vst v3  }
0x24: {  	[tilespmem:s12+$0x1CF0] =	vst v3  }
0x25: {  	[tilespmem:s12+$0x1D00] =	vst v3  }
0x26: {  	[tilespmem:s12+$0x1D10] =	vst v3  }
0x27: {  	[tilespmem:s12+$0x1D20] =	vst v3  }
0x28: {  	[tilespmem:s12+$0x1D30] =	vst v3  }
0x29: {  	[tilespmem:s12+$0x1D40] =	vst v3  }
0x2a: {  	[tilespmem:s12+$0x1D50] =	vst v3  }
0x2b: {  	[tilespmem:s12+$0x1D60] =	vst v3  }
0x2c: {  	[tilespmem:s12+$0x1D70] =	vst v3  }
0x2d: {  	[tilespmem:s12+$0x1D80] =	vst v3  }
0x2e: {  	[tilespmem:s12+$0x1D90] =	vst v3  }
0x2f: {  	[tilespmem:s12+$0x1DA0] =	vst v3  }
0x30: {  	[tilespmem:s12+$0x1DB0] =	vst v3  }
0x31: {  	[tilespmem:s12+$0x1DC0] =	vst v3  }
0x32: {  	[tilespmem:s12+$0x1DD0] =	vst v3  }
0x33: {  	[tilespmem:s12+$0x1DE0] =	vst v3  }
0x34: {  	[tilespmem:s12+$0x1DF0] =	vst v3  }
0x35: {  	[tilespmem:s12+$0x1E00] =	vst v3  }
0x36: {  	[tilespmem:s12+$0x1E10] =	vst v3  }
0x37: {  	[tilespmem:s12+$0x1E20] =	vst v3  }
0x38: {  	[tilespmem:s12+$0x1E30] =	vst v3  }
0x39: {  	[tilespmem:s12+$0x1E40] =	vst v3  }
0x3a: {  	[tilespmem:s12+$0x1E50] =	vst v3  }
0x3b: {  	[tilespmem:s12+$0x1E60] =	vst v3  }
0x3c: {  	[tilespmem:s12+$0x1E70] =	vst v3  }
0x3d: {  	[tilespmem:s12+$0x1E80] =	vst v3  }
0x3e: {  	[tilespmem:s12+$0x1E90] =	vst v3  }
0x3f: {  	[tilespmem:s12+$0x1EA0] =	vst v3  }
0x40: {  	[tilespmem:s12+$0x1EB0] =	vst v3  }
0x41: {  	[tilespmem:s12+$0x1EC0] =	vst v3  }
0x42: {  	[tilespmem:s12+$0x1ED0] =	vst v3  }
0x43: {  	[tilespmem:s12+$0x1EE0] =	vst v3  }
0x44: {  	[tilespmem:s12+$0x1EF0] =	vst v3  }
0x45: {  	[tilespmem:s12+$0x1F00] =	vst v3  }
0x46: {  	[tilespmem:s12+$0x1F10] =	vst v3  }
0x47: {  	[tilespmem:s12+$0x1F20] =	vst v3  }
0x48: {  	[tilespmem:s12+$0x1F30] =	vst v3  }
0x49: {  	[tilespmem:s12+$0x1F40] =	vst v3  }
0x4a: {  	[tilespmem:s12+$0x1F50] =	vst v3  }
0x4b: {  	[tilespmem:s12+$0x1F60] =	vst v3  }
0x4c: {  	[tilespmem:s12+$0x1F70] =	vst v3  }
0x4d: {  	[tilespmem:s12+$0x1F80] =	vst v3  }
0x4e: {  	[tilespmem:s12+$0x1F90] =	vst v3  }
0x4f: {  	[tilespmem:s12+$0x1FA0] =	vst v3  }
0x50: {  	[tilespmem:s12+$0x1FB0] =	vst v3  }
0x51: {  	[tilespmem:s12+$0x1FC0] =	vst v3  }
0x52: {  	[tilespmem:s12+$0x1FD0] =	vst v3  }
0x53: {  	[tilespmem:s12+$0x1FE0] =	vst v3  }
0x54: {  	[tilespmem:s12+$0x1FF0] =	vst v3  }
0x55: {  	[tilespmem:s12+$0x2000] =	vst v3  }
0x56: {  	[tilespmem:s12+$0x2010] =	vst v3  }
0x57: {  	[tilespmem:s12+$0x2020] =	vst v3  }
0x58: {  	[tilespmem:s12+$0x2030] =	vst v3  }
0x59: {  	[tilespmem:s12+$0x2040] =	vst v3  }
0x5a: {  	[tilespmem:s12+$0x2050] =	vst v3  }
0x5b: {  	[tilespmem:s12+$0x2060] =	vst v3  }
0x5c: {  	[tilespmem:s12+$0x2070] =	vst v3  }
0x5d: {  	[tilespmem:s12+$0x2080] =	vst v3  }
0x5e: {  	[tilespmem:s12+$0x2090] =	vst v3  }
0x5f: {  	[tilespmem:s12+$0x20A0] =	vst v3  }
0x60: {  	[tilespmem:s12+$0x20B0] =	vst v3  }
0x61: {  	[tilespmem:s12+$0x20C0] =	vst v3  }
0x62: {  	[tilespmem:s12+$0x20D0] =	vst v3  }
0x63: {  	[tilespmem:s12+$0x20E0] =	vst v3  }
0x64: {  	[tilespmem:s12+$0x20F0] =	vst v3  }
0x65: {  	[tilespmem:s12+$0x2100] =	vst v3  }
0x66: {  	[tilespmem:s12+$0x2110] =	vst v3  }
0x67: {  	[tilespmem:s12+$0x2120] =	vst v3  }
0x68: {  	[tilespmem:s12+$0x2130] =	vst v3  }
0x69: {  	[tilespmem:s12+$0x2140] =	vst v3  }
0x6a: {  	[tilespmem:s12+$0x2150] =	vst v3  }
0x6b: {  	[tilespmem:s12+$0x2160] =	vst v3  }
0x6c: {  	[tilespmem:s12+$0x2170] =	vst v3  }
0x6d: {  	[tilespmem:s12+$0x2180] =	vst v3  }
0x6e: {  	[tilespmem:s12+$0x2190] =	vst v3  }
0x6f: {  	[tilespmem:s12+$0x21A0] =	vst v3  }
0x70: {  	[tilespmem:s12+$0x21B0] =	vst v3  }
0x71: {  	[tilespmem:s12+$0x21C0] =	vst v3  }
0x72: {  	[tilespmem:s12+$0x21D0] =	vst v3  }
0x73: {  	[tilespmem:s12+$0x21E0] =	vst v3  }
0x74: {  	[tilespmem:s12+$0x21F0] =	vst v3  }
0x75: {  	[tilespmem:s12+$0x2200] =	vst v3  }
0x76: {  	[tilespmem:s12+$0x2210] =	vst v3  }
0x77: {  	[tilespmem:s12+$0x2220] =	vst v3  }
0x78: {  	[tilespmem:s12+$0x2230] =	vst v3  }
0x79: {  	[tilespmem:s12+$0x2240] =	vst v3  }
0x7a: {  	[tilespmem:s12+$0x2250] =	vst v3  }
0x7b: {  	[tilespmem:s12+$0x2260] =	vst v3  }
0x7c: {  	[tilespmem:s12+$0x2270] =	vst v3  }
0x7d: {  	[tilespmem:s12+$0x2280] =	vst v3  }
0x7e: {  	[tilespmem:s12+$0x2290] =	vst v3  }
0x7f: {  	[tilespmem:s12+$0x22A0] =	vst v3  }
0x80: {  	[tilespmem:s12+$0x22B0] =	vst v3  }
0x81: {  	[tilespmem:s12+$0x22C0] =	vst v3  }
0x82: {  	[tilespmem:s12+$0x22D0] =	vst v3  }
0x83: {  	[tilespmem:s12+$0x22E0] =	vst v3  }
0x84: {  	[tilespmem:s12+$0x22F0] =	vst v3  }
0x85: {  	[tilespmem:s12+$0x2300] =	vst v3  }
0x86: {  	[tilespmem:s12+$0x2310] =	vst v3  }
0x87: {  	[tilespmem:s12+$0x2320] =	vst v3  }
0x88: {  	[tilespmem:s12+$0x2330] =	vst v3  }
0x89: {  	[tilespmem:s12+$0x2340] =	vst v3  }
0x8a: {  	[tilespmem:s12+$0x2350] =	vst v3  }
0x8b: {  	[tilespmem:s12+$0x2360] =	vst v3  }
0x8c: {  	[tilespmem:s12+$0x2370] =	vst v3  }
0x8d: {  	[tilespmem:s12+$0x2380] =	vst v3  }
0x8e: {  	[tilespmem:s12+$0x2390] =	vst v3  }
0x8f: {  	[tilespmem:s12+$0x23A0] =	vst v3  }
0x90: {  	[tilespmem:s12+$0x23B0] =	vst v3  }
0x91: {  	[tilespmem:s12+$0x23C0] =	vst v3  }
0x92: {  	[tilespmem:s12+$0x23D0] =	vst v3  }
0x93: {  	[tilespmem:s12+$0x23E0] =	vst v3  }
0x94: {  	[tilespmem:s12+$0x23F0] =	vst v3  }
0x95: {  	[tilespmem:s12+$0x2400] =	vst v3  }
0x96: {  	[tilespmem:s12+$0x2410] =	vst v3  }
0x97: {  	[tilespmem:s12+$0x2420] =	vst v3  }
0x98: {  	[tilespmem:s12+$0x2430] =	vst v3  }
0x99: {  	[tilespmem:s12+$0x2440] =	vst v3  }
0x9a: {  	[tilespmem:s12+$0x2450] =	vst v3  }
0x9b: {  	[tilespmem:s12+$0x2460] =	vst v3  }
0x9c: {  	[tilespmem:s12+$0x2470] =	vst v3  }
0x9d: {  	[tilespmem:s12+$0x2480] =	vst v3  }
0x9e: {  	[tilespmem:s12+$0x2490] =	vst v3  }
0x9f: {  	[tilespmem:s12+$0x24A0] =	vst v3  }
0xa0: {  	[tilespmem:s12+$0x24B0] =	vst v3  }
0xa1: {  	[tilespmem:s12+$0x24C0] =	vst v3  }
0xa2: {  	[tilespmem:s12+$0x24D0] =	vst v3  }
0xa3: {  	[tilespmem:s12+$0x24E0] =	vst v3  }
0xa4: {  	[tilespmem:s12+$0x24F0] =	vst v3  }
0xa5: {  	[tilespmem:s12+$0x2500] =	vst v3  }
0xa6: {  	[tilespmem:s12+$0x2510] =	vst v3  }
0xa7: {  	[tilespmem:s12+$0x2520] =	vst v3  }
0xa8: {  	[tilespmem:s12+$0x2530] =	vst v3  }
0xa9: {  	[tilespmem:s12+$0x2540] =	vst v3  }
0xaa: {  	[tilespmem:s12+$0x2550] =	vst v3  }
0xab: {  	[tilespmem:s12+$0x2560] =	vst v3  }
0xac: {  	[tilespmem:s12+$0x2570] =	vst v3  }
0xad: {  	[tilespmem:s12+$0x2580] =	vst v3  }
0xae: {  	[tilespmem:s12+$0x2590] =	vst v3  }
0xaf: {  	[tilespmem:s12+$0x25A0] =	vst v3  }
0xb0: {  	[tilespmem:s12+$0x25B0] =	vst v3  }
0xb1: {  	[tilespmem:s12+$0x25C0] =	vst v3  }
0xb2: {  	[tilespmem:s12+$0x25D0] =	vst v3  }
0xb3: {  	[tilespmem:s12+$0x25E0] =	vst v3  }
0xb4: {  	[tilespmem:s12+$0x25F0] =	vst v3  }
0xb5: {  	[tilespmem:s12+$0x2600] =	vst v3  }
0xb6: {  	[tilespmem:s12+$0x2610] =	vst v3  }
0xb7: {  	[tilespmem:s12+$0x2620] =	vst v3  }
0xb8: {  	[tilespmem:s12+$0x2630] =	vst v3  }
0xb9: {  	[tilespmem:s12+$0x2640] =	vst v3  }
0xba: {  	[tilespmem:s12+$0x2650] =	vst v3  }
0xbb: {  	[tilespmem:s12+$0x2660] =	vst v3  }
0xbc: {  	[tilespmem:s12+$0x2670] =	vst v3  }
0xbd: {  	[tilespmem:s12+$0x2680] =	vst v3  }
0xbe: {  	[tilespmem:s12+$0x2690] =	vst v3  }
0xbf: {  	[tilespmem:s12+$0x26A0] =	vst v3  }
0xc0: {  	[tilespmem:s12+$0x26B0] =	vst v3  }
0xc1: {  	[tilespmem:s12+$0x26C0] =	vst v3  }
0xc2: {  	[tilespmem:s12+$0x26D0] =	vst v3  }
0xc3: {  	[tilespmem:s12+$0x26E0] =	vst v3  }
0xc4: {  	[tilespmem:s12+$0x26F0] =	vst v3  }
0xc5: {  	[tilespmem:s12+$0x2700] =	vst v3  }
0xc6: {  	[tilespmem:s12+$0x2710] =	vst v3  }
0xc7: {  	[tilespmem:s12+$0x2720] =	vst v3  }
0xc8: {  	[tilespmem:s12+$0x2730] =	vst v3  }
0xc9: {  	[tilespmem:s12+$0x2740] =	vst v3  }
0xca: {  	[tilespmem:s12+$0x2750] =	vst v3  }
0xcb: {  	[tilespmem:s12+$0x2760] =	vst v3  }
0xcc: {  	[tilespmem:s12+$0x2770] =	vst v3  }
0xcd: {  	[tilespmem:s12+$0x2780] =	vst v3  }
0xce: {  	[tilespmem:s12+$0x2790] =	vst v3  }
0xcf: {  	[tilespmem:s12+$0x27A0] =	vst v3  }
0xd0: {  	[tilespmem:s12+$0x27B0] =	vst v3  }
0xd1: {  	[tilespmem:s12+$0x27C0] =	vst v3  }
0xd2: {  	[tilespmem:s12+$0x27D0] =	vst v3  }
0xd3: {  	[tilespmem:s12+$0x27E0] =	vst v3  }
0xd4: {  	[tilespmem:s12+$0x27F0] =	vst v3  }
0xd5: {  	[tilespmem:s12+$0x2800] =	vst v3  }
0xd6: {  	[tilespmem:s12+$0x2810] =	vst v3  }
0xd7: {  	[tilespmem:s12+$0x2820] =	vst v3  }
0xd8: {  	[tilespmem:s12+$0x2830] =	vst v3  }
0xd9: {  	[tilespmem:s12+$0x2840] =	vst v3  }
0xda: {  	[tilespmem:s12+$0x2850] =	vst v3  }
0xdb: {  	[tilespmem:s12+$0x2860] =	vst v3  }
0xdc: {  	[tilespmem:s12+$0x2870] =	vst v3  }
0xdd: {  	[tilespmem:s12+$0x2880] =	vst v3  }
0xde: {  	[tilespmem:s12+$0x2890] =	vst v3  }
0xdf: {  	[tilespmem:s12+$0x28A0] =	vst v3  }
0xe0: {  	[tilespmem:s12+$0x28B0] =	vst v3  }
0xe1: {  	[tilespmem:s12+$0x28C0] =	vst v3  }
0xe2: {  	[tilespmem:s12+$0x28D0] =	vst v3  }
0xe3: {  	[tilespmem:s12+$0x28E0] =	vst v3  }
0xe4: {  	[tilespmem:s12+$0x28F0] =	vst v3  }
0xe5: {  	[tilespmem:s12+$0x2900] =	vst v3  }
0xe6: {  	[tilespmem:s12+$0x2910] =	vst v3  }
0xe7: {  	[tilespmem:s12+$0x2920] =	vst v3  }
0xe8: {  	[tilespmem:s12+$0x2930] =	vst v3  }
0xe9: {  	[tilespmem:s12+$0x2940] =	vst v3  }
0xea: {  	[tilespmem:s12+$0x2950] =	vst v3  }
0xeb: {  	[tilespmem:s12+$0x2960] =	vst v3  }
0xec: {  	[tilespmem:s12+$0x2970] =	vst v3  }
0xed: {  	[tilespmem:s12+$0x2980] =	vst v3  }
0xee: {  	[tilespmem:s12+$0x2990] =	vst v3  }
0xef: {  	[tilespmem:s12+$0x29A0] =	vst v3  }
0xf0: {  	[tilespmem:s12+$0x29B0] =	vst v3  }
0xf1: {  	[tilespmem:s12+$0x29C0] =	vst v3  }
0xf2: {  	[tilespmem:s12+$0x29D0] =	vst v3  }
0xf3: {  	[tilespmem:s12+$0x29E0] =	vst v3  }
0xf4: {  	[tilespmem:s12+$0x29F0] =	vst v3  }
0xf5: {  	[tilespmem:s12+$0x2A00] =	vst v3  }
0xf6: {  	[tilespmem:s12+$0x2A10] =	vst v3  }
0xf7: {  	[tilespmem:s12+$0x2A20] =	vst v3  }
0xf8: {  	[tilespmem:s12+$0x2A30] =	vst v3  }
0xf9: {  	[tilespmem:s12+$0x2A40] =	vst v3  }
0xfa: {  	[tilespmem:s12+$0x2A50] =	vst v3  }
0xfb: {  	[tilespmem:s12+$0x2A60] =	vst v3  }
0xfc: {  	[tilespmem:s12+$0x2A70] =	vst v3  }
0xfd: {  	[tilespmem:s12+$0x2A80] =	vst v3  }
0xfe: {  	[tilespmem:s12+$0x2A90] =	vst v3  }
0xff: {  	[tilespmem:s12+$0x2AA0] =	vst v3  }
0x100: {  	[tilespmem:s12+$0x2AB0] =	vst v3  }
0x101: {  	[tilespmem:s12+$0x2AC0] =	vst v3  }
0x102: {  	[tilespmem:s12+$0x2AD0] =	vst v3  }
0x103: {  	[tilespmem:s12+$0x2AE0] =	vst v3  }
0x104: {  	[tilespmem:s12+$0x2AF0] =	vst v3  }
0x105: {  	[tilespmem:s12+$0x2B00] =	vst v3  }
0x106: {  	[tilespmem:s12+$0x2B10] =	vst v3  }
0x107: {  	[tilespmem:s12+$0x2B20] =	vst v3  }
0x108: {  	[tilespmem:s12+$0x2B30] =	vst v3  }
0x109: {  	[tilespmem:s12+$0x2B40] =	vst v3  }
0x10a: {  	[tilespmem:s12+$0x2B50] =	vst v3  }
0x10b: {  	[tilespmem:s12+$0x2B60] =	vst v3  }
0x10c: {  	[tilespmem:s12+$0x2B70] =	vst v3  }
0x10d: {  	[tilespmem:s12+$0x2B80] =	vst v3  }
0x10e: {  	[tilespmem:s12+$0x2B90] =	vst v3  }
0x10f: {  	[tilespmem:s12+$0x2BA0] =	vst v3  }
0x110: {  	[tilespmem:s12+$0x2BB0] =	vst v3  }
0x111: {  	s14 =	simm.s32 $0x4;
	[tilespmem:s12+$0x2BC0] =	vst v3  }
.LBB2_2:
0x112: {  	s13 =	sshll.u32 s14, $0xA;
	p1 =	slt.u32 s14, $0x1C;
	[tilespmem:s12+$0x2BD0] =	vst v3  }
0x113: {  	[tilespmem:s12+$0x2BE0] =	vst v3;
	s12 =	sand.u32 $0x3FFFFC00, s13  }
0x114: {  	s13 =	simm.s32 $0x0;
	[tilespmem:s12+$0x2BF0] =	vst v3  }
0x115: {  	[tilespmem:s12+$0x1C00] =	vst v3  }
0x116: {  	[tilespmem:s12+$0x1C10] =	vst v3  }
0x117: {  	[tilespmem:s12+$0x1C20] =	vst v3  }
0x118: {  	[tilespmem:s12+$0x1C30] =	vst v3  }
0x119: {  	[tilespmem:s12+$0x1C40] =	vst v3  }
0x11a: {  	[tilespmem:s12+$0x1C50] =	vst v3  }
0x11b: {  	[tilespmem:s12+$0x1C60] =	vst v3  }
0x11c: {  	[tilespmem:s12+$0x1C70] =	vst v3  }
0x11d: {  	[tilespmem:s12+$0x1C80] =	vst v3  }
0x11e: {  	[tilespmem:s12+$0x1C90] =	vst v3  }
0x11f: {  	[tilespmem:s12+$0x1CA0] =	vst v3  }
0x120: {  	[tilespmem:s12+$0x1CB0] =	vst v3  }
0x121: {  	[tilespmem:s12+$0x1CC0] =	vst v3  }
0x122: {  	[tilespmem:s12+$0x1CD0] =	vst v3  }
0x123: {  	[tilespmem:s12+$0x1CE0] =	vst v3  }
0x124: {  	[tilespmem:s12+$0x1CF0] =	vst v3  }
0x125: {  	[tilespmem:s12+$0x1D00] =	vst v3  }
0x126: {  	[tilespmem:s12+$0x1D10] =	vst v3  }
0x127: {  	[tilespmem:s12+$0x1D20] =	vst v3  }
0x128: {  	[tilespmem:s12+$0x1D30] =	vst v3  }
0x129: {  	[tilespmem:s12+$0x1D40] =	vst v3  }
0x12a: {  	[tilespmem:s12+$0x1D50] =	vst v3  }
0x12b: {  	[tilespmem:s12+$0x1D60] =	vst v3  }
0x12c: {  	[tilespmem:s12+$0x1D70] =	vst v3  }
0x12d: {  	[tilespmem:s12+$0x1D80] =	vst v3  }
0x12e: {  	[tilespmem:s12+$0x1D90] =	vst v3  }
0x12f: {  	[tilespmem:s12+$0x1DA0] =	vst v3  }
0x130: {  	[tilespmem:s12+$0x1DB0] =	vst v3  }
0x131: {  	[tilespmem:s12+$0x1DC0] =	vst v3  }
0x132: {  	[tilespmem:s12+$0x1DD0] =	vst v3  }
0x133: {  	[tilespmem:s12+$0x1DE0] =	vst v3  }
0x134: {  	[tilespmem:s12+$0x1DF0] =	vst v3  }
0x135: {  	[tilespmem:s12+$0x1E00] =	vst v3  }
0x136: {  	[tilespmem:s12+$0x1E10] =	vst v3  }
0x137: {  	[tilespmem:s12+$0x1E20] =	vst v3  }
0x138: {  	[tilespmem:s12+$0x1E30] =	vst v3  }
0x139: {  	[tilespmem:s12+$0x1E40] =	vst v3  }
0x13a: {  	[tilespmem:s12+$0x1E50] =	vst v3  }
0x13b: {  	[tilespmem:s12+$0x1E60] =	vst v3  }
0x13c: {  	[tilespmem:s12+$0x1E70] =	vst v3  }
0x13d: {  	[tilespmem:s12+$0x1E80] =	vst v3  }
0x13e: {  	[tilespmem:s12+$0x1E90] =	vst v3  }
0x13f: {  	[tilespmem:s12+$0x1EA0] =	vst v3  }
0x140: {  	[tilespmem:s12+$0x1EB0] =	vst v3  }
0x141: {  	[tilespmem:s12+$0x1EC0] =	vst v3  }
0x142: {  	[tilespmem:s12+$0x1ED0] =	vst v3  }
0x143: {  	[tilespmem:s12+$0x1EE0] =	vst v3  }
0x144: {  	[tilespmem:s12+$0x1EF0] =	vst v3  }
0x145: {  	[tilespmem:s12+$0x1F00] =	vst v3  }
0x146: {  	[tilespmem:s12+$0x1F10] =	vst v3  }
0x147: {  	[tilespmem:s12+$0x1F20] =	vst v3  }
0x148: {  	[tilespmem:s12+$0x1F30] =	vst v3  }
0x149: {  	[tilespmem:s12+$0x1F40] =	vst v3  }
0x14a: {  	[tilespmem:s12+$0x1F50] =	vst v3  }
0x14b: {  	[tilespmem:s12+$0x1F60] =	vst v3  }
0x14c: {  	[tilespmem:s12+$0x1F70] =	vst v3  }
0x14d: {  	[tilespmem:s12+$0x1F80] =	vst v3  }
0x14e: {  	[tilespmem:s12+$0x1F90] =	vst v3  }
0x14f: {  	[tilespmem:s12+$0x1FA0] =	vst v3  }
0x150: {  	[tilespmem:s12+$0x1FB0] =	vst v3  }
0x151: {  	[tilespmem:s12+$0x1FC0] =	vst v3  }
0x152: {  	[tilespmem:s12+$0x1FD0] =	vst v3  }
0x153: {  	[tilespmem:s12+$0x1FE0] =	vst v3  }
0x154: {  	[tilespmem:s12+$0x1FF0] =	vst v3  }
0x155: {  	[tilespmem:s12+$0x2000] =	vst v3  }
0x156: {  	[tilespmem:s12+$0x2010] =	vst v3  }
0x157: {  	[tilespmem:s12+$0x2020] =	vst v3  }
0x158: {  	[tilespmem:s12+$0x2030] =	vst v3  }
0x159: {  	[tilespmem:s12+$0x2040] =	vst v3  }
0x15a: {  	[tilespmem:s12+$0x2050] =	vst v3  }
0x15b: {  	[tilespmem:s12+$0x2060] =	vst v3  }
0x15c: {  	[tilespmem:s12+$0x2070] =	vst v3  }
0x15d: {  	[tilespmem:s12+$0x2080] =	vst v3  }
0x15e: {  	[tilespmem:s12+$0x2090] =	vst v3  }
0x15f: {  	[tilespmem:s12+$0x20A0] =	vst v3  }
0x160: {  	[tilespmem:s12+$0x20B0] =	vst v3  }
0x161: {  	[tilespmem:s12+$0x20C0] =	vst v3  }
0x162: {  	[tilespmem:s12+$0x20D0] =	vst v3  }
0x163: {  	[tilespmem:s12+$0x20E0] =	vst v3  }
0x164: {  	[tilespmem:s12+$0x20F0] =	vst v3  }
0x165: {  	[tilespmem:s12+$0x2100] =	vst v3  }
0x166: {  	[tilespmem:s12+$0x2110] =	vst v3  }
0x167: {  	[tilespmem:s12+$0x2120] =	vst v3  }
0x168: {  	[tilespmem:s12+$0x2130] =	vst v3  }
0x169: {  	[tilespmem:s12+$0x2140] =	vst v3  }
0x16a: {  	[tilespmem:s12+$0x2150] =	vst v3  }
0x16b: {  	[tilespmem:s12+$0x2160] =	vst v3  }
0x16c: {  	[tilespmem:s12+$0x2170] =	vst v3  }
0x16d: {  	[tilespmem:s12+$0x2180] =	vst v3  }
0x16e: {  	[tilespmem:s12+$0x2190] =	vst v3  }
0x16f: {  	[tilespmem:s12+$0x21A0] =	vst v3  }
0x170: {  	[tilespmem:s12+$0x21B0] =	vst v3  }
0x171: {  	[tilespmem:s12+$0x21C0] =	vst v3  }
0x172: {  	[tilespmem:s12+$0x21D0] =	vst v3  }
0x173: {  	[tilespmem:s12+$0x21E0] =	vst v3  }
0x174: {  	[tilespmem:s12+$0x21F0] =	vst v3  }
0x175: {  	[tilespmem:s12+$0x2200] =	vst v3  }
0x176: {  	[tilespmem:s12+$0x2210] =	vst v3  }
0x177: {  	[tilespmem:s12+$0x2220] =	vst v3  }
0x178: {  	[tilespmem:s12+$0x2230] =	vst v3  }
0x179: {  	[tilespmem:s12+$0x2240] =	vst v3  }
0x17a: {  	[tilespmem:s12+$0x2250] =	vst v3  }
0x17b: {  	[tilespmem:s12+$0x2260] =	vst v3  }
0x17c: {  	[tilespmem:s12+$0x2270] =	vst v3  }
0x17d: {  	[tilespmem:s12+$0x2280] =	vst v3  }
0x17e: {  	[tilespmem:s12+$0x2290] =	vst v3  }
0x17f: {  	[tilespmem:s12+$0x22A0] =	vst v3  }
0x180: {  	[tilespmem:s12+$0x22B0] =	vst v3  }
0x181: {  	[tilespmem:s12+$0x22C0] =	vst v3  }
0x182: {  	[tilespmem:s12+$0x22D0] =	vst v3  }
0x183: {  	[tilespmem:s12+$0x22E0] =	vst v3  }
0x184: {  	[tilespmem:s12+$0x22F0] =	vst v3  }
0x185: {  	[tilespmem:s12+$0x2300] =	vst v3  }
0x186: {  	[tilespmem:s12+$0x2310] =	vst v3  }
0x187: {  	[tilespmem:s12+$0x2320] =	vst v3  }
0x188: {  	[tilespmem:s12+$0x2330] =	vst v3  }
0x189: {  	[tilespmem:s12+$0x2340] =	vst v3  }
0x18a: {  	[tilespmem:s12+$0x2350] =	vst v3  }
0x18b: {  	[tilespmem:s12+$0x2360] =	vst v3  }
0x18c: {  	[tilespmem:s12+$0x2370] =	vst v3  }
0x18d: {  	[tilespmem:s12+$0x2380] =	vst v3  }
0x18e: {  	[tilespmem:s12+$0x2390] =	vst v3  }
0x18f: {  	[tilespmem:s12+$0x23A0] =	vst v3  }
0x190: {  	[tilespmem:s12+$0x23B0] =	vst v3  }
0x191: {  	[tilespmem:s12+$0x23C0] =	vst v3  }
0x192: {  	[tilespmem:s12+$0x23D0] =	vst v3  }
0x193: {  	[tilespmem:s12+$0x23E0] =	vst v3  }
0x194: {  	[tilespmem:s12+$0x23F0] =	vst v3  }
0x195: {  	[tilespmem:s12+$0x2400] =	vst v3  }
0x196: {  	[tilespmem:s12+$0x2410] =	vst v3  }
0x197: {  	[tilespmem:s12+$0x2420] =	vst v3  }
0x198: {  	[tilespmem:s12+$0x2430] =	vst v3  }
0x199: {  	[tilespmem:s12+$0x2440] =	vst v3  }
0x19a: {  	[tilespmem:s12+$0x2450] =	vst v3  }
0x19b: {  	[tilespmem:s12+$0x2460] =	vst v3  }
0x19c: {  	[tilespmem:s12+$0x2470] =	vst v3  }
0x19d: {  	[tilespmem:s12+$0x2480] =	vst v3  }
0x19e: {  	[tilespmem:s12+$0x2490] =	vst v3  }
0x19f: {  	[tilespmem:s12+$0x24A0] =	vst v3  }
0x1a0: {  	[tilespmem:s12+$0x24B0] =	vst v3  }
0x1a1: {  	[tilespmem:s12+$0x24C0] =	vst v3  }
0x1a2: {  	[tilespmem:s12+$0x24D0] =	vst v3  }
0x1a3: {  	[tilespmem:s12+$0x24E0] =	vst v3  }
0x1a4: {  	[tilespmem:s12+$0x24F0] =	vst v3  }
0x1a5: {  	[tilespmem:s12+$0x2500] =	vst v3  }
0x1a6: {  	[tilespmem:s12+$0x2510] =	vst v3  }
0x1a7: {  	[tilespmem:s12+$0x2520] =	vst v3  }
0x1a8: {  	[tilespmem:s12+$0x2530] =	vst v3  }
0x1a9: {  	[tilespmem:s12+$0x2540] =	vst v3  }
0x1aa: {  	[tilespmem:s12+$0x2550] =	vst v3  }
0x1ab: {  	[tilespmem:s12+$0x2560] =	vst v3  }
0x1ac: {  	[tilespmem:s12+$0x2570] =	vst v3  }
0x1ad: {  	[tilespmem:s12+$0x2580] =	vst v3  }
0x1ae: {  	[tilespmem:s12+$0x2590] =	vst v3  }
0x1af: {  	[tilespmem:s12+$0x25A0] =	vst v3  }
0x1b0: {  	[tilespmem:s12+$0x25B0] =	vst v3  }
0x1b1: {  	[tilespmem:s12+$0x25C0] =	vst v3  }
0x1b2: {  	[tilespmem:s12+$0x25D0] =	vst v3  }
0x1b3: {  	[tilespmem:s12+$0x25E0] =	vst v3  }
0x1b4: {  	[tilespmem:s12+$0x25F0] =	vst v3  }
0x1b5: {  	[tilespmem:s12+$0x2600] =	vst v3  }
0x1b6: {  	[tilespmem:s12+$0x2610] =	vst v3  }
0x1b7: {  	[tilespmem:s12+$0x2620] =	vst v3  }
0x1b8: {  	[tilespmem:s12+$0x2630] =	vst v3  }
0x1b9: {  	[tilespmem:s12+$0x2640] =	vst v3  }
0x1ba: {  	[tilespmem:s12+$0x2650] =	vst v3  }
0x1bb: {  	[tilespmem:s12+$0x2660] =	vst v3  }
0x1bc: {  	[tilespmem:s12+$0x2670] =	vst v3  }
0x1bd: {  	[tilespmem:s12+$0x2680] =	vst v3  }
0x1be: {  	[tilespmem:s12+$0x2690] =	vst v3  }
0x1bf: {  	[tilespmem:s12+$0x26A0] =	vst v3  }
0x1c0: {  	[tilespmem:s12+$0x26B0] =	vst v3  }
0x1c1: {  	[tilespmem:s12+$0x26C0] =	vst v3  }
0x1c2: {  	[tilespmem:s12+$0x26D0] =	vst v3  }
0x1c3: {  	[tilespmem:s12+$0x26E0] =	vst v3  }
0x1c4: {  	[tilespmem:s12+$0x26F0] =	vst v3  }
0x1c5: {  	[tilespmem:s12+$0x2700] =	vst v3  }
0x1c6: {  	[tilespmem:s12+$0x2710] =	vst v3  }
0x1c7: {  	[tilespmem:s12+$0x2720] =	vst v3  }
0x1c8: {  	[tilespmem:s12+$0x2730] =	vst v3  }
0x1c9: {  	[tilespmem:s12+$0x2740] =	vst v3  }
0x1ca: {  	[tilespmem:s12+$0x2750] =	vst v3  }
0x1cb: {  	[tilespmem:s12+$0x2760] =	vst v3  }
0x1cc: {  	[tilespmem:s12+$0x2770] =	vst v3  }
0x1cd: {  	[tilespmem:s12+$0x2780] =	vst v3  }
0x1ce: {  	[tilespmem:s12+$0x2790] =	vst v3  }
0x1cf: {  	[tilespmem:s12+$0x27A0] =	vst v3  }
0x1d0: {  	[tilespmem:s12+$0x27B0] =	vst v3  }
0x1d1: {  	[tilespmem:s12+$0x27C0] =	vst v3  }
0x1d2: {  	[tilespmem:s12+$0x27D0] =	vst v3  }
0x1d3: {  	[tilespmem:s12+$0x27E0] =	vst v3  }
0x1d4: {  	[tilespmem:s12+$0x27F0] =	vst v3  }
0x1d5: {  	[tilespmem:s12+$0x2800] =	vst v3  }
0x1d6: {  	[tilespmem:s12+$0x2810] =	vst v3  }
0x1d7: {  	[tilespmem:s12+$0x2820] =	vst v3  }
0x1d8: {  	[tilespmem:s12+$0x2830] =	vst v3  }
0x1d9: {  	[tilespmem:s12+$0x2840] =	vst v3  }
0x1da: {  	[tilespmem:s12+$0x2850] =	vst v3  }
0x1db: {  	[tilespmem:s12+$0x2860] =	vst v3  }
0x1dc: {  	[tilespmem:s12+$0x2870] =	vst v3  }
0x1dd: {  	[tilespmem:s12+$0x2880] =	vst v3  }
0x1de: {  	[tilespmem:s12+$0x2890] =	vst v3  }
0x1df: {  	[tilespmem:s12+$0x28A0] =	vst v3  }
0x1e0: {  	[tilespmem:s12+$0x28B0] =	vst v3  }
0x1e1: {  	[tilespmem:s12+$0x28C0] =	vst v3  }
0x1e2: {  	[tilespmem:s12+$0x28D0] =	vst v3  }
0x1e3: {  	[tilespmem:s12+$0x28E0] =	vst v3  }
0x1e4: {  	[tilespmem:s12+$0x28F0] =	vst v3  }
0x1e5: {  	[tilespmem:s12+$0x2900] =	vst v3  }
0x1e6: {  	[tilespmem:s12+$0x2910] =	vst v3  }
0x1e7: {  	[tilespmem:s12+$0x2920] =	vst v3  }
0x1e8: {  	[tilespmem:s12+$0x2930] =	vst v3  }
0x1e9: {  	[tilespmem:s12+$0x2940] =	vst v3  }
0x1ea: {  	[tilespmem:s12+$0x2950] =	vst v3  }
0x1eb: {  	[tilespmem:s12+$0x2960] =	vst v3  }
0x1ec: {  	[tilespmem:s12+$0x2970] =	vst v3  }
0x1ed: {  	[tilespmem:s12+$0x2980] =	vst v3  }
0x1ee: {  	[tilespmem:s12+$0x2990] =	vst v3  }
0x1ef: {  	[tilespmem:s12+$0x29A0] =	vst v3  }
0x1f0: {  	[tilespmem:s12+$0x29B0] =	vst v3  }
0x1f1: {  	[tilespmem:s12+$0x29C0] =	vst v3  }
0x1f2: {  	[tilespmem:s12+$0x29D0] =	vst v3  }
0x1f3: {  	[tilespmem:s12+$0x29E0] =	vst v3  }
0x1f4: {  	[tilespmem:s12+$0x29F0] =	vst v3  }
0x1f5: {  	[tilespmem:s12+$0x2A00] =	vst v3  }
0x1f6: {  	[tilespmem:s12+$0x2A10] =	vst v3  }
0x1f7: {  	[tilespmem:s12+$0x2A20] =	vst v3  }
0x1f8: {  	[tilespmem:s12+$0x2A30] =	vst v3  }
0x1f9: {  	[tilespmem:s12+$0x2A40] =	vst v3  }
0x1fa: {  	[tilespmem:s12+$0x2A50] =	vst v3  }
0x1fb: {  	[tilespmem:s12+$0x2A60] =	vst v3  }
0x1fc: {  	[tilespmem:s12+$0x2A70] =	vst v3  }
0x1fd: {  	[tilespmem:s12+$0x2A80] =	vst v3  }
0x1fe: {  	[tilespmem:s12+$0x2A90] =	vst v3  }
0x1ff: {  	[tilespmem:s12+$0x2AA0] =	vst v3  }
0x200: {  	[tilespmem:s12+$0x2AB0] =	vst v3  }
0x201: {  	[tilespmem:s12+$0x2AC0] =	vst v3  }
0x202: {  	[tilespmem:s12+$0x2AD0] =	vst v3  }
0x203: {  	[tilespmem:s12+$0x2AE0] =	vst v3  }
0x204: {  	[tilespmem:s12+$0x2AF0] =	vst v3  }
0x205: {  	[tilespmem:s12+$0x2B00] =	vst v3  }
0x206: {  	[tilespmem:s12+$0x2B10] =	vst v3  }
0x207: {  	[tilespmem:s12+$0x2B20] =	vst v3  }
0x208: {  	[tilespmem:s12+$0x2B30] =	vst v3  }
0x209: {  	[tilespmem:s12+$0x2B40] =	vst v3  }
0x20a: {  	[tilespmem:s12+$0x2B50] =	vst v3  }
0x20b: {  	[tilespmem:s12+$0x2B60] =	vst v3  }
0x20c: {  	[tilespmem:s12+$0x2B70] =	vst v3  }
.Ltmp0:
0x20d: {  	[tilespmem:s12+$0x2B80] =	vst v3;
	(pc) =	sbr.rel @p1 .LBB2_2-.Ltmp0, $4  }
0x20e: {  	[tilespmem:s12+$0x2B90] =	vst v3  }
0x20f: {  	[tilespmem:s12+$0x2BA0] =	vst v3  }
0x210: {  	[tilespmem:s12+$0x2BB0] =	vst v3  }
0x211: {  	s14 =	sadd.s32 $0x4, s14;
	[tilespmem:s12+$0x2BC0] =	vst v3  }
0x212: {  	[tilespmem:s12+$0x2BD0] =	vst v3  }
0x213: {  	[tilespmem:s12+$0x2BE0] =	vst v3  }
.LBB2_4:
0x214: {  	s12 =	sshra.s32 s13, $0x2  }
0x215: {  	[tilespmem:s12+$0x9C00] =	vst v3  }
0x216: {  	[tilespmem:s12+$0x9C10] =	vst v3  }
0x217: {  	[tilespmem:s12+$0x9C20] =	vst v3  }
0x218: {  	[tilespmem:s12+$0x9C30] =	vst v3  }
0x219: {  	[tilespmem:s12+$0x9C40] =	vst v3  }
0x21a: {  	[tilespmem:s12+$0x9C50] =	vst v3  }
0x21b: {  	[tilespmem:s12+$0x9C60] =	vst v3  }
0x21c: {  	[tilespmem:s12+$0x9C70] =	vst v3  }
0x21d: {  	[tilespmem:s12+$0x9C80] =	vst v3  }
0x21e: {  	[tilespmem:s12+$0x9C90] =	vst v3  }
0x21f: {  	[tilespmem:s12+$0x9CA0] =	vst v3  }
0x220: {  	[tilespmem:s12+$0x9CB0] =	vst v3  }
0x221: {  	[tilespmem:s12+$0x9CC0] =	vst v3  }
0x222: {  	[tilespmem:s12+$0x9CD0] =	vst v3  }
0x223: {  	[tilespmem:s12+$0x9CE0] =	vst v3  }
0x224: {  	[tilespmem:s12+$0x9CF0] =	vst v3  }
0x225: {  	[tilespmem:s12+$0x9D00] =	vst v3  }
0x226: {  	[tilespmem:s12+$0x9D10] =	vst v3  }
0x227: {  	[tilespmem:s12+$0x9D20] =	vst v3  }
0x228: {  	[tilespmem:s12+$0x9D30] =	vst v3  }
0x229: {  	[tilespmem:s12+$0x9D40] =	vst v3  }
0x22a: {  	[tilespmem:s12+$0x9D50] =	vst v3  }
0x22b: {  	[tilespmem:s12+$0x9D60] =	vst v3  }
0x22c: {  	[tilespmem:s12+$0x9D70] =	vst v3  }
0x22d: {  	[tilespmem:s12+$0x9D80] =	vst v3  }
0x22e: {  	[tilespmem:s12+$0x9D90] =	vst v3  }
0x22f: {  	[tilespmem:s12+$0x9DA0] =	vst v3  }
0x230: {  	[tilespmem:s12+$0x9DB0] =	vst v3  }
0x231: {  	[tilespmem:s12+$0x9DC0] =	vst v3  }
0x232: {  	[tilespmem:s12+$0x9DD0] =	vst v3  }
0x233: {  	[tilespmem:s12+$0x9DE0] =	vst v3  }
0x234: {  	[tilespmem:s12+$0x9DF0] =	vst v3  }
0x235: {  	[tilespmem:s12+$0x9E00] =	vst v3  }
0x236: {  	[tilespmem:s12+$0x9E10] =	vst v3  }
0x237: {  	[tilespmem:s12+$0x9E20] =	vst v3  }
0x238: {  	[tilespmem:s12+$0x9E30] =	vst v3  }
0x239: {  	[tilespmem:s12+$0x9E40] =	vst v3  }
0x23a: {  	[tilespmem:s12+$0x9E50] =	vst v3  }
0x23b: {  	[tilespmem:s12+$0x9E60] =	vst v3  }
0x23c: {  	[tilespmem:s12+$0x9E70] =	vst v3  }
0x23d: {  	[tilespmem:s12+$0x9E80] =	vst v3  }
0x23e: {  	[tilespmem:s12+$0x9E90] =	vst v3  }
0x23f: {  	[tilespmem:s12+$0x9EA0] =	vst v3  }
0x240: {  	[tilespmem:s12+$0x9EB0] =	vst v3  }
0x241: {  	[tilespmem:s12+$0x9EC0] =	vst v3  }
0x242: {  	[tilespmem:s12+$0x9ED0] =	vst v3  }
0x243: {  	[tilespmem:s12+$0x9EE0] =	vst v3  }
0x244: {  	[tilespmem:s12+$0x9EF0] =	vst v3  }
0x245: {  	[tilespmem:s12+$0x9F00] =	vst v3  }
0x246: {  	[tilespmem:s12+$0x9F10] =	vst v3  }
0x247: {  	[tilespmem:s12+$0x9F20] =	vst v3  }
0x248: {  	[tilespmem:s12+$0x9F30] =	vst v3  }
0x249: {  	[tilespmem:s12+$0x9F40] =	vst v3  }
0x24a: {  	[tilespmem:s12+$0x9F50] =	vst v3  }
0x24b: {  	[tilespmem:s12+$0x9F60] =	vst v3  }
0x24c: {  	[tilespmem:s12+$0x9F70] =	vst v3  }
0x24d: {  	[tilespmem:s12+$0x9F80] =	vst v3  }
0x24e: {  	[tilespmem:s12+$0x9F90] =	vst v3  }
0x24f: {  	p1 =	sne.s32 s13, $0x2000;
	[tilespmem:s12+$0x9FA0] =	vst v3  }
.Ltmp1:
0x250: {  	[tilespmem:s12+$0x9FB0] =	vst v3;
	(pc) =	sbr.rel @p1 .LBB2_4-.Ltmp1, $4  }
0x251: {  	[tilespmem:s12+$0x9FC0] =	vst v3  }
0x252: {  	[tilespmem:s12+$0x9FD0] =	vst v3  }
0x253: {  	[tilespmem:s12+$0x9FE0] =	vst v3  }
0x254: {  	s13 =	sadd.s32 $0x1000, s13;
	[tilespmem:s12+$0x9FF0] =	vst v3  }
0x255: {  	_ =	swait.ge [sflag:s9], $0x1C00  }
0x256: {  	[sflag:s9] =	ssyncset.done $0x0  }
0x257: {  	[sflag:s9] =	ssyncadd.s32 $0xFFFFE400  }
0x258: {  	v12 =	vld [tilespmem:$0x0];
	_ =	sdelay $0x1  }
0x259: {  	v13 =	vld [tilespmem:$0x10]  }
0x25a: {  	v14 =	vld [tilespmem:$0x20];
	_ =	sdelay $0x1  }
0x25b: {  	v12 =	vsub.s32 v12, v0  }
0x25c: {  	vm0 =	vgt.s32 v12, $0x0  }
0x25d: {  	v13 =	vsub.s32 v13, v0;
	v15 =	vnsel vm0, $0x0, v12  }
0x25e: {  	v14 =	vsub.s32 v14, v0;
	vm1 =	vgt.s32 v13, $0x0;
	v15 =	vmin.u32 v15, $0x117  }
0x25f: {  	vm9 =	vlt.u32 v12, v1;
	v51 =	vnsel vm1, $0x0, v13;
	v50 =	vshll.u32 v15, $0x7  }
0x260: {  	vm10 =	vgt.s32 v14, $0x0;
	v15 =	vmin.u32 v51, $0x117;
	v12 =	vor.u32 v2, v50  }
0x261: {  	vm2 =	vlt.u32 v13, v1;
	v53 =	vnsel vm10, $0x0, v14;
	v52 =	vshll.u32 v15, $0x7  }
0x262: {  	v15 =	vmin.u32 v53, $0x117;
	v13 =	vor.u32 v5, v52  }
0x263: {  	vm11 =	vlt.u32 v14, v1;
	v54 =	vshll.u32 v15, $0x7  }
0x264: {  	v55 =	vor.u32 v6, v54  }
0x265: {  	[tilespmem:v12+s10+$0x0] =	vst.idx.add.f32.msk vm9, v4  }
0x266: {  	v56 =	vld [tilespmem:$0x80]  }
0x267: {  	[tilespmem:v13+s10+$0x0] =	vst.idx.add.f32.msk vm2, v4  }
0x268: {  	v13 =	vld [tilespmem:$0x90]  }
0x269: {  	[tilespmem:v55+s10+$0x0] =	vst.idx.add.f32.msk vm11, v4  }
0x26a: {  	v58 =	vld [tilespmem:$0xA0]  }
0x26b: {  	v57 =	vsub.s32 v56, v0  }
0x26c: {  	vm12 =	vgt.s32 v57, $0x0  }
0x26d: {  	v13 =	vsub.s32 v13, v0;
	v59 =	vnsel vm12, $0x0, v57  }
0x26e: {  	vm13 =	vlt.u32 v57, v1;
	vm14 =	vgt.s32 v13, $0x0;
	v15 =	vmin.u32 v59, $0x117  }
0x26f: {  	v14 =	vsub.s32 v58, v0;
	v61 =	vnsel vm14, $0x0, v13;
	v60 =	vshll.u32 v15, $0x7  }
0x270: {  	vm15 =	vgt.s32 v14, $0x0;
	v15 =	vmin.u32 v61, $0x117;
	v12 =	vor.u32 v2, v60  }
0x271: {  	vm4 =	vlt.u32 v13, v1;
	v63 =	vnsel vm15, $0x0, v14;
	v62 =	vshll.u32 v15, $0x7  }
0x272: {  	v15 =	vmin.u32 v63, $0x117;
	v13 =	vor.u32 v5, v62  }
0x273: {  	vm5 =	vlt.u32 v14, v1;
	v16 =	vshll.u32 v15, $0x7  }
0x274: {  	v17 =	vor.u32 v6, v16  }
0x275: {  	[tilespmem:v12+s10+$0x0] =	vst.idx.add.f32.msk vm13, v4  }
0x276: {  	v18 =	vld [tilespmem:$0x100]  }
0x277: {  	[tilespmem:v13+s10+$0x0] =	vst.idx.add.f32.msk vm4, v4  }
0x278: {  	v13 =	vld [tilespmem:$0x110]  }
0x279: {  	[tilespmem:v17+s10+$0x0] =	vst.idx.add.f32.msk vm5, v4  }
0x27a: {  	v20 =	vld [tilespmem:$0x120]  }
0x27b: {  	v19 =	vsub.s32 v18, v0  }
0x27c: {  	vm6 =	vgt.s32 v19, $0x0  }
0x27d: {  	v13 =	vsub.s32 v13, v0;
	v21 =	vnsel vm6, $0x0, v19  }
0x27e: {  	vm7 =	vlt.u32 v19, v1;
	vm8 =	vgt.s32 v13, $0x0;
	v15 =	vmin.u32 v21, $0x117  }
0x27f: {  	v14 =	vsub.s32 v20, v0;
	v23 =	vnsel vm8, $0x0, v13;
	v22 =	vshll.u32 v15, $0x7  }
0x280: {  	vm9 =	vgt.s32 v14, $0x0;
	v15 =	vmin.u32 v23, $0x117;
	v12 =	vor.u32 v2, v22  }
0x281: {  	vm10 =	vlt.u32 v13, v1;
	v25 =	vnsel vm9, $0x0, v14;
	v24 =	vshll.u32 v15, $0x7  }
0x282: {  	v15 =	vmin.u32 v25, $0x117;
	v13 =	vor.u32 v5, v24  }
0x283: {  	vm11 =	vlt.u32 v14, v1;
	v26 =	vshll.u32 v15, $0x7  }
0x284: {  	v27 =	vor.u32 v6, v26  }
0x285: {  	[tilespmem:v12+s10+$0x0] =	vst.idx.add.f32.msk vm7, v4  }
0x286: {  	v28 =	vld [tilespmem:$0x180]  }
0x287: {  	[tilespmem:v13+s10+$0x0] =	vst.idx.add.f32.msk vm10, v4  }
0x288: {  	v13 =	vld [tilespmem:$0x190]  }
0x289: {  	[tilespmem:v27+s10+$0x0] =	vst.idx.add.f32.msk vm11, v4  }
0x28a: {  	v30 =	vld [tilespmem:$0x1A0]  }
0x28b: {  	v29 =	vsub.s32 v28, v0  }
0x28c: {  	vm12 =	vgt.s32 v29, $0x0  }
0x28d: {  	v13 =	vsub.s32 v13, v0;
	v31 =	vnsel vm12, $0x0, v29  }
0x28e: {  	vm13 =	vlt.u32 v29, v1;
	vm14 =	vgt.s32 v13, $0x0;
	v15 =	vmin.u32 v31, $0x117  }
0x28f: {  	v14 =	vsub.s32 v30, v0;
	v33 =	vnsel vm14, $0x0, v13;
	v32 =	vshll.u32 v15, $0x7  }
0x290: {  	vm15 =	vgt.s32 v14, $0x0;
	v15 =	vmin.u32 v33, $0x117;
	v12 =	vor.u32 v2, v32  }
0x291: {  	vm4 =	vlt.u32 v13, v1;
	v35 =	vnsel vm15, $0x0, v14;
	v34 =	vshll.u32 v15, $0x7  }
0x292: {  	v15 =	vmin.u32 v35, $0x117;
	v13 =	vor.u32 v5, v34  }
0x293: {  	vm5 =	vlt.u32 v14, v1;
	v36 =	vshll.u32 v15, $0x7  }
0x294: {  	v37 =	vor.u32 v6, v36  }
0x295: {  	[tilespmem:v12+s10+$0x0] =	vst.idx.add.f32.msk vm13, v4  }
0x296: {  	v38 =	vld [tilespmem:$0x200]  }
0x297: {  	[tilespmem:v13+s10+$0x0] =	vst.idx.add.f32.msk vm4, v4  }
0x298: {  	v13 =	vld [tilespmem:$0x210]  }
0x299: {  	[tilespmem:v37+s10+$0x0] =	vst.idx.add.f32.msk vm5, v4  }
0x29a: {  	v40 =	vld [tilespmem:$0x220]  }
0x29b: {  	v39 =	vsub.s32 v38, v0  }
0x29c: {  	vm6 =	vgt.s32 v39, $0x0  }
0x29d: {  	v13 =	vsub.s32 v13, v0;
	v41 =	vnsel vm6, $0x0, v39  }
0x29e: {  	vm7 =	vlt.u32 v39, v1;
	vm8 =	vgt.s32 v13, $0x0;
	v15 =	vmin.u32 v41, $0x117  }
0x29f: {  	v14 =	vsub.s32 v40, v0;
	v43 =	vnsel vm8, $0x0, v13;
	v42 =	vshll.u32 v15, $0x7  }
0x2a0: {  	vm9 =	vgt.s32 v14, $0x0;
	v15 =	vmin.u32 v43, $0x117;
	v12 =	vor.u32 v2, v42  }
0x2a1: {  	vm10 =	vlt.u32 v13, v1;
	v45 =	vnsel vm9, $0x0, v14;
	v44 =	vshll.u32 v15, $0x7  }
0x2a2: {  	v15 =	vmin.u32 v45, $0x117;
	v13 =	vor.u32 v5, v44  }
0x2a3: {  	vm11 =	vlt.u32 v14, v1;
	v46 =	vshll.u32 v15, $0x7  }
0x2a4: {  	v47 =	vor.u32 v6, v46  }
0x2a5: {  	[tilespmem:v12+s10+$0x0] =	vst.idx.add.f32.msk vm7, v4  }
0x2a6: {  	v48 =	vld [tilespmem:$0x280]  }
0x2a7: {  	[tilespmem:v13+s10+$0x0] =	vst.idx.add.f32.msk vm10, v4  }
0x2a8: {  	v13 =	vld [tilespmem:$0x290]  }
0x2a9: {  	[tilespmem:v47+s10+$0x0] =	vst.idx.add.f32.msk vm11, v4  }
0x2aa: {  	v50 =	vld [tilespmem:$0x2A0]  }
0x2ab: {  	v49 =	vsub.s32 v48, v0  }
0x2ac: {  	vm12 =	vgt.s32 v49, $0x0  }
0x2ad: {  	v13 =	vsub.s32 v13, v0;
	v51 =	vnsel vm12, $0x0, v49  }
0x2ae: {  	vm13 =	vlt.u32 v49, v1;
	vm14 =	vgt.s32 v13, $0x0;
	v15 =	vmin.u32 v51, $0x117  }
0x2af: {  	v14 =	vsub.s32 v50, v0;
	v53 =	vnsel vm14, $0x0, v13;
	v52 =	vshll.u32 v15, $0x7  }
0x2b0: {  	vm15 =	vgt.s32 v14, $0x0;
	v15 =	vmin.u32 v53, $0x117;
	v12 =	vor.u32 v2, v52  }
0x2b1: {  	vm4 =	vlt.u32 v13, v1;
	v55 =	vnsel vm15, $0x0, v14;
	v54 =	vshll.u32 v15, $0x7  }
0x2b2: {  	v15 =	vmin.u32 v55, $0x117;
	v13 =	vor.u32 v5, v54  }
0x2b3: {  	vm5 =	vlt.u32 v14, v1;
	v56 =	vshll.u32 v15, $0x7  }
0x2b4: {  	v57 =	vor.u32 v6, v56  }
0x2b5: {  	[tilespmem:v12+s10+$0x0] =	vst.idx.add.f32.msk vm13, v4  }
0x2b6: {  	v58 =	vld [tilespmem:$0x300]  }
0x2b7: {  	[tilespmem:v13+s10+$0x0] =	vst.idx.add.f32.msk vm4, v4  }
0x2b8: {  	v13 =	vld [tilespmem:$0x310]  }
0x2b9: {  	[tilespmem:v57+s10+$0x0] =	vst.idx.add.f32.msk vm5, v4  }
0x2ba: {  	v60 =	vld [tilespmem:$0x320]  }
0x2bb: {  	v59 =	vsub.s32 v58, v0  }
0x2bc: {  	vm6 =	vgt.s32 v59, $0x0  }
0x2bd: {  	v13 =	vsub.s32 v13, v0;
	v61 =	vnsel vm6, $0x0, v59  }
0x2be: {  	vm7 =	vlt.u32 v59, v1;
	vm8 =	vgt.s32 v13, $0x0;
	v15 =	vmin.u32 v61, $0x117  }
0x2bf: {  	v14 =	vsub.s32 v60, v0;
	v63 =	vnsel vm8, $0x0, v13;
	v62 =	vshll.u32 v15, $0x7  }
0x2c0: {  	vm9 =	vgt.s32 v14, $0x0;
	v15 =	vmin.u32 v63, $0x117;
	v12 =	vor.u32 v2, v62  }
0x2c1: {  	vm10 =	vlt.u32 v13, v1;
	v19 =	vnsel vm9, $0x0, v14;
	v18 =	vshll.u32 v15, $0x7  }
0x2c2: {  	v15 =	vmin.u32 v19, $0x117;
	v13 =	vor.u32 v5, v18  }
0x2c3: {  	vm11 =	vlt.u32 v14, v1;
	v20 =	vshll.u32 v15, $0x7  }
0x2c4: {  	v21 =	vor.u32 v6, v20  }
0x2c5: {  	[tilespmem:v12+s10+$0x0] =	vst.idx.add.f32.msk vm7, v4  }
0x2c6: {  	v22 =	vld [tilespmem:$0x380]  }
0x2c7: {  	[tilespmem:v13+s10+$0x0] =	vst.idx.add.f32.msk vm10, v4  }
0x2c8: {  	v13 =	vld [tilespmem:$0x390]  }
0x2c9: {  	[tilespmem:v21+s10+$0x0] =	vst.idx.add.f32.msk vm11, v4  }
0x2ca: {  	v24 =	vld [tilespmem:$0x3A0]  }
0x2cb: {  	v23 =	vsub.s32 v22, v0  }
0x2cc: {  	vm12 =	vgt.s32 v23, $0x0  }
0x2cd: {  	v13 =	vsub.s32 v13, v0;
	v25 =	vnsel vm12, $0x0, v23  }
0x2ce: {  	vm13 =	vlt.u32 v23, v1;
	vm14 =	vgt.s32 v13, $0x0;
	v15 =	vmin.u32 v25, $0x117  }
0x2cf: {  	v14 =	vsub.s32 v24, v0;
	v27 =	vnsel vm14, $0x0, v13;
	v26 =	vshll.u32 v15, $0x7  }
0x2d0: {  	vm15 =	vgt.s32 v14, $0x0;
	v15 =	vmin.u32 v27, $0x117;
	v12 =	vor.u32 v2, v26  }
0x2d1: {  	vm4 =	vlt.u32 v13, v1;
	v29 =	vnsel vm15, $0x0, v14;
	v28 =	vshll.u32 v15, $0x7  }
0x2d2: {  	v15 =	vmin.u32 v29, $0x117;
	v13 =	vor.u32 v5, v28  }
0x2d3: {  	vm5 =	vlt.u32 v14, v1;
	v30 =	vshll.u32 v15, $0x7  }
0x2d4: {  	v31 =	vor.u32 v6, v30  }
0x2d5: {  	[tilespmem:v12+s10+$0x0] =	vst.idx.add.f32.msk vm13, v4  }
0x2d6: {  	v32 =	vld [tilespmem:$0x400]  }
0x2d7: {  	[tilespmem:v13+s10+$0x0] =	vst.idx.add.f32.msk vm4, v4  }
0x2d8: {  	v13 =	vld [tilespmem:$0x410]  }
0x2d9: {  	[tilespmem:v31+s10+$0x0] =	vst.idx.add.f32.msk vm5, v4  }
0x2da: {  	v34 =	vld [tilespmem:$0x420]  }
0x2db: {  	v33 =	vsub.s32 v32, v0  }
0x2dc: {  	vm6 =	vgt.s32 v33, $0x0  }
0x2dd: {  	v13 =	vsub.s32 v13, v0;
	v35 =	vnsel vm6, $0x0, v33  }
0x2de: {  	vm7 =	vlt.u32 v33, v1;
	vm8 =	vgt.s32 v13, $0x0;
	v15 =	vmin.u32 v35, $0x117  }
0x2df: {  	v14 =	vsub.s32 v34, v0;
	v37 =	vnsel vm8, $0x0, v13;
	v36 =	vshll.u32 v15, $0x7  }
0x2e0: {  	vm9 =	vgt.s32 v14, $0x0;
	v15 =	vmin.u32 v37, $0x117;
	v12 =	vor.u32 v2, v36  }
0x2e1: {  	vm10 =	vlt.u32 v13, v1;
	v39 =	vnsel vm9, $0x0, v14;
	v38 =	vshll.u32 v15, $0x7  }
0x2e2: {  	v15 =	vmin.u32 v39, $0x117;
	v13 =	vor.u32 v5, v38  }
0x2e3: {  	vm11 =	vlt.u32 v14, v1;
	v40 =	vshll.u32 v15, $0x7  }
0x2e4: {  	v41 =	vor.u32 v6, v40  }
0x2e5: {  	[tilespmem:v12+s10+$0x0] =	vst.idx.add.f32.msk vm7, v4  }
0x2e6: {  	v42 =	vld [tilespmem:$0x480]  }
0x2e7: {  	[tilespmem:v13+s10+$0x0] =	vst.idx.add.f32.msk vm10, v4  }
0x2e8: {  	v13 =	vld [tilespmem:$0x490]  }
0x2e9: {  	[tilespmem:v41+s10+$0x0] =	vst.idx.add.f32.msk vm11, v4  }
0x2ea: {  	v44 =	vld [tilespmem:$0x4A0]  }
0x2eb: {  	v43 =	vsub.s32 v42, v0  }
0x2ec: {  	vm12 =	vgt.s32 v43, $0x0  }
0x2ed: {  	v13 =	vsub.s32 v13, v0;
	v45 =	vnsel vm12, $0x0, v43  }
0x2ee: {  	vm13 =	vlt.u32 v43, v1;
	vm14 =	vgt.s32 v13, $0x0;
	v15 =	vmin.u32 v45, $0x117  }
0x2ef: {  	v14 =	vsub.s32 v44, v0;
	v47 =	vnsel vm14, $0x0, v13;
	v46 =	vshll.u32 v15, $0x7  }
0x2f0: {  	vm15 =	vgt.s32 v14, $0x0;
	v15 =	vmin.u32 v47, $0x117;
	v12 =	vor.u32 v2, v46  }
0x2f1: {  	vm4 =	vlt.u32 v13, v1;
	v49 =	vnsel vm15, $0x0, v14;
	v48 =	vshll.u32 v15, $0x7  }
0x2f2: {  	v15 =	vmin.u32 v49, $0x117;
	v13 =	vor.u32 v5, v48  }
0x2f3: {  	vm5 =	vlt.u32 v14, v1;
	v50 =	vshll.u32 v15, $0x7  }
0x2f4: {  	v51 =	vor.u32 v6, v50  }
0x2f5: {  	[tilespmem:v12+s10+$0x0] =	vst.idx.add.f32.msk vm13, v4  }
0x2f6: {  	v52 =	vld [tilespmem:$0x500]  }
0x2f7: {  	[tilespmem:v13+s10+$0x0] =	vst.idx.add.f32.msk vm4, v4  }
0x2f8: {  	v13 =	vld [tilespmem:$0x510]  }
0x2f9: {  	[tilespmem:v51+s10+$0x0] =	vst.idx.add.f32.msk vm5, v4  }
0x2fa: {  	v54 =	vld [tilespmem:$0x520]  }
0x2fb: {  	v53 =	vsub.s32 v52, v0  }
0x2fc: {  	vm6 =	vgt.s32 v53, $0x0  }
0x2fd: {  	v13 =	vsub.s32 v13, v0;
	v55 =	vnsel vm6, $0x0, v53  }
0x2fe: {  	vm7 =	vlt.u32 v53, v1;
	vm8 =	vgt.s32 v13, $0x0;
	v15 =	vmin.u32 v55, $0x117  }
0x2ff: {  	v14 =	vsub.s32 v54, v0;
	v57 =	vnsel vm8, $0x0, v13;
	v56 =	vshll.u32 v15, $0x7  }
0x300: {  	vm9 =	vgt.s32 v14, $0x0;
	v15 =	vmin.u32 v57, $0x117;
	v12 =	vor.u32 v2, v56  }
0x301: {  	vm10 =	vlt.u32 v13, v1;
	v59 =	vnsel vm9, $0x0, v14;
	v58 =	vshll.u32 v15, $0x7  }
0x302: {  	v15 =	vmin.u32 v59, $0x117;
	v13 =	vor.u32 v5, v58  }
0x303: {  	vm11 =	vlt.u32 v14, v1;
	v60 =	vshll.u32 v15, $0x7  }
0x304: {  	v61 =	vor.u32 v6, v60  }
0x305: {  	[tilespmem:v12+s10+$0x0] =	vst.idx.add.f32.msk vm7, v4  }
0x306: {  	v62 =	vld [tilespmem:$0x580]  }
0x307: {  	[tilespmem:v13+s10+$0x0] =	vst.idx.add.f32.msk vm10, v4  }
0x308: {  	v13 =	vld [tilespmem:$0x590]  }
0x309: {  	[tilespmem:v61+s10+$0x0] =	vst.idx.add.f32.msk vm11, v4  }
0x30a: {  	v18 =	vld [tilespmem:$0x5A0]  }
0x30b: {  	v63 =	vsub.s32 v62, v0  }
0x30c: {  	vm12 =	vgt.s32 v63, $0x0  }
0x30d: {  	v13 =	vsub.s32 v13, v0;
	v19 =	vnsel vm12, $0x0, v63  }
0x30e: {  	vm13 =	vlt.u32 v63, v1;
	vm14 =	vgt.s32 v13, $0x0;
	v15 =	vmin.u32 v19, $0x117  }
0x30f: {  	v14 =	vsub.s32 v18, v0;
	v21 =	vnsel vm14, $0x0, v13;
	v20 =	vshll.u32 v15, $0x7  }
0x310: {  	vm15 =	vgt.s32 v14, $0x0;
	v15 =	vmin.u32 v21, $0x117;
	v12 =	vor.u32 v2, v20  }
0x311: {  	vm4 =	vlt.u32 v13, v1;
	v23 =	vnsel vm15, $0x0, v14;
	v22 =	vshll.u32 v15, $0x7  }
0x312: {  	v15 =	vmin.u32 v23, $0x117;
	v13 =	vor.u32 v5, v22  }
0x313: {  	vm5 =	vlt.u32 v14, v1;
	v24 =	vshll.u32 v15, $0x7  }
0x314: {  	v25 =	vor.u32 v6, v24  }
0x315: {  	[tilespmem:v12+s10+$0x0] =	vst.idx.add.f32.msk vm13, v4  }
0x316: {  	v26 =	vld [tilespmem:$0x600]  }
0x317: {  	[tilespmem:v13+s10+$0x0] =	vst.idx.add.f32.msk vm4, v4  }
0x318: {  	v13 =	vld [tilespmem:$0x610]  }
0x319: {  	[tilespmem:v25+s10+$0x0] =	vst.idx.add.f32.msk vm5, v4  }
0x31a: {  	v28 =	vld [tilespmem:$0x620]  }
0x31b: {  	v27 =	vsub.s32 v26, v0  }
0x31c: {  	vm6 =	vgt.s32 v27, $0x0  }
0x31d: {  	v13 =	vsub.s32 v13, v0;
	v29 =	vnsel vm6, $0x0, v27  }
0x31e: {  	vm7 =	vlt.u32 v27, v1;
	vm8 =	vgt.s32 v13, $0x0;
	v15 =	vmin.u32 v29, $0x117  }
0x31f: {  	v14 =	vsub.s32 v28, v0;
	v31 =	vnsel vm8, $0x0, v13;
	v30 =	vshll.u32 v15, $0x7  }
0x320: {  	vm9 =	vgt.s32 v14, $0x0;
	v15 =	vmin.u32 v31, $0x117;
	v12 =	vor.u32 v2, v30  }
0x321: {  	vm10 =	vlt.u32 v13, v1;
	v33 =	vnsel vm9, $0x0, v14;
	v32 =	vshll.u32 v15, $0x7  }
0x322: {  	v15 =	vmin.u32 v33, $0x117;
	v13 =	vor.u32 v5, v32  }
0x323: {  	vm11 =	vlt.u32 v14, v1;
	v34 =	vshll.u32 v15, $0x7  }
0x324: {  	v35 =	vor.u32 v6, v34  }
0x325: {  	[tilespmem:v12+s10+$0x0] =	vst.idx.add.f32.msk vm7, v4  }
0x326: {  	v36 =	vld [tilespmem:$0x680]  }
0x327: {  	[tilespmem:v13+s10+$0x0] =	vst.idx.add.f32.msk vm10, v4  }
0x328: {  	v13 =	vld [tilespmem:$0x690]  }
0x329: {  	[tilespmem:v35+s10+$0x0] =	vst.idx.add.f32.msk vm11, v4  }
0x32a: {  	v38 =	vld [tilespmem:$0x6A0]  }
0x32b: {  	v37 =	vsub.s32 v36, v0  }
0x32c: {  	vm12 =	vgt.s32 v37, $0x0  }
0x32d: {  	v13 =	vsub.s32 v13, v0;
	v39 =	vnsel vm12, $0x0, v37  }
0x32e: {  	vm13 =	vlt.u32 v37, v1;
	vm14 =	vgt.s32 v13, $0x0;
	v15 =	vmin.u32 v39, $0x117  }
0x32f: {  	v14 =	vsub.s32 v38, v0;
	v41 =	vnsel vm14, $0x0, v13;
	v40 =	vshll.u32 v15, $0x7  }
0x330: {  	vm15 =	vgt.s32 v14, $0x0;
	v15 =	vmin.u32 v41, $0x117;
	v12 =	vor.u32 v2, v40  }
0x331: {  	vm4 =	vlt.u32 v13, v1;
	v43 =	vnsel vm15, $0x0, v14;
	v42 =	vshll.u32 v15, $0x7  }
0x332: {  	v15 =	vmin.u32 v43, $0x117;
	v13 =	vor.u32 v5, v42  }
0x333: {  	vm5 =	vlt.u32 v14, v1;
	v44 =	vshll.u32 v15, $0x7  }
0x334: {  	v45 =	vor.u32 v6, v44  }
0x335: {  	[tilespmem:v12+s10+$0x0] =	vst.idx.add.f32.msk vm13, v4  }
0x336: {  	v46 =	vld [tilespmem:$0x700]  }
0x337: {  	[tilespmem:v13+s10+$0x0] =	vst.idx.add.f32.msk vm4, v4  }
0x338: {  	v13 =	vld [tilespmem:$0x710]  }
0x339: {  	[tilespmem:v45+s10+$0x0] =	vst.idx.add.f32.msk vm5, v4  }
0x33a: {  	v48 =	vld [tilespmem:$0x720]  }
0x33b: {  	v47 =	vsub.s32 v46, v0  }
0x33c: {  	vm6 =	vgt.s32 v47, $0x0  }
0x33d: {  	v13 =	vsub.s32 v13, v0;
	v49 =	vnsel vm6, $0x0, v47  }
0x33e: {  	vm7 =	vlt.u32 v47, v1;
	vm8 =	vgt.s32 v13, $0x0;
	v15 =	vmin.u32 v49, $0x117  }
0x33f: {  	v14 =	vsub.s32 v48, v0;
	v51 =	vnsel vm8, $0x0, v13;
	v50 =	vshll.u32 v15, $0x7  }
0x340: {  	vm9 =	vgt.s32 v14, $0x0;
	v15 =	vmin.u32 v51, $0x117;
	v12 =	vor.u32 v2, v50  }
0x341: {  	vm10 =	vlt.u32 v13, v1;
	v53 =	vnsel vm9, $0x0, v14;
	v52 =	vshll.u32 v15, $0x7  }
0x342: {  	v15 =	vmin.u32 v53, $0x117;
	v13 =	vor.u32 v5, v52  }
0x343: {  	vm11 =	vlt.u32 v14, v1;
	v54 =	vshll.u32 v15, $0x7  }
0x344: {  	v55 =	vor.u32 v6, v54  }
0x345: {  	[tilespmem:v12+s10+$0x0] =	vst.idx.add.f32.msk vm7, v4  }
0x346: {  	v56 =	vld [tilespmem:$0x780]  }
0x347: {  	[tilespmem:v13+s10+$0x0] =	vst.idx.add.f32.msk vm10, v4  }
0x348: {  	v13 =	vld [tilespmem:$0x790]  }
0x349: {  	[tilespmem:v55+s10+$0x0] =	vst.idx.add.f32.msk vm11, v4  }
0x34a: {  	v58 =	vld [tilespmem:$0x7A0]  }
0x34b: {  	v57 =	vsub.s32 v56, v0  }
0x34c: {  	vm12 =	vgt.s32 v57, $0x0  }
0x34d: {  	v13 =	vsub.s32 v13, v0;
	v59 =	vnsel vm12, $0x0, v57  }
0x34e: {  	vm13 =	vlt.u32 v57, v1;
	vm14 =	vgt.s32 v13, $0x0;
	v15 =	vmin.u32 v59, $0x117  }
0x34f: {  	v14 =	vsub.s32 v58, v0;
	v61 =	vnsel vm14, $0x0, v13;
	v60 =	vshll.u32 v15, $0x7  }
0x350: {  	vm15 =	vgt.s32 v14, $0x0;
	v15 =	vmin.u32 v61, $0x117;
	v12 =	vor.u32 v2, v60  }
0x351: {  	vm4 =	vlt.u32 v13, v1;
	v63 =	vnsel vm15, $0x0, v14;
	v62 =	vshll.u32 v15, $0x7  }
0x352: {  	v15 =	vmin.u32 v63, $0x117;
	v13 =	vor.u32 v5, v62  }
0x353: {  	vm5 =	vlt.u32 v14, v1;
	v16 =	vshll.u32 v15, $0x7  }
0x354: {  	v17 =	vor.u32 v6, v16  }
0x355: {  	[tilespmem:v12+s10+$0x0] =	vst.idx.add.f32.msk vm13, v4  }
0x356: {  	v18 =	vld [tilespmem:$0x800]  }
0x357: {  	[tilespmem:v13+s10+$0x0] =	vst.idx.add.f32.msk vm4, v4  }
0x358: {  	v13 =	vld [tilespmem:$0x810]  }
0x359: {  	[tilespmem:v17+s10+$0x0] =	vst.idx.add.f32.msk vm5, v4  }
0x35a: {  	v20 =	vld [tilespmem:$0x820]  }
0x35b: {  	v19 =	vsub.s32 v18, v0  }
0x35c: {  	vm6 =	vgt.s32 v19, $0x0  }
0x35d: {  	v13 =	vsub.s32 v13, v0;
	v21 =	vnsel vm6, $0x0, v19  }
0x35e: {  	vm7 =	vlt.u32 v19, v1;
	vm8 =	vgt.s32 v13, $0x0;
	v15 =	vmin.u32 v21, $0x117  }
0x35f: {  	v14 =	vsub.s32 v20, v0;
	v23 =	vnsel vm8, $0x0, v13;
	v22 =	vshll.u32 v15, $0x7  }
0x360: {  	vm9 =	vgt.s32 v14, $0x0;
	v15 =	vmin.u32 v23, $0x117;
	v12 =	vor.u32 v2, v22  }
0x361: {  	vm10 =	vlt.u32 v13, v1;
	v25 =	vnsel vm9, $0x0, v14;
	v24 =	vshll.u32 v15, $0x7  }
0x362: {  	v15 =	vmin.u32 v25, $0x117;
	v13 =	vor.u32 v5, v24  }
0x363: {  	vm11 =	vlt.u32 v14, v1;
	v26 =	vshll.u32 v15, $0x7  }
0x364: {  	v27 =	vor.u32 v6, v26  }
0x365: {  	[tilespmem:v12+s10+$0x0] =	vst.idx.add.f32.msk vm7, v4  }
0x366: {  	v28 =	vld [tilespmem:$0x880]  }
0x367: {  	[tilespmem:v13+s10+$0x0] =	vst.idx.add.f32.msk vm10, v4  }
0x368: {  	v13 =	vld [tilespmem:$0x890]  }
0x369: {  	[tilespmem:v27+s10+$0x0] =	vst.idx.add.f32.msk vm11, v4  }
0x36a: {  	v30 =	vld [tilespmem:$0x8A0]  }
0x36b: {  	v29 =	vsub.s32 v28, v0  }
0x36c: {  	vm12 =	vgt.s32 v29, $0x0  }
0x36d: {  	v13 =	vsub.s32 v13, v0;
	v31 =	vnsel vm12, $0x0, v29  }
0x36e: {  	vm13 =	vlt.u32 v29, v1;
	vm14 =	vgt.s32 v13, $0x0;
	v15 =	vmin.u32 v31, $0x117  }
0x36f: {  	v14 =	vsub.s32 v30, v0;
	v33 =	vnsel vm14, $0x0, v13;
	v32 =	vshll.u32 v15, $0x7  }
0x370: {  	vm15 =	vgt.s32 v14, $0x0;
	v15 =	vmin.u32 v33, $0x117;
	v12 =	vor.u32 v2, v32  }
0x371: {  	vm4 =	vlt.u32 v13, v1;
	v35 =	vnsel vm15, $0x0, v14;
	v34 =	vshll.u32 v15, $0x7  }
0x372: {  	v15 =	vmin.u32 v35, $0x117;
	v13 =	vor.u32 v5, v34  }
0x373: {  	vm5 =	vlt.u32 v14, v1;
	v36 =	vshll.u32 v15, $0x7  }
0x374: {  	v37 =	vor.u32 v6, v36  }
0x375: {  	[tilespmem:v12+s10+$0x0] =	vst.idx.add.f32.msk vm13, v4  }
0x376: {  	v38 =	vld [tilespmem:$0x900]  }
0x377: {  	[tilespmem:v13+s10+$0x0] =	vst.idx.add.f32.msk vm4, v4  }
0x378: {  	v13 =	vld [tilespmem:$0x910]  }
0x379: {  	[tilespmem:v37+s10+$0x0] =	vst.idx.add.f32.msk vm5, v4  }
0x37a: {  	v40 =	vld [tilespmem:$0x920]  }
0x37b: {  	v39 =	vsub.s32 v38, v0  }
0x37c: {  	vm6 =	vgt.s32 v39, $0x0  }
0x37d: {  	v13 =	vsub.s32 v13, v0;
	v41 =	vnsel vm6, $0x0, v39  }
0x37e: {  	vm7 =	vlt.u32 v39, v1;
	vm8 =	vgt.s32 v13, $0x0;
	v15 =	vmin.u32 v41, $0x117  }
0x37f: {  	v14 =	vsub.s32 v40, v0;
	v43 =	vnsel vm8, $0x0, v13;
	v42 =	vshll.u32 v15, $0x7  }
0x380: {  	vm9 =	vgt.s32 v14, $0x0;
	v15 =	vmin.u32 v43, $0x117;
	v12 =	vor.u32 v2, v42  }
0x381: {  	vm10 =	vlt.u32 v13, v1;
	v45 =	vnsel vm9, $0x0, v14;
	v44 =	vshll.u32 v15, $0x7  }
0x382: {  	v15 =	vmin.u32 v45, $0x117;
	v13 =	vor.u32 v5, v44  }
0x383: {  	vm11 =	vlt.u32 v14, v1;
	v46 =	vshll.u32 v15, $0x7  }
0x384: {  	v47 =	vor.u32 v6, v46  }
0x385: {  	[tilespmem:v12+s10+$0x0] =	vst.idx.add.f32.msk vm7, v4  }
0x386: {  	v48 =	vld [tilespmem:$0x980]  }
0x387: {  	[tilespmem:v13+s10+$0x0] =	vst.idx.add.f32.msk vm10, v4  }
0x388: {  	v13 =	vld [tilespmem:$0x990]  }
0x389: {  	[tilespmem:v47+s10+$0x0] =	vst.idx.add.f32.msk vm11, v4  }
0x38a: {  	v50 =	vld [tilespmem:$0x9A0]  }
0x38b: {  	v49 =	vsub.s32 v48, v0  }
0x38c: {  	vm12 =	vgt.s32 v49, $0x0  }
0x38d: {  	v13 =	vsub.s32 v13, v0;
	v51 =	vnsel vm12, $0x0, v49  }
0x38e: {  	vm13 =	vlt.u32 v49, v1;
	vm14 =	vgt.s32 v13, $0x0;
	v15 =	vmin.u32 v51, $0x117  }
0x38f: {  	v14 =	vsub.s32 v50, v0;
	v53 =	vnsel vm14, $0x0, v13;
	v52 =	vshll.u32 v15, $0x7  }
0x390: {  	vm15 =	vgt.s32 v14, $0x0;
	v15 =	vmin.u32 v53, $0x117;
	v12 =	vor.u32 v2, v52  }
0x391: {  	vm4 =	vlt.u32 v13, v1;
	v55 =	vnsel vm15, $0x0, v14;
	v54 =	vshll.u32 v15, $0x7  }
0x392: {  	v15 =	vmin.u32 v55, $0x117;
	v13 =	vor.u32 v5, v54  }
0x393: {  	vm5 =	vlt.u32 v14, v1;
	v56 =	vshll.u32 v15, $0x7  }
0x394: {  	v57 =	vor.u32 v6, v56  }
0x395: {  	[tilespmem:v12+s10+$0x0] =	vst.idx.add.f32.msk vm13, v4  }
0x396: {  	v58 =	vld [tilespmem:$0xA00]  }
0x397: {  	[tilespmem:v13+s10+$0x0] =	vst.idx.add.f32.msk vm4, v4  }
0x398: {  	v13 =	vld [tilespmem:$0xA10]  }
0x399: {  	[tilespmem:v57+s10+$0x0] =	vst.idx.add.f32.msk vm5, v4  }
0x39a: {  	v60 =	vld [tilespmem:$0xA20]  }
0x39b: {  	v59 =	vsub.s32 v58, v0  }
0x39c: {  	vm6 =	vgt.s32 v59, $0x0  }
0x39d: {  	v13 =	vsub.s32 v13, v0;
	v61 =	vnsel vm6, $0x0, v59  }
0x39e: {  	vm7 =	vlt.u32 v59, v1;
	vm8 =	vgt.s32 v13, $0x0;
	v15 =	vmin.u32 v61, $0x117  }
0x39f: {  	v14 =	vsub.s32 v60, v0;
	v63 =	vnsel vm8, $0x0, v13;
	v62 =	vshll.u32 v15, $0x7  }
0x3a0: {  	vm9 =	vgt.s32 v14, $0x0;
	v15 =	vmin.u32 v63, $0x117;
	v12 =	vor.u32 v2, v62  }
0x3a1: {  	vm10 =	vlt.u32 v13, v1;
	v19 =	vnsel vm9, $0x0, v14;
	v18 =	vshll.u32 v15, $0x7  }
0x3a2: {  	v15 =	vmin.u32 v19, $0x117;
	v13 =	vor.u32 v5, v18  }
0x3a3: {  	vm11 =	vlt.u32 v14, v1;
	v20 =	vshll.u32 v15, $0x7  }
0x3a4: {  	v21 =	vor.u32 v6, v20  }
0x3a5: {  	[tilespmem:v12+s10+$0x0] =	vst.idx.add.f32.msk vm7, v4  }
0x3a6: {  	v22 =	vld [tilespmem:$0xA80]  }
0x3a7: {  	[tilespmem:v13+s10+$0x0] =	vst.idx.add.f32.msk vm10, v4  }
0x3a8: {  	v13 =	vld [tilespmem:$0xA90]  }
0x3a9: {  	[tilespmem:v21+s10+$0x0] =	vst.idx.add.f32.msk vm11, v4  }
0x3aa: {  	v24 =	vld [tilespmem:$0xAA0]  }
0x3ab: {  	v23 =	vsub.s32 v22, v0  }
0x3ac: {  	vm12 =	vgt.s32 v23, $0x0  }
0x3ad: {  	v13 =	vsub.s32 v13, v0;
	v25 =	vnsel vm12, $0x0, v23  }
0x3ae: {  	vm13 =	vlt.u32 v23, v1;
	vm14 =	vgt.s32 v13, $0x0;
	v15 =	vmin.u32 v25, $0x117  }
0x3af: {  	v14 =	vsub.s32 v24, v0;
	v27 =	vnsel vm14, $0x0, v13;
	v26 =	vshll.u32 v15, $0x7  }
0x3b0: {  	vm15 =	vgt.s32 v14, $0x0;
	v15 =	vmin.u32 v27, $0x117;
	v12 =	vor.u32 v2, v26  }
0x3b1: {  	vm4 =	vlt.u32 v13, v1;
	v29 =	vnsel vm15, $0x0, v14;
	v28 =	vshll.u32 v15, $0x7  }
0x3b2: {  	v15 =	vmin.u32 v29, $0x117;
	v13 =	vor.u32 v5, v28  }
0x3b3: {  	vm5 =	vlt.u32 v14, v1;
	v30 =	vshll.u32 v15, $0x7  }
0x3b4: {  	v31 =	vor.u32 v6, v30  }
0x3b5: {  	[tilespmem:v12+s10+$0x0] =	vst.idx.add.f32.msk vm13, v4  }
0x3b6: {  	v32 =	vld [tilespmem:$0xB00]  }
0x3b7: {  	[tilespmem:v13+s10+$0x0] =	vst.idx.add.f32.msk vm4, v4  }
0x3b8: {  	v13 =	vld [tilespmem:$0xB10]  }
0x3b9: {  	[tilespmem:v31+s10+$0x0] =	vst.idx.add.f32.msk vm5, v4  }
0x3ba: {  	v34 =	vld [tilespmem:$0xB20]  }
0x3bb: {  	v33 =	vsub.s32 v32, v0  }
0x3bc: {  	vm6 =	vgt.s32 v33, $0x0  }
0x3bd: {  	v13 =	vsub.s32 v13, v0;
	v35 =	vnsel vm6, $0x0, v33  }
0x3be: {  	vm7 =	vlt.u32 v33, v1;
	vm8 =	vgt.s32 v13, $0x0;
	v15 =	vmin.u32 v35, $0x117  }
0x3bf: {  	v14 =	vsub.s32 v34, v0;
	v37 =	vnsel vm8, $0x0, v13;
	v36 =	vshll.u32 v15, $0x7  }
0x3c0: {  	vm9 =	vgt.s32 v14, $0x0;
	v15 =	vmin.u32 v37, $0x117;
	v12 =	vor.u32 v2, v36  }
0x3c1: {  	vm10 =	vlt.u32 v13, v1;
	v39 =	vnsel vm9, $0x0, v14;
	v38 =	vshll.u32 v15, $0x7  }
0x3c2: {  	v15 =	vmin.u32 v39, $0x117;
	v13 =	vor.u32 v5, v38  }
0x3c3: {  	vm11 =	vlt.u32 v14, v1;
	v40 =	vshll.u32 v15, $0x7  }
0x3c4: {  	v41 =	vor.u32 v6, v40  }
0x3c5: {  	[tilespmem:v12+s10+$0x0] =	vst.idx.add.f32.msk vm7, v4  }
0x3c6: {  	v42 =	vld [tilespmem:$0xB80]  }
0x3c7: {  	[tilespmem:v13+s10+$0x0] =	vst.idx.add.f32.msk vm10, v4  }
0x3c8: {  	v13 =	vld [tilespmem:$0xB90]  }
0x3c9: {  	[tilespmem:v41+s10+$0x0] =	vst.idx.add.f32.msk vm11, v4  }
0x3ca: {  	v44 =	vld [tilespmem:$0xBA0]  }
0x3cb: {  	v43 =	vsub.s32 v42, v0  }
0x3cc: {  	vm12 =	vgt.s32 v43, $0x0  }
0x3cd: {  	v13 =	vsub.s32 v13, v0;
	v45 =	vnsel vm12, $0x0, v43  }
0x3ce: {  	vm13 =	vlt.u32 v43, v1;
	vm14 =	vgt.s32 v13, $0x0;
	v15 =	vmin.u32 v45, $0x117  }
0x3cf: {  	v14 =	vsub.s32 v44, v0;
	v47 =	vnsel vm14, $0x0, v13;
	v46 =	vshll.u32 v15, $0x7  }
0x3d0: {  	vm15 =	vgt.s32 v14, $0x0;
	v15 =	vmin.u32 v47, $0x117;
	v12 =	vor.u32 v2, v46  }
0x3d1: {  	vm4 =	vlt.u32 v13, v1;
	v49 =	vnsel vm15, $0x0, v14;
	v48 =	vshll.u32 v15, $0x7  }
0x3d2: {  	v15 =	vmin.u32 v49, $0x117;
	v13 =	vor.u32 v5, v48  }
0x3d3: {  	vm5 =	vlt.u32 v14, v1;
	v50 =	vshll.u32 v15, $0x7  }
0x3d4: {  	v51 =	vor.u32 v6, v50  }
0x3d5: {  	[tilespmem:v12+s10+$0x0] =	vst.idx.add.f32.msk vm13, v4  }
0x3d6: {  	v52 =	vld [tilespmem:$0xC00]  }
0x3d7: {  	[tilespmem:v13+s10+$0x0] =	vst.idx.add.f32.msk vm4, v4  }
0x3d8: {  	v13 =	vld [tilespmem:$0xC10]  }
0x3d9: {  	[tilespmem:v51+s10+$0x0] =	vst.idx.add.f32.msk vm5, v4  }
0x3da: {  	v54 =	vld [tilespmem:$0xC20]  }
0x3db: {  	v53 =	vsub.s32 v52, v0  }
0x3dc: {  	vm6 =	vgt.s32 v53, $0x0  }
0x3dd: {  	v13 =	vsub.s32 v13, v0;
	v55 =	vnsel vm6, $0x0, v53  }
0x3de: {  	vm7 =	vlt.u32 v53, v1;
	vm8 =	vgt.s32 v13, $0x0;
	v15 =	vmin.u32 v55, $0x117  }
0x3df: {  	v14 =	vsub.s32 v54, v0;
	v57 =	vnsel vm8, $0x0, v13;
	v56 =	vshll.u32 v15, $0x7  }
0x3e0: {  	vm9 =	vgt.s32 v14, $0x0;
	v15 =	vmin.u32 v57, $0x117;
	v12 =	vor.u32 v2, v56  }
0x3e1: {  	vm10 =	vlt.u32 v13, v1;
	v59 =	vnsel vm9, $0x0, v14;
	v58 =	vshll.u32 v15, $0x7  }
0x3e2: {  	v15 =	vmin.u32 v59, $0x117;
	v13 =	vor.u32 v5, v58  }
0x3e3: {  	vm11 =	vlt.u32 v14, v1;
	v60 =	vshll.u32 v15, $0x7  }
0x3e4: {  	v61 =	vor.u32 v6, v60  }
0x3e5: {  	[tilespmem:v12+s10+$0x0] =	vst.idx.add.f32.msk vm7, v4  }
0x3e6: {  	v62 =	vld [tilespmem:$0xC80]  }
0x3e7: {  	[tilespmem:v13+s10+$0x0] =	vst.idx.add.f32.msk vm10, v4  }
0x3e8: {  	v13 =	vld [tilespmem:$0xC90]  }
0x3e9: {  	[tilespmem:v61+s10+$0x0] =	vst.idx.add.f32.msk vm11, v4  }
0x3ea: {  	v18 =	vld [tilespmem:$0xCA0]  }
0x3eb: {  	v63 =	vsub.s32 v62, v0  }
0x3ec: {  	vm12 =	vgt.s32 v63, $0x0  }
0x3ed: {  	v13 =	vsub.s32 v13, v0;
	v19 =	vnsel vm12, $0x0, v63  }
0x3ee: {  	vm13 =	vlt.u32 v63, v1;
	vm14 =	vgt.s32 v13, $0x0;
	v15 =	vmin.u32 v19, $0x117  }
0x3ef: {  	v14 =	vsub.s32 v18, v0;
	v21 =	vnsel vm14, $0x0, v13;
	v20 =	vshll.u32 v15, $0x7  }
0x3f0: {  	vm15 =	vgt.s32 v14, $0x0;
	v15 =	vmin.u32 v21, $0x117;
	v12 =	vor.u32 v2, v20  }
0x3f1: {  	vm4 =	vlt.u32 v13, v1;
	v23 =	vnsel vm15, $0x0, v14;
	v22 =	vshll.u32 v15, $0x7  }
0x3f2: {  	v15 =	vmin.u32 v23, $0x117;
	v13 =	vor.u32 v5, v22  }
0x3f3: {  	vm5 =	vlt.u32 v14, v1;
	v24 =	vshll.u32 v15, $0x7  }
0x3f4: {  	v25 =	vor.u32 v6, v24  }
0x3f5: {  	[tilespmem:v12+s10+$0x0] =	vst.idx.add.f32.msk vm13, v4  }
0x3f6: {  	v26 =	vld [tilespmem:$0xD00]  }
0x3f7: {  	[tilespmem:v13+s10+$0x0] =	vst.idx.add.f32.msk vm4, v4  }
0x3f8: {  	v13 =	vld [tilespmem:$0xD10]  }
0x3f9: {  	[tilespmem:v25+s10+$0x0] =	vst.idx.add.f32.msk vm5, v4  }
0x3fa: {  	v28 =	vld [tilespmem:$0xD20]  }
0x3fb: {  	v27 =	vsub.s32 v26, v0  }
0x3fc: {  	vm6 =	vgt.s32 v27, $0x0  }
0x3fd: {  	v13 =	vsub.s32 v13, v0;
	v29 =	vnsel vm6, $0x0, v27  }
0x3fe: {  	vm7 =	vlt.u32 v27, v1;
	vm8 =	vgt.s32 v13, $0x0;
	v15 =	vmin.u32 v29, $0x117  }
0x3ff: {  	v14 =	vsub.s32 v28, v0;
	v31 =	vnsel vm8, $0x0, v13;
	v30 =	vshll.u32 v15, $0x7  }
0x400: {  	vm9 =	vgt.s32 v14, $0x0;
	v15 =	vmin.u32 v31, $0x117;
	v12 =	vor.u32 v2, v30  }
0x401: {  	vm10 =	vlt.u32 v13, v1;
	v33 =	vnsel vm9, $0x0, v14;
	v32 =	vshll.u32 v15, $0x7  }
0x402: {  	v15 =	vmin.u32 v33, $0x117;
	v13 =	vor.u32 v5, v32  }
0x403: {  	vm11 =	vlt.u32 v14, v1;
	v34 =	vshll.u32 v15, $0x7  }
0x404: {  	v35 =	vor.u32 v6, v34  }
0x405: {  	[tilespmem:v12+s10+$0x0] =	vst.idx.add.f32.msk vm7, v4  }
0x406: {  	v36 =	vld [tilespmem:$0xD80]  }
0x407: {  	[tilespmem:v13+s10+$0x0] =	vst.idx.add.f32.msk vm10, v4  }
0x408: {  	v13 =	vld [tilespmem:$0xD90]  }
0x409: {  	[tilespmem:v35+s10+$0x0] =	vst.idx.add.f32.msk vm11, v4  }
0x40a: {  	v38 =	vld [tilespmem:$0xDA0]  }
0x40b: {  	v37 =	vsub.s32 v36, v0  }
0x40c: {  	vm12 =	vgt.s32 v37, $0x0  }
0x40d: {  	v13 =	vsub.s32 v13, v0;
	v39 =	vnsel vm12, $0x0, v37  }
0x40e: {  	vm13 =	vlt.u32 v37, v1;
	vm14 =	vgt.s32 v13, $0x0;
	v15 =	vmin.u32 v39, $0x117  }
0x40f: {  	v14 =	vsub.s32 v38, v0;
	v41 =	vnsel vm14, $0x0, v13;
	v40 =	vshll.u32 v15, $0x7  }
0x410: {  	vm15 =	vgt.s32 v14, $0x0;
	v15 =	vmin.u32 v41, $0x117;
	v12 =	vor.u32 v2, v40  }
0x411: {  	vm4 =	vlt.u32 v13, v1;
	v43 =	vnsel vm15, $0x0, v14;
	v42 =	vshll.u32 v15, $0x7  }
0x412: {  	v15 =	vmin.u32 v43, $0x117;
	v13 =	vor.u32 v5, v42  }
0x413: {  	vm5 =	vlt.u32 v14, v1;
	v44 =	vshll.u32 v15, $0x7  }
0x414: {  	v45 =	vor.u32 v6, v44  }
0x415: {  	[tilespmem:v12+s10+$0x0] =	vst.idx.add.f32.msk vm13, v4  }
0x416: {  	v46 =	vld [tilespmem:$0xE00]  }
0x417: {  	[tilespmem:v13+s10+$0x0] =	vst.idx.add.f32.msk vm4, v4  }
0x418: {  	v13 =	vld [tilespmem:$0xE10]  }
0x419: {  	[tilespmem:v45+s10+$0x0] =	vst.idx.add.f32.msk vm5, v4  }
0x41a: {  	v48 =	vld [tilespmem:$0xE20]  }
0x41b: {  	v47 =	vsub.s32 v46, v0  }
0x41c: {  	vm6 =	vgt.s32 v47, $0x0  }
0x41d: {  	v13 =	vsub.s32 v13, v0;
	v49 =	vnsel vm6, $0x0, v47  }
0x41e: {  	vm7 =	vlt.u32 v47, v1;
	vm8 =	vgt.s32 v13, $0x0;
	v15 =	vmin.u32 v49, $0x117  }
0x41f: {  	v14 =	vsub.s32 v48, v0;
	v51 =	vnsel vm8, $0x0, v13;
	v50 =	vshll.u32 v15, $0x7  }
0x420: {  	vm9 =	vgt.s32 v14, $0x0;
	v15 =	vmin.u32 v51, $0x117;
	v12 =	vor.u32 v2, v50  }
0x421: {  	vm10 =	vlt.u32 v13, v1;
	v53 =	vnsel vm9, $0x0, v14;
	v52 =	vshll.u32 v15, $0x7  }
0x422: {  	v15 =	vmin.u32 v53, $0x117;
	v13 =	vor.u32 v5, v52  }
0x423: {  	vm11 =	vlt.u32 v14, v1;
	v54 =	vshll.u32 v15, $0x7  }
0x424: {  	v55 =	vor.u32 v6, v54  }
0x425: {  	[tilespmem:v12+s10+$0x0] =	vst.idx.add.f32.msk vm7, v4  }
0x426: {  	v56 =	vld [tilespmem:$0xE80]  }
0x427: {  	[tilespmem:v13+s10+$0x0] =	vst.idx.add.f32.msk vm10, v4  }
0x428: {  	v13 =	vld [tilespmem:$0xE90]  }
0x429: {  	[tilespmem:v55+s10+$0x0] =	vst.idx.add.f32.msk vm11, v4  }
0x42a: {  	v58 =	vld [tilespmem:$0xEA0]  }
0x42b: {  	v57 =	vsub.s32 v56, v0  }
0x42c: {  	vm12 =	vgt.s32 v57, $0x0  }
0x42d: {  	v13 =	vsub.s32 v13, v0;
	v59 =	vnsel vm12, $0x0, v57  }
0x42e: {  	vm13 =	vlt.u32 v57, v1;
	vm14 =	vgt.s32 v13, $0x0;
	v15 =	vmin.u32 v59, $0x117  }
0x42f: {  	v14 =	vsub.s32 v58, v0;
	v61 =	vnsel vm14, $0x0, v13;
	v60 =	vshll.u32 v15, $0x7  }
0x430: {  	vm15 =	vgt.s32 v14, $0x0;
	v15 =	vmin.u32 v61, $0x117;
	v12 =	vor.u32 v2, v60  }
0x431: {  	vm4 =	vlt.u32 v13, v1;
	v63 =	vnsel vm15, $0x0, v14;
	v62 =	vshll.u32 v15, $0x7  }
0x432: {  	v15 =	vmin.u32 v63, $0x117;
	v13 =	vor.u32 v5, v62  }
0x433: {  	vm5 =	vlt.u32 v14, v1;
	v16 =	vshll.u32 v15, $0x7  }
0x434: {  	v17 =	vor.u32 v6, v16  }
0x435: {  	[tilespmem:v12+s10+$0x0] =	vst.idx.add.f32.msk vm13, v4  }
0x436: {  	v18 =	vld [tilespmem:$0xF00]  }
0x437: {  	[tilespmem:v13+s10+$0x0] =	vst.idx.add.f32.msk vm4, v4  }
0x438: {  	v13 =	vld [tilespmem:$0xF10]  }
0x439: {  	[tilespmem:v17+s10+$0x0] =	vst.idx.add.f32.msk vm5, v4  }
0x43a: {  	v20 =	vld [tilespmem:$0xF20]  }
0x43b: {  	v19 =	vsub.s32 v18, v0  }
0x43c: {  	vm6 =	vgt.s32 v19, $0x0  }
0x43d: {  	v13 =	vsub.s32 v13, v0;
	v21 =	vnsel vm6, $0x0, v19  }
0x43e: {  	vm7 =	vlt.u32 v19, v1;
	vm8 =	vgt.s32 v13, $0x0;
	v15 =	vmin.u32 v21, $0x117  }
0x43f: {  	v14 =	vsub.s32 v20, v0;
	v23 =	vnsel vm8, $0x0, v13;
	v22 =	vshll.u32 v15, $0x7  }
0x440: {  	vm9 =	vgt.s32 v14, $0x0;
	v15 =	vmin.u32 v23, $0x117;
	v12 =	vor.u32 v2, v22  }
0x441: {  	vm10 =	vlt.u32 v13, v1;
	v25 =	vnsel vm9, $0x0, v14;
	v24 =	vshll.u32 v15, $0x7  }
0x442: {  	v15 =	vmin.u32 v25, $0x117;
	v13 =	vor.u32 v5, v24  }
0x443: {  	vm11 =	vlt.u32 v14, v1;
	v26 =	vshll.u32 v15, $0x7  }
0x444: {  	v27 =	vor.u32 v6, v26  }
0x445: {  	[tilespmem:v12+s10+$0x0] =	vst.idx.add.f32.msk vm7, v4  }
0x446: {  	v28 =	vld [tilespmem:$0xF80]  }
0x447: {  	[tilespmem:v13+s10+$0x0] =	vst.idx.add.f32.msk vm10, v4  }
0x448: {  	v13 =	vld [tilespmem:$0xF90]  }
0x449: {  	[tilespmem:v27+s10+$0x0] =	vst.idx.add.f32.msk vm11, v4  }
0x44a: {  	v30 =	vld [tilespmem:$0xFA0]  }
0x44b: {  	v29 =	vsub.s32 v28, v0  }
0x44c: {  	vm12 =	vgt.s32 v29, $0x0  }
0x44d: {  	v13 =	vsub.s32 v13, v0;
	v31 =	vnsel vm12, $0x0, v29  }
0x44e: {  	vm13 =	vlt.u32 v29, v1;
	vm14 =	vgt.s32 v13, $0x0;
	v15 =	vmin.u32 v31, $0x117  }
0x44f: {  	v14 =	vsub.s32 v30, v0;
	v33 =	vnsel vm14, $0x0, v13;
	v32 =	vshll.u32 v15, $0x7  }
0x450: {  	vm15 =	vgt.s32 v14, $0x0;
	v15 =	vmin.u32 v33, $0x117;
	v12 =	vor.u32 v2, v32  }
0x451: {  	vm4 =	vlt.u32 v13, v1;
	v35 =	vnsel vm15, $0x0, v14;
	v34 =	vshll.u32 v15, $0x7  }
0x452: {  	v15 =	vmin.u32 v35, $0x117;
	v13 =	vor.u32 v5, v34  }
0x453: {  	vm5 =	vlt.u32 v14, v1;
	v36 =	vshll.u32 v15, $0x7  }
0x454: {  	v37 =	vor.u32 v6, v36  }
0x455: {  	[tilespmem:v12+s10+$0x0] =	vst.idx.add.f32.msk vm13, v4  }
0x456: {  	v38 =	vld [tilespmem:$0x1000]  }
0x457: {  	[tilespmem:v13+s10+$0x0] =	vst.idx.add.f32.msk vm4, v4  }
0x458: {  	v13 =	vld [tilespmem:$0x1010]  }
0x459: {  	[tilespmem:v37+s10+$0x0] =	vst.idx.add.f32.msk vm5, v4  }
0x45a: {  	v40 =	vld [tilespmem:$0x1020]  }
0x45b: {  	v39 =	vsub.s32 v38, v0  }
0x45c: {  	vm6 =	vgt.s32 v39, $0x0  }
0x45d: {  	v13 =	vsub.s32 v13, v0;
	v41 =	vnsel vm6, $0x0, v39  }
0x45e: {  	vm7 =	vlt.u32 v39, v1;
	vm8 =	vgt.s32 v13, $0x0;
	v15 =	vmin.u32 v41, $0x117  }
0x45f: {  	v14 =	vsub.s32 v40, v0;
	v43 =	vnsel vm8, $0x0, v13;
	v42 =	vshll.u32 v15, $0x7  }
0x460: {  	vm9 =	vgt.s32 v14, $0x0;
	v15 =	vmin.u32 v43, $0x117;
	v12 =	vor.u32 v2, v42  }
0x461: {  	vm10 =	vlt.u32 v13, v1;
	v45 =	vnsel vm9, $0x0, v14;
	v44 =	vshll.u32 v15, $0x7  }
0x462: {  	v15 =	vmin.u32 v45, $0x117;
	v13 =	vor.u32 v5, v44  }
0x463: {  	vm11 =	vlt.u32 v14, v1;
	v46 =	vshll.u32 v15, $0x7  }
0x464: {  	v47 =	vor.u32 v6, v46  }
0x465: {  	[tilespmem:v12+s10+$0x0] =	vst.idx.add.f32.msk vm7, v4  }
0x466: {  	v48 =	vld [tilespmem:$0x1080]  }
0x467: {  	[tilespmem:v13+s10+$0x0] =	vst.idx.add.f32.msk vm10, v4  }
0x468: {  	v13 =	vld [tilespmem:$0x1090]  }
0x469: {  	[tilespmem:v47+s10+$0x0] =	vst.idx.add.f32.msk vm11, v4  }
0x46a: {  	v50 =	vld [tilespmem:$0x10A0]  }
0x46b: {  	v49 =	vsub.s32 v48, v0  }
0x46c: {  	vm12 =	vgt.s32 v49, $0x0  }
0x46d: {  	v13 =	vsub.s32 v13, v0;
	v51 =	vnsel vm12, $0x0, v49  }
0x46e: {  	vm13 =	vlt.u32 v49, v1;
	vm14 =	vgt.s32 v13, $0x0;
	v15 =	vmin.u32 v51, $0x117  }
0x46f: {  	v14 =	vsub.s32 v50, v0;
	v53 =	vnsel vm14, $0x0, v13;
	v52 =	vshll.u32 v15, $0x7  }
0x470: {  	vm15 =	vgt.s32 v14, $0x0;
	v15 =	vmin.u32 v53, $0x117;
	v12 =	vor.u32 v2, v52  }
0x471: {  	vm4 =	vlt.u32 v13, v1;
	v55 =	vnsel vm15, $0x0, v14;
	v54 =	vshll.u32 v15, $0x7  }
0x472: {  	v15 =	vmin.u32 v55, $0x117;
	v13 =	vor.u32 v5, v54  }
0x473: {  	vm5 =	vlt.u32 v14, v1;
	v56 =	vshll.u32 v15, $0x7  }
0x474: {  	v57 =	vor.u32 v6, v56  }
0x475: {  	[tilespmem:v12+s10+$0x0] =	vst.idx.add.f32.msk vm13, v4  }
0x476: {  	v58 =	vld [tilespmem:$0x1100]  }
0x477: {  	[tilespmem:v13+s10+$0x0] =	vst.idx.add.f32.msk vm4, v4  }
0x478: {  	v13 =	vld [tilespmem:$0x1110]  }
0x479: {  	[tilespmem:v57+s10+$0x0] =	vst.idx.add.f32.msk vm5, v4  }
0x47a: {  	v60 =	vld [tilespmem:$0x1120]  }
0x47b: {  	v59 =	vsub.s32 v58, v0  }
0x47c: {  	vm6 =	vgt.s32 v59, $0x0  }
0x47d: {  	v13 =	vsub.s32 v13, v0;
	v61 =	vnsel vm6, $0x0, v59  }
0x47e: {  	vm7 =	vlt.u32 v59, v1;
	vm8 =	vgt.s32 v13, $0x0;
	v15 =	vmin.u32 v61, $0x117  }
0x47f: {  	v14 =	vsub.s32 v60, v0;
	v63 =	vnsel vm8, $0x0, v13;
	v62 =	vshll.u32 v15, $0x7  }
0x480: {  	vm9 =	vgt.s32 v14, $0x0;
	v15 =	vmin.u32 v63, $0x117;
	v12 =	vor.u32 v2, v62  }
0x481: {  	vm10 =	vlt.u32 v13, v1;
	v19 =	vnsel vm9, $0x0, v14;
	v18 =	vshll.u32 v15, $0x7  }
0x482: {  	v15 =	vmin.u32 v19, $0x117;
	v13 =	vor.u32 v5, v18  }
0x483: {  	vm11 =	vlt.u32 v14, v1;
	v20 =	vshll.u32 v15, $0x7  }
0x484: {  	v21 =	vor.u32 v6, v20  }
0x485: {  	[tilespmem:v12+s10+$0x0] =	vst.idx.add.f32.msk vm7, v4  }
0x486: {  	v22 =	vld [tilespmem:$0x1180]  }
0x487: {  	[tilespmem:v13+s10+$0x0] =	vst.idx.add.f32.msk vm10, v4  }
0x488: {  	v13 =	vld [tilespmem:$0x1190]  }
0x489: {  	[tilespmem:v21+s10+$0x0] =	vst.idx.add.f32.msk vm11, v4  }
0x48a: {  	v24 =	vld [tilespmem:$0x11A0]  }
0x48b: {  	v23 =	vsub.s32 v22, v0  }
0x48c: {  	vm12 =	vgt.s32 v23, $0x0  }
0x48d: {  	v13 =	vsub.s32 v13, v0;
	v25 =	vnsel vm12, $0x0, v23  }
0x48e: {  	vm13 =	vlt.u32 v23, v1;
	vm14 =	vgt.s32 v13, $0x0;
	v15 =	vmin.u32 v25, $0x117  }
0x48f: {  	v14 =	vsub.s32 v24, v0;
	v27 =	vnsel vm14, $0x0, v13;
	v26 =	vshll.u32 v15, $0x7  }
0x490: {  	vm15 =	vgt.s32 v14, $0x0;
	v15 =	vmin.u32 v27, $0x117;
	v12 =	vor.u32 v2, v26  }
0x491: {  	vm4 =	vlt.u32 v13, v1;
	v29 =	vnsel vm15, $0x0, v14;
	v28 =	vshll.u32 v15, $0x7  }
0x492: {  	v15 =	vmin.u32 v29, $0x117;
	v13 =	vor.u32 v5, v28  }
0x493: {  	vm5 =	vlt.u32 v14, v1;
	v30 =	vshll.u32 v15, $0x7  }
0x494: {  	v31 =	vor.u32 v6, v30  }
0x495: {  	[tilespmem:v12+s10+$0x0] =	vst.idx.add.f32.msk vm13, v4  }
0x496: {  	v32 =	vld [tilespmem:$0x1200]  }
0x497: {  	[tilespmem:v13+s10+$0x0] =	vst.idx.add.f32.msk vm4, v4  }
0x498: {  	v13 =	vld [tilespmem:$0x1210]  }
0x499: {  	[tilespmem:v31+s10+$0x0] =	vst.idx.add.f32.msk vm5, v4  }
0x49a: {  	v34 =	vld [tilespmem:$0x1220]  }
0x49b: {  	v33 =	vsub.s32 v32, v0  }
0x49c: {  	vm6 =	vgt.s32 v33, $0x0  }
0x49d: {  	v13 =	vsub.s32 v13, v0;
	v35 =	vnsel vm6, $0x0, v33  }
0x49e: {  	vm7 =	vlt.u32 v33, v1;
	vm8 =	vgt.s32 v13, $0x0;
	v15 =	vmin.u32 v35, $0x117  }
0x49f: {  	v14 =	vsub.s32 v34, v0;
	v37 =	vnsel vm8, $0x0, v13;
	v36 =	vshll.u32 v15, $0x7  }
0x4a0: {  	vm9 =	vgt.s32 v14, $0x0;
	v15 =	vmin.u32 v37, $0x117;
	v12 =	vor.u32 v2, v36  }
0x4a1: {  	vm10 =	vlt.u32 v13, v1;
	v39 =	vnsel vm9, $0x0, v14;
	v38 =	vshll.u32 v15, $0x7  }
0x4a2: {  	v15 =	vmin.u32 v39, $0x117;
	v13 =	vor.u32 v5, v38  }
0x4a3: {  	vm11 =	vlt.u32 v14, v1;
	v40 =	vshll.u32 v15, $0x7  }
0x4a4: {  	v41 =	vor.u32 v6, v40  }
0x4a5: {  	[tilespmem:v12+s10+$0x0] =	vst.idx.add.f32.msk vm7, v4  }
0x4a6: {  	v42 =	vld [tilespmem:$0x1280]  }
0x4a7: {  	[tilespmem:v13+s10+$0x0] =	vst.idx.add.f32.msk vm10, v4  }
0x4a8: {  	v13 =	vld [tilespmem:$0x1290]  }
0x4a9: {  	[tilespmem:v41+s10+$0x0] =	vst.idx.add.f32.msk vm11, v4  }
0x4aa: {  	v44 =	vld [tilespmem:$0x12A0]  }
0x4ab: {  	v43 =	vsub.s32 v42, v0  }
0x4ac: {  	vm12 =	vgt.s32 v43, $0x0  }
0x4ad: {  	v13 =	vsub.s32 v13, v0;
	v45 =	vnsel vm12, $0x0, v43  }
0x4ae: {  	vm13 =	vlt.u32 v43, v1;
	vm14 =	vgt.s32 v13, $0x0;
	v15 =	vmin.u32 v45, $0x117  }
0x4af: {  	v14 =	vsub.s32 v44, v0;
	v47 =	vnsel vm14, $0x0, v13;
	v46 =	vshll.u32 v15, $0x7  }
0x4b0: {  	vm15 =	vgt.s32 v14, $0x0;
	v15 =	vmin.u32 v47, $0x117;
	v12 =	vor.u32 v2, v46  }
0x4b1: {  	vm4 =	vlt.u32 v13, v1;
	v49 =	vnsel vm15, $0x0, v14;
	v48 =	vshll.u32 v15, $0x7  }
0x4b2: {  	v15 =	vmin.u32 v49, $0x117;
	v13 =	vor.u32 v5, v48  }
0x4b3: {  	vm5 =	vlt.u32 v14, v1;
	v50 =	vshll.u32 v15, $0x7  }
0x4b4: {  	v51 =	vor.u32 v6, v50  }
0x4b5: {  	[tilespmem:v12+s10+$0x0] =	vst.idx.add.f32.msk vm13, v4  }
0x4b6: {  	v52 =	vld [tilespmem:$0x1300]  }
0x4b7: {  	[tilespmem:v13+s10+$0x0] =	vst.idx.add.f32.msk vm4, v4  }
0x4b8: {  	v13 =	vld [tilespmem:$0x1310]  }
0x4b9: {  	[tilespmem:v51+s10+$0x0] =	vst.idx.add.f32.msk vm5, v4  }
0x4ba: {  	v54 =	vld [tilespmem:$0x1320]  }
0x4bb: {  	v53 =	vsub.s32 v52, v0  }
0x4bc: {  	vm6 =	vgt.s32 v53, $0x0  }
0x4bd: {  	v13 =	vsub.s32 v13, v0;
	v55 =	vnsel vm6, $0x0, v53  }
0x4be: {  	vm7 =	vlt.u32 v53, v1;
	vm8 =	vgt.s32 v13, $0x0;
	v15 =	vmin.u32 v55, $0x117  }
0x4bf: {  	v14 =	vsub.s32 v54, v0;
	v57 =	vnsel vm8, $0x0, v13;
	v56 =	vshll.u32 v15, $0x7  }
0x4c0: {  	vm9 =	vgt.s32 v14, $0x0;
	v15 =	vmin.u32 v57, $0x117;
	v12 =	vor.u32 v2, v56  }
0x4c1: {  	vm10 =	vlt.u32 v13, v1;
	v59 =	vnsel vm9, $0x0, v14;
	v58 =	vshll.u32 v15, $0x7  }
0x4c2: {  	v15 =	vmin.u32 v59, $0x117;
	v13 =	vor.u32 v5, v58  }
0x4c3: {  	vm11 =	vlt.u32 v14, v1;
	v60 =	vshll.u32 v15, $0x7  }
0x4c4: {  	v61 =	vor.u32 v6, v60  }
0x4c5: {  	[tilespmem:v12+s10+$0x0] =	vst.idx.add.f32.msk vm7, v4  }
0x4c6: {  	v62 =	vld [tilespmem:$0x1380]  }
0x4c7: {  	[tilespmem:v13+s10+$0x0] =	vst.idx.add.f32.msk vm10, v4  }
0x4c8: {  	v13 =	vld [tilespmem:$0x1390]  }
0x4c9: {  	[tilespmem:v61+s10+$0x0] =	vst.idx.add.f32.msk vm11, v4  }
0x4ca: {  	v18 =	vld [tilespmem:$0x13A0]  }
0x4cb: {  	v63 =	vsub.s32 v62, v0  }
0x4cc: {  	vm12 =	vgt.s32 v63, $0x0  }
0x4cd: {  	v13 =	vsub.s32 v13, v0;
	v19 =	vnsel vm12, $0x0, v63  }
0x4ce: {  	vm13 =	vlt.u32 v63, v1;
	vm14 =	vgt.s32 v13, $0x0;
	v15 =	vmin.u32 v19, $0x117  }
0x4cf: {  	v14 =	vsub.s32 v18, v0;
	v21 =	vnsel vm14, $0x0, v13;
	v20 =	vshll.u32 v15, $0x7  }
0x4d0: {  	vm15 =	vgt.s32 v14, $0x0;
	v15 =	vmin.u32 v21, $0x117;
	v12 =	vor.u32 v2, v20  }
0x4d1: {  	vm4 =	vlt.u32 v13, v1;
	v23 =	vnsel vm15, $0x0, v14;
	v22 =	vshll.u32 v15, $0x7  }
0x4d2: {  	v15 =	vmin.u32 v23, $0x117;
	v13 =	vor.u32 v5, v22  }
0x4d3: {  	vm5 =	vlt.u32 v14, v1;
	v24 =	vshll.u32 v15, $0x7  }
0x4d4: {  	v25 =	vor.u32 v6, v24  }
0x4d5: {  	[tilespmem:v12+s10+$0x0] =	vst.idx.add.f32.msk vm13, v4  }
0x4d6: {  	v26 =	vld [tilespmem:$0x1400]  }
0x4d7: {  	[tilespmem:v13+s10+$0x0] =	vst.idx.add.f32.msk vm4, v4  }
0x4d8: {  	v13 =	vld [tilespmem:$0x1410]  }
0x4d9: {  	[tilespmem:v25+s10+$0x0] =	vst.idx.add.f32.msk vm5, v4  }
0x4da: {  	v28 =	vld [tilespmem:$0x1420]  }
0x4db: {  	v27 =	vsub.s32 v26, v0  }
0x4dc: {  	vm6 =	vgt.s32 v27, $0x0  }
0x4dd: {  	v13 =	vsub.s32 v13, v0;
	v29 =	vnsel vm6, $0x0, v27  }
0x4de: {  	vm7 =	vlt.u32 v27, v1;
	vm8 =	vgt.s32 v13, $0x0;
	v15 =	vmin.u32 v29, $0x117  }
0x4df: {  	v14 =	vsub.s32 v28, v0;
	v31 =	vnsel vm8, $0x0, v13;
	v30 =	vshll.u32 v15, $0x7  }
0x4e0: {  	vm9 =	vgt.s32 v14, $0x0;
	v15 =	vmin.u32 v31, $0x117;
	v12 =	vor.u32 v2, v30  }
0x4e1: {  	vm10 =	vlt.u32 v13, v1;
	v33 =	vnsel vm9, $0x0, v14;
	v32 =	vshll.u32 v15, $0x7  }
0x4e2: {  	v15 =	vmin.u32 v33, $0x117;
	v13 =	vor.u32 v5, v32  }
0x4e3: {  	vm11 =	vlt.u32 v14, v1;
	v34 =	vshll.u32 v15, $0x7  }
0x4e4: {  	v35 =	vor.u32 v6, v34  }
0x4e5: {  	[tilespmem:v12+s10+$0x0] =	vst.idx.add.f32.msk vm7, v4  }
0x4e6: {  	v36 =	vld [tilespmem:$0x1480]  }
0x4e7: {  	[tilespmem:v13+s10+$0x0] =	vst.idx.add.f32.msk vm10, v4  }
0x4e8: {  	v13 =	vld [tilespmem:$0x1490]  }
0x4e9: {  	[tilespmem:v35+s10+$0x0] =	vst.idx.add.f32.msk vm11, v4  }
0x4ea: {  	v38 =	vld [tilespmem:$0x14A0]  }
0x4eb: {  	v37 =	vsub.s32 v36, v0  }
0x4ec: {  	vm12 =	vgt.s32 v37, $0x0  }
0x4ed: {  	v13 =	vsub.s32 v13, v0;
	v39 =	vnsel vm12, $0x0, v37  }
0x4ee: {  	vm13 =	vlt.u32 v37, v1;
	vm14 =	vgt.s32 v13, $0x0;
	v15 =	vmin.u32 v39, $0x117  }
0x4ef: {  	v14 =	vsub.s32 v38, v0;
	v41 =	vnsel vm14, $0x0, v13;
	v40 =	vshll.u32 v15, $0x7  }
0x4f0: {  	vm15 =	vgt.s32 v14, $0x0;
	v15 =	vmin.u32 v41, $0x117;
	v12 =	vor.u32 v2, v40  }
0x4f1: {  	vm4 =	vlt.u32 v13, v1;
	v43 =	vnsel vm15, $0x0, v14;
	v42 =	vshll.u32 v15, $0x7  }
0x4f2: {  	v15 =	vmin.u32 v43, $0x117;
	v13 =	vor.u32 v5, v42  }
0x4f3: {  	vm5 =	vlt.u32 v14, v1;
	v44 =	vshll.u32 v15, $0x7  }
0x4f4: {  	v45 =	vor.u32 v6, v44  }
0x4f5: {  	[tilespmem:v12+s10+$0x0] =	vst.idx.add.f32.msk vm13, v4  }
0x4f6: {  	v46 =	vld [tilespmem:$0x1500]  }
0x4f7: {  	[tilespmem:v13+s10+$0x0] =	vst.idx.add.f32.msk vm4, v4  }
0x4f8: {  	v13 =	vld [tilespmem:$0x1510]  }
0x4f9: {  	[tilespmem:v45+s10+$0x0] =	vst.idx.add.f32.msk vm5, v4  }
0x4fa: {  	v48 =	vld [tilespmem:$0x1520]  }
0x4fb: {  	v47 =	vsub.s32 v46, v0  }
0x4fc: {  	vm6 =	vgt.s32 v47, $0x0  }
0x4fd: {  	v13 =	vsub.s32 v13, v0;
	v49 =	vnsel vm6, $0x0, v47  }
0x4fe: {  	vm7 =	vlt.u32 v47, v1;
	vm8 =	vgt.s32 v13, $0x0;
	v15 =	vmin.u32 v49, $0x117  }
0x4ff: {  	v14 =	vsub.s32 v48, v0;
	v51 =	vnsel vm8, $0x0, v13;
	v50 =	vshll.u32 v15, $0x7  }
0x500: {  	vm9 =	vgt.s32 v14, $0x0;
	v15 =	vmin.u32 v51, $0x117;
	v12 =	vor.u32 v2, v50  }
0x501: {  	vm10 =	vlt.u32 v13, v1;
	v53 =	vnsel vm9, $0x0, v14;
	v52 =	vshll.u32 v15, $0x7  }
0x502: {  	v15 =	vmin.u32 v53, $0x117;
	v13 =	vor.u32 v5, v52  }
0x503: {  	vm11 =	vlt.u32 v14, v1;
	v54 =	vshll.u32 v15, $0x7  }
0x504: {  	v55 =	vor.u32 v6, v54  }
0x505: {  	[tilespmem:v12+s10+$0x0] =	vst.idx.add.f32.msk vm7, v4  }
0x506: {  	v56 =	vld [tilespmem:$0x1580]  }
0x507: {  	[tilespmem:v13+s10+$0x0] =	vst.idx.add.f32.msk vm10, v4  }
0x508: {  	v13 =	vld [tilespmem:$0x1590]  }
0x509: {  	[tilespmem:v55+s10+$0x0] =	vst.idx.add.f32.msk vm11, v4  }
0x50a: {  	v58 =	vld [tilespmem:$0x15A0]  }
0x50b: {  	v57 =	vsub.s32 v56, v0  }
0x50c: {  	vm12 =	vgt.s32 v57, $0x0  }
0x50d: {  	v13 =	vsub.s32 v13, v0;
	v59 =	vnsel vm12, $0x0, v57  }
0x50e: {  	vm13 =	vlt.u32 v57, v1;
	vm14 =	vgt.s32 v13, $0x0;
	v15 =	vmin.u32 v59, $0x117  }
0x50f: {  	v14 =	vsub.s32 v58, v0;
	v61 =	vnsel vm14, $0x0, v13;
	v60 =	vshll.u32 v15, $0x7  }
0x510: {  	vm15 =	vgt.s32 v14, $0x0;
	v15 =	vmin.u32 v61, $0x117;
	v12 =	vor.u32 v2, v60  }
0x511: {  	vm4 =	vlt.u32 v13, v1;
	v63 =	vnsel vm15, $0x0, v14;
	v62 =	vshll.u32 v15, $0x7  }
0x512: {  	v15 =	vmin.u32 v63, $0x117;
	v13 =	vor.u32 v5, v62  }
0x513: {  	vm5 =	vlt.u32 v14, v1;
	v17 =	vshll.u32 v15, $0x7  }
0x514: {  	v18 =	vor.u32 v6, v17  }
0x515: {  	[tilespmem:v12+s10+$0x0] =	vst.idx.add.f32.msk vm13, v4  }
0x516: {  	v19 =	vld [tilespmem:$0x1600]  }
0x517: {  	[tilespmem:v13+s10+$0x0] =	vst.idx.add.f32.msk vm4, v4  }
0x518: {  	v13 =	vld [tilespmem:$0x1610]  }
0x519: {  	[tilespmem:v18+s10+$0x0] =	vst.idx.add.f32.msk vm5, v4  }
0x51a: {  	v21 =	vld [tilespmem:$0x1620]  }
0x51b: {  	v20 =	vsub.s32 v19, v0  }
0x51c: {  	vm6 =	vgt.s32 v20, $0x0  }
0x51d: {  	v13 =	vsub.s32 v13, v0;
	v22 =	vnsel vm6, $0x0, v20  }
0x51e: {  	vm7 =	vlt.u32 v20, v1;
	vm8 =	vgt.s32 v13, $0x0;
	v15 =	vmin.u32 v22, $0x117  }
0x51f: {  	v14 =	vsub.s32 v21, v0;
	v24 =	vnsel vm8, $0x0, v13;
	v23 =	vshll.u32 v15, $0x7  }
0x520: {  	vm9 =	vgt.s32 v14, $0x0;
	v15 =	vmin.u32 v24, $0x117;
	v12 =	vor.u32 v2, v23  }
0x521: {  	vm10 =	vlt.u32 v13, v1;
	v26 =	vnsel vm9, $0x0, v14;
	v25 =	vshll.u32 v15, $0x7  }
0x522: {  	v15 =	vmin.u32 v26, $0x117;
	v13 =	vor.u32 v5, v25  }
0x523: {  	vm11 =	vlt.u32 v14, v1;
	v27 =	vshll.u32 v15, $0x7  }
0x524: {  	v28 =	vor.u32 v6, v27  }
0x525: {  	[tilespmem:v12+s10+$0x0] =	vst.idx.add.f32.msk vm7, v4  }
0x526: {  	v29 =	vld [tilespmem:$0x1680]  }
0x527: {  	[tilespmem:v13+s10+$0x0] =	vst.idx.add.f32.msk vm10, v4  }
0x528: {  	v13 =	vld [tilespmem:$0x1690]  }
0x529: {  	[tilespmem:v28+s10+$0x0] =	vst.idx.add.f32.msk vm11, v4  }
0x52a: {  	v31 =	vld [tilespmem:$0x16A0]  }
0x52b: {  	v30 =	vsub.s32 v29, v0  }
0x52c: {  	vm12 =	vgt.s32 v30, $0x0  }
0x52d: {  	v13 =	vsub.s32 v13, v0;
	v32 =	vnsel vm12, $0x0, v30  }
0x52e: {  	vm13 =	vlt.u32 v30, v1;
	vm14 =	vgt.s32 v13, $0x0;
	v15 =	vmin.u32 v32, $0x117  }
0x52f: {  	v14 =	vsub.s32 v31, v0;
	v34 =	vnsel vm14, $0x0, v13;
	v33 =	vshll.u32 v15, $0x7  }
0x530: {  	vm15 =	vgt.s32 v14, $0x0;
	v15 =	vmin.u32 v34, $0x117;
	v12 =	vor.u32 v2, v33  }
0x531: {  	vm4 =	vlt.u32 v13, v1;
	v36 =	vnsel vm15, $0x0, v14;
	v35 =	vshll.u32 v15, $0x7  }
0x532: {  	v15 =	vmin.u32 v36, $0x117;
	v13 =	vor.u32 v5, v35  }
0x533: {  	vm5 =	vlt.u32 v14, v1;
	v37 =	vshll.u32 v15, $0x7  }
0x534: {  	v38 =	vor.u32 v6, v37  }
0x535: {  	[tilespmem:v12+s10+$0x0] =	vst.idx.add.f32.msk vm13, v4  }
0x536: {  	v39 =	vld [tilespmem:$0x1700]  }
0x537: {  	[tilespmem:v13+s10+$0x0] =	vst.idx.add.f32.msk vm4, v4  }
0x538: {  	v13 =	vld [tilespmem:$0x1710]  }
0x539: {  	[tilespmem:v38+s10+$0x0] =	vst.idx.add.f32.msk vm5, v4  }
0x53a: {  	v41 =	vld [tilespmem:$0x1720]  }
0x53b: {  	v40 =	vsub.s32 v39, v0  }
0x53c: {  	vm6 =	vgt.s32 v40, $0x0  }
0x53d: {  	v13 =	vsub.s32 v13, v0;
	v42 =	vnsel vm6, $0x0, v40  }
0x53e: {  	vm7 =	vlt.u32 v40, v1;
	vm8 =	vgt.s32 v13, $0x0;
	v15 =	vmin.u32 v42, $0x117  }
0x53f: {  	v14 =	vsub.s32 v41, v0;
	v44 =	vnsel vm8, $0x0, v13;
	v43 =	vshll.u32 v15, $0x7  }
0x540: {  	vm9 =	vgt.s32 v14, $0x0;
	v15 =	vmin.u32 v44, $0x117;
	v12 =	vor.u32 v2, v43  }
0x541: {  	vm10 =	vlt.u32 v13, v1;
	v46 =	vnsel vm9, $0x0, v14;
	v45 =	vshll.u32 v15, $0x7  }
0x542: {  	v15 =	vmin.u32 v46, $0x117;
	v13 =	vor.u32 v5, v45  }
0x543: {  	vm11 =	vlt.u32 v14, v1;
	v47 =	vshll.u32 v15, $0x7  }
0x544: {  	v16 =	vld [tilespmem:$0x30];
	v48 =	vor.u32 v6, v47  }
0x545: {  	[tilespmem:v12+s10+$0x0] =	vst.idx.add.f32.msk vm7, v4  }
0x546: {  	v49 =	vld [tilespmem:$0x1780]  }
0x547: {  	[tilespmem:v13+s10+$0x0] =	vst.idx.add.f32.msk vm10, v4  }
0x548: {  	v13 =	vld [tilespmem:$0x1790]  }
0x549: {  	[tilespmem:v48+s10+$0x0] =	vst.idx.add.f32.msk vm11, v4  }
0x54a: {  	v16 =	vsub.s32 v16, v0;
	v51 =	vld [tilespmem:$0x17A0]  }
0x54b: {  	vm7 =	vgt.s32 v16, $0x0  }
0x54c: {  	vm8 =	vlt.u32 v16, v1;
	v58 =	vnsel vm7, $0x0, v16;
	v50 =	vsub.s32 v49, v0  }
0x54d: {  	v60 =	vmin.u32 v58, $0x117;
	vm12 =	vgt.s32 v50, $0x0;
	v13 =	vsub.s32 v13, v0  }
0x54e: {  	vm13 =	vlt.u32 v50, v1;
	v52 =	vnsel vm12, $0x0, v50;
	vm14 =	vgt.s32 v13, $0x0  }
0x54f: {  	v14 =	vsub.s32 v51, v0;
	v15 =	vmin.u32 v52, $0x117;
	v54 =	vnsel vm14, $0x0, v13  }
0x550: {  	vm6 =	vgt.s32 v14, $0x0;
	vm3 =	vlt.u32 v14, v1;
	v53 =	vshll.u32 v15, $0x7  }
0x551: {  	v56 =	vnsel vm6, $0x0, v14;
	v14 =	vshll.u32 v60, $0x7;
	v12 =	vor.u32 v2, v53  }
0x552: {  	v55 =	vmin.u32 v54, $0x117;
	v14 =	vor.u32 v7, v14  }
0x553: {  	vm15 =	vlt.u32 v13, v1;
	v13 =	vshll.u32 v55, $0x7  }
0x554: {  	v13 =	vor.u32 v5, v13  }
0x555: {  	v15 =	vmin.u32 v56, $0x117  }
0x556: {  	v57 =	vshll.u32 v15, $0x7;
	[tilespmem:v12+s10+$0x0] =	vst.idx.add.f32.msk vm13, v4  }
0x557: {  	v59 =	vor.u32 v6, v57;
	[tilespmem:v14+s10+$0x0] =	vst.idx.add.f32.msk vm8, v4  }
0x558: {  	v61 =	vld [tilespmem:$0x1800]  }
0x559: {  	[tilespmem:v13+s10+$0x0] =	vst.idx.add.f32.msk vm15, v4  }
0x55a: {  	v21 =	vld [tilespmem:$0xB0]  }
0x55b: {  	v13 =	vld [tilespmem:$0x1810]  }
0x55c: {  	[tilespmem:v59+s10+$0x0] =	vst.idx.add.f32.msk vm3, v4  }
0x55d: {  	v63 =	vld [tilespmem:$0x1820]  }
0x55e: {  	v62 =	vsub.s32 v61, v0  }
0x55f: {  	vm9 =	vgt.s32 v62, $0x0  }
0x560: {  	v16 =	vsub.s32 v21, v0;
	v13 =	vsub.s32 v13, v0;
	v20 =	vnsel vm9, $0x0, v62  }
0x561: {  	vm10 =	vlt.u32 v62, v1;
	vm11 =	vgt.s32 v13, $0x0;
	v14 =	vmin.u32 v20, $0x117  }
0x562: {  	v15 =	vsub.s32 v63, v0;
	v23 =	vnsel vm11, $0x0, v13;
	v22 =	vshll.u32 v14, $0x7  }
0x563: {  	vm13 =	vgt.s32 v15, $0x0;
	v24 =	vmin.u32 v23, $0x117;
	v12 =	vor.u32 v2, v22  }
0x564: {  	vm12 =	vlt.u32 v13, v1;
	v25 =	vnsel vm13, $0x0, v15;
	v13 =	vshll.u32 v24, $0x7  }
0x565: {  	vm14 =	vgt.s32 v16, $0x0;
	v14 =	vmin.u32 v25, $0x117;
	v13 =	vor.u32 v5, v13  }
0x566: {  	v26 =	vnsel vm14, $0x0, v16;
	vm15 =	vlt.u32 v15, v1;
	v14 =	vshll.u32 v14, $0x7  }
0x567: {  	v28 =	vmin.u32 v26, $0x117;
	v27 =	vor.u32 v6, v14  }
0x568: {  	vm5 =	vlt.u32 v16, v1;
	v14 =	vshll.u32 v28, $0x7;
	[tilespmem:v12+s10+$0x0] =	vst.idx.add.f32.msk vm10, v4  }
0x569: {  	v14 =	vor.u32 v7, v14;
	v29 =	vld [tilespmem:$0x1880]  }
0x56a: {  	[tilespmem:v13+s10+$0x0] =	vst.idx.add.f32.msk vm12, v4  }
0x56b: {  	v13 =	vld [tilespmem:$0x1890]  }
0x56c: {  	[tilespmem:v27+s10+$0x0] =	vst.idx.add.f32.msk vm15, v4  }
0x56d: {  	v31 =	vld [tilespmem:$0x18A0]  }
0x56e: {  	[tilespmem:v14+s10+$0x0] =	vst.idx.add.f32.msk vm5, v4  }
0x56f: {  	v33 =	vld [tilespmem:$0x130]  }
0x570: {  	v30 =	vsub.s32 v29, v0  }
0x571: {  	vm6 =	vgt.s32 v30, $0x0;
	v13 =	vsub.s32 v13, v0  }
0x572: {  	vm7 =	vlt.u32 v30, v1;
	v32 =	vnsel vm6, $0x0, v30;
	vm8 =	vgt.s32 v13, $0x0  }
0x573: {  	vm9 =	vlt.u32 v13, v1;
	v35 =	vsub.s32 v31, v0;
	v14 =	vmin.u32 v32, $0x117  }
0x574: {  	v13 =	vnsel vm8, $0x0, v13;
	vm10 =	vgt.s32 v35, $0x0;
	v36 =	vsub.s32 v33, v0  }
0x575: {  	vm12 =	vlt.u32 v35, v1;
	v14 =	vshll.u32 v14, $0x7;
	v13 =	vmin.u32 v13, $0x117  }
0x576: {  	v37 =	vnsel vm10, $0x0, v35;
	vm11 =	vgt.s32 v36, $0x0;
	v34 =	vor.u32 v2, v14  }
0x577: {  	v13 =	vshll.u32 v13, $0x7;
	v16 =	vmin.u32 v37, $0x117;
	v17 =	vnsel vm11, $0x0, v36  }
0x578: {  	v13 =	vor.u32 v5, v13;
	v38 =	vshll.u32 v16, $0x7;
	v39 =	vmin.u32 v17, $0x117  }
0x579: {  	vm13 =	vlt.u32 v36, v1;
	v14 =	vor.u32 v6, v38;
	v40 =	vshll.u32 v39, $0x7  }
0x57a: {  	v15 =	vor.u32 v7, v40;
	_ =	sdelay $0x1  }
0x57b: {  	[tilespmem:v34+s10+$0x0] =	vst.idx.add.f32.msk vm7, v4  }
0x57c: {  	[tilespmem:v13+s10+$0x0] =	vst.idx.add.f32.msk vm9, v4  }
0x57d: {  	[tilespmem:v14+s10+$0x0] =	vst.idx.add.f32.msk vm12, v4  }
0x57e: {  	[tilespmem:v15+s10+$0x0] =	vst.idx.add.f32.msk vm13, v4  }
0x57f: {  	v12 =	vld [tilespmem:$0x1B0]  }
0x580: {  	v41 =	vld [tilespmem:$0x40]  }
0x581: {  	v42 =	vld [tilespmem:$0x50]  }
0x582: {  	v43 =	vld [tilespmem:$0x60];
	_ =	sdelay $0x2  }
0x583: {  	v13 =	vsub.s32 v41, v0  }
0x584: {  	v14 =	vsub.s32 v42, v0;
	vm14 =	vgt.s32 v13, $0x0  }
0x585: {  	v15 =	vsub.s32 v43, v0;
	vm6 =	vgt.s32 v14, $0x0;
	v44 =	vnsel vm14, $0x0, v13  }
0x586: {  	vm15 =	vlt.u32 v13, v1;
	v47 =	vnsel vm6, $0x0, v14;
	v16 =	vmin.u32 v44, $0x117  }
0x587: {  	vm7 =	vlt.u32 v14, v1;
	v48 =	vmin.u32 v47, $0x117;
	v46 =	vshll.u32 v16, $0x7  }
0x588: {  	v45 =	vld [tilespmem:$0x70];
	vm8 =	vgt.s32 v15, $0x0;
	v14 =	vshll.u32 v48, $0x7;
	v13 =	vor.u32 v8, v46  }
0x589: {  	v49 =	vnsel vm8, $0x0, v15;
	v14 =	vor.u32 v9, v14  }
0x58a: {  	v16 =	vmin.u32 v49, $0x117  }
0x58b: {  	vm10 =	vlt.u32 v15, v1;
	v50 =	vshll.u32 v16, $0x7  }
0x58c: {  	v52 =	vor.u32 v10, v50  }
0x58d: {  	v17 =	vsub.s32 v45, v0;
	[tilespmem:v13+s10+$0x0] =	vst.idx.add.f32.msk vm15, v4  }
0x58e: {  	vm9 =	vgt.s32 v17, $0x0;
	[tilespmem:v14+s10+$0x0] =	vst.idx.add.f32.msk vm7, v4  }
0x58f: {  	v51 =	vnsel vm9, $0x0, v17;
	v54 =	vld [tilespmem:$0xC0]  }
0x590: {  	v53 =	vmin.u32 v51, $0x117;
	v14 =	vld [tilespmem:$0xD0]  }
0x591: {  	vm11 =	vlt.u32 v17, v1;
	v15 =	vshll.u32 v53, $0x7;
	[tilespmem:v52+s10+$0x0] =	vst.idx.add.f32.msk vm10, v4  }
0x592: {  	v15 =	vor.u32 v11, v15;
	v56 =	vld [tilespmem:$0xE0];
	_ =	sdelay $0x1  }
0x593: {  	v55 =	vsub.s32 v54, v0  }
0x594: {  	v14 =	vsub.s32 v14, v0;
	vm12 =	vgt.s32 v55, $0x0  }
0x595: {  	vm13 =	vlt.u32 v55, v1;
	vm14 =	vgt.s32 v14, $0x0;
	v57 =	vnsel vm12, $0x0, v55  }
0x596: {  	[tilespmem:v15+s10+$0x0] =	vst.idx.add.f32.msk vm11, v4;
	v16 =	vsub.s32 v56, v0;
	v60 =	vnsel vm14, $0x0, v14;
	v15 =	vmin.u32 v57, $0x117  }
0x597: {  	vm15 =	vlt.u32 v14, v1;
	v61 =	vmin.u32 v60, $0x117;
	v59 =	vshll.u32 v15, $0x7  }
0x598: {  	v58 =	vld [tilespmem:$0xF0];
	vm5 =	vgt.s32 v16, $0x0;
	v14 =	vshll.u32 v61, $0x7;
	v13 =	vor.u32 v8, v59  }
0x599: {  	v62 =	vnsel vm5, $0x0, v16;
	v14 =	vor.u32 v9, v14  }
0x59a: {  	v15 =	vmin.u32 v62, $0x117  }
0x59b: {  	vm7 =	vlt.u32 v16, v1;
	v15 =	vshll.u32 v15, $0x7  }
0x59c: {  	v20 =	vor.u32 v10, v15  }
0x59d: {  	v17 =	vsub.s32 v58, v0;
	[tilespmem:v13+s10+$0x0] =	vst.idx.add.f32.msk vm13, v4  }
0x59e: {  	vm6 =	vgt.s32 v17, $0x0;
	[tilespmem:v14+s10+$0x0] =	vst.idx.add.f32.msk vm15, v4  }
0x59f: {  	v63 =	vnsel vm6, $0x0, v17;
	v22 =	vld [tilespmem:$0x140]  }
0x5a0: {  	v21 =	vmin.u32 v63, $0x117;
	v14 =	vld [tilespmem:$0x150]  }
0x5a1: {  	vm8 =	vlt.u32 v17, v1;
	v15 =	vshll.u32 v21, $0x7;
	[tilespmem:v20+s10+$0x0] =	vst.idx.add.f32.msk vm7, v4  }
0x5a2: {  	v15 =	vor.u32 v11, v15;
	v24 =	vld [tilespmem:$0x160];
	_ =	sdelay $0x1  }
0x5a3: {  	v23 =	vsub.s32 v22, v0  }
0x5a4: {  	v14 =	vsub.s32 v14, v0;
	vm9 =	vgt.s32 v23, $0x0  }
0x5a5: {  	vm10 =	vlt.u32 v23, v1;
	vm11 =	vgt.s32 v14, $0x0;
	v25 =	vnsel vm9, $0x0, v23  }
0x5a6: {  	[tilespmem:v15+s10+$0x0] =	vst.idx.add.f32.msk vm8, v4;
	v16 =	vsub.s32 v24, v0;
	v28 =	vnsel vm11, $0x0, v14;
	v15 =	vmin.u32 v25, $0x117  }
0x5a7: {  	vm12 =	vlt.u32 v14, v1;
	v29 =	vmin.u32 v28, $0x117;
	v27 =	vshll.u32 v15, $0x7  }
0x5a8: {  	vm13 =	vgt.s32 v16, $0x0;
	v14 =	vshll.u32 v29, $0x7;
	v13 =	vor.u32 v8, v27  }
0x5a9: {  	v30 =	vnsel vm13, $0x0, v16;
	v14 =	vor.u32 v9, v14  }
0x5aa: {  	v26 =	vld [tilespmem:$0x170];
	v15 =	vmin.u32 v30, $0x117  }
0x5ab: {  	vm15 =	vlt.u32 v16, v1;
	v15 =	vshll.u32 v15, $0x7  }
0x5ac: {  	v32 =	vor.u32 v10, v15  }
0x5ad: {  	[tilespmem:v13+s10+$0x0] =	vst.idx.add.f32.msk vm10, v4  }
0x5ae: {  	[tilespmem:v14+s10+$0x0] =	vst.idx.add.f32.msk vm12, v4  }
0x5af: {  	v17 =	vsub.s32 v26, v0;
	v34 =	vld [tilespmem:$0x1C0]  }
0x5b0: {  	v12 =	vsub.s32 v12, v0;
	vm14 =	vgt.s32 v17, $0x0;
	v14 =	vld [tilespmem:$0x1D0]  }
0x5b1: {  	vm7 =	vgt.s32 v12, $0x0;
	v31 =	vnsel vm14, $0x0, v17;
	[tilespmem:v32+s10+$0x0] =	vst.idx.add.f32.msk vm15, v4  }
0x5b2: {  	v35 =	vnsel vm7, $0x0, v12;
	vm9 =	vlt.u32 v12, v1;
	v33 =	vmin.u32 v31, $0x117;
	v36 =	vld [tilespmem:$0x1E0]  }
0x5b3: {  	vm6 =	vlt.u32 v17, v1;
	v15 =	vshll.u32 v33, $0x7;
	v13 =	vmin.u32 v35, $0x117  }
0x5b4: {  	v15 =	vor.u32 v11, v15;
	v37 =	vshll.u32 v13, $0x7;
	v16 =	vsub.s32 v34, v0  }
0x5b5: {  	v12 =	vor.u32 v7, v37;
	v14 =	vsub.s32 v14, v0;
	vm8 =	vgt.s32 v16, $0x0  }
0x5b6: {  	vm10 =	vlt.u32 v16, v1;
	vm11 =	vgt.s32 v14, $0x0;
	v38 =	vnsel vm8, $0x0, v16  }
0x5b7: {  	v17 =	vsub.s32 v36, v0;
	v39 =	vnsel vm11, $0x0, v14;
	v13 =	vmin.u32 v38, $0x117  }
0x5b8: {  	vm12 =	vlt.u32 v14, v1;
	v40 =	vmin.u32 v39, $0x117;
	v13 =	vshll.u32 v13, $0x7  }
0x5b9: {  	[tilespmem:v15+s10+$0x0] =	vst.idx.add.f32.msk vm6, v4;
	vm13 =	vgt.s32 v17, $0x0;
	v14 =	vshll.u32 v40, $0x7;
	v13 =	vor.u32 v8, v13  }
0x5ba: {  	v15 =	vld [tilespmem:$0x1F0];
	v41 =	vnsel vm13, $0x0, v17;
	v42 =	vor.u32 v9, v14  }
0x5bb: {  	[tilespmem:v12+s10+$0x0] =	vst.idx.add.f32.msk vm9, v4;
	v43 =	vmin.u32 v41, $0x117  }
0x5bc: {  	v44 =	vld [tilespmem:$0x230];
	vm15 =	vlt.u32 v17, v1;
	v14 =	vshll.u32 v43, $0x7  }
0x5bd: {  	v46 =	vor.u32 v10, v14  }
0x5be: {  	[tilespmem:v13+s10+$0x0] =	vst.idx.add.f32.msk vm10, v4  }
0x5bf: {  	v15 =	vsub.s32 v15, v0;
	[tilespmem:v42+s10+$0x0] =	vst.idx.add.f32.msk vm12, v4  }
0x5c0: {  	vm14 =	vgt.s32 v15, $0x0;
	v48 =	vld [tilespmem:$0x240]  }
0x5c1: {  	v45 =	vnsel vm14, $0x0, v15;
	v49 =	vsub.s32 v44, v0;
	v50 =	vld [tilespmem:$0x250]  }
0x5c2: {  	v47 =	vmin.u32 v45, $0x117;
	vm7 =	vgt.s32 v49, $0x0;
	[tilespmem:v46+s10+$0x0] =	vst.idx.add.f32.msk vm15, v4  }
0x5c3: {  	v14 =	vshll.u32 v47, $0x7;
	v51 =	vnsel vm7, $0x0, v49;
	v53 =	vld [tilespmem:$0x260]  }
0x5c4: {  	vm6 =	vlt.u32 v15, v1;
	v14 =	vor.u32 v11, v14;
	v13 =	vmin.u32 v51, $0x117  }
0x5c5: {  	vm9 =	vlt.u32 v49, v1;
	v54 =	vshll.u32 v13, $0x7;
	v52 =	vsub.s32 v48, v0  }
0x5c6: {  	v12 =	vor.u32 v7, v54;
	v15 =	vsub.s32 v50, v0;
	vm8 =	vgt.s32 v52, $0x0  }
0x5c7: {  	vm10 =	vlt.u32 v52, v1;
	vm11 =	vgt.s32 v15, $0x0;
	v55 =	vnsel vm8, $0x0, v52  }
0x5c8: {  	v17 =	vsub.s32 v53, v0;
	v56 =	vnsel vm11, $0x0, v15;
	v13 =	vmin.u32 v55, $0x117  }
0x5c9: {  	vm12 =	vlt.u32 v15, v1;
	v57 =	vmin.u32 v56, $0x117;
	v13 =	vshll.u32 v13, $0x7  }
0x5ca: {  	[tilespmem:v14+s10+$0x0] =	vst.idx.add.f32.msk vm6, v4;
	vm13 =	vgt.s32 v17, $0x0;
	v15 =	vshll.u32 v57, $0x7;
	v13 =	vor.u32 v8, v13  }
0x5cb: {  	v14 =	vld [tilespmem:$0x270];
	v58 =	vnsel vm13, $0x0, v17;
	v59 =	vor.u32 v9, v15  }
0x5cc: {  	[tilespmem:v12+s10+$0x0] =	vst.idx.add.f32.msk vm9, v4;
	v60 =	vmin.u32 v58, $0x117  }
0x5cd: {  	v61 =	vld [tilespmem:$0x2B0];
	vm15 =	vlt.u32 v17, v1;
	v15 =	vshll.u32 v60, $0x7  }
0x5ce: {  	v63 =	vor.u32 v10, v15  }
0x5cf: {  	[tilespmem:v13+s10+$0x0] =	vst.idx.add.f32.msk vm10, v4  }
0x5d0: {  	v14 =	vsub.s32 v14, v0;
	[tilespmem:v59+s10+$0x0] =	vst.idx.add.f32.msk vm12, v4  }
0x5d1: {  	vm14 =	vgt.s32 v14, $0x0;
	v21 =	vld [tilespmem:$0x2C0]  }
0x5d2: {  	v62 =	vnsel vm14, $0x0, v14;
	v23 =	vsub.s32 v61, v0;
	v24 =	vld [tilespmem:$0x2D0]  }
0x5d3: {  	v20 =	vmin.u32 v62, $0x117;
	vm7 =	vgt.s32 v23, $0x0;
	[tilespmem:v63+s10+$0x0] =	vst.idx.add.f32.msk vm15, v4  }
0x5d4: {  	v22 =	vshll.u32 v20, $0x7;
	v25 =	vnsel vm7, $0x0, v23;
	v27 =	vld [tilespmem:$0x2E0]  }
0x5d5: {  	vm6 =	vlt.u32 v14, v1;
	v14 =	vor.u32 v11, v22;
	v13 =	vmin.u32 v25, $0x117  }
0x5d6: {  	vm9 =	vlt.u32 v23, v1;
	v28 =	vshll.u32 v13, $0x7;
	v26 =	vsub.s32 v21, v0  }
0x5d7: {  	v12 =	vor.u32 v7, v28;
	v15 =	vsub.s32 v24, v0;
	vm8 =	vgt.s32 v26, $0x0  }
0x5d8: {  	vm10 =	vlt.u32 v26, v1;
	vm11 =	vgt.s32 v15, $0x0;
	v29 =	vnsel vm8, $0x0, v26  }
0x5d9: {  	v17 =	vsub.s32 v27, v0;
	v30 =	vnsel vm11, $0x0, v15;
	v13 =	vmin.u32 v29, $0x117  }
0x5da: {  	vm12 =	vlt.u32 v15, v1;
	v31 =	vmin.u32 v30, $0x117;
	v13 =	vshll.u32 v13, $0x7  }
0x5db: {  	[tilespmem:v14+s10+$0x0] =	vst.idx.add.f32.msk vm6, v4;
	vm13 =	vgt.s32 v17, $0x0;
	v15 =	vshll.u32 v31, $0x7;
	v13 =	vor.u32 v8, v13  }
0x5dc: {  	v14 =	vld [tilespmem:$0x2F0];
	v32 =	vnsel vm13, $0x0, v17;
	v33 =	vor.u32 v9, v15  }
0x5dd: {  	[tilespmem:v12+s10+$0x0] =	vst.idx.add.f32.msk vm9, v4;
	v34 =	vmin.u32 v32, $0x117  }
0x5de: {  	v35 =	vld [tilespmem:$0x330];
	vm15 =	vlt.u32 v17, v1;
	v15 =	vshll.u32 v34, $0x7  }
0x5df: {  	v37 =	vor.u32 v10, v15  }
0x5e0: {  	[tilespmem:v13+s10+$0x0] =	vst.idx.add.f32.msk vm10, v4  }
0x5e1: {  	v14 =	vsub.s32 v14, v0;
	[tilespmem:v33+s10+$0x0] =	vst.idx.add.f32.msk vm12, v4  }
0x5e2: {  	vm14 =	vgt.s32 v14, $0x0;
	v39 =	vld [tilespmem:$0x340]  }
0x5e3: {  	v36 =	vnsel vm14, $0x0, v14;
	v41 =	vsub.s32 v35, v0;
	v42 =	vld [tilespmem:$0x350]  }
0x5e4: {  	v38 =	vmin.u32 v36, $0x117;
	vm7 =	vgt.s32 v41, $0x0;
	[tilespmem:v37+s10+$0x0] =	vst.idx.add.f32.msk vm15, v4  }
0x5e5: {  	v40 =	vshll.u32 v38, $0x7;
	v43 =	vnsel vm7, $0x0, v41;
	v45 =	vld [tilespmem:$0x360]  }
0x5e6: {  	vm6 =	vlt.u32 v14, v1;
	v14 =	vor.u32 v11, v40;
	v13 =	vmin.u32 v43, $0x117  }
0x5e7: {  	vm9 =	vlt.u32 v41, v1;
	v46 =	vshll.u32 v13, $0x7;
	v44 =	vsub.s32 v39, v0  }
0x5e8: {  	v12 =	vor.u32 v7, v46;
	v15 =	vsub.s32 v42, v0;
	vm8 =	vgt.s32 v44, $0x0  }
0x5e9: {  	vm10 =	vlt.u32 v44, v1;
	vm11 =	vgt.s32 v15, $0x0;
	v47 =	vnsel vm8, $0x0, v44  }
0x5ea: {  	v17 =	vsub.s32 v45, v0;
	v48 =	vnsel vm11, $0x0, v15;
	v13 =	vmin.u32 v47, $0x117  }
0x5eb: {  	vm12 =	vlt.u32 v15, v1;
	v49 =	vmin.u32 v48, $0x117;
	v13 =	vshll.u32 v13, $0x7  }
0x5ec: {  	[tilespmem:v14+s10+$0x0] =	vst.idx.add.f32.msk vm6, v4;
	vm13 =	vgt.s32 v17, $0x0;
	v15 =	vshll.u32 v49, $0x7;
	v13 =	vor.u32 v8, v13  }
0x5ed: {  	v14 =	vld [tilespmem:$0x370];
	v50 =	vnsel vm13, $0x0, v17;
	v51 =	vor.u32 v9, v15  }
0x5ee: {  	[tilespmem:v12+s10+$0x0] =	vst.idx.add.f32.msk vm9, v4;
	v52 =	vmin.u32 v50, $0x117  }
0x5ef: {  	v53 =	vld [tilespmem:$0x3B0];
	vm15 =	vlt.u32 v17, v1;
	v15 =	vshll.u32 v52, $0x7  }
0x5f0: {  	v55 =	vor.u32 v10, v15  }
0x5f1: {  	[tilespmem:v13+s10+$0x0] =	vst.idx.add.f32.msk vm10, v4  }
0x5f2: {  	v14 =	vsub.s32 v14, v0;
	[tilespmem:v51+s10+$0x0] =	vst.idx.add.f32.msk vm12, v4  }
0x5f3: {  	vm14 =	vgt.s32 v14, $0x0;
	v57 =	vld [tilespmem:$0x3C0]  }
0x5f4: {  	v54 =	vnsel vm14, $0x0, v14;
	v59 =	vsub.s32 v53, v0;
	v60 =	vld [tilespmem:$0x3D0]  }
0x5f5: {  	v56 =	vmin.u32 v54, $0x117;
	vm7 =	vgt.s32 v59, $0x0;
	[tilespmem:v55+s10+$0x0] =	vst.idx.add.f32.msk vm15, v4  }
0x5f6: {  	v58 =	vshll.u32 v56, $0x7;
	v61 =	vnsel vm7, $0x0, v59;
	v63 =	vld [tilespmem:$0x3E0]  }
0x5f7: {  	vm6 =	vlt.u32 v14, v1;
	v14 =	vor.u32 v11, v58;
	v13 =	vmin.u32 v61, $0x117  }
0x5f8: {  	vm9 =	vlt.u32 v59, v1;
	v18 =	vshll.u32 v13, $0x7;
	v62 =	vsub.s32 v57, v0  }
0x5f9: {  	v12 =	vor.u32 v7, v18;
	v15 =	vsub.s32 v60, v0;
	vm8 =	vgt.s32 v62, $0x0  }
0x5fa: {  	vm10 =	vlt.u32 v62, v1;
	vm11 =	vgt.s32 v15, $0x0;
	v19 =	vnsel vm8, $0x0, v62  }
0x5fb: {  	v17 =	vsub.s32 v63, v0;
	v20 =	vnsel vm11, $0x0, v15;
	v13 =	vmin.u32 v19, $0x117  }
0x5fc: {  	vm12 =	vlt.u32 v15, v1;
	v21 =	vmin.u32 v20, $0x117;
	v13 =	vshll.u32 v13, $0x7  }
0x5fd: {  	[tilespmem:v14+s10+$0x0] =	vst.idx.add.f32.msk vm6, v4;
	vm13 =	vgt.s32 v17, $0x0;
	v15 =	vshll.u32 v21, $0x7;
	v13 =	vor.u32 v8, v13  }
0x5fe: {  	v14 =	vld [tilespmem:$0x3F0];
	v22 =	vnsel vm13, $0x0, v17;
	v23 =	vor.u32 v9, v15  }
0x5ff: {  	[tilespmem:v12+s10+$0x0] =	vst.idx.add.f32.msk vm9, v4;
	v24 =	vmin.u32 v22, $0x117  }
0x600: {  	v25 =	vld [tilespmem:$0x430];
	vm15 =	vlt.u32 v17, v1;
	v15 =	vshll.u32 v24, $0x7  }
0x601: {  	v27 =	vor.u32 v10, v15  }
0x602: {  	[tilespmem:v13+s10+$0x0] =	vst.idx.add.f32.msk vm10, v4  }
0x603: {  	v14 =	vsub.s32 v14, v0;
	[tilespmem:v23+s10+$0x0] =	vst.idx.add.f32.msk vm12, v4  }
0x604: {  	vm14 =	vgt.s32 v14, $0x0;
	v29 =	vld [tilespmem:$0x440]  }
0x605: {  	v26 =	vnsel vm14, $0x0, v14;
	v31 =	vsub.s32 v25, v0;
	v32 =	vld [tilespmem:$0x450]  }
0x606: {  	v28 =	vmin.u32 v26, $0x117;
	vm7 =	vgt.s32 v31, $0x0;
	[tilespmem:v27+s10+$0x0] =	vst.idx.add.f32.msk vm15, v4  }
0x607: {  	v30 =	vshll.u32 v28, $0x7;
	v33 =	vnsel vm7, $0x0, v31;
	v35 =	vld [tilespmem:$0x460]  }
0x608: {  	vm6 =	vlt.u32 v14, v1;
	v14 =	vor.u32 v11, v30;
	v13 =	vmin.u32 v33, $0x117  }
0x609: {  	vm9 =	vlt.u32 v31, v1;
	v36 =	vshll.u32 v13, $0x7;
	v34 =	vsub.s32 v29, v0  }
0x60a: {  	v12 =	vor.u32 v7, v36;
	v15 =	vsub.s32 v32, v0;
	vm8 =	vgt.s32 v34, $0x0  }
0x60b: {  	vm10 =	vlt.u32 v34, v1;
	vm11 =	vgt.s32 v15, $0x0;
	v37 =	vnsel vm8, $0x0, v34  }
0x60c: {  	v17 =	vsub.s32 v35, v0;
	v38 =	vnsel vm11, $0x0, v15;
	v13 =	vmin.u32 v37, $0x117  }
0x60d: {  	vm12 =	vlt.u32 v15, v1;
	v39 =	vmin.u32 v38, $0x117;
	v13 =	vshll.u32 v13, $0x7  }
0x60e: {  	[tilespmem:v14+s10+$0x0] =	vst.idx.add.f32.msk vm6, v4;
	vm13 =	vgt.s32 v17, $0x0;
	v15 =	vshll.u32 v39, $0x7;
	v13 =	vor.u32 v8, v13  }
0x60f: {  	v14 =	vld [tilespmem:$0x470];
	v40 =	vnsel vm13, $0x0, v17;
	v41 =	vor.u32 v9, v15  }
0x610: {  	[tilespmem:v12+s10+$0x0] =	vst.idx.add.f32.msk vm9, v4;
	v42 =	vmin.u32 v40, $0x117  }
0x611: {  	v43 =	vld [tilespmem:$0x4B0];
	vm15 =	vlt.u32 v17, v1;
	v15 =	vshll.u32 v42, $0x7  }
0x612: {  	v45 =	vor.u32 v10, v15  }
0x613: {  	[tilespmem:v13+s10+$0x0] =	vst.idx.add.f32.msk vm10, v4  }
0x614: {  	v14 =	vsub.s32 v14, v0;
	[tilespmem:v41+s10+$0x0] =	vst.idx.add.f32.msk vm12, v4  }
0x615: {  	vm14 =	vgt.s32 v14, $0x0;
	v47 =	vld [tilespmem:$0x4C0]  }
0x616: {  	v44 =	vnsel vm14, $0x0, v14;
	v49 =	vsub.s32 v43, v0;
	v50 =	vld [tilespmem:$0x4D0]  }
0x617: {  	v46 =	vmin.u32 v44, $0x117;
	vm7 =	vgt.s32 v49, $0x0;
	[tilespmem:v45+s10+$0x0] =	vst.idx.add.f32.msk vm15, v4  }
0x618: {  	v48 =	vshll.u32 v46, $0x7;
	v51 =	vnsel vm7, $0x0, v49;
	v53 =	vld [tilespmem:$0x4E0]  }
0x619: {  	vm6 =	vlt.u32 v14, v1;
	v14 =	vor.u32 v11, v48;
	v13 =	vmin.u32 v51, $0x117  }
0x61a: {  	vm9 =	vlt.u32 v49, v1;
	v54 =	vshll.u32 v13, $0x7;
	v52 =	vsub.s32 v47, v0  }
0x61b: {  	v12 =	vor.u32 v7, v54;
	v15 =	vsub.s32 v50, v0;
	vm8 =	vgt.s32 v52, $0x0  }
0x61c: {  	vm10 =	vlt.u32 v52, v1;
	vm11 =	vgt.s32 v15, $0x0;
	v55 =	vnsel vm8, $0x0, v52  }
0x61d: {  	v17 =	vsub.s32 v53, v0;
	v56 =	vnsel vm11, $0x0, v15;
	v13 =	vmin.u32 v55, $0x117  }
0x61e: {  	vm12 =	vlt.u32 v15, v1;
	v57 =	vmin.u32 v56, $0x117;
	v13 =	vshll.u32 v13, $0x7  }
0x61f: {  	[tilespmem:v14+s10+$0x0] =	vst.idx.add.f32.msk vm6, v4;
	vm13 =	vgt.s32 v17, $0x0;
	v15 =	vshll.u32 v57, $0x7;
	v13 =	vor.u32 v8, v13  }
0x620: {  	v14 =	vld [tilespmem:$0x4F0];
	v58 =	vnsel vm13, $0x0, v17;
	v59 =	vor.u32 v9, v15  }
0x621: {  	[tilespmem:v12+s10+$0x0] =	vst.idx.add.f32.msk vm9, v4;
	v60 =	vmin.u32 v58, $0x117  }
0x622: {  	v61 =	vld [tilespmem:$0x530];
	vm15 =	vlt.u32 v17, v1;
	v15 =	vshll.u32 v60, $0x7  }
0x623: {  	v63 =	vor.u32 v10, v15  }
0x624: {  	[tilespmem:v13+s10+$0x0] =	vst.idx.add.f32.msk vm10, v4  }
0x625: {  	v14 =	vsub.s32 v14, v0;
	[tilespmem:v59+s10+$0x0] =	vst.idx.add.f32.msk vm12, v4  }
0x626: {  	vm14 =	vgt.s32 v14, $0x0;
	v21 =	vld [tilespmem:$0x540]  }
0x627: {  	v62 =	vnsel vm14, $0x0, v14;
	v23 =	vsub.s32 v61, v0;
	v24 =	vld [tilespmem:$0x550]  }
0x628: {  	v20 =	vmin.u32 v62, $0x117;
	vm7 =	vgt.s32 v23, $0x0;
	[tilespmem:v63+s10+$0x0] =	vst.idx.add.f32.msk vm15, v4  }
0x629: {  	v22 =	vshll.u32 v20, $0x7;
	v25 =	vnsel vm7, $0x0, v23;
	v27 =	vld [tilespmem:$0x560]  }
0x62a: {  	vm6 =	vlt.u32 v14, v1;
	v14 =	vor.u32 v11, v22;
	v13 =	vmin.u32 v25, $0x117  }
0x62b: {  	vm9 =	vlt.u32 v23, v1;
	v28 =	vshll.u32 v13, $0x7;
	v26 =	vsub.s32 v21, v0  }
0x62c: {  	v12 =	vor.u32 v7, v28;
	v15 =	vsub.s32 v24, v0;
	vm8 =	vgt.s32 v26, $0x0  }
0x62d: {  	vm10 =	vlt.u32 v26, v1;
	vm11 =	vgt.s32 v15, $0x0;
	v29 =	vnsel vm8, $0x0, v26  }
0x62e: {  	v17 =	vsub.s32 v27, v0;
	v30 =	vnsel vm11, $0x0, v15;
	v13 =	vmin.u32 v29, $0x117  }
0x62f: {  	vm12 =	vlt.u32 v15, v1;
	v31 =	vmin.u32 v30, $0x117;
	v13 =	vshll.u32 v13, $0x7  }
0x630: {  	[tilespmem:v14+s10+$0x0] =	vst.idx.add.f32.msk vm6, v4;
	vm13 =	vgt.s32 v17, $0x0;
	v15 =	vshll.u32 v31, $0x7;
	v13 =	vor.u32 v8, v13  }
0x631: {  	v14 =	vld [tilespmem:$0x570];
	v32 =	vnsel vm13, $0x0, v17;
	v33 =	vor.u32 v9, v15  }
0x632: {  	[tilespmem:v12+s10+$0x0] =	vst.idx.add.f32.msk vm9, v4;
	v34 =	vmin.u32 v32, $0x117  }
0x633: {  	v35 =	vld [tilespmem:$0x5B0];
	vm15 =	vlt.u32 v17, v1;
	v15 =	vshll.u32 v34, $0x7  }
0x634: {  	v37 =	vor.u32 v10, v15  }
0x635: {  	[tilespmem:v13+s10+$0x0] =	vst.idx.add.f32.msk vm10, v4  }
0x636: {  	v14 =	vsub.s32 v14, v0;
	[tilespmem:v33+s10+$0x0] =	vst.idx.add.f32.msk vm12, v4  }
0x637: {  	vm14 =	vgt.s32 v14, $0x0;
	v39 =	vld [tilespmem:$0x5C0]  }
0x638: {  	v36 =	vnsel vm14, $0x0, v14;
	v41 =	vsub.s32 v35, v0;
	v42 =	vld [tilespmem:$0x5D0]  }
0x639: {  	v38 =	vmin.u32 v36, $0x117;
	vm7 =	vgt.s32 v41, $0x0;
	[tilespmem:v37+s10+$0x0] =	vst.idx.add.f32.msk vm15, v4  }
0x63a: {  	v40 =	vshll.u32 v38, $0x7;
	v43 =	vnsel vm7, $0x0, v41;
	v45 =	vld [tilespmem:$0x5E0]  }
0x63b: {  	vm6 =	vlt.u32 v14, v1;
	v14 =	vor.u32 v11, v40;
	v13 =	vmin.u32 v43, $0x117  }
0x63c: {  	vm9 =	vlt.u32 v41, v1;
	v46 =	vshll.u32 v13, $0x7;
	v44 =	vsub.s32 v39, v0  }
0x63d: {  	v12 =	vor.u32 v7, v46;
	v15 =	vsub.s32 v42, v0;
	vm8 =	vgt.s32 v44, $0x0  }
0x63e: {  	vm10 =	vlt.u32 v44, v1;
	vm11 =	vgt.s32 v15, $0x0;
	v47 =	vnsel vm8, $0x0, v44  }
0x63f: {  	v17 =	vsub.s32 v45, v0;
	v48 =	vnsel vm11, $0x0, v15;
	v13 =	vmin.u32 v47, $0x117  }
0x640: {  	vm12 =	vlt.u32 v15, v1;
	v49 =	vmin.u32 v48, $0x117;
	v13 =	vshll.u32 v13, $0x7  }
0x641: {  	[tilespmem:v14+s10+$0x0] =	vst.idx.add.f32.msk vm6, v4;
	vm13 =	vgt.s32 v17, $0x0;
	v15 =	vshll.u32 v49, $0x7;
	v13 =	vor.u32 v8, v13  }
0x642: {  	v14 =	vld [tilespmem:$0x5F0];
	v50 =	vnsel vm13, $0x0, v17;
	v51 =	vor.u32 v9, v15  }
0x643: {  	[tilespmem:v12+s10+$0x0] =	vst.idx.add.f32.msk vm9, v4;
	v52 =	vmin.u32 v50, $0x117  }
0x644: {  	v53 =	vld [tilespmem:$0x630];
	vm15 =	vlt.u32 v17, v1;
	v15 =	vshll.u32 v52, $0x7  }
0x645: {  	v55 =	vor.u32 v10, v15  }
0x646: {  	[tilespmem:v13+s10+$0x0] =	vst.idx.add.f32.msk vm10, v4  }
0x647: {  	v14 =	vsub.s32 v14, v0;
	[tilespmem:v51+s10+$0x0] =	vst.idx.add.f32.msk vm12, v4  }
0x648: {  	vm14 =	vgt.s32 v14, $0x0;
	v57 =	vld [tilespmem:$0x640]  }
0x649: {  	v54 =	vnsel vm14, $0x0, v14;
	v59 =	vsub.s32 v53, v0;
	v60 =	vld [tilespmem:$0x650]  }
0x64a: {  	v56 =	vmin.u32 v54, $0x117;
	vm7 =	vgt.s32 v59, $0x0;
	[tilespmem:v55+s10+$0x0] =	vst.idx.add.f32.msk vm15, v4  }
0x64b: {  	v58 =	vshll.u32 v56, $0x7;
	v61 =	vnsel vm7, $0x0, v59;
	v63 =	vld [tilespmem:$0x660]  }
0x64c: {  	vm6 =	vlt.u32 v14, v1;
	v14 =	vor.u32 v11, v58;
	v13 =	vmin.u32 v61, $0x117  }
0x64d: {  	vm9 =	vlt.u32 v59, v1;
	v18 =	vshll.u32 v13, $0x7;
	v62 =	vsub.s32 v57, v0  }
0x64e: {  	v12 =	vor.u32 v7, v18;
	v15 =	vsub.s32 v60, v0;
	vm8 =	vgt.s32 v62, $0x0  }
0x64f: {  	vm10 =	vlt.u32 v62, v1;
	vm11 =	vgt.s32 v15, $0x0;
	v19 =	vnsel vm8, $0x0, v62  }
0x650: {  	v17 =	vsub.s32 v63, v0;
	v20 =	vnsel vm11, $0x0, v15;
	v13 =	vmin.u32 v19, $0x117  }
0x651: {  	vm12 =	vlt.u32 v15, v1;
	v21 =	vmin.u32 v20, $0x117;
	v13 =	vshll.u32 v13, $0x7  }
0x652: {  	[tilespmem:v14+s10+$0x0] =	vst.idx.add.f32.msk vm6, v4;
	vm13 =	vgt.s32 v17, $0x0;
	v15 =	vshll.u32 v21, $0x7;
	v13 =	vor.u32 v8, v13  }
0x653: {  	v14 =	vld [tilespmem:$0x670];
	v22 =	vnsel vm13, $0x0, v17;
	v23 =	vor.u32 v9, v15  }
0x654: {  	[tilespmem:v12+s10+$0x0] =	vst.idx.add.f32.msk vm9, v4;
	v24 =	vmin.u32 v22, $0x117  }
0x655: {  	v25 =	vld [tilespmem:$0x6B0];
	vm15 =	vlt.u32 v17, v1;
	v15 =	vshll.u32 v24, $0x7  }
0x656: {  	v27 =	vor.u32 v10, v15  }
0x657: {  	[tilespmem:v13+s10+$0x0] =	vst.idx.add.f32.msk vm10, v4  }
0x658: {  	v14 =	vsub.s32 v14, v0;
	[tilespmem:v23+s10+$0x0] =	vst.idx.add.f32.msk vm12, v4  }
0x659: {  	vm14 =	vgt.s32 v14, $0x0;
	v29 =	vld [tilespmem:$0x6C0]  }
0x65a: {  	v26 =	vnsel vm14, $0x0, v14;
	v31 =	vsub.s32 v25, v0;
	v32 =	vld [tilespmem:$0x6D0]  }
0x65b: {  	v28 =	vmin.u32 v26, $0x117;
	vm7 =	vgt.s32 v31, $0x0;
	[tilespmem:v27+s10+$0x0] =	vst.idx.add.f32.msk vm15, v4  }
0x65c: {  	v30 =	vshll.u32 v28, $0x7;
	v33 =	vnsel vm7, $0x0, v31;
	v35 =	vld [tilespmem:$0x6E0]  }
0x65d: {  	vm6 =	vlt.u32 v14, v1;
	v14 =	vor.u32 v11, v30;
	v13 =	vmin.u32 v33, $0x117  }
0x65e: {  	vm9 =	vlt.u32 v31, v1;
	v36 =	vshll.u32 v13, $0x7;
	v34 =	vsub.s32 v29, v0  }
0x65f: {  	v12 =	vor.u32 v7, v36;
	v15 =	vsub.s32 v32, v0;
	vm8 =	vgt.s32 v34, $0x0  }
0x660: {  	vm10 =	vlt.u32 v34, v1;
	vm11 =	vgt.s32 v15, $0x0;
	v37 =	vnsel vm8, $0x0, v34  }
0x661: {  	v17 =	vsub.s32 v35, v0;
	v38 =	vnsel vm11, $0x0, v15;
	v13 =	vmin.u32 v37, $0x117  }
0x662: {  	vm12 =	vlt.u32 v15, v1;
	v39 =	vmin.u32 v38, $0x117;
	v13 =	vshll.u32 v13, $0x7  }
0x663: {  	[tilespmem:v14+s10+$0x0] =	vst.idx.add.f32.msk vm6, v4;
	vm13 =	vgt.s32 v17, $0x0;
	v15 =	vshll.u32 v39, $0x7;
	v13 =	vor.u32 v8, v13  }
0x664: {  	v14 =	vld [tilespmem:$0x6F0];
	v40 =	vnsel vm13, $0x0, v17;
	v41 =	vor.u32 v9, v15  }
0x665: {  	[tilespmem:v12+s10+$0x0] =	vst.idx.add.f32.msk vm9, v4;
	v42 =	vmin.u32 v40, $0x117  }
0x666: {  	v43 =	vld [tilespmem:$0x730];
	vm15 =	vlt.u32 v17, v1;
	v15 =	vshll.u32 v42, $0x7  }
0x667: {  	v45 =	vor.u32 v10, v15  }
0x668: {  	[tilespmem:v13+s10+$0x0] =	vst.idx.add.f32.msk vm10, v4  }
0x669: {  	v14 =	vsub.s32 v14, v0;
	[tilespmem:v41+s10+$0x0] =	vst.idx.add.f32.msk vm12, v4  }
0x66a: {  	vm14 =	vgt.s32 v14, $0x0;
	v47 =	vld [tilespmem:$0x740]  }
0x66b: {  	v44 =	vnsel vm14, $0x0, v14;
	v49 =	vsub.s32 v43, v0;
	v50 =	vld [tilespmem:$0x750]  }
0x66c: {  	v46 =	vmin.u32 v44, $0x117;
	vm7 =	vgt.s32 v49, $0x0;
	[tilespmem:v45+s10+$0x0] =	vst.idx.add.f32.msk vm15, v4  }
0x66d: {  	v48 =	vshll.u32 v46, $0x7;
	v51 =	vnsel vm7, $0x0, v49;
	v53 =	vld [tilespmem:$0x760]  }
0x66e: {  	vm6 =	vlt.u32 v14, v1;
	v14 =	vor.u32 v11, v48;
	v13 =	vmin.u32 v51, $0x117  }
0x66f: {  	vm9 =	vlt.u32 v49, v1;
	v54 =	vshll.u32 v13, $0x7;
	v52 =	vsub.s32 v47, v0  }
0x670: {  	v12 =	vor.u32 v7, v54;
	v15 =	vsub.s32 v50, v0;
	vm8 =	vgt.s32 v52, $0x0  }
0x671: {  	vm10 =	vlt.u32 v52, v1;
	vm11 =	vgt.s32 v15, $0x0;
	v55 =	vnsel vm8, $0x0, v52  }
0x672: {  	v17 =	vsub.s32 v53, v0;
	v56 =	vnsel vm11, $0x0, v15;
	v13 =	vmin.u32 v55, $0x117  }
0x673: {  	vm12 =	vlt.u32 v15, v1;
	v57 =	vmin.u32 v56, $0x117;
	v13 =	vshll.u32 v13, $0x7  }
0x674: {  	[tilespmem:v14+s10+$0x0] =	vst.idx.add.f32.msk vm6, v4;
	vm13 =	vgt.s32 v17, $0x0;
	v15 =	vshll.u32 v57, $0x7;
	v13 =	vor.u32 v8, v13  }
0x675: {  	v14 =	vld [tilespmem:$0x770];
	v58 =	vnsel vm13, $0x0, v17;
	v59 =	vor.u32 v9, v15  }
0x676: {  	[tilespmem:v12+s10+$0x0] =	vst.idx.add.f32.msk vm9, v4;
	v60 =	vmin.u32 v58, $0x117  }
0x677: {  	v61 =	vld [tilespmem:$0x7B0];
	vm15 =	vlt.u32 v17, v1;
	v15 =	vshll.u32 v60, $0x7  }
0x678: {  	v63 =	vor.u32 v10, v15  }
0x679: {  	[tilespmem:v13+s10+$0x0] =	vst.idx.add.f32.msk vm10, v4  }
0x67a: {  	v14 =	vsub.s32 v14, v0;
	[tilespmem:v59+s10+$0x0] =	vst.idx.add.f32.msk vm12, v4  }
0x67b: {  	vm14 =	vgt.s32 v14, $0x0;
	v21 =	vld [tilespmem:$0x7C0]  }
0x67c: {  	v62 =	vnsel vm14, $0x0, v14;
	v23 =	vsub.s32 v61, v0;
	v24 =	vld [tilespmem:$0x7D0]  }
0x67d: {  	v20 =	vmin.u32 v62, $0x117;
	vm7 =	vgt.s32 v23, $0x0;
	[tilespmem:v63+s10+$0x0] =	vst.idx.add.f32.msk vm15, v4  }
0x67e: {  	v22 =	vshll.u32 v20, $0x7;
	v25 =	vnsel vm7, $0x0, v23;
	v27 =	vld [tilespmem:$0x7E0]  }
0x67f: {  	vm6 =	vlt.u32 v14, v1;
	v14 =	vor.u32 v11, v22;
	v13 =	vmin.u32 v25, $0x117  }
0x680: {  	vm9 =	vlt.u32 v23, v1;
	v28 =	vshll.u32 v13, $0x7;
	v26 =	vsub.s32 v21, v0  }
0x681: {  	v12 =	vor.u32 v7, v28;
	v15 =	vsub.s32 v24, v0;
	vm8 =	vgt.s32 v26, $0x0  }
0x682: {  	vm10 =	vlt.u32 v26, v1;
	vm11 =	vgt.s32 v15, $0x0;
	v29 =	vnsel vm8, $0x0, v26  }
0x683: {  	v17 =	vsub.s32 v27, v0;
	v30 =	vnsel vm11, $0x0, v15;
	v13 =	vmin.u32 v29, $0x117  }
0x684: {  	vm12 =	vlt.u32 v15, v1;
	v31 =	vmin.u32 v30, $0x117;
	v13 =	vshll.u32 v13, $0x7  }
0x685: {  	[tilespmem:v14+s10+$0x0] =	vst.idx.add.f32.msk vm6, v4;
	vm13 =	vgt.s32 v17, $0x0;
	v15 =	vshll.u32 v31, $0x7;
	v13 =	vor.u32 v8, v13  }
0x686: {  	v14 =	vld [tilespmem:$0x7F0];
	v32 =	vnsel vm13, $0x0, v17;
	v33 =	vor.u32 v9, v15  }
0x687: {  	[tilespmem:v12+s10+$0x0] =	vst.idx.add.f32.msk vm9, v4;
	v34 =	vmin.u32 v32, $0x117  }
0x688: {  	v35 =	vld [tilespmem:$0x830];
	vm15 =	vlt.u32 v17, v1;
	v15 =	vshll.u32 v34, $0x7  }
0x689: {  	v37 =	vor.u32 v10, v15  }
0x68a: {  	[tilespmem:v13+s10+$0x0] =	vst.idx.add.f32.msk vm10, v4  }
0x68b: {  	v14 =	vsub.s32 v14, v0;
	[tilespmem:v33+s10+$0x0] =	vst.idx.add.f32.msk vm12, v4  }
0x68c: {  	vm14 =	vgt.s32 v14, $0x0;
	v39 =	vld [tilespmem:$0x840]  }
0x68d: {  	v36 =	vnsel vm14, $0x0, v14;
	v41 =	vsub.s32 v35, v0;
	v42 =	vld [tilespmem:$0x850]  }
0x68e: {  	v38 =	vmin.u32 v36, $0x117;
	vm7 =	vgt.s32 v41, $0x0;
	[tilespmem:v37+s10+$0x0] =	vst.idx.add.f32.msk vm15, v4  }
0x68f: {  	v40 =	vshll.u32 v38, $0x7;
	v43 =	vnsel vm7, $0x0, v41;
	v45 =	vld [tilespmem:$0x860]  }
0x690: {  	vm6 =	vlt.u32 v14, v1;
	v14 =	vor.u32 v11, v40;
	v13 =	vmin.u32 v43, $0x117  }
0x691: {  	vm9 =	vlt.u32 v41, v1;
	v46 =	vshll.u32 v13, $0x7;
	v44 =	vsub.s32 v39, v0  }
0x692: {  	v12 =	vor.u32 v7, v46;
	v15 =	vsub.s32 v42, v0;
	vm8 =	vgt.s32 v44, $0x0  }
0x693: {  	vm10 =	vlt.u32 v44, v1;
	vm11 =	vgt.s32 v15, $0x0;
	v47 =	vnsel vm8, $0x0, v44  }
0x694: {  	v17 =	vsub.s32 v45, v0;
	v48 =	vnsel vm11, $0x0, v15;
	v13 =	vmin.u32 v47, $0x117  }
0x695: {  	vm12 =	vlt.u32 v15, v1;
	v49 =	vmin.u32 v48, $0x117;
	v13 =	vshll.u32 v13, $0x7  }
0x696: {  	[tilespmem:v14+s10+$0x0] =	vst.idx.add.f32.msk vm6, v4;
	vm13 =	vgt.s32 v17, $0x0;
	v15 =	vshll.u32 v49, $0x7;
	v13 =	vor.u32 v8, v13  }
0x697: {  	v14 =	vld [tilespmem:$0x870];
	v50 =	vnsel vm13, $0x0, v17;
	v51 =	vor.u32 v9, v15  }
0x698: {  	[tilespmem:v12+s10+$0x0] =	vst.idx.add.f32.msk vm9, v4;
	v52 =	vmin.u32 v50, $0x117  }
0x699: {  	v53 =	vld [tilespmem:$0x8B0];
	vm15 =	vlt.u32 v17, v1;
	v15 =	vshll.u32 v52, $0x7  }
0x69a: {  	v55 =	vor.u32 v10, v15  }
0x69b: {  	[tilespmem:v13+s10+$0x0] =	vst.idx.add.f32.msk vm10, v4  }
0x69c: {  	v14 =	vsub.s32 v14, v0;
	[tilespmem:v51+s10+$0x0] =	vst.idx.add.f32.msk vm12, v4  }
0x69d: {  	vm14 =	vgt.s32 v14, $0x0;
	v57 =	vld [tilespmem:$0x8C0]  }
0x69e: {  	v54 =	vnsel vm14, $0x0, v14;
	v59 =	vsub.s32 v53, v0;
	v60 =	vld [tilespmem:$0x8D0]  }
0x69f: {  	v56 =	vmin.u32 v54, $0x117;
	vm7 =	vgt.s32 v59, $0x0;
	[tilespmem:v55+s10+$0x0] =	vst.idx.add.f32.msk vm15, v4  }
0x6a0: {  	v58 =	vshll.u32 v56, $0x7;
	v61 =	vnsel vm7, $0x0, v59;
	v63 =	vld [tilespmem:$0x8E0]  }
0x6a1: {  	vm6 =	vlt.u32 v14, v1;
	v14 =	vor.u32 v11, v58;
	v13 =	vmin.u32 v61, $0x117  }
0x6a2: {  	vm9 =	vlt.u32 v59, v1;
	v18 =	vshll.u32 v13, $0x7;
	v62 =	vsub.s32 v57, v0  }
0x6a3: {  	v12 =	vor.u32 v7, v18;
	v15 =	vsub.s32 v60, v0;
	vm8 =	vgt.s32 v62, $0x0  }
0x6a4: {  	vm10 =	vlt.u32 v62, v1;
	vm11 =	vgt.s32 v15, $0x0;
	v19 =	vnsel vm8, $0x0, v62  }
0x6a5: {  	v17 =	vsub.s32 v63, v0;
	v20 =	vnsel vm11, $0x0, v15;
	v13 =	vmin.u32 v19, $0x117  }
0x6a6: {  	vm12 =	vlt.u32 v15, v1;
	v21 =	vmin.u32 v20, $0x117;
	v13 =	vshll.u32 v13, $0x7  }
0x6a7: {  	[tilespmem:v14+s10+$0x0] =	vst.idx.add.f32.msk vm6, v4;
	vm13 =	vgt.s32 v17, $0x0;
	v15 =	vshll.u32 v21, $0x7;
	v13 =	vor.u32 v8, v13  }
0x6a8: {  	v14 =	vld [tilespmem:$0x8F0];
	v22 =	vnsel vm13, $0x0, v17;
	v23 =	vor.u32 v9, v15  }
0x6a9: {  	[tilespmem:v12+s10+$0x0] =	vst.idx.add.f32.msk vm9, v4;
	v24 =	vmin.u32 v22, $0x117  }
0x6aa: {  	v25 =	vld [tilespmem:$0x930];
	vm15 =	vlt.u32 v17, v1;
	v15 =	vshll.u32 v24, $0x7  }
0x6ab: {  	v27 =	vor.u32 v10, v15  }
0x6ac: {  	[tilespmem:v13+s10+$0x0] =	vst.idx.add.f32.msk vm10, v4  }
0x6ad: {  	v14 =	vsub.s32 v14, v0;
	[tilespmem:v23+s10+$0x0] =	vst.idx.add.f32.msk vm12, v4  }
0x6ae: {  	vm14 =	vgt.s32 v14, $0x0;
	v29 =	vld [tilespmem:$0x940]  }
0x6af: {  	v26 =	vnsel vm14, $0x0, v14;
	v31 =	vsub.s32 v25, v0;
	v32 =	vld [tilespmem:$0x950]  }
0x6b0: {  	v28 =	vmin.u32 v26, $0x117;
	vm7 =	vgt.s32 v31, $0x0;
	[tilespmem:v27+s10+$0x0] =	vst.idx.add.f32.msk vm15, v4  }
0x6b1: {  	v30 =	vshll.u32 v28, $0x7;
	v33 =	vnsel vm7, $0x0, v31;
	v35 =	vld [tilespmem:$0x960]  }
0x6b2: {  	vm6 =	vlt.u32 v14, v1;
	v14 =	vor.u32 v11, v30;
	v13 =	vmin.u32 v33, $0x117  }
0x6b3: {  	vm9 =	vlt.u32 v31, v1;
	v36 =	vshll.u32 v13, $0x7;
	v34 =	vsub.s32 v29, v0  }
0x6b4: {  	v12 =	vor.u32 v7, v36;
	v15 =	vsub.s32 v32, v0;
	vm8 =	vgt.s32 v34, $0x0  }
0x6b5: {  	vm10 =	vlt.u32 v34, v1;
	vm11 =	vgt.s32 v15, $0x0;
	v37 =	vnsel vm8, $0x0, v34  }
0x6b6: {  	v17 =	vsub.s32 v35, v0;
	v38 =	vnsel vm11, $0x0, v15;
	v13 =	vmin.u32 v37, $0x117  }
0x6b7: {  	vm12 =	vlt.u32 v15, v1;
	v39 =	vmin.u32 v38, $0x117;
	v13 =	vshll.u32 v13, $0x7  }
0x6b8: {  	[tilespmem:v14+s10+$0x0] =	vst.idx.add.f32.msk vm6, v4;
	vm13 =	vgt.s32 v17, $0x0;
	v15 =	vshll.u32 v39, $0x7;
	v13 =	vor.u32 v8, v13  }
0x6b9: {  	v14 =	vld [tilespmem:$0x970];
	v40 =	vnsel vm13, $0x0, v17;
	v41 =	vor.u32 v9, v15  }
0x6ba: {  	[tilespmem:v12+s10+$0x0] =	vst.idx.add.f32.msk vm9, v4;
	v42 =	vmin.u32 v40, $0x117  }
0x6bb: {  	v43 =	vld [tilespmem:$0x9B0];
	vm15 =	vlt.u32 v17, v1;
	v15 =	vshll.u32 v42, $0x7  }
0x6bc: {  	v45 =	vor.u32 v10, v15  }
0x6bd: {  	[tilespmem:v13+s10+$0x0] =	vst.idx.add.f32.msk vm10, v4  }
0x6be: {  	v14 =	vsub.s32 v14, v0;
	[tilespmem:v41+s10+$0x0] =	vst.idx.add.f32.msk vm12, v4  }
0x6bf: {  	vm14 =	vgt.s32 v14, $0x0;
	v47 =	vld [tilespmem:$0x9C0]  }
0x6c0: {  	v44 =	vnsel vm14, $0x0, v14;
	v49 =	vsub.s32 v43, v0;
	v50 =	vld [tilespmem:$0x9D0]  }
0x6c1: {  	v46 =	vmin.u32 v44, $0x117;
	vm7 =	vgt.s32 v49, $0x0;
	[tilespmem:v45+s10+$0x0] =	vst.idx.add.f32.msk vm15, v4  }
0x6c2: {  	v48 =	vshll.u32 v46, $0x7;
	v51 =	vnsel vm7, $0x0, v49;
	v53 =	vld [tilespmem:$0x9E0]  }
0x6c3: {  	vm6 =	vlt.u32 v14, v1;
	v14 =	vor.u32 v11, v48;
	v13 =	vmin.u32 v51, $0x117  }
0x6c4: {  	vm9 =	vlt.u32 v49, v1;
	v54 =	vshll.u32 v13, $0x7;
	v52 =	vsub.s32 v47, v0  }
0x6c5: {  	v12 =	vor.u32 v7, v54;
	v15 =	vsub.s32 v50, v0;
	vm8 =	vgt.s32 v52, $0x0  }
0x6c6: {  	vm10 =	vlt.u32 v52, v1;
	vm11 =	vgt.s32 v15, $0x0;
	v55 =	vnsel vm8, $0x0, v52  }
0x6c7: {  	v17 =	vsub.s32 v53, v0;
	v56 =	vnsel vm11, $0x0, v15;
	v13 =	vmin.u32 v55, $0x117  }
0x6c8: {  	vm12 =	vlt.u32 v15, v1;
	v57 =	vmin.u32 v56, $0x117;
	v13 =	vshll.u32 v13, $0x7  }
0x6c9: {  	[tilespmem:v14+s10+$0x0] =	vst.idx.add.f32.msk vm6, v4;
	vm13 =	vgt.s32 v17, $0x0;
	v15 =	vshll.u32 v57, $0x7;
	v13 =	vor.u32 v8, v13  }
0x6ca: {  	v14 =	vld [tilespmem:$0x9F0];
	v58 =	vnsel vm13, $0x0, v17;
	v59 =	vor.u32 v9, v15  }
0x6cb: {  	[tilespmem:v12+s10+$0x0] =	vst.idx.add.f32.msk vm9, v4;
	v60 =	vmin.u32 v58, $0x117  }
0x6cc: {  	v61 =	vld [tilespmem:$0xA30];
	vm15 =	vlt.u32 v17, v1;
	v15 =	vshll.u32 v60, $0x7  }
0x6cd: {  	v63 =	vor.u32 v10, v15  }
0x6ce: {  	[tilespmem:v13+s10+$0x0] =	vst.idx.add.f32.msk vm10, v4  }
0x6cf: {  	v14 =	vsub.s32 v14, v0;
	[tilespmem:v59+s10+$0x0] =	vst.idx.add.f32.msk vm12, v4  }
0x6d0: {  	vm14 =	vgt.s32 v14, $0x0;
	v21 =	vld [tilespmem:$0xA40]  }
0x6d1: {  	v62 =	vnsel vm14, $0x0, v14;
	v23 =	vsub.s32 v61, v0;
	v24 =	vld [tilespmem:$0xA50]  }
0x6d2: {  	v20 =	vmin.u32 v62, $0x117;
	vm7 =	vgt.s32 v23, $0x0;
	[tilespmem:v63+s10+$0x0] =	vst.idx.add.f32.msk vm15, v4  }
0x6d3: {  	v22 =	vshll.u32 v20, $0x7;
	v25 =	vnsel vm7, $0x0, v23;
	v27 =	vld [tilespmem:$0xA60]  }
0x6d4: {  	vm6 =	vlt.u32 v14, v1;
	v14 =	vor.u32 v11, v22;
	v13 =	vmin.u32 v25, $0x117  }
0x6d5: {  	vm9 =	vlt.u32 v23, v1;
	v28 =	vshll.u32 v13, $0x7;
	v26 =	vsub.s32 v21, v0  }
0x6d6: {  	v12 =	vor.u32 v7, v28;
	v15 =	vsub.s32 v24, v0;
	vm8 =	vgt.s32 v26, $0x0  }
0x6d7: {  	vm10 =	vlt.u32 v26, v1;
	vm11 =	vgt.s32 v15, $0x0;
	v29 =	vnsel vm8, $0x0, v26  }
0x6d8: {  	v17 =	vsub.s32 v27, v0;
	v30 =	vnsel vm11, $0x0, v15;
	v13 =	vmin.u32 v29, $0x117  }
0x6d9: {  	vm12 =	vlt.u32 v15, v1;
	v31 =	vmin.u32 v30, $0x117;
	v13 =	vshll.u32 v13, $0x7  }
0x6da: {  	[tilespmem:v14+s10+$0x0] =	vst.idx.add.f32.msk vm6, v4;
	vm13 =	vgt.s32 v17, $0x0;
	v15 =	vshll.u32 v31, $0x7;
	v13 =	vor.u32 v8, v13  }
0x6db: {  	v14 =	vld [tilespmem:$0xA70];
	v32 =	vnsel vm13, $0x0, v17;
	v33 =	vor.u32 v9, v15  }
0x6dc: {  	[tilespmem:v12+s10+$0x0] =	vst.idx.add.f32.msk vm9, v4;
	v34 =	vmin.u32 v32, $0x117  }
0x6dd: {  	v35 =	vld [tilespmem:$0xAB0];
	vm15 =	vlt.u32 v17, v1;
	v15 =	vshll.u32 v34, $0x7  }
0x6de: {  	v37 =	vor.u32 v10, v15  }
0x6df: {  	[tilespmem:v13+s10+$0x0] =	vst.idx.add.f32.msk vm10, v4  }
0x6e0: {  	v14 =	vsub.s32 v14, v0;
	[tilespmem:v33+s10+$0x0] =	vst.idx.add.f32.msk vm12, v4  }
0x6e1: {  	vm14 =	vgt.s32 v14, $0x0;
	v39 =	vld [tilespmem:$0xAC0]  }
0x6e2: {  	v36 =	vnsel vm14, $0x0, v14;
	v41 =	vsub.s32 v35, v0;
	v42 =	vld [tilespmem:$0xAD0]  }
0x6e3: {  	v38 =	vmin.u32 v36, $0x117;
	vm7 =	vgt.s32 v41, $0x0;
	[tilespmem:v37+s10+$0x0] =	vst.idx.add.f32.msk vm15, v4  }
0x6e4: {  	v40 =	vshll.u32 v38, $0x7;
	v43 =	vnsel vm7, $0x0, v41;
	v45 =	vld [tilespmem:$0xAE0]  }
0x6e5: {  	vm6 =	vlt.u32 v14, v1;
	v14 =	vor.u32 v11, v40;
	v13 =	vmin.u32 v43, $0x117  }
0x6e6: {  	vm9 =	vlt.u32 v41, v1;
	v46 =	vshll.u32 v13, $0x7;
	v44 =	vsub.s32 v39, v0  }
0x6e7: {  	v12 =	vor.u32 v7, v46;
	v15 =	vsub.s32 v42, v0;
	vm8 =	vgt.s32 v44, $0x0  }
0x6e8: {  	vm10 =	vlt.u32 v44, v1;
	vm11 =	vgt.s32 v15, $0x0;
	v47 =	vnsel vm8, $0x0, v44  }
0x6e9: {  	v17 =	vsub.s32 v45, v0;
	v48 =	vnsel vm11, $0x0, v15;
	v13 =	vmin.u32 v47, $0x117  }
0x6ea: {  	vm12 =	vlt.u32 v15, v1;
	v49 =	vmin.u32 v48, $0x117;
	v13 =	vshll.u32 v13, $0x7  }
0x6eb: {  	[tilespmem:v14+s10+$0x0] =	vst.idx.add.f32.msk vm6, v4;
	vm13 =	vgt.s32 v17, $0x0;
	v15 =	vshll.u32 v49, $0x7;
	v13 =	vor.u32 v8, v13  }
0x6ec: {  	v14 =	vld [tilespmem:$0xAF0];
	v50 =	vnsel vm13, $0x0, v17;
	v51 =	vor.u32 v9, v15  }
0x6ed: {  	[tilespmem:v12+s10+$0x0] =	vst.idx.add.f32.msk vm9, v4;
	v52 =	vmin.u32 v50, $0x117  }
0x6ee: {  	v53 =	vld [tilespmem:$0xB30];
	vm15 =	vlt.u32 v17, v1;
	v15 =	vshll.u32 v52, $0x7  }
0x6ef: {  	v55 =	vor.u32 v10, v15  }
0x6f0: {  	[tilespmem:v13+s10+$0x0] =	vst.idx.add.f32.msk vm10, v4  }
0x6f1: {  	v14 =	vsub.s32 v14, v0;
	[tilespmem:v51+s10+$0x0] =	vst.idx.add.f32.msk vm12, v4  }
0x6f2: {  	vm14 =	vgt.s32 v14, $0x0;
	v57 =	vld [tilespmem:$0xB40]  }
0x6f3: {  	v54 =	vnsel vm14, $0x0, v14;
	v59 =	vsub.s32 v53, v0;
	v60 =	vld [tilespmem:$0xB50]  }
0x6f4: {  	v56 =	vmin.u32 v54, $0x117;
	vm7 =	vgt.s32 v59, $0x0;
	[tilespmem:v55+s10+$0x0] =	vst.idx.add.f32.msk vm15, v4  }
0x6f5: {  	v58 =	vshll.u32 v56, $0x7;
	v61 =	vnsel vm7, $0x0, v59;
	v63 =	vld [tilespmem:$0xB60]  }
0x6f6: {  	vm6 =	vlt.u32 v14, v1;
	v14 =	vor.u32 v11, v58;
	v13 =	vmin.u32 v61, $0x117  }
0x6f7: {  	vm9 =	vlt.u32 v59, v1;
	v18 =	vshll.u32 v13, $0x7;
	v62 =	vsub.s32 v57, v0  }
0x6f8: {  	v12 =	vor.u32 v7, v18;
	v15 =	vsub.s32 v60, v0;
	vm8 =	vgt.s32 v62, $0x0  }
0x6f9: {  	vm10 =	vlt.u32 v62, v1;
	vm11 =	vgt.s32 v15, $0x0;
	v19 =	vnsel vm8, $0x0, v62  }
0x6fa: {  	v17 =	vsub.s32 v63, v0;
	v20 =	vnsel vm11, $0x0, v15;
	v13 =	vmin.u32 v19, $0x117  }
0x6fb: {  	vm12 =	vlt.u32 v15, v1;
	v21 =	vmin.u32 v20, $0x117;
	v13 =	vshll.u32 v13, $0x7  }
0x6fc: {  	[tilespmem:v14+s10+$0x0] =	vst.idx.add.f32.msk vm6, v4;
	vm13 =	vgt.s32 v17, $0x0;
	v15 =	vshll.u32 v21, $0x7;
	v13 =	vor.u32 v8, v13  }
0x6fd: {  	v14 =	vld [tilespmem:$0xB70];
	v22 =	vnsel vm13, $0x0, v17;
	v23 =	vor.u32 v9, v15  }
0x6fe: {  	[tilespmem:v12+s10+$0x0] =	vst.idx.add.f32.msk vm9, v4;
	v24 =	vmin.u32 v22, $0x117  }
0x6ff: {  	v25 =	vld [tilespmem:$0xBB0];
	vm15 =	vlt.u32 v17, v1;
	v15 =	vshll.u32 v24, $0x7  }
0x700: {  	v27 =	vor.u32 v10, v15  }
0x701: {  	[tilespmem:v13+s10+$0x0] =	vst.idx.add.f32.msk vm10, v4  }
0x702: {  	v14 =	vsub.s32 v14, v0;
	[tilespmem:v23+s10+$0x0] =	vst.idx.add.f32.msk vm12, v4  }
0x703: {  	vm14 =	vgt.s32 v14, $0x0;
	v29 =	vld [tilespmem:$0xBC0]  }
0x704: {  	v26 =	vnsel vm14, $0x0, v14;
	v31 =	vsub.s32 v25, v0;
	v32 =	vld [tilespmem:$0xBD0]  }
0x705: {  	v28 =	vmin.u32 v26, $0x117;
	vm7 =	vgt.s32 v31, $0x0;
	[tilespmem:v27+s10+$0x0] =	vst.idx.add.f32.msk vm15, v4  }
0x706: {  	v30 =	vshll.u32 v28, $0x7;
	v33 =	vnsel vm7, $0x0, v31;
	v35 =	vld [tilespmem:$0xBE0]  }
0x707: {  	vm6 =	vlt.u32 v14, v1;
	v14 =	vor.u32 v11, v30;
	v13 =	vmin.u32 v33, $0x117  }
0x708: {  	vm9 =	vlt.u32 v31, v1;
	v36 =	vshll.u32 v13, $0x7;
	v34 =	vsub.s32 v29, v0  }
0x709: {  	v12 =	vor.u32 v7, v36;
	v15 =	vsub.s32 v32, v0;
	vm8 =	vgt.s32 v34, $0x0  }
0x70a: {  	vm10 =	vlt.u32 v34, v1;
	vm11 =	vgt.s32 v15, $0x0;
	v37 =	vnsel vm8, $0x0, v34  }
0x70b: {  	v17 =	vsub.s32 v35, v0;
	v38 =	vnsel vm11, $0x0, v15;
	v13 =	vmin.u32 v37, $0x117  }
0x70c: {  	vm12 =	vlt.u32 v15, v1;
	v39 =	vmin.u32 v38, $0x117;
	v13 =	vshll.u32 v13, $0x7  }
0x70d: {  	[tilespmem:v14+s10+$0x0] =	vst.idx.add.f32.msk vm6, v4;
	vm13 =	vgt.s32 v17, $0x0;
	v15 =	vshll.u32 v39, $0x7;
	v13 =	vor.u32 v8, v13  }
0x70e: {  	v14 =	vld [tilespmem:$0xBF0];
	v40 =	vnsel vm13, $0x0, v17;
	v41 =	vor.u32 v9, v15  }
0x70f: {  	[tilespmem:v12+s10+$0x0] =	vst.idx.add.f32.msk vm9, v4;
	v42 =	vmin.u32 v40, $0x117  }
0x710: {  	v43 =	vld [tilespmem:$0xC30];
	vm15 =	vlt.u32 v17, v1;
	v15 =	vshll.u32 v42, $0x7  }
0x711: {  	v45 =	vor.u32 v10, v15  }
0x712: {  	[tilespmem:v13+s10+$0x0] =	vst.idx.add.f32.msk vm10, v4  }
0x713: {  	v14 =	vsub.s32 v14, v0;
	[tilespmem:v41+s10+$0x0] =	vst.idx.add.f32.msk vm12, v4  }
0x714: {  	vm14 =	vgt.s32 v14, $0x0;
	v47 =	vld [tilespmem:$0xC40]  }
0x715: {  	v44 =	vnsel vm14, $0x0, v14;
	v49 =	vsub.s32 v43, v0;
	v50 =	vld [tilespmem:$0xC50]  }
0x716: {  	v46 =	vmin.u32 v44, $0x117;
	vm7 =	vgt.s32 v49, $0x0;
	[tilespmem:v45+s10+$0x0] =	vst.idx.add.f32.msk vm15, v4  }
0x717: {  	v48 =	vshll.u32 v46, $0x7;
	v51 =	vnsel vm7, $0x0, v49;
	v53 =	vld [tilespmem:$0xC60]  }
0x718: {  	vm6 =	vlt.u32 v14, v1;
	v14 =	vor.u32 v11, v48;
	v13 =	vmin.u32 v51, $0x117  }
0x719: {  	vm9 =	vlt.u32 v49, v1;
	v54 =	vshll.u32 v13, $0x7;
	v52 =	vsub.s32 v47, v0  }
0x71a: {  	v12 =	vor.u32 v7, v54;
	v15 =	vsub.s32 v50, v0;
	vm8 =	vgt.s32 v52, $0x0  }
0x71b: {  	vm10 =	vlt.u32 v52, v1;
	vm11 =	vgt.s32 v15, $0x0;
	v55 =	vnsel vm8, $0x0, v52  }
0x71c: {  	v17 =	vsub.s32 v53, v0;
	v56 =	vnsel vm11, $0x0, v15;
	v13 =	vmin.u32 v55, $0x117  }
0x71d: {  	vm12 =	vlt.u32 v15, v1;
	v57 =	vmin.u32 v56, $0x117;
	v13 =	vshll.u32 v13, $0x7  }
0x71e: {  	[tilespmem:v14+s10+$0x0] =	vst.idx.add.f32.msk vm6, v4;
	vm13 =	vgt.s32 v17, $0x0;
	v15 =	vshll.u32 v57, $0x7;
	v13 =	vor.u32 v8, v13  }
0x71f: {  	v14 =	vld [tilespmem:$0xC70];
	v58 =	vnsel vm13, $0x0, v17;
	v59 =	vor.u32 v9, v15  }
0x720: {  	[tilespmem:v12+s10+$0x0] =	vst.idx.add.f32.msk vm9, v4;
	v60 =	vmin.u32 v58, $0x117  }
0x721: {  	v61 =	vld [tilespmem:$0xCB0];
	vm15 =	vlt.u32 v17, v1;
	v15 =	vshll.u32 v60, $0x7  }
0x722: {  	v63 =	vor.u32 v10, v15  }
0x723: {  	[tilespmem:v13+s10+$0x0] =	vst.idx.add.f32.msk vm10, v4  }
0x724: {  	v14 =	vsub.s32 v14, v0;
	[tilespmem:v59+s10+$0x0] =	vst.idx.add.f32.msk vm12, v4  }
0x725: {  	vm14 =	vgt.s32 v14, $0x0;
	v21 =	vld [tilespmem:$0xCC0]  }
0x726: {  	v62 =	vnsel vm14, $0x0, v14;
	v23 =	vsub.s32 v61, v0;
	v24 =	vld [tilespmem:$0xCD0]  }
0x727: {  	v20 =	vmin.u32 v62, $0x117;
	vm7 =	vgt.s32 v23, $0x0;
	[tilespmem:v63+s10+$0x0] =	vst.idx.add.f32.msk vm15, v4  }
0x728: {  	v22 =	vshll.u32 v20, $0x7;
	v25 =	vnsel vm7, $0x0, v23;
	v27 =	vld [tilespmem:$0xCE0]  }
0x729: {  	vm6 =	vlt.u32 v14, v1;
	v14 =	vor.u32 v11, v22;
	v13 =	vmin.u32 v25, $0x117  }
0x72a: {  	vm9 =	vlt.u32 v23, v1;
	v28 =	vshll.u32 v13, $0x7;
	v26 =	vsub.s32 v21, v0  }
0x72b: {  	v12 =	vor.u32 v7, v28;
	v15 =	vsub.s32 v24, v0;
	vm8 =	vgt.s32 v26, $0x0  }
0x72c: {  	vm10 =	vlt.u32 v26, v1;
	vm11 =	vgt.s32 v15, $0x0;
	v29 =	vnsel vm8, $0x0, v26  }
0x72d: {  	v17 =	vsub.s32 v27, v0;
	v30 =	vnsel vm11, $0x0, v15;
	v13 =	vmin.u32 v29, $0x117  }
0x72e: {  	vm12 =	vlt.u32 v15, v1;
	v31 =	vmin.u32 v30, $0x117;
	v13 =	vshll.u32 v13, $0x7  }
0x72f: {  	[tilespmem:v14+s10+$0x0] =	vst.idx.add.f32.msk vm6, v4;
	vm13 =	vgt.s32 v17, $0x0;
	v15 =	vshll.u32 v31, $0x7;
	v13 =	vor.u32 v8, v13  }
0x730: {  	v14 =	vld [tilespmem:$0xCF0];
	v32 =	vnsel vm13, $0x0, v17;
	v33 =	vor.u32 v9, v15  }
0x731: {  	[tilespmem:v12+s10+$0x0] =	vst.idx.add.f32.msk vm9, v4;
	v34 =	vmin.u32 v32, $0x117  }
0x732: {  	v35 =	vld [tilespmem:$0xD30];
	vm15 =	vlt.u32 v17, v1;
	v15 =	vshll.u32 v34, $0x7  }
0x733: {  	v37 =	vor.u32 v10, v15  }
0x734: {  	[tilespmem:v13+s10+$0x0] =	vst.idx.add.f32.msk vm10, v4  }
0x735: {  	v14 =	vsub.s32 v14, v0;
	[tilespmem:v33+s10+$0x0] =	vst.idx.add.f32.msk vm12, v4  }
0x736: {  	vm14 =	vgt.s32 v14, $0x0;
	v39 =	vld [tilespmem:$0xD40]  }
0x737: {  	v36 =	vnsel vm14, $0x0, v14;
	v41 =	vsub.s32 v35, v0;
	v42 =	vld [tilespmem:$0xD50]  }
0x738: {  	v38 =	vmin.u32 v36, $0x117;
	vm7 =	vgt.s32 v41, $0x0;
	[tilespmem:v37+s10+$0x0] =	vst.idx.add.f32.msk vm15, v4  }
0x739: {  	v40 =	vshll.u32 v38, $0x7;
	v43 =	vnsel vm7, $0x0, v41;
	v45 =	vld [tilespmem:$0xD60]  }
0x73a: {  	vm6 =	vlt.u32 v14, v1;
	v14 =	vor.u32 v11, v40;
	v13 =	vmin.u32 v43, $0x117  }
0x73b: {  	vm9 =	vlt.u32 v41, v1;
	v46 =	vshll.u32 v13, $0x7;
	v44 =	vsub.s32 v39, v0  }
0x73c: {  	v12 =	vor.u32 v7, v46;
	v15 =	vsub.s32 v42, v0;
	vm8 =	vgt.s32 v44, $0x0  }
0x73d: {  	vm10 =	vlt.u32 v44, v1;
	vm11 =	vgt.s32 v15, $0x0;
	v47 =	vnsel vm8, $0x0, v44  }
0x73e: {  	v17 =	vsub.s32 v45, v0;
	v48 =	vnsel vm11, $0x0, v15;
	v13 =	vmin.u32 v47, $0x117  }
0x73f: {  	vm12 =	vlt.u32 v15, v1;
	v49 =	vmin.u32 v48, $0x117;
	v13 =	vshll.u32 v13, $0x7  }
0x740: {  	[tilespmem:v14+s10+$0x0] =	vst.idx.add.f32.msk vm6, v4;
	vm13 =	vgt.s32 v17, $0x0;
	v15 =	vshll.u32 v49, $0x7;
	v13 =	vor.u32 v8, v13  }
0x741: {  	v14 =	vld [tilespmem:$0xD70];
	v50 =	vnsel vm13, $0x0, v17;
	v51 =	vor.u32 v9, v15  }
0x742: {  	[tilespmem:v12+s10+$0x0] =	vst.idx.add.f32.msk vm9, v4;
	v52 =	vmin.u32 v50, $0x117  }
0x743: {  	v53 =	vld [tilespmem:$0xDB0];
	vm15 =	vlt.u32 v17, v1;
	v15 =	vshll.u32 v52, $0x7  }
0x744: {  	v55 =	vor.u32 v10, v15  }
0x745: {  	[tilespmem:v13+s10+$0x0] =	vst.idx.add.f32.msk vm10, v4  }
0x746: {  	v14 =	vsub.s32 v14, v0;
	[tilespmem:v51+s10+$0x0] =	vst.idx.add.f32.msk vm12, v4  }
0x747: {  	vm14 =	vgt.s32 v14, $0x0;
	v57 =	vld [tilespmem:$0xDC0]  }
0x748: {  	v54 =	vnsel vm14, $0x0, v14;
	v59 =	vsub.s32 v53, v0;
	v60 =	vld [tilespmem:$0xDD0]  }
0x749: {  	v56 =	vmin.u32 v54, $0x117;
	vm7 =	vgt.s32 v59, $0x0;
	[tilespmem:v55+s10+$0x0] =	vst.idx.add.f32.msk vm15, v4  }
0x74a: {  	v58 =	vshll.u32 v56, $0x7;
	v61 =	vnsel vm7, $0x0, v59;
	v63 =	vld [tilespmem:$0xDE0]  }
0x74b: {  	vm6 =	vlt.u32 v14, v1;
	v14 =	vor.u32 v11, v58;
	v13 =	vmin.u32 v61, $0x117  }
0x74c: {  	vm9 =	vlt.u32 v59, v1;
	v18 =	vshll.u32 v13, $0x7;
	v62 =	vsub.s32 v57, v0  }
0x74d: {  	v12 =	vor.u32 v7, v18;
	v15 =	vsub.s32 v60, v0;
	vm8 =	vgt.s32 v62, $0x0  }
0x74e: {  	vm10 =	vlt.u32 v62, v1;
	vm11 =	vgt.s32 v15, $0x0;
	v19 =	vnsel vm8, $0x0, v62  }
0x74f: {  	v17 =	vsub.s32 v63, v0;
	v20 =	vnsel vm11, $0x0, v15;
	v13 =	vmin.u32 v19, $0x117  }
0x750: {  	vm12 =	vlt.u32 v15, v1;
	v21 =	vmin.u32 v20, $0x117;
	v13 =	vshll.u32 v13, $0x7  }
0x751: {  	[tilespmem:v14+s10+$0x0] =	vst.idx.add.f32.msk vm6, v4;
	vm13 =	vgt.s32 v17, $0x0;
	v15 =	vshll.u32 v21, $0x7;
	v13 =	vor.u32 v8, v13  }
0x752: {  	v14 =	vld [tilespmem:$0xDF0];
	v22 =	vnsel vm13, $0x0, v17;
	v23 =	vor.u32 v9, v15  }
0x753: {  	[tilespmem:v12+s10+$0x0] =	vst.idx.add.f32.msk vm9, v4;
	v24 =	vmin.u32 v22, $0x117  }
0x754: {  	v25 =	vld [tilespmem:$0xE30];
	vm15 =	vlt.u32 v17, v1;
	v15 =	vshll.u32 v24, $0x7  }
0x755: {  	v27 =	vor.u32 v10, v15  }
0x756: {  	[tilespmem:v13+s10+$0x0] =	vst.idx.add.f32.msk vm10, v4  }
0x757: {  	v14 =	vsub.s32 v14, v0;
	[tilespmem:v23+s10+$0x0] =	vst.idx.add.f32.msk vm12, v4  }
0x758: {  	vm14 =	vgt.s32 v14, $0x0;
	v29 =	vld [tilespmem:$0xE40]  }
0x759: {  	v26 =	vnsel vm14, $0x0, v14;
	v31 =	vsub.s32 v25, v0;
	v32 =	vld [tilespmem:$0xE50]  }
0x75a: {  	v28 =	vmin.u32 v26, $0x117;
	vm7 =	vgt.s32 v31, $0x0;
	[tilespmem:v27+s10+$0x0] =	vst.idx.add.f32.msk vm15, v4  }
0x75b: {  	v30 =	vshll.u32 v28, $0x7;
	v33 =	vnsel vm7, $0x0, v31;
	v35 =	vld [tilespmem:$0xE60]  }
0x75c: {  	vm6 =	vlt.u32 v14, v1;
	v14 =	vor.u32 v11, v30;
	v13 =	vmin.u32 v33, $0x117  }
0x75d: {  	vm9 =	vlt.u32 v31, v1;
	v36 =	vshll.u32 v13, $0x7;
	v34 =	vsub.s32 v29, v0  }
0x75e: {  	v12 =	vor.u32 v7, v36;
	v15 =	vsub.s32 v32, v0;
	vm8 =	vgt.s32 v34, $0x0  }
0x75f: {  	vm10 =	vlt.u32 v34, v1;
	vm11 =	vgt.s32 v15, $0x0;
	v37 =	vnsel vm8, $0x0, v34  }
0x760: {  	v17 =	vsub.s32 v35, v0;
	v38 =	vnsel vm11, $0x0, v15;
	v13 =	vmin.u32 v37, $0x117  }
0x761: {  	vm12 =	vlt.u32 v15, v1;
	v39 =	vmin.u32 v38, $0x117;
	v13 =	vshll.u32 v13, $0x7  }
0x762: {  	[tilespmem:v14+s10+$0x0] =	vst.idx.add.f32.msk vm6, v4;
	vm13 =	vgt.s32 v17, $0x0;
	v15 =	vshll.u32 v39, $0x7;
	v13 =	vor.u32 v8, v13  }
0x763: {  	v14 =	vld [tilespmem:$0xE70];
	v40 =	vnsel vm13, $0x0, v17;
	v41 =	vor.u32 v9, v15  }
0x764: {  	[tilespmem:v12+s10+$0x0] =	vst.idx.add.f32.msk vm9, v4;
	v42 =	vmin.u32 v40, $0x117  }
0x765: {  	v43 =	vld [tilespmem:$0xEB0];
	vm15 =	vlt.u32 v17, v1;
	v15 =	vshll.u32 v42, $0x7  }
0x766: {  	v45 =	vor.u32 v10, v15  }
0x767: {  	[tilespmem:v13+s10+$0x0] =	vst.idx.add.f32.msk vm10, v4  }
0x768: {  	v14 =	vsub.s32 v14, v0;
	[tilespmem:v41+s10+$0x0] =	vst.idx.add.f32.msk vm12, v4  }
0x769: {  	vm14 =	vgt.s32 v14, $0x0;
	v47 =	vld [tilespmem:$0xEC0]  }
0x76a: {  	v44 =	vnsel vm14, $0x0, v14;
	v49 =	vsub.s32 v43, v0;
	v50 =	vld [tilespmem:$0xED0]  }
0x76b: {  	v46 =	vmin.u32 v44, $0x117;
	vm7 =	vgt.s32 v49, $0x0;
	[tilespmem:v45+s10+$0x0] =	vst.idx.add.f32.msk vm15, v4  }
0x76c: {  	v48 =	vshll.u32 v46, $0x7;
	v51 =	vnsel vm7, $0x0, v49;
	v53 =	vld [tilespmem:$0xEE0]  }
0x76d: {  	vm6 =	vlt.u32 v14, v1;
	v14 =	vor.u32 v11, v48;
	v13 =	vmin.u32 v51, $0x117  }
0x76e: {  	vm9 =	vlt.u32 v49, v1;
	v54 =	vshll.u32 v13, $0x7;
	v52 =	vsub.s32 v47, v0  }
0x76f: {  	v12 =	vor.u32 v7, v54;
	v15 =	vsub.s32 v50, v0;
	vm8 =	vgt.s32 v52, $0x0  }
0x770: {  	vm10 =	vlt.u32 v52, v1;
	vm11 =	vgt.s32 v15, $0x0;
	v55 =	vnsel vm8, $0x0, v52  }
0x771: {  	v17 =	vsub.s32 v53, v0;
	v56 =	vnsel vm11, $0x0, v15;
	v13 =	vmin.u32 v55, $0x117  }
0x772: {  	vm12 =	vlt.u32 v15, v1;
	v57 =	vmin.u32 v56, $0x117;
	v13 =	vshll.u32 v13, $0x7  }
0x773: {  	[tilespmem:v14+s10+$0x0] =	vst.idx.add.f32.msk vm6, v4;
	vm13 =	vgt.s32 v17, $0x0;
	v15 =	vshll.u32 v57, $0x7;
	v13 =	vor.u32 v8, v13  }
0x774: {  	v14 =	vld [tilespmem:$0xEF0];
	v58 =	vnsel vm13, $0x0, v17;
	v59 =	vor.u32 v9, v15  }
0x775: {  	[tilespmem:v12+s10+$0x0] =	vst.idx.add.f32.msk vm9, v4;
	v60 =	vmin.u32 v58, $0x117  }
0x776: {  	v61 =	vld [tilespmem:$0xF30];
	vm15 =	vlt.u32 v17, v1;
	v15 =	vshll.u32 v60, $0x7  }
0x777: {  	v63 =	vor.u32 v10, v15  }
0x778: {  	[tilespmem:v13+s10+$0x0] =	vst.idx.add.f32.msk vm10, v4  }
0x779: {  	v14 =	vsub.s32 v14, v0;
	[tilespmem:v59+s10+$0x0] =	vst.idx.add.f32.msk vm12, v4  }
0x77a: {  	vm14 =	vgt.s32 v14, $0x0;
	v21 =	vld [tilespmem:$0xF40]  }
0x77b: {  	v62 =	vnsel vm14, $0x0, v14;
	v23 =	vsub.s32 v61, v0;
	v24 =	vld [tilespmem:$0xF50]  }
0x77c: {  	v20 =	vmin.u32 v62, $0x117;
	vm7 =	vgt.s32 v23, $0x0;
	[tilespmem:v63+s10+$0x0] =	vst.idx.add.f32.msk vm15, v4  }
0x77d: {  	v22 =	vshll.u32 v20, $0x7;
	v25 =	vnsel vm7, $0x0, v23;
	v27 =	vld [tilespmem:$0xF60]  }
0x77e: {  	vm6 =	vlt.u32 v14, v1;
	v14 =	vor.u32 v11, v22;
	v13 =	vmin.u32 v25, $0x117  }
0x77f: {  	vm9 =	vlt.u32 v23, v1;
	v28 =	vshll.u32 v13, $0x7;
	v26 =	vsub.s32 v21, v0  }
0x780: {  	v12 =	vor.u32 v7, v28;
	v15 =	vsub.s32 v24, v0;
	vm8 =	vgt.s32 v26, $0x0  }
0x781: {  	vm10 =	vlt.u32 v26, v1;
	vm11 =	vgt.s32 v15, $0x0;
	v29 =	vnsel vm8, $0x0, v26  }
0x782: {  	v17 =	vsub.s32 v27, v0;
	v30 =	vnsel vm11, $0x0, v15;
	v13 =	vmin.u32 v29, $0x117  }
0x783: {  	vm12 =	vlt.u32 v15, v1;
	v31 =	vmin.u32 v30, $0x117;
	v13 =	vshll.u32 v13, $0x7  }
0x784: {  	[tilespmem:v14+s10+$0x0] =	vst.idx.add.f32.msk vm6, v4;
	vm13 =	vgt.s32 v17, $0x0;
	v15 =	vshll.u32 v31, $0x7;
	v13 =	vor.u32 v8, v13  }
0x785: {  	v14 =	vld [tilespmem:$0xF70];
	v32 =	vnsel vm13, $0x0, v17;
	v33 =	vor.u32 v9, v15  }
0x786: {  	[tilespmem:v12+s10+$0x0] =	vst.idx.add.f32.msk vm9, v4;
	v34 =	vmin.u32 v32, $0x117  }
0x787: {  	v35 =	vld [tilespmem:$0xFB0];
	vm15 =	vlt.u32 v17, v1;
	v15 =	vshll.u32 v34, $0x7  }
0x788: {  	v37 =	vor.u32 v10, v15  }
0x789: {  	[tilespmem:v13+s10+$0x0] =	vst.idx.add.f32.msk vm10, v4  }
0x78a: {  	v14 =	vsub.s32 v14, v0;
	[tilespmem:v33+s10+$0x0] =	vst.idx.add.f32.msk vm12, v4  }
0x78b: {  	vm14 =	vgt.s32 v14, $0x0;
	v39 =	vld [tilespmem:$0xFC0]  }
0x78c: {  	v36 =	vnsel vm14, $0x0, v14;
	v41 =	vsub.s32 v35, v0;
	v42 =	vld [tilespmem:$0xFD0]  }
0x78d: {  	v38 =	vmin.u32 v36, $0x117;
	vm7 =	vgt.s32 v41, $0x0;
	[tilespmem:v37+s10+$0x0] =	vst.idx.add.f32.msk vm15, v4  }
0x78e: {  	v40 =	vshll.u32 v38, $0x7;
	v43 =	vnsel vm7, $0x0, v41;
	v45 =	vld [tilespmem:$0xFE0]  }
0x78f: {  	vm6 =	vlt.u32 v14, v1;
	v14 =	vor.u32 v11, v40;
	v13 =	vmin.u32 v43, $0x117  }
0x790: {  	vm9 =	vlt.u32 v41, v1;
	v46 =	vshll.u32 v13, $0x7;
	v44 =	vsub.s32 v39, v0  }
0x791: {  	v12 =	vor.u32 v7, v46;
	v15 =	vsub.s32 v42, v0;
	vm8 =	vgt.s32 v44, $0x0  }
0x792: {  	vm10 =	vlt.u32 v44, v1;
	vm11 =	vgt.s32 v15, $0x0;
	v47 =	vnsel vm8, $0x0, v44  }
0x793: {  	v17 =	vsub.s32 v45, v0;
	v48 =	vnsel vm11, $0x0, v15;
	v13 =	vmin.u32 v47, $0x117  }
0x794: {  	vm12 =	vlt.u32 v15, v1;
	v49 =	vmin.u32 v48, $0x117;
	v13 =	vshll.u32 v13, $0x7  }
0x795: {  	[tilespmem:v14+s10+$0x0] =	vst.idx.add.f32.msk vm6, v4;
	vm13 =	vgt.s32 v17, $0x0;
	v15 =	vshll.u32 v49, $0x7;
	v13 =	vor.u32 v8, v13  }
0x796: {  	v14 =	vld [tilespmem:$0xFF0];
	v50 =	vnsel vm13, $0x0, v17;
	v51 =	vor.u32 v9, v15  }
0x797: {  	[tilespmem:v12+s10+$0x0] =	vst.idx.add.f32.msk vm9, v4;
	v52 =	vmin.u32 v50, $0x117  }
0x798: {  	v53 =	vld [tilespmem:$0x1030];
	vm15 =	vlt.u32 v17, v1;
	v15 =	vshll.u32 v52, $0x7  }
0x799: {  	v55 =	vor.u32 v10, v15  }
0x79a: {  	[tilespmem:v13+s10+$0x0] =	vst.idx.add.f32.msk vm10, v4  }
0x79b: {  	v14 =	vsub.s32 v14, v0;
	[tilespmem:v51+s10+$0x0] =	vst.idx.add.f32.msk vm12, v4  }
0x79c: {  	vm14 =	vgt.s32 v14, $0x0;
	v57 =	vld [tilespmem:$0x1040]  }
0x79d: {  	v54 =	vnsel vm14, $0x0, v14;
	v59 =	vsub.s32 v53, v0;
	v60 =	vld [tilespmem:$0x1050]  }
0x79e: {  	v56 =	vmin.u32 v54, $0x117;
	vm7 =	vgt.s32 v59, $0x0;
	[tilespmem:v55+s10+$0x0] =	vst.idx.add.f32.msk vm15, v4  }
0x79f: {  	v58 =	vshll.u32 v56, $0x7;
	v61 =	vnsel vm7, $0x0, v59;
	v63 =	vld [tilespmem:$0x1060]  }
0x7a0: {  	vm6 =	vlt.u32 v14, v1;
	v14 =	vor.u32 v11, v58;
	v13 =	vmin.u32 v61, $0x117  }
0x7a1: {  	vm9 =	vlt.u32 v59, v1;
	v18 =	vshll.u32 v13, $0x7;
	v62 =	vsub.s32 v57, v0  }
0x7a2: {  	v12 =	vor.u32 v7, v18;
	v15 =	vsub.s32 v60, v0;
	vm8 =	vgt.s32 v62, $0x0  }
0x7a3: {  	vm10 =	vlt.u32 v62, v1;
	vm11 =	vgt.s32 v15, $0x0;
	v19 =	vnsel vm8, $0x0, v62  }
0x7a4: {  	v17 =	vsub.s32 v63, v0;
	v20 =	vnsel vm11, $0x0, v15;
	v13 =	vmin.u32 v19, $0x117  }
0x7a5: {  	vm12 =	vlt.u32 v15, v1;
	v21 =	vmin.u32 v20, $0x117;
	v13 =	vshll.u32 v13, $0x7  }
0x7a6: {  	[tilespmem:v14+s10+$0x0] =	vst.idx.add.f32.msk vm6, v4;
	vm13 =	vgt.s32 v17, $0x0;
	v15 =	vshll.u32 v21, $0x7;
	v13 =	vor.u32 v8, v13  }
0x7a7: {  	v14 =	vld [tilespmem:$0x1070];
	v22 =	vnsel vm13, $0x0, v17;
	v23 =	vor.u32 v9, v15  }
0x7a8: {  	[tilespmem:v12+s10+$0x0] =	vst.idx.add.f32.msk vm9, v4;
	v24 =	vmin.u32 v22, $0x117  }
0x7a9: {  	v25 =	vld [tilespmem:$0x10B0];
	vm15 =	vlt.u32 v17, v1;
	v15 =	vshll.u32 v24, $0x7  }
0x7aa: {  	v27 =	vor.u32 v10, v15  }
0x7ab: {  	[tilespmem:v13+s10+$0x0] =	vst.idx.add.f32.msk vm10, v4  }
0x7ac: {  	v14 =	vsub.s32 v14, v0;
	[tilespmem:v23+s10+$0x0] =	vst.idx.add.f32.msk vm12, v4  }
0x7ad: {  	vm14 =	vgt.s32 v14, $0x0;
	v29 =	vld [tilespmem:$0x10C0]  }
0x7ae: {  	v26 =	vnsel vm14, $0x0, v14;
	v31 =	vsub.s32 v25, v0;
	v32 =	vld [tilespmem:$0x10D0]  }
0x7af: {  	v28 =	vmin.u32 v26, $0x117;
	vm7 =	vgt.s32 v31, $0x0;
	[tilespmem:v27+s10+$0x0] =	vst.idx.add.f32.msk vm15, v4  }
0x7b0: {  	v30 =	vshll.u32 v28, $0x7;
	v33 =	vnsel vm7, $0x0, v31;
	v35 =	vld [tilespmem:$0x10E0]  }
0x7b1: {  	vm6 =	vlt.u32 v14, v1;
	v14 =	vor.u32 v11, v30;
	v13 =	vmin.u32 v33, $0x117  }
0x7b2: {  	vm9 =	vlt.u32 v31, v1;
	v36 =	vshll.u32 v13, $0x7;
	v34 =	vsub.s32 v29, v0  }
0x7b3: {  	v12 =	vor.u32 v7, v36;
	v15 =	vsub.s32 v32, v0;
	vm8 =	vgt.s32 v34, $0x0  }
0x7b4: {  	vm10 =	vlt.u32 v34, v1;
	vm11 =	vgt.s32 v15, $0x0;
	v37 =	vnsel vm8, $0x0, v34  }
0x7b5: {  	v17 =	vsub.s32 v35, v0;
	v38 =	vnsel vm11, $0x0, v15;
	v13 =	vmin.u32 v37, $0x117  }
0x7b6: {  	vm12 =	vlt.u32 v15, v1;
	v39 =	vmin.u32 v38, $0x117;
	v13 =	vshll.u32 v13, $0x7  }
0x7b7: {  	[tilespmem:v14+s10+$0x0] =	vst.idx.add.f32.msk vm6, v4;
	vm13 =	vgt.s32 v17, $0x0;
	v15 =	vshll.u32 v39, $0x7;
	v13 =	vor.u32 v8, v13  }
0x7b8: {  	v14 =	vld [tilespmem:$0x10F0];
	v40 =	vnsel vm13, $0x0, v17;
	v41 =	vor.u32 v9, v15  }
0x7b9: {  	[tilespmem:v12+s10+$0x0] =	vst.idx.add.f32.msk vm9, v4;
	v42 =	vmin.u32 v40, $0x117  }
0x7ba: {  	v43 =	vld [tilespmem:$0x1130];
	vm15 =	vlt.u32 v17, v1;
	v15 =	vshll.u32 v42, $0x7  }
0x7bb: {  	v45 =	vor.u32 v10, v15  }
0x7bc: {  	[tilespmem:v13+s10+$0x0] =	vst.idx.add.f32.msk vm10, v4  }
0x7bd: {  	v14 =	vsub.s32 v14, v0;
	[tilespmem:v41+s10+$0x0] =	vst.idx.add.f32.msk vm12, v4  }
0x7be: {  	vm14 =	vgt.s32 v14, $0x0;
	v47 =	vld [tilespmem:$0x1140]  }
0x7bf: {  	v44 =	vnsel vm14, $0x0, v14;
	v49 =	vsub.s32 v43, v0;
	v50 =	vld [tilespmem:$0x1150]  }
0x7c0: {  	v46 =	vmin.u32 v44, $0x117;
	vm7 =	vgt.s32 v49, $0x0;
	[tilespmem:v45+s10+$0x0] =	vst.idx.add.f32.msk vm15, v4  }
0x7c1: {  	v48 =	vshll.u32 v46, $0x7;
	v51 =	vnsel vm7, $0x0, v49;
	v53 =	vld [tilespmem:$0x1160]  }
0x7c2: {  	vm6 =	vlt.u32 v14, v1;
	v14 =	vor.u32 v11, v48;
	v13 =	vmin.u32 v51, $0x117  }
0x7c3: {  	vm9 =	vlt.u32 v49, v1;
	v54 =	vshll.u32 v13, $0x7;
	v52 =	vsub.s32 v47, v0  }
0x7c4: {  	v12 =	vor.u32 v7, v54;
	v15 =	vsub.s32 v50, v0;
	vm8 =	vgt.s32 v52, $0x0  }
0x7c5: {  	vm10 =	vlt.u32 v52, v1;
	vm11 =	vgt.s32 v15, $0x0;
	v55 =	vnsel vm8, $0x0, v52  }
0x7c6: {  	v17 =	vsub.s32 v53, v0;
	v56 =	vnsel vm11, $0x0, v15;
	v13 =	vmin.u32 v55, $0x117  }
0x7c7: {  	vm12 =	vlt.u32 v15, v1;
	v57 =	vmin.u32 v56, $0x117;
	v13 =	vshll.u32 v13, $0x7  }
0x7c8: {  	[tilespmem:v14+s10+$0x0] =	vst.idx.add.f32.msk vm6, v4;
	vm13 =	vgt.s32 v17, $0x0;
	v15 =	vshll.u32 v57, $0x7;
	v13 =	vor.u32 v8, v13  }
0x7c9: {  	v14 =	vld [tilespmem:$0x1170];
	v58 =	vnsel vm13, $0x0, v17;
	v59 =	vor.u32 v9, v15  }
0x7ca: {  	[tilespmem:v12+s10+$0x0] =	vst.idx.add.f32.msk vm9, v4;
	v60 =	vmin.u32 v58, $0x117  }
0x7cb: {  	v61 =	vld [tilespmem:$0x11B0];
	vm15 =	vlt.u32 v17, v1;
	v15 =	vshll.u32 v60, $0x7  }
0x7cc: {  	v63 =	vor.u32 v10, v15  }
0x7cd: {  	[tilespmem:v13+s10+$0x0] =	vst.idx.add.f32.msk vm10, v4  }
0x7ce: {  	v14 =	vsub.s32 v14, v0;
	[tilespmem:v59+s10+$0x0] =	vst.idx.add.f32.msk vm12, v4  }
0x7cf: {  	vm14 =	vgt.s32 v14, $0x0;
	v21 =	vld [tilespmem:$0x11C0]  }
0x7d0: {  	v62 =	vnsel vm14, $0x0, v14;
	v23 =	vsub.s32 v61, v0;
	v24 =	vld [tilespmem:$0x11D0]  }
0x7d1: {  	v20 =	vmin.u32 v62, $0x117;
	vm7 =	vgt.s32 v23, $0x0;
	[tilespmem:v63+s10+$0x0] =	vst.idx.add.f32.msk vm15, v4  }
0x7d2: {  	v22 =	vshll.u32 v20, $0x7;
	v25 =	vnsel vm7, $0x0, v23;
	v27 =	vld [tilespmem:$0x11E0]  }
0x7d3: {  	vm6 =	vlt.u32 v14, v1;
	v14 =	vor.u32 v11, v22;
	v13 =	vmin.u32 v25, $0x117  }
0x7d4: {  	vm9 =	vlt.u32 v23, v1;
	v28 =	vshll.u32 v13, $0x7;
	v26 =	vsub.s32 v21, v0  }
0x7d5: {  	v12 =	vor.u32 v7, v28;
	v15 =	vsub.s32 v24, v0;
	vm8 =	vgt.s32 v26, $0x0  }
0x7d6: {  	vm10 =	vlt.u32 v26, v1;
	vm11 =	vgt.s32 v15, $0x0;
	v29 =	vnsel vm8, $0x0, v26  }
0x7d7: {  	v17 =	vsub.s32 v27, v0;
	v30 =	vnsel vm11, $0x0, v15;
	v13 =	vmin.u32 v29, $0x117  }
0x7d8: {  	vm12 =	vlt.u32 v15, v1;
	v31 =	vmin.u32 v30, $0x117;
	v13 =	vshll.u32 v13, $0x7  }
0x7d9: {  	[tilespmem:v14+s10+$0x0] =	vst.idx.add.f32.msk vm6, v4;
	vm13 =	vgt.s32 v17, $0x0;
	v15 =	vshll.u32 v31, $0x7;
	v13 =	vor.u32 v8, v13  }
0x7da: {  	v14 =	vld [tilespmem:$0x11F0];
	v32 =	vnsel vm13, $0x0, v17;
	v33 =	vor.u32 v9, v15  }
0x7db: {  	[tilespmem:v12+s10+$0x0] =	vst.idx.add.f32.msk vm9, v4;
	v34 =	vmin.u32 v32, $0x117  }
0x7dc: {  	v35 =	vld [tilespmem:$0x1230];
	vm15 =	vlt.u32 v17, v1;
	v15 =	vshll.u32 v34, $0x7  }
0x7dd: {  	v37 =	vor.u32 v10, v15  }
0x7de: {  	[tilespmem:v13+s10+$0x0] =	vst.idx.add.f32.msk vm10, v4  }
0x7df: {  	v14 =	vsub.s32 v14, v0;
	[tilespmem:v33+s10+$0x0] =	vst.idx.add.f32.msk vm12, v4  }
0x7e0: {  	vm14 =	vgt.s32 v14, $0x0;
	v39 =	vld [tilespmem:$0x1240]  }
0x7e1: {  	v36 =	vnsel vm14, $0x0, v14;
	v41 =	vsub.s32 v35, v0;
	v42 =	vld [tilespmem:$0x1250]  }
0x7e2: {  	v38 =	vmin.u32 v36, $0x117;
	vm7 =	vgt.s32 v41, $0x0;
	[tilespmem:v37+s10+$0x0] =	vst.idx.add.f32.msk vm15, v4  }
0x7e3: {  	v40 =	vshll.u32 v38, $0x7;
	v43 =	vnsel vm7, $0x0, v41;
	v45 =	vld [tilespmem:$0x1260]  }
0x7e4: {  	vm6 =	vlt.u32 v14, v1;
	v14 =	vor.u32 v11, v40;
	v13 =	vmin.u32 v43, $0x117  }
0x7e5: {  	vm9 =	vlt.u32 v41, v1;
	v46 =	vshll.u32 v13, $0x7;
	v44 =	vsub.s32 v39, v0  }
0x7e6: {  	v12 =	vor.u32 v7, v46;
	v15 =	vsub.s32 v42, v0;
	vm8 =	vgt.s32 v44, $0x0  }
0x7e7: {  	vm10 =	vlt.u32 v44, v1;
	vm11 =	vgt.s32 v15, $0x0;
	v47 =	vnsel vm8, $0x0, v44  }
0x7e8: {  	v17 =	vsub.s32 v45, v0;
	v48 =	vnsel vm11, $0x0, v15;
	v13 =	vmin.u32 v47, $0x117  }
0x7e9: {  	vm12 =	vlt.u32 v15, v1;
	v49 =	vmin.u32 v48, $0x117;
	v13 =	vshll.u32 v13, $0x7  }
0x7ea: {  	[tilespmem:v14+s10+$0x0] =	vst.idx.add.f32.msk vm6, v4;
	vm13 =	vgt.s32 v17, $0x0;
	v15 =	vshll.u32 v49, $0x7;
	v13 =	vor.u32 v8, v13  }
0x7eb: {  	v14 =	vld [tilespmem:$0x1270];
	v50 =	vnsel vm13, $0x0, v17;
	v51 =	vor.u32 v9, v15  }
0x7ec: {  	[tilespmem:v12+s10+$0x0] =	vst.idx.add.f32.msk vm9, v4;
	v52 =	vmin.u32 v50, $0x117  }
0x7ed: {  	v53 =	vld [tilespmem:$0x12B0];
	vm15 =	vlt.u32 v17, v1;
	v15 =	vshll.u32 v52, $0x7  }
0x7ee: {  	v55 =	vor.u32 v10, v15  }
0x7ef: {  	[tilespmem:v13+s10+$0x0] =	vst.idx.add.f32.msk vm10, v4  }
0x7f0: {  	v14 =	vsub.s32 v14, v0;
	[tilespmem:v51+s10+$0x0] =	vst.idx.add.f32.msk vm12, v4  }
0x7f1: {  	vm14 =	vgt.s32 v14, $0x0;
	v57 =	vld [tilespmem:$0x12C0]  }
0x7f2: {  	v54 =	vnsel vm14, $0x0, v14;
	v59 =	vsub.s32 v53, v0;
	v60 =	vld [tilespmem:$0x12D0]  }
0x7f3: {  	v56 =	vmin.u32 v54, $0x117;
	vm7 =	vgt.s32 v59, $0x0;
	[tilespmem:v55+s10+$0x0] =	vst.idx.add.f32.msk vm15, v4  }
0x7f4: {  	v58 =	vshll.u32 v56, $0x7;
	v61 =	vnsel vm7, $0x0, v59;
	v63 =	vld [tilespmem:$0x12E0]  }
0x7f5: {  	vm6 =	vlt.u32 v14, v1;
	v14 =	vor.u32 v11, v58;
	v13 =	vmin.u32 v61, $0x117  }
0x7f6: {  	vm9 =	vlt.u32 v59, v1;
	v18 =	vshll.u32 v13, $0x7;
	v62 =	vsub.s32 v57, v0  }
0x7f7: {  	v12 =	vor.u32 v7, v18;
	v15 =	vsub.s32 v60, v0;
	vm8 =	vgt.s32 v62, $0x0  }
0x7f8: {  	vm10 =	vlt.u32 v62, v1;
	vm11 =	vgt.s32 v15, $0x0;
	v19 =	vnsel vm8, $0x0, v62  }
0x7f9: {  	v17 =	vsub.s32 v63, v0;
	v20 =	vnsel vm11, $0x0, v15;
	v13 =	vmin.u32 v19, $0x117  }
0x7fa: {  	vm12 =	vlt.u32 v15, v1;
	v21 =	vmin.u32 v20, $0x117;
	v13 =	vshll.u32 v13, $0x7  }
0x7fb: {  	[tilespmem:v14+s10+$0x0] =	vst.idx.add.f32.msk vm6, v4;
	vm13 =	vgt.s32 v17, $0x0;
	v15 =	vshll.u32 v21, $0x7;
	v13 =	vor.u32 v8, v13  }
0x7fc: {  	v14 =	vld [tilespmem:$0x12F0];
	v22 =	vnsel vm13, $0x0, v17;
	v23 =	vor.u32 v9, v15  }
0x7fd: {  	[tilespmem:v12+s10+$0x0] =	vst.idx.add.f32.msk vm9, v4;
	v24 =	vmin.u32 v22, $0x117  }
0x7fe: {  	v25 =	vld [tilespmem:$0x1330];
	vm15 =	vlt.u32 v17, v1;
	v15 =	vshll.u32 v24, $0x7  }
0x7ff: {  	v27 =	vor.u32 v10, v15  }
0x800: {  	[tilespmem:v13+s10+$0x0] =	vst.idx.add.f32.msk vm10, v4  }
0x801: {  	v14 =	vsub.s32 v14, v0;
	[tilespmem:v23+s10+$0x0] =	vst.idx.add.f32.msk vm12, v4  }
0x802: {  	vm14 =	vgt.s32 v14, $0x0;
	v29 =	vld [tilespmem:$0x1340]  }
0x803: {  	v26 =	vnsel vm14, $0x0, v14;
	v31 =	vsub.s32 v25, v0;
	v32 =	vld [tilespmem:$0x1350]  }
0x804: {  	v28 =	vmin.u32 v26, $0x117;
	vm7 =	vgt.s32 v31, $0x0;
	[tilespmem:v27+s10+$0x0] =	vst.idx.add.f32.msk vm15, v4  }
0x805: {  	v30 =	vshll.u32 v28, $0x7;
	v33 =	vnsel vm7, $0x0, v31;
	v35 =	vld [tilespmem:$0x1360]  }
0x806: {  	vm6 =	vlt.u32 v14, v1;
	v14 =	vor.u32 v11, v30;
	v13 =	vmin.u32 v33, $0x117  }
0x807: {  	vm9 =	vlt.u32 v31, v1;
	v36 =	vshll.u32 v13, $0x7;
	v34 =	vsub.s32 v29, v0  }
0x808: {  	v12 =	vor.u32 v7, v36;
	v15 =	vsub.s32 v32, v0;
	vm8 =	vgt.s32 v34, $0x0  }
0x809: {  	vm10 =	vlt.u32 v34, v1;
	vm11 =	vgt.s32 v15, $0x0;
	v37 =	vnsel vm8, $0x0, v34  }
0x80a: {  	v17 =	vsub.s32 v35, v0;
	v38 =	vnsel vm11, $0x0, v15;
	v13 =	vmin.u32 v37, $0x117  }
0x80b: {  	vm12 =	vlt.u32 v15, v1;
	v39 =	vmin.u32 v38, $0x117;
	v13 =	vshll.u32 v13, $0x7  }
0x80c: {  	[tilespmem:v14+s10+$0x0] =	vst.idx.add.f32.msk vm6, v4;
	vm13 =	vgt.s32 v17, $0x0;
	v15 =	vshll.u32 v39, $0x7;
	v13 =	vor.u32 v8, v13  }
0x80d: {  	v14 =	vld [tilespmem:$0x1370];
	v40 =	vnsel vm13, $0x0, v17;
	v41 =	vor.u32 v9, v15  }
0x80e: {  	[tilespmem:v12+s10+$0x0] =	vst.idx.add.f32.msk vm9, v4;
	v42 =	vmin.u32 v40, $0x117  }
0x80f: {  	v43 =	vld [tilespmem:$0x13B0];
	vm15 =	vlt.u32 v17, v1;
	v15 =	vshll.u32 v42, $0x7  }
0x810: {  	v45 =	vor.u32 v10, v15  }
0x811: {  	[tilespmem:v13+s10+$0x0] =	vst.idx.add.f32.msk vm10, v4  }
0x812: {  	v14 =	vsub.s32 v14, v0;
	[tilespmem:v41+s10+$0x0] =	vst.idx.add.f32.msk vm12, v4  }
0x813: {  	vm14 =	vgt.s32 v14, $0x0;
	v47 =	vld [tilespmem:$0x13C0]  }
0x814: {  	v44 =	vnsel vm14, $0x0, v14;
	v49 =	vsub.s32 v43, v0;
	v50 =	vld [tilespmem:$0x13D0]  }
0x815: {  	v46 =	vmin.u32 v44, $0x117;
	vm7 =	vgt.s32 v49, $0x0;
	[tilespmem:v45+s10+$0x0] =	vst.idx.add.f32.msk vm15, v4  }
0x816: {  	v48 =	vshll.u32 v46, $0x7;
	v51 =	vnsel vm7, $0x0, v49;
	v53 =	vld [tilespmem:$0x13E0]  }
0x817: {  	vm6 =	vlt.u32 v14, v1;
	v14 =	vor.u32 v11, v48;
	v13 =	vmin.u32 v51, $0x117  }
0x818: {  	vm9 =	vlt.u32 v49, v1;
	v54 =	vshll.u32 v13, $0x7;
	v52 =	vsub.s32 v47, v0  }
0x819: {  	v12 =	vor.u32 v7, v54;
	v15 =	vsub.s32 v50, v0;
	vm8 =	vgt.s32 v52, $0x0  }
0x81a: {  	vm10 =	vlt.u32 v52, v1;
	vm11 =	vgt.s32 v15, $0x0;
	v55 =	vnsel vm8, $0x0, v52  }
0x81b: {  	v17 =	vsub.s32 v53, v0;
	v56 =	vnsel vm11, $0x0, v15;
	v13 =	vmin.u32 v55, $0x117  }
0x81c: {  	vm12 =	vlt.u32 v15, v1;
	v57 =	vmin.u32 v56, $0x117;
	v13 =	vshll.u32 v13, $0x7  }
0x81d: {  	[tilespmem:v14+s10+$0x0] =	vst.idx.add.f32.msk vm6, v4;
	vm13 =	vgt.s32 v17, $0x0;
	v15 =	vshll.u32 v57, $0x7;
	v13 =	vor.u32 v8, v13  }
0x81e: {  	v14 =	vld [tilespmem:$0x13F0];
	v58 =	vnsel vm13, $0x0, v17;
	v59 =	vor.u32 v9, v15  }
0x81f: {  	[tilespmem:v12+s10+$0x0] =	vst.idx.add.f32.msk vm9, v4;
	v60 =	vmin.u32 v58, $0x117  }
0x820: {  	v61 =	vld [tilespmem:$0x1430];
	vm15 =	vlt.u32 v17, v1;
	v15 =	vshll.u32 v60, $0x7  }
0x821: {  	v63 =	vor.u32 v10, v15  }
0x822: {  	[tilespmem:v13+s10+$0x0] =	vst.idx.add.f32.msk vm10, v4  }
0x823: {  	v14 =	vsub.s32 v14, v0;
	[tilespmem:v59+s10+$0x0] =	vst.idx.add.f32.msk vm12, v4  }
0x824: {  	vm14 =	vgt.s32 v14, $0x0;
	v21 =	vld [tilespmem:$0x1440]  }
0x825: {  	v62 =	vnsel vm14, $0x0, v14;
	v23 =	vsub.s32 v61, v0;
	v24 =	vld [tilespmem:$0x1450]  }
0x826: {  	v20 =	vmin.u32 v62, $0x117;
	vm7 =	vgt.s32 v23, $0x0;
	[tilespmem:v63+s10+$0x0] =	vst.idx.add.f32.msk vm15, v4  }
0x827: {  	v22 =	vshll.u32 v20, $0x7;
	v25 =	vnsel vm7, $0x0, v23;
	v27 =	vld [tilespmem:$0x1460]  }
0x828: {  	vm6 =	vlt.u32 v14, v1;
	v14 =	vor.u32 v11, v22;
	v13 =	vmin.u32 v25, $0x117  }
0x829: {  	vm9 =	vlt.u32 v23, v1;
	v28 =	vshll.u32 v13, $0x7;
	v26 =	vsub.s32 v21, v0  }
0x82a: {  	v12 =	vor.u32 v7, v28;
	v15 =	vsub.s32 v24, v0;
	vm8 =	vgt.s32 v26, $0x0  }
0x82b: {  	vm10 =	vlt.u32 v26, v1;
	vm11 =	vgt.s32 v15, $0x0;
	v29 =	vnsel vm8, $0x0, v26  }
0x82c: {  	v17 =	vsub.s32 v27, v0;
	v30 =	vnsel vm11, $0x0, v15;
	v13 =	vmin.u32 v29, $0x117  }
0x82d: {  	vm12 =	vlt.u32 v15, v1;
	v31 =	vmin.u32 v30, $0x117;
	v13 =	vshll.u32 v13, $0x7  }
0x82e: {  	[tilespmem:v14+s10+$0x0] =	vst.idx.add.f32.msk vm6, v4;
	vm13 =	vgt.s32 v17, $0x0;
	v15 =	vshll.u32 v31, $0x7;
	v13 =	vor.u32 v8, v13  }
0x82f: {  	v14 =	vld [tilespmem:$0x1470];
	v32 =	vnsel vm13, $0x0, v17;
	v33 =	vor.u32 v9, v15  }
0x830: {  	[tilespmem:v12+s10+$0x0] =	vst.idx.add.f32.msk vm9, v4;
	v34 =	vmin.u32 v32, $0x117  }
0x831: {  	v35 =	vld [tilespmem:$0x14B0];
	vm15 =	vlt.u32 v17, v1;
	v15 =	vshll.u32 v34, $0x7  }
0x832: {  	v37 =	vor.u32 v10, v15  }
0x833: {  	[tilespmem:v13+s10+$0x0] =	vst.idx.add.f32.msk vm10, v4  }
0x834: {  	v14 =	vsub.s32 v14, v0;
	[tilespmem:v33+s10+$0x0] =	vst.idx.add.f32.msk vm12, v4  }
0x835: {  	vm14 =	vgt.s32 v14, $0x0;
	v39 =	vld [tilespmem:$0x14C0]  }
0x836: {  	v36 =	vnsel vm14, $0x0, v14;
	v41 =	vsub.s32 v35, v0;
	v42 =	vld [tilespmem:$0x14D0]  }
0x837: {  	v38 =	vmin.u32 v36, $0x117;
	vm7 =	vgt.s32 v41, $0x0;
	[tilespmem:v37+s10+$0x0] =	vst.idx.add.f32.msk vm15, v4  }
0x838: {  	v40 =	vshll.u32 v38, $0x7;
	v43 =	vnsel vm7, $0x0, v41;
	v45 =	vld [tilespmem:$0x14E0]  }
0x839: {  	vm6 =	vlt.u32 v14, v1;
	v14 =	vor.u32 v11, v40;
	v13 =	vmin.u32 v43, $0x117  }
0x83a: {  	vm9 =	vlt.u32 v41, v1;
	v46 =	vshll.u32 v13, $0x7;
	v44 =	vsub.s32 v39, v0  }
0x83b: {  	v12 =	vor.u32 v7, v46;
	v15 =	vsub.s32 v42, v0;
	vm8 =	vgt.s32 v44, $0x0  }
0x83c: {  	vm10 =	vlt.u32 v44, v1;
	vm11 =	vgt.s32 v15, $0x0;
	v47 =	vnsel vm8, $0x0, v44  }
0x83d: {  	v17 =	vsub.s32 v45, v0;
	v48 =	vnsel vm11, $0x0, v15;
	v13 =	vmin.u32 v47, $0x117  }
0x83e: {  	vm12 =	vlt.u32 v15, v1;
	v49 =	vmin.u32 v48, $0x117;
	v13 =	vshll.u32 v13, $0x7  }
0x83f: {  	[tilespmem:v14+s10+$0x0] =	vst.idx.add.f32.msk vm6, v4;
	vm13 =	vgt.s32 v17, $0x0;
	v15 =	vshll.u32 v49, $0x7;
	v13 =	vor.u32 v8, v13  }
0x840: {  	v14 =	vld [tilespmem:$0x14F0];
	v50 =	vnsel vm13, $0x0, v17;
	v51 =	vor.u32 v9, v15  }
0x841: {  	[tilespmem:v12+s10+$0x0] =	vst.idx.add.f32.msk vm9, v4;
	v52 =	vmin.u32 v50, $0x117  }
0x842: {  	v53 =	vld [tilespmem:$0x1530];
	vm15 =	vlt.u32 v17, v1;
	v15 =	vshll.u32 v52, $0x7  }
0x843: {  	v55 =	vor.u32 v10, v15  }
0x844: {  	[tilespmem:v13+s10+$0x0] =	vst.idx.add.f32.msk vm10, v4  }
0x845: {  	v14 =	vsub.s32 v14, v0;
	[tilespmem:v51+s10+$0x0] =	vst.idx.add.f32.msk vm12, v4  }
0x846: {  	vm14 =	vgt.s32 v14, $0x0;
	v57 =	vld [tilespmem:$0x1540]  }
0x847: {  	v54 =	vnsel vm14, $0x0, v14;
	v59 =	vsub.s32 v53, v0;
	v60 =	vld [tilespmem:$0x1550]  }
0x848: {  	v56 =	vmin.u32 v54, $0x117;
	vm7 =	vgt.s32 v59, $0x0;
	[tilespmem:v55+s10+$0x0] =	vst.idx.add.f32.msk vm15, v4  }
0x849: {  	v58 =	vshll.u32 v56, $0x7;
	v61 =	vnsel vm7, $0x0, v59;
	v63 =	vld [tilespmem:$0x1560]  }
0x84a: {  	vm6 =	vlt.u32 v14, v1;
	v14 =	vor.u32 v11, v58;
	v13 =	vmin.u32 v61, $0x117  }
0x84b: {  	vm9 =	vlt.u32 v59, v1;
	v18 =	vshll.u32 v13, $0x7;
	v62 =	vsub.s32 v57, v0  }
0x84c: {  	v12 =	vor.u32 v7, v18;
	v15 =	vsub.s32 v60, v0;
	vm8 =	vgt.s32 v62, $0x0  }
0x84d: {  	vm10 =	vlt.u32 v62, v1;
	vm11 =	vgt.s32 v15, $0x0;
	v19 =	vnsel vm8, $0x0, v62  }
0x84e: {  	v17 =	vsub.s32 v63, v0;
	v20 =	vnsel vm11, $0x0, v15;
	v13 =	vmin.u32 v19, $0x117  }
0x84f: {  	vm12 =	vlt.u32 v15, v1;
	v21 =	vmin.u32 v20, $0x117;
	v13 =	vshll.u32 v13, $0x7  }
0x850: {  	[tilespmem:v14+s10+$0x0] =	vst.idx.add.f32.msk vm6, v4;
	vm13 =	vgt.s32 v17, $0x0;
	v15 =	vshll.u32 v21, $0x7;
	v13 =	vor.u32 v8, v13  }
0x851: {  	v14 =	vld [tilespmem:$0x1570];
	v22 =	vnsel vm13, $0x0, v17;
	v23 =	vor.u32 v9, v15  }
0x852: {  	[tilespmem:v12+s10+$0x0] =	vst.idx.add.f32.msk vm9, v4;
	v24 =	vmin.u32 v22, $0x117  }
0x853: {  	v25 =	vld [tilespmem:$0x15B0];
	vm15 =	vlt.u32 v17, v1;
	v15 =	vshll.u32 v24, $0x7  }
0x854: {  	v27 =	vor.u32 v10, v15  }
0x855: {  	[tilespmem:v13+s10+$0x0] =	vst.idx.add.f32.msk vm10, v4  }
0x856: {  	v14 =	vsub.s32 v14, v0;
	[tilespmem:v23+s10+$0x0] =	vst.idx.add.f32.msk vm12, v4  }
0x857: {  	vm14 =	vgt.s32 v14, $0x0;
	v29 =	vld [tilespmem:$0x15C0]  }
0x858: {  	v26 =	vnsel vm14, $0x0, v14;
	v31 =	vsub.s32 v25, v0;
	v32 =	vld [tilespmem:$0x15D0]  }
0x859: {  	v28 =	vmin.u32 v26, $0x117;
	vm7 =	vgt.s32 v31, $0x0;
	[tilespmem:v27+s10+$0x0] =	vst.idx.add.f32.msk vm15, v4  }
0x85a: {  	v30 =	vshll.u32 v28, $0x7;
	v33 =	vnsel vm7, $0x0, v31;
	v35 =	vld [tilespmem:$0x15E0]  }
0x85b: {  	vm6 =	vlt.u32 v14, v1;
	v14 =	vor.u32 v11, v30;
	v13 =	vmin.u32 v33, $0x117  }
0x85c: {  	vm9 =	vlt.u32 v31, v1;
	v36 =	vshll.u32 v13, $0x7;
	v34 =	vsub.s32 v29, v0  }
0x85d: {  	v12 =	vor.u32 v7, v36;
	v15 =	vsub.s32 v32, v0;
	vm8 =	vgt.s32 v34, $0x0  }
0x85e: {  	vm10 =	vlt.u32 v34, v1;
	vm11 =	vgt.s32 v15, $0x0;
	v37 =	vnsel vm8, $0x0, v34  }
0x85f: {  	v17 =	vsub.s32 v35, v0;
	v38 =	vnsel vm11, $0x0, v15;
	v13 =	vmin.u32 v37, $0x117  }
0x860: {  	vm12 =	vlt.u32 v15, v1;
	v39 =	vmin.u32 v38, $0x117;
	v13 =	vshll.u32 v13, $0x7  }
0x861: {  	[tilespmem:v14+s10+$0x0] =	vst.idx.add.f32.msk vm6, v4;
	vm13 =	vgt.s32 v17, $0x0;
	v15 =	vshll.u32 v39, $0x7;
	v13 =	vor.u32 v8, v13  }
0x862: {  	v14 =	vld [tilespmem:$0x15F0];
	v40 =	vnsel vm13, $0x0, v17;
	v41 =	vor.u32 v9, v15  }
0x863: {  	[tilespmem:v12+s10+$0x0] =	vst.idx.add.f32.msk vm9, v4;
	v42 =	vmin.u32 v40, $0x117  }
0x864: {  	v43 =	vld [tilespmem:$0x1630];
	vm15 =	vlt.u32 v17, v1;
	v15 =	vshll.u32 v42, $0x7  }
0x865: {  	v45 =	vor.u32 v10, v15  }
0x866: {  	[tilespmem:v13+s10+$0x0] =	vst.idx.add.f32.msk vm10, v4  }
0x867: {  	v14 =	vsub.s32 v14, v0;
	[tilespmem:v41+s10+$0x0] =	vst.idx.add.f32.msk vm12, v4  }
0x868: {  	vm14 =	vgt.s32 v14, $0x0;
	v47 =	vld [tilespmem:$0x1640]  }
0x869: {  	v44 =	vnsel vm14, $0x0, v14;
	v49 =	vsub.s32 v43, v0;
	v50 =	vld [tilespmem:$0x1650]  }
0x86a: {  	v46 =	vmin.u32 v44, $0x117;
	vm7 =	vgt.s32 v49, $0x0;
	[tilespmem:v45+s10+$0x0] =	vst.idx.add.f32.msk vm15, v4  }
0x86b: {  	vm6 =	vlt.u32 v14, v1;
	v48 =	vshll.u32 v46, $0x7;
	v51 =	vnsel vm7, $0x0, v49;
	v53 =	vld [tilespmem:$0x1660]  }
0x86c: {  	v14 =	vor.u32 v11, v48;
	v13 =	vmin.u32 v51, $0x117  }
0x86d: {  	vm9 =	vlt.u32 v49, v1;
	v54 =	vshll.u32 v13, $0x7;
	v52 =	vsub.s32 v47, v0  }
0x86e: {  	v12 =	vor.u32 v7, v54;
	v15 =	vsub.s32 v50, v0;
	vm8 =	vgt.s32 v52, $0x0  }
0x86f: {  	vm10 =	vlt.u32 v52, v1;
	vm11 =	vgt.s32 v15, $0x0;
	v55 =	vnsel vm8, $0x0, v52  }
0x870: {  	v17 =	vsub.s32 v53, v0;
	v56 =	vnsel vm11, $0x0, v15;
	v13 =	vmin.u32 v55, $0x117  }
0x871: {  	[tilespmem:v14+s10+$0x0] =	vst.idx.add.f32.msk vm6, v4;
	vm12 =	vlt.u32 v15, v1;
	v57 =	vmin.u32 v56, $0x117;
	v13 =	vshll.u32 v13, $0x7  }
0x872: {  	v14 =	vld [tilespmem:$0x1670];
	vm13 =	vgt.s32 v17, $0x0;
	v15 =	vshll.u32 v57, $0x7;
	v13 =	vor.u32 v8, v13  }
0x873: {  	v58 =	vnsel vm13, $0x0, v17;
	v59 =	vor.u32 v9, v15  }
0x874: {  	[tilespmem:v12+s10+$0x0] =	vst.idx.add.f32.msk vm9, v4;
	v60 =	vmin.u32 v58, $0x117  }
0x875: {  	v61 =	vld [tilespmem:$0x16B0];
	vm15 =	vlt.u32 v17, v1;
	v15 =	vshll.u32 v60, $0x7  }
0x876: {  	v63 =	vor.u32 v10, v15  }
0x877: {  	v14 =	vsub.s32 v14, v0;
	[tilespmem:v13+s10+$0x0] =	vst.idx.add.f32.msk vm10, v4  }
0x878: {  	vm14 =	vgt.s32 v14, $0x0;
	[tilespmem:v59+s10+$0x0] =	vst.idx.add.f32.msk vm12, v4  }
0x879: {  	v62 =	vnsel vm14, $0x0, v14;
	v21 =	vld [tilespmem:$0x16C0]  }
0x87a: {  	v20 =	vmin.u32 v62, $0x117;
	v23 =	vsub.s32 v61, v0;
	v24 =	vld [tilespmem:$0x16D0]  }
0x87b: {  	vm6 =	vlt.u32 v14, v1;
	v22 =	vshll.u32 v20, $0x7;
	vm7 =	vgt.s32 v23, $0x0;
	[tilespmem:v63+s10+$0x0] =	vst.idx.add.f32.msk vm15, v4  }
0x87c: {  	v14 =	vor.u32 v11, v22;
	v25 =	vnsel vm7, $0x0, v23;
	v27 =	vld [tilespmem:$0x16E0]  }
0x87d: {  	v13 =	vmin.u32 v25, $0x117  }
0x87e: {  	vm9 =	vlt.u32 v23, v1;
	v28 =	vshll.u32 v13, $0x7;
	v26 =	vsub.s32 v21, v0  }
0x87f: {  	v12 =	vor.u32 v7, v28;
	v15 =	vsub.s32 v24, v0;
	vm8 =	vgt.s32 v26, $0x0  }
0x880: {  	vm10 =	vlt.u32 v26, v1;
	vm11 =	vgt.s32 v15, $0x0;
	v29 =	vnsel vm8, $0x0, v26  }
0x881: {  	[tilespmem:v14+s10+$0x0] =	vst.idx.add.f32.msk vm6, v4;
	v17 =	vsub.s32 v27, v0;
	v30 =	vnsel vm11, $0x0, v15;
	v13 =	vmin.u32 v29, $0x117  }
0x882: {  	v14 =	vld [tilespmem:$0x16F0];
	vm12 =	vlt.u32 v15, v1;
	v31 =	vmin.u32 v30, $0x117;
	v13 =	vshll.u32 v13, $0x7  }
0x883: {  	vm13 =	vgt.s32 v17, $0x0;
	v15 =	vshll.u32 v31, $0x7;
	v13 =	vor.u32 v8, v13  }
0x884: {  	v32 =	vnsel vm13, $0x0, v17;
	v33 =	vor.u32 v9, v15  }
0x885: {  	[tilespmem:v12+s10+$0x0] =	vst.idx.add.f32.msk vm9, v4;
	v34 =	vmin.u32 v32, $0x117  }
0x886: {  	v35 =	vld [tilespmem:$0x1730];
	vm15 =	vlt.u32 v17, v1;
	v15 =	vshll.u32 v34, $0x7  }
0x887: {  	v14 =	vsub.s32 v14, v0;
	v37 =	vor.u32 v10, v15  }
0x888: {  	vm14 =	vgt.s32 v14, $0x0;
	[tilespmem:v13+s10+$0x0] =	vst.idx.add.f32.msk vm10, v4  }
0x889: {  	v36 =	vnsel vm14, $0x0, v14;
	[tilespmem:v33+s10+$0x0] =	vst.idx.add.f32.msk vm12, v4  }
0x88a: {  	v38 =	vmin.u32 v36, $0x117;
	v39 =	vld [tilespmem:$0x1740]  }
0x88b: {  	vm6 =	vlt.u32 v14, v1;
	v40 =	vshll.u32 v38, $0x7;
	v41 =	vsub.s32 v35, v0;
	v42 =	vld [tilespmem:$0x1750]  }
0x88c: {  	v14 =	vor.u32 v11, v40;
	vm7 =	vgt.s32 v41, $0x0;
	[tilespmem:v37+s10+$0x0] =	vst.idx.add.f32.msk vm15, v4  }
0x88d: {  	v43 =	vnsel vm7, $0x0, v41;
	v45 =	vld [tilespmem:$0x1760]  }
0x88e: {  	v13 =	vmin.u32 v43, $0x117  }
0x88f: {  	vm9 =	vlt.u32 v41, v1;
	v46 =	vshll.u32 v13, $0x7;
	v44 =	vsub.s32 v39, v0  }
0x890: {  	v12 =	vor.u32 v7, v46;
	v15 =	vsub.s32 v42, v0;
	vm8 =	vgt.s32 v44, $0x0  }
0x891: {  	[tilespmem:v14+s10+$0x0] =	vst.idx.add.f32.msk vm6, v4;
	vm10 =	vlt.u32 v44, v1;
	vm11 =	vgt.s32 v15, $0x0;
	v47 =	vnsel vm8, $0x0, v44  }
0x892: {  	v14 =	vld [tilespmem:$0x1770];
	v17 =	vsub.s32 v45, v0;
	v48 =	vnsel vm11, $0x0, v15;
	v13 =	vmin.u32 v47, $0x117  }
0x893: {  	vm12 =	vlt.u32 v15, v1;
	v49 =	vmin.u32 v48, $0x117;
	v13 =	vshll.u32 v13, $0x7  }
0x894: {  	vm13 =	vgt.s32 v17, $0x0;
	v15 =	vshll.u32 v49, $0x7;
	v13 =	vor.u32 v8, v13  }
0x895: {  	v50 =	vnsel vm13, $0x0, v17;
	v51 =	vor.u32 v9, v15  }
0x896: {  	[tilespmem:v12+s10+$0x0] =	vst.idx.add.f32.msk vm9, v4;
	v52 =	vmin.u32 v50, $0x117  }
0x897: {  	v14 =	vsub.s32 v14, v0;
	v53 =	vld [tilespmem:$0x17B0];
	vm15 =	vlt.u32 v17, v1;
	v15 =	vshll.u32 v52, $0x7  }
0x898: {  	vm14 =	vgt.s32 v14, $0x0;
	v55 =	vor.u32 v10, v15  }
0x899: {  	v54 =	vnsel vm14, $0x0, v14;
	[tilespmem:v13+s10+$0x0] =	vst.idx.add.f32.msk vm10, v4  }
0x89a: {  	v56 =	vmin.u32 v54, $0x117;
	[tilespmem:v51+s10+$0x0] =	vst.idx.add.f32.msk vm12, v4  }
0x89b: {  	vm6 =	vlt.u32 v14, v1;
	v58 =	vshll.u32 v56, $0x7;
	v57 =	vld [tilespmem:$0x17C0]  }
0x89c: {  	v14 =	vor.u32 v11, v58;
	v59 =	vsub.s32 v53, v0;
	v60 =	vld [tilespmem:$0x17D0]  }
0x89d: {  	vm7 =	vgt.s32 v59, $0x0;
	[tilespmem:v55+s10+$0x0] =	vst.idx.add.f32.msk vm15, v4  }
0x89e: {  	v61 =	vnsel vm7, $0x0, v59;
	v63 =	vld [tilespmem:$0x17E0]  }
0x89f: {  	v13 =	vmin.u32 v61, $0x117  }
0x8a0: {  	vm9 =	vlt.u32 v59, v1;
	v19 =	vshll.u32 v13, $0x7;
	v62 =	vsub.s32 v57, v0  }
0x8a1: {  	[tilespmem:v14+s10+$0x0] =	vst.idx.add.f32.msk vm6, v4;
	v12 =	vor.u32 v7, v19;
	v15 =	vsub.s32 v60, v0;
	vm8 =	vgt.s32 v62, $0x0  }
0x8a2: {  	v14 =	vld [tilespmem:$0x17F0];
	vm10 =	vlt.u32 v62, v1;
	vm11 =	vgt.s32 v15, $0x0;
	v20 =	vnsel vm8, $0x0, v62  }
0x8a3: {  	v17 =	vsub.s32 v63, v0;
	v21 =	vnsel vm11, $0x0, v15;
	v13 =	vmin.u32 v20, $0x117  }
0x8a4: {  	vm12 =	vlt.u32 v15, v1;
	v22 =	vmin.u32 v21, $0x117;
	v13 =	vshll.u32 v13, $0x7  }
0x8a5: {  	vm13 =	vgt.s32 v17, $0x0;
	v15 =	vshll.u32 v22, $0x7;
	v13 =	vor.u32 v8, v13  }
0x8a6: {  	v23 =	vnsel vm13, $0x0, v17;
	v24 =	vor.u32 v9, v15  }
0x8a7: {  	[tilespmem:v12+s10+$0x0] =	vst.idx.add.f32.msk vm9, v4;
	v14 =	vsub.s32 v14, v0;
	v25 =	vmin.u32 v23, $0x117  }
0x8a8: {  	v26 =	vld [tilespmem:$0x1830];
	vm15 =	vlt.u32 v17, v1;
	vm14 =	vgt.s32 v14, $0x0;
	v15 =	vshll.u32 v25, $0x7  }
0x8a9: {  	v27 =	vnsel vm14, $0x0, v14;
	v28 =	vor.u32 v10, v15  }
0x8aa: {  	v29 =	vmin.u32 v27, $0x117;
	[tilespmem:v13+s10+$0x0] =	vst.idx.add.f32.msk vm10, v4  }
0x8ab: {  	vm6 =	vlt.u32 v14, v1;
	v31 =	vshll.u32 v29, $0x7;
	[tilespmem:v24+s10+$0x0] =	vst.idx.add.f32.msk vm12, v4  }
0x8ac: {  	v14 =	vor.u32 v11, v31;
	v30 =	vld [tilespmem:$0x1840]  }
0x8ad: {  	v32 =	vsub.s32 v26, v0;
	v33 =	vld [tilespmem:$0x1850]  }
0x8ae: {  	vm7 =	vgt.s32 v32, $0x0;
	[tilespmem:v28+s10+$0x0] =	vst.idx.add.f32.msk vm15, v4  }
0x8af: {  	v34 =	vnsel vm7, $0x0, v32;
	v36 =	vld [tilespmem:$0x1860]  }
0x8b0: {  	v13 =	vmin.u32 v34, $0x117  }
0x8b1: {  	vm9 =	vlt.u32 v32, v1;
	v37 =	vshll.u32 v13, $0x7;
	[tilespmem:v14+s10+$0x0] =	vst.idx.add.f32.msk vm6, v4;
	v35 =	vsub.s32 v30, v0  }
0x8b2: {  	v12 =	vor.u32 v7, v37;
	v14 =	vld [tilespmem:$0x1870];
	v15 =	vsub.s32 v33, v0;
	vm8 =	vgt.s32 v35, $0x0  }
0x8b3: {  	vm10 =	vlt.u32 v35, v1;
	vm11 =	vgt.s32 v15, $0x0;
	v38 =	vnsel vm8, $0x0, v35  }
0x8b4: {  	v17 =	vsub.s32 v36, v0;
	v39 =	vnsel vm11, $0x0, v15;
	v13 =	vmin.u32 v38, $0x117  }
0x8b5: {  	vm12 =	vlt.u32 v15, v1;
	v40 =	vmin.u32 v39, $0x117;
	v13 =	vshll.u32 v13, $0x7  }
0x8b6: {  	vm13 =	vgt.s32 v17, $0x0;
	v15 =	vshll.u32 v40, $0x7;
	v13 =	vor.u32 v8, v13  }
0x8b7: {  	v14 =	vsub.s32 v14, v0;
	v41 =	vnsel vm13, $0x0, v17;
	v42 =	vor.u32 v9, v15  }
0x8b8: {  	vm14 =	vgt.s32 v14, $0x0;
	v43 =	vmin.u32 v41, $0x117  }
0x8b9: {  	[tilespmem:v12+s10+$0x0] =	vst.idx.add.f32.msk vm9, v4;
	vm15 =	vlt.u32 v17, v1;
	v45 =	vnsel vm14, $0x0, v14;
	v15 =	vshll.u32 v43, $0x7  }
0x8ba: {  	v44 =	vld [tilespmem:$0x18B0];
	v47 =	vmin.u32 v45, $0x117;
	v46 =	vor.u32 v10, v15  }
0x8bb: {  	vm6 =	vlt.u32 v14, v1;
	v49 =	vshll.u32 v47, $0x7;
	[tilespmem:v13+s10+$0x0] =	vst.idx.add.f32.msk vm10, v4  }
0x8bc: {  	v14 =	vor.u32 v11, v49;
	[tilespmem:v42+s10+$0x0] =	vst.idx.add.f32.msk vm12, v4  }
0x8bd: {  	v48 =	vld [tilespmem:$0x18C0]  }
0x8be: {  	v12 =	vld [tilespmem:$0x18D0]  }
0x8bf: {  	v50 =	vsub.s32 v44, v0;
	[tilespmem:v46+s10+$0x0] =	vst.idx.add.f32.msk vm15, v4  }
0x8c0: {  	vm7 =	vgt.s32 v50, $0x0;
	v52 =	vld [tilespmem:$0x18E0]  }
0x8c1: {  	v53 =	vnsel vm7, $0x0, v50;
	[tilespmem:v14+s10+$0x0] =	vst.idx.add.f32.msk vm6, v4  }
0x8c2: {  	v54 =	vmin.u32 v53, $0x117;
	v18 =	vld [tilespmem:$0x18F0]  }
0x8c3: {  	vm9 =	vlt.u32 v50, v1;
	v14 =	vshll.u32 v54, $0x7;
	v51 =	vsub.s32 v48, v0  }
0x8c4: {  	v14 =	vor.u32 v7, v14;
	v12 =	vsub.s32 v12, v0;
	vm8 =	vgt.s32 v51, $0x0  }
0x8c5: {  	vm10 =	vlt.u32 v51, v1;
	vm11 =	vgt.s32 v12, $0x0;
	vm12 =	vlt.u32 v12, v1  }
0x8c6: {  	v58 =	vsub.s32 v52, v0;
	v55 =	vnsel vm8, $0x0, v51;
	v12 =	vnsel vm11, $0x0, v12  }
0x8c7: {  	vm13 =	vgt.s32 v58, $0x0;
	v59 =	vsub.s32 v18, v0;
	vm4 =	vlt.u32 v58, v1  }
0x8c8: {  	v56 =	vmin.u32 v55, $0x117;
	v12 =	vmin.u32 v12, $0x117;
	v60 =	vnsel vm13, $0x0, v58  }
0x8c9: {  	vm14 =	vgt.s32 v59, $0x0;
	v15 =	vshll.u32 v56, $0x7;
	v12 =	vshll.u32 v12, $0x7  }
0x8ca: {  	v61 =	vmin.u32 v60, $0x117;
	v62 =	vnsel vm14, $0x0, v59;
	v57 =	vor.u32 v8, v15  }
0x8cb: {  	v12 =	vor.u32 v9, v12;
	v15 =	vshll.u32 v61, $0x7;
	v17 =	vmin.u32 v62, $0x117  }
0x8cc: {  	vm15 =	vlt.u32 v59, v1;
	v15 =	vor.u32 v10, v15;
	v63 =	vshll.u32 v17, $0x7  }
0x8cd: {  	v16 =	vor.u32 v11, v63  }
0x8ce: {  	[tilespmem:v14+s10+$0x0] =	vst.idx.add.f32.msk vm9, v4  }
0x8cf: {  	[tilespmem:v57+s10+$0x0] =	vst.idx.add.f32.msk vm10, v4  }
0x8d0: {  	[tilespmem:v12+s10+$0x0] =	vst.idx.add.f32.msk vm12, v4  }
0x8d1: {  	[tilespmem:v15+s10+$0x0] =	vst.idx.add.f32.msk vm4, v4  }
0x8d2: {  	s12 =	simm.s32 @p0 $0x400;
	s13 =	simm.s32 @p0 $0x2000;
	s14 =	simm.s32 @p0 $0x1C00;
	[tilespmem:v16+s10+$0x0] =	vst.idx.add.f32.msk vm15, v4  }
0x8d3: {  	[hbm4b:s4+s12] =	stream.strided.scatter @p0 [tilespmem:s14], [sflag:$0x2], $0x8800, s13, s12, $0x38;
	[tilespmem:$0xA800] =	vst v63  }
0x8d4: {  	s12 =	simm.s32 @p0 $0x2  }
0x8d5: {  	s11 =	sadd.s32 $0x1, s11;
	_ =	swait.ge @p0 [sflag:s12], $0x8800  }
0x8d6: {  	p1 =	sne.s32 s11, s6;
	s13 =	simm.s32 @!p0 $0x2000;
	[sflag:s12] =	ssyncset.done @p0 $0x0  }
0x8d7: {  	s14 =	simm.s32 @!p0 $0x1C00;
	[sflag:s12] =	ssyncadd.s32 @p0 $0xFFFF7800;
	s12 =	simm.s32 @!p0 $0x400  }
0x8d8: {  	[hbm4b:s5+s12] =	stream.strided.scatter @!p0 [tilespmem:s14], [sflag:$0x2], $0x8C00, s13, s12, $0x38;
	[tilespmem:$0xA800] =	vst v63  }
.Ltmp2:
0x8d9: {  	_ = 	snop;
	(pc) =	sbr.rel @p1 .LBB2_1-.Ltmp2, $4  }
0x8da: {  	s12 =	simm.s32 @!p0 $0x2  }
0x8db: {  	_ =	swait.ge @!p0 [sflag:s12], $0x8C00  }
0x8dc: {  	[sflag:s12] =	ssyncset.done @!p0 $0x0  }
0x8dd: {  	[sflag:s12] =	ssyncadd.s32 @!p0 $0xFFFF7400  }
0x8de: {  	_ =	sfence.sel $0x180000  }
0x8df: {  	[bflag:$0x0] =	sbarrier.arrive $0xFFFF  }
0x8e0: {  	p0 =	sne.s32 s1, $0x0;
	_ =	strace $0x90000047  }
0x8e1: {  	s0 =	sadd.s32 @!p0 $0x100000, s0;
	[bflag:$0x2] =	sbarrier.arrive $0xFFFF  }
0x8e2: {  	[sflag:s0] =	ssyncadd.tile.s32 @!p0 $0x1;
	_ =	shalt  }
.Lfunc_end2:
_tile_overlayer_lowered:
.L_overlay_start_2:
0x8e3: {  	(tag) =	ssettag $0x2  }
0x8e4: {  	s0 =	rddreg [dreg:$0x0];
	s2 =	stileid.u32  }
0x8e5: {  	s1 =	rddreg [dreg:$0x1];
	p0 =	sne.s32 s2, $0x0  }
0x8e6: {  	s3 =	rddreg [dreg:$0x2];
	[bflag:$0x3] =	sbarrier.arrive $0xFFFF;
	s2 =	simm.s32 @!p0 $0x1C02  }
0x8e7: {  	[timem:s3], [sflag:s2] =	dma.local @!p0 [hbm:s0], s1  }
0x8e8: {  	s0 =	simm.s32 @!p0 $0x2  }
0x8e9: {  	_ =	swait.ge @!p0 [sflag:s0], s1  }
0x8ea: {  	s1 =	ssub.s32 @!p0 $0x0, s1;
	[sflag:s0] =	ssyncset.done @!p0 $0x0  }
0x8eb: {  	[sflag:s0] =	ssyncadd.s32 @!p0 s1  }
0x8ec: {  	[bflag:$0x3] =	sbarrier.arrive $0xFFFF  }
0x8ed: {  	_ =	shalt  }

</sc_bundles>
